<compile_context>
chip_gen: v7x
topology: tpu7x:2x2x1
jax: 0.10.2.dev20260603
libtpu: 0.0.44.dev20260713+nightly
codegen_flags: <defaults>
</compile_context>

<pallas_src>
import functools

import jax
import jax.numpy as jnp
from jax import lax
from jax.experimental import pallas as pl
from jax.experimental.pallas import tpu as pltpu
from jax.experimental.pallas import tpu_sc as plsc

_B = 4096
_S = 50
_D = 64
_V = 100000
_L = 16

_NC = 2
_NS = 16
_NW = _NC * _NS
_CHB = _B // 2
_NCH = _S * 2
_DPW = _D // _NW
_NBUF = 5
_NROUND = _NCH // _NBUF
_NG = _CHB // _L
_UNROLL = 16

_mesh = plsc.VectorSubcoreMesh(core_axis_name="c", subcore_axis_name="s")


@functools.partial(
    pl.kernel,
    mesh=_mesh,
    out_type=jax.ShapeDtypeStruct((_S, _D, _B), jnp.float32),
    compiler_params=pltpu.CompilerParams(
        use_tc_tiling_on_sc=True, needs_layout_passes=False
    ),
    scratch_types=[
        pltpu.VMEM((1, _V), jnp.float32),
        pltpu.VMEM((_NBUF, 1, _CHB), jnp.int32),
        pltpu.VMEM((_NBUF, 1, _CHB), jnp.float32),
        pltpu.SemaphoreType.DMA((_NBUF,)),
        pltpu.SemaphoreType.DMA((_NBUF,)),
    ],
)
def _sc_lookup(ids_hbm, tab_hbm, out_hbm, row_v, idx_v, obuf, isem, osem):
    wid = lax.axis_index("s") * _NC + lax.axis_index("c")
    d0 = wid * _DPW
    z16 = jnp.zeros((_L,), jnp.int32)

    for r in range(_NBUF):
        pltpu.async_copy(
            ids_hbm.at[pl.ds(r // 2, 1), pl.ds((r % 2) * _CHB, _CHB)],
            idx_v.at[r],
            isem.at[r],
        )

    for dd in range(_DPW):
        d = d0 + dd
        pltpu.sync_copy(tab_hbm.at[pl.ds(d, 1)], row_v)

        def round_(rr, carry):
            c0 = rr * _NBUF
            for r in range(_NBUF):
                ch = c0 + r
                s = ch // 2
                b0 = (ch % 2) * _CHB
                pltpu.make_async_copy(
                    ids_hbm.at[pl.ds(s, 1), pl.ds(b0, _CHB)],
                    idx_v.at[r],
                    isem.at[r],
                ).wait()

                @pl.when(jnp.logical_or(rr > 0, dd > 0))
                def _():
                    pltpu.make_async_copy(
                        obuf.at[r],
                        out_hbm.at[s, pl.ds(d, 1), pl.ds(b0, _CHB)],
                        osem.at[r],
                    ).wait()

                def gather(g, c):
                    base = g * _UNROLL * _L
                    idxs = [
                        idx_v[r, 0, pl.ds(base + u * _L, _L)]
                        for u in range(_UNROLL)
                    ]
                    vals = [
                        plsc.load_gather(row_v, [z16, ix]) for ix in idxs
                    ]
                    for u in range(_UNROLL):
                        obuf[r, 0, pl.ds(base + u * _L, _L)] = vals[u]
                    return c

                lax.fori_loop(0, _NG // _UNROLL, gather, 0)

                pltpu.async_copy(
                    obuf.at[r],
                    out_hbm.at[s, pl.ds(d, 1), pl.ds(b0, _CHB)],
                    osem.at[r],
                )

                c_next = ch + _NBUF
                nxt = jnp.where(c_next < _NCH, c_next, c_next - _NCH)
                sn = nxt // 2
                bn = (nxt % 2) * _CHB

                @pl.when(jnp.logical_or(rr < _NROUND - 1, dd < _DPW - 1))
                def _():
                    pltpu.async_copy(
                        ids_hbm.at[pl.ds(sn, 1), pl.ds(bn, _CHB)],
                        idx_v.at[r],
                        isem.at[r],
                    )

            return carry

        lax.fori_loop(0, _NROUND, round_, 0)

    for r in range(_NBUF):
        ch = _NCH - _NBUF + r
        pltpu.make_async_copy(
            obuf.at[r],
            out_hbm.at[
                ch // 2, pl.ds(d0 + _DPW - 1, 1), pl.ds((ch % 2) * _CHB, _CHB)
            ],
            osem.at[r],
        ).wait()


def kernel(input_ids, embedding_weight, subword_weight):
    ids_t = input_ids.T.astype(jnp.int32)
    tab_t = embedding_weight.T
    out_t = _sc_lookup(ids_t, tab_t)
    return out_t.transpose(2, 0, 1)

# --- scband reference (transcript-rebuilt; emitter-appended) ---
"""Pipeline reference for scband-morphological-embedding-55448027791383 (READ-ONLY COPY).

The authoritative reference and input builder live on the scoring server;
editing this copy changes nothing except your own understanding.
"""

import jax, jax.numpy as jnp
import numpy as np

VOCAB_SIZE = 100000
EMBED_DIM = 64
BATCH = 4096
SEQ = 50

def setup_inputs(seed: int = 0) -> dict:
    key = jax.random.key(seed)
    k_ids, k_tab, k_sub = jax.random.split(key, 3)
    input_ids = jax.random.randint(k_ids, (BATCH, SEQ), 0, VOCAB_SIZE, dtype=jnp.int64 if jax.config.jax_enable_x64 else jnp.int32)
    # main embedding table, uniform(-0.25, 0.25) as in nn.init.uniform_
    embedding_weight = jax.random.uniform(k_tab, (VOCAB_SIZE, EMBED_DIM), dtype=jnp.float32, minval=-0.25, maxval=0.25)
    # subword table (unused when all ids are in-vocab, but materialized for parity)
    subword_weight = jax.random.uniform(k_sub, (10, EMBED_DIM), dtype=jnp.float32, minval=-0.25, maxval=0.25)
    return {"input_ids": input_ids, "embedding_weight": embedding_weight, "subword_weight": subword_weight}

def reference(input_ids, embedding_weight, subword_weight):
    # All input ids are < vocab_size, so every token takes the in-vocabulary path:
    # a plain embedding gather, reshaped to [B, L, D].
    emb = jnp.take(embedding_weight, input_ids, axis=0)
    return emb.reshape(input_ids.shape[0], input_ids.shape[1], -1)

if __name__ == "__main__":
    import jax
    _d = setup_inputs()
    print(jax.jit(kernel)(*tuple(_d.values())))

</pallas_src>

<mosaic_0001>
#map = affine_map<(d0, d1) -> (0, 0)>
#map1 = affine_map<(d0, d1) -> (0, 0, 0)>
module attributes {stable_mosaic.version = 14 : i64} {
  func.func @_sc_lookup(%arg0: i32, %arg1: i32, %arg2: memref<50x4096xi32, #tpu.memory_space<hbm>>, %arg3: memref<64x100000xf32, #tpu.memory_space<hbm>>, %arg4: memref<50x64x4096xf32, #tpu.memory_space<hbm>>, %arg5: memref<1x100000xf32, #tpu.memory_space<vmem>>, %arg6: memref<5x1x2048xi32, #tpu.memory_space<vmem>>, %arg7: memref<5x1x2048xf32, #tpu.memory_space<vmem>>, %arg8: memref<5x!tpu.dma_semaphore, #tpu.memory_space<semaphore_mem>>, %arg9: memref<5x!tpu.dma_semaphore, #tpu.memory_space<semaphore_mem>>) attributes {dimension_semantics = [#tpu.dimension_semantics<core_parallel>, #tpu.dimension_semantics<subcore_parallel>], iteration_bounds = array<i64: 2, 16>, scalar_prefetch = 0 : i64, scratch_operands = 5 : i64, tpu.core_type = #tpu.core_type<sc_vector_subcore>, window_params = [{transform_indices = #map}, {transform_indices = #map}, {transform_indices = #map1}]} {
    %mul3A = arith.constant 2 : i32
    %mul3A_0 = arith.muli %arg1, %mul3A : i32
    %add3A = arith.addi %mul3A_0, %arg0 : i32
    %mul3A_1 = arith.constant 2 : i32
    %mul3A_2 = arith.muli %add3A, %mul3A_1 : i32
    %broadcast_in_dim3A = arith.constant 0 : i32
    %broadcast_in_dim3A_3 = vector.broadcast %broadcast_in_dim3A : i32 to vector<16xi32>
    %dma_start3A = arith.constant 0 : i32
    %dma_start3A_4 = arith.constant 0 : i32
    %dma_start3A_5 = arith.constant 0 : i32
    %dma_start3A_6 = arith.constant 0 : i32
    %dma_start3A_7 = tpu.memref_slice %arg6[%dma_start3A, %dma_start3A_5, %dma_start3A_6] : memref<5x1x2048xi32, #tpu.memory_space<vmem>> -> memref<1x1x2048xi32, #tpu.memory_space<vmem>>
    %dma_start3A_8 = tpu.memref_squeeze %dma_start3A_7 : memref<1x1x2048xi32, #tpu.memory_space<vmem>> -> memref<1x2048xi32, #tpu.memory_space<vmem>>
    %dma_start3A_9 = arith.constant 0 : i32
    %dma_start3A_10 = arith.constant 0 : i32
    %dma_start3A_11 = tpu.memref_slice %arg2[%dma_start3A_9, %dma_start3A_10] : memref<50x4096xi32, #tpu.memory_space<hbm>> -> memref<1x2048xi32, #tpu.memory_space<hbm>>
    %dma_start3A_12 = tpu.memref_slice %arg8[%dma_start3A_4] : memref<5x!tpu.dma_semaphore, #tpu.memory_space<semaphore_mem>> -> memref<1x!tpu.dma_semaphore, #tpu.memory_space<semaphore_mem>>
    %dma_start3A_13 = tpu.memref_squeeze %dma_start3A_12 : memref<1x!tpu.dma_semaphore, #tpu.memory_space<semaphore_mem>> -> memref<!tpu.dma_semaphore, #tpu.memory_space<semaphore_mem>>
    %dma_start3A_14 = arith.constant 0 : i32
    %dma_start3A_15 = arith.constant 0 : i32
    %dma_start3A_16 = tpu.memref_slice %arg6[%dma_start3A, %dma_start3A_14, %dma_start3A_15] : memref<5x1x2048xi32, #tpu.memory_space<vmem>> -> memref<1x1x2048xi32, #tpu.memory_space<vmem>>
    %dma_start3A_17 = tpu.memref_squeeze %dma_start3A_16 : memref<1x1x2048xi32, #tpu.memory_space<vmem>> -> memref<1x2048xi32, #tpu.memory_space<vmem>>
    %dma_start3A_18 = arith.constant 0 : i32
    %dma_start3A_19 = arith.constant 0 : i32
    %dma_start3A_20 = tpu.memref_slice %arg2[%dma_start3A_18, %dma_start3A_19] : memref<50x4096xi32, #tpu.memory_space<hbm>> -> memref<1x2048xi32, #tpu.memory_space<hbm>>
    tpu.enqueue_dma source(%dma_start3A_20 : memref<1x2048xi32, #tpu.memory_space<hbm>>) target(%dma_start3A_17 : memref<1x2048xi32, #tpu.memory_space<vmem>>) target_semaphore(%dma_start3A_13 : memref<!tpu.dma_semaphore, #tpu.memory_space<semaphore_mem>>)
    %dma_start3A_21 = arith.constant 1 : i32
    %dma_start3A_22 = arith.constant 1 : i32
    %dma_start3A_23 = arith.constant 0 : i32
    %dma_start3A_24 = arith.constant 0 : i32
    %dma_start3A_25 = tpu.memref_slice %arg6[%dma_start3A_21, %dma_start3A_23, %dma_start3A_24] : memref<5x1x2048xi32, #tpu.memory_space<vmem>> -> memref<1x1x2048xi32, #tpu.memory_space<vmem>>
    %dma_start3A_26 = tpu.memref_squeeze %dma_start3A_25 : memref<1x1x2048xi32, #tpu.memory_space<vmem>> -> memref<1x2048xi32, #tpu.memory_space<vmem>>
    %dma_start3A_27 = arith.constant 0 : i32
    %dma_start3A_28 = arith.constant 2048 : i32
    %dma_start3A_29 = tpu.memref_slice %arg2[%dma_start3A_27, %dma_start3A_28] : memref<50x4096xi32, #tpu.memory_space<hbm>> -> memref<1x2048xi32, #tpu.memory_space<hbm>>
    %dma_start3A_30 = tpu.memref_slice %arg8[%dma_start3A_22] : memref<5x!tpu.dma_semaphore, #tpu.memory_space<semaphore_mem>> -> memref<1x!tpu.dma_semaphore, #tpu.memory_space<semaphore_mem>>
    %dma_start3A_31 = tpu.memref_squeeze %dma_start3A_30 : memref<1x!tpu.dma_semaphore, #tpu.memory_space<semaphore_mem>> -> memref<!tpu.dma_semaphore, #tpu.memory_space<semaphore_mem>>
    %dma_start3A_32 = arith.constant 0 : i32
    %dma_start3A_33 = arith.constant 0 : i32
    %dma_start3A_34 = tpu.memref_slice %arg6[%dma_start3A_21, %dma_start3A_32, %dma_start3A_33] : memref<5x1x2048xi32, #tpu.memory_space<vmem>> -> memref<1x1x2048xi32, #tpu.memory_space<vmem>>
    %dma_start3A_35 = tpu.memref_squeeze %dma_start3A_34 : memref<1x1x2048xi32, #tpu.memory_space<vmem>> -> memref<1x2048xi32, #tpu.memory_space<vmem>>
    %dma_start3A_36 = arith.constant 0 : i32
    %dma_start3A_37 = arith.constant 2048 : i32
    %dma_start3A_38 = tpu.memref_slice %arg2[%dma_start3A_36, %dma_start3A_37] : memref<50x4096xi32, #tpu.memory_space<hbm>> -> memref<1x2048xi32, #tpu.memory_space<hbm>>
    tpu.enqueue_dma source(%dma_start3A_38 : memref<1x2048xi32, #tpu.memory_space<hbm>>) target(%dma_start3A_35 : memref<1x2048xi32, #tpu.memory_space<vmem>>) target_semaphore(%dma_start3A_31 : memref<!tpu.dma_semaphore, #tpu.memory_space<semaphore_mem>>)
    %dma_start3A_39 = arith.constant 2 : i32
    %dma_start3A_40 = arith.constant 2 : i32
    %dma_start3A_41 = arith.constant 0 : i32
    %dma_start3A_42 = arith.constant 0 : i32
    %dma_start3A_43 = tpu.memref_slice %arg6[%dma_start3A_39, %dma_start3A_41, %dma_start3A_42] : memref<5x1x2048xi32, #tpu.memory_space<vmem>> -> memref<1x1x2048xi32, #tpu.memory_space<vmem>>
    %dma_start3A_44 = tpu.memref_squeeze %dma_start3A_43 : memref<1x1x2048xi32, #tpu.memory_space<vmem>> -> memref<1x2048xi32, #tpu.memory_space<vmem>>
    %dma_start3A_45 = arith.constant 1 : i32
    %dma_start3A_46 = arith.constant 0 : i32
    %dma_start3A_47 = tpu.memref_slice %arg2[%dma_start3A_45, %dma_start3A_46] : memref<50x4096xi32, #tpu.memory_space<hbm>> -> memref<1x2048xi32, #tpu.memory_space<hbm>>
    %dma_start3A_48 = tpu.memref_slice %arg8[%dma_start3A_40] : memref<5x!tpu.dma_semaphore, #tpu.memory_space<semaphore_mem>> -> memref<1x!tpu.dma_semaphore, #tpu.memory_space<semaphore_mem>>
    %dma_start3A_49 = tpu.memref_squeeze %dma_start3A_48 : memref<1x!tpu.dma_semaphore, #tpu.memory_space<semaphore_mem>> -> memref<!tpu.dma_semaphore, #tpu.memory_space<semaphore_mem>>
    %dma_start3A_50 = arith.constant 0 : i32
    %dma_start3A_51 = arith.constant 0 : i32
    %dma_start3A_52 = tpu.memref_slice %arg6[%dma_start3A_39, %dma_start3A_50, %dma_start3A_51] : memref<5x1x2048xi32, #tpu.memory_space<vmem>> -> memref<1x1x2048xi32, #tpu.memory_space<vmem>>
    %dma_start3A_53 = tpu.memref_squeeze %dma_start3A_52 : memref<1x1x2048xi32, #tpu.memory_space<vmem>> -> memref<1x2048xi32, #tpu.memory_space<vmem>>
    %dma_start3A_54 = arith.constant 1 : i32
    %dma_start3A_55 = arith.constant 0 : i32
    %dma_start3A_56 = tpu.memref_slice %arg2[%dma_start3A_54, %dma_start3A_55] : memref<50x4096xi32, #tpu.memory_space<hbm>> -> memref<1x2048xi32, #tpu.memory_space<hbm>>
    tpu.enqueue_dma source(%dma_start3A_56 : memref<1x2048xi32, #tpu.memory_space<hbm>>) target(%dma_start3A_53 : memref<1x2048xi32, #tpu.memory_space<vmem>>) target_semaphore(%dma_start3A_49 : memref<!tpu.dma_semaphore, #tpu.memory_space<semaphore_mem>>)
    %dma_start3A_57 = arith.constant 3 : i32
    %dma_start3A_58 = arith.constant 3 : i32
    %dma_start3A_59 = arith.constant 0 : i32
    %dma_start3A_60 = arith.constant 0 : i32
    %dma_start3A_61 = tpu.memref_slice %arg6[%dma_start3A_57, %dma_start3A_59, %dma_start3A_60] : memref<5x1x2048xi32, #tpu.memory_space<vmem>> -> memref<1x1x2048xi32, #tpu.memory_space<vmem>>
    %dma_start3A_62 = tpu.memref_squeeze %dma_start3A_61 : memref<1x1x2048xi32, #tpu.memory_space<vmem>> -> memref<1x2048xi32, #tpu.memory_space<vmem>>
    %dma_start3A_63 = arith.constant 1 : i32
    %dma_start3A_64 = arith.constant 2048 : i32
    %dma_start3A_65 = tpu.memref_slice %arg2[%dma_start3A_63, %dma_start3A_64] : memref<50x4096xi32, #tpu.memory_space<hbm>> -> memref<1x2048xi32, #tpu.memory_space<hbm>>
    %dma_start3A_66 = tpu.memref_slice %arg8[%dma_start3A_58] : memref<5x!tpu.dma_semaphore, #tpu.memory_space<semaphore_mem>> -> memref<1x!tpu.dma_semaphore, #tpu.memory_space<semaphore_mem>>
    %dma_start3A_67 = tpu.memref_squeeze %dma_start3A_66 : memref<1x!tpu.dma_semaphore, #tpu.memory_space<semaphore_mem>> -> memref<!tpu.dma_semaphore, #tpu.memory_space<semaphore_mem>>
    %dma_start3A_68 = arith.constant 0 : i32
    %dma_start3A_69 = arith.constant 0 : i32
    %dma_start3A_70 = tpu.memref_slice %arg6[%dma_start3A_57, %dma_start3A_68, %dma_start3A_69] : memref<5x1x2048xi32, #tpu.memory_space<vmem>> -> memref<1x1x2048xi32, #tpu.memory_space<vmem>>
    %dma_start3A_71 = tpu.memref_squeeze %dma_start3A_70 : memref<1x1x2048xi32, #tpu.memory_space<vmem>> -> memref<1x2048xi32, #tpu.memory_space<vmem>>
    %dma_start3A_72 = arith.constant 1 : i32
    %dma_start3A_73 = arith.constant 2048 : i32
    %dma_start3A_74 = tpu.memref_slice %arg2[%dma_start3A_72, %dma_start3A_73] : memref<50x4096xi32, #tpu.memory_space<hbm>> -> memref<1x2048xi32, #tpu.memory_space<hbm>>
    tpu.enqueue_dma source(%dma_start3A_74 : memref<1x2048xi32, #tpu.memory_space<hbm>>) target(%dma_start3A_71 : memref<1x2048xi32, #tpu.memory_space<vmem>>) target_semaphore(%dma_start3A_67 : memref<!tpu.dma_semaphore, #tpu.memory_space<semaphore_mem>>)
    %dma_start3A_75 = arith.constant 4 : i32
    %dma_start3A_76 = arith.constant 4 : i32
    %dma_start3A_77 = arith.constant 0 : i32
    %dma_start3A_78 = arith.constant 0 : i32
    %dma_start3A_79 = tpu.memref_slice %arg6[%dma_start3A_75, %dma_start3A_77, %dma_start3A_78] : memref<5x1x2048xi32, #tpu.memory_space<vmem>> -> memref<1x1x2048xi32, #tpu.memory_space<vmem>>
    %dma_start3A_80 = tpu.memref_squeeze %dma_start3A_79 : memref<1x1x2048xi32, #tpu.memory_space<vmem>> -> memref<1x2048xi32, #tpu.memory_space<vmem>>
    %dma_start3A_81 = arith.constant 2 : i32
    %dma_start3A_82 = arith.constant 0 : i32
    %dma_start3A_83 = tpu.memref_slice %arg2[%dma_start3A_81, %dma_start3A_82] : memref<50x4096xi32, #tpu.memory_space<hbm>> -> memref<1x2048xi32, #tpu.memory_space<hbm>>
    %dma_start3A_84 = tpu.memref_slice %arg8[%dma_start3A_76] : memref<5x!tpu.dma_semaphore, #tpu.memory_space<semaphore_mem>> -> memref<1x!tpu.dma_semaphore, #tpu.memory_space<semaphore_mem>>
    %dma_start3A_85 = tpu.memref_squeeze %dma_start3A_84 : memref<1x!tpu.dma_semaphore, #tpu.memory_space<semaphore_mem>> -> memref<!tpu.dma_semaphore, #tpu.memory_space<semaphore_mem>>
    %dma_start3A_86 = arith.constant 0 : i32
    %dma_start3A_87 = arith.constant 0 : i32
    %dma_start3A_88 = tpu.memref_slice %arg6[%dma_start3A_75, %dma_start3A_86, %dma_start3A_87] : memref<5x1x2048xi32, #tpu.memory_space<vmem>> -> memref<1x1x2048xi32, #tpu.memory_space<vmem>>
    %dma_start3A_89 = tpu.memref_squeeze %dma_start3A_88 : memref<1x1x2048xi32, #tpu.memory_space<vmem>> -> memref<1x2048xi32, #tpu.memory_space<vmem>>
    %dma_start3A_90 = arith.constant 2 : i32
    %dma_start3A_91 = arith.constant 0 : i32
    %dma_start3A_92 = tpu.memref_slice %arg2[%dma_start3A_90, %dma_start3A_91] : memref<50x4096xi32, #tpu.memory_space<hbm>> -> memref<1x2048xi32, #tpu.memory_space<hbm>>
    tpu.enqueue_dma source(%dma_start3A_92 : memref<1x2048xi32, #tpu.memory_space<hbm>>) target(%dma_start3A_89 : memref<1x2048xi32, #tpu.memory_space<vmem>>) target_semaphore(%dma_start3A_85 : memref<!tpu.dma_semaphore, #tpu.memory_space<semaphore_mem>>)
    %add3A_93 = arith.constant 0 : i32
    %add3A_94 = arith.addi %mul3A_2, %add3A_93 : i32
    "tpu.region"() ({
      %run_scoped3A = tpu.sem_alloc : memref<!tpu.dma_semaphore, #tpu.memory_space<semaphore_mem>>
      %dma_start3A_221 = arith.constant 0 : i32
      %dma_start3A_222 = tpu.memref_slice %arg3[%add3A_94, %dma_start3A_221] : memref<64x100000xf32, #tpu.memory_space<hbm>> -> memref<1x100000xf32, #tpu.memory_space<hbm>>
      %dma_start3A_223 = arith.constant 0 : i32
      %dma_start3A_224 = tpu.memref_slice %arg3[%add3A_94, %dma_start3A_223] : memref<64x100000xf32, #tpu.memory_space<hbm>> -> memref<1x100000xf32, #tpu.memory_space<hbm>>
      tpu.enqueue_dma source(%dma_start3A_224 : memref<1x100000xf32, #tpu.memory_space<hbm>>) target(%arg5 : memref<1x100000xf32, #tpu.memory_space<vmem>>) target_semaphore(%run_scoped3A : memref<!tpu.dma_semaphore, #tpu.memory_space<semaphore_mem>>)
      %dma_wait3A_225 = arith.constant 0 : i32
      %dma_wait3A_226 = tpu.memref_slice %arg3[%add3A_94, %dma_wait3A_225] : memref<64x100000xf32, #tpu.memory_space<hbm>> -> memref<1x100000xf32, #tpu.memory_space<hbm>>
      %dma_wait3A_227 = arith.constant 0 : i32
      %dma_wait3A_228 = tpu.memref_slice %arg3[%add3A_94, %dma_wait3A_227] : memref<64x100000xf32, #tpu.memory_space<hbm>> -> memref<1x100000xf32, #tpu.memory_space<hbm>>
      tpu.wait_dma2 semaphore(%run_scoped3A : memref<!tpu.dma_semaphore, #tpu.memory_space<semaphore_mem>>) src(%dma_wait3A_228 : memref<1x100000xf32, #tpu.memory_space<hbm>>) dst(%arg5 : memref<1x100000xf32, #tpu.memory_space<vmem>>)
      tpu.yield
    }) : () -> ()
    %scan3A = arith.constant 0 : i32
    %scan3A_95 = arith.constant 0 : i32
    %scan3A_96 = arith.constant 20 : i32
    %scan3A_97 = arith.addi %scan3A_95, %scan3A_96 : i32
    %scan3A_98 = arith.constant 1 : i32
    scf.for %scan3A_221 = %scan3A_95 to %scan3A_97 step %scan3A_98  : i32 {
      %mul3A_222 = arith.constant 5 : i32
      %mul3A_223 = arith.muli %scan3A_221, %mul3A_222 : i32
      %add3A_224 = arith.constant 0 : i32
      %add3A_225 = arith.addi %mul3A_223, %add3A_224 : i32
      %jit3A = arith.constant 2 : i32
      %div3A = arith.divsi %add3A_225, %jit3A : i32
      %sign3A = arith.constant 0 : i32
      %sign3A_226 = arith.cmpi sgt, %add3A_225, %sign3A : i32
      %sign3A_227 = arith.extui %sign3A_226 : i1 to i32
      %sign3A_228 = arith.constant 0 : i32
      %sign3A_229 = arith.cmpi slt, %add3A_225, %sign3A_228 : i32
      %sign3A_230 = arith.extui %sign3A_229 : i1 to i32
      %sign3A_231 = arith.subi %sign3A_227, %sign3A_230 : i32
      %sign3A_232 = arith.constant 0 : i32
      %sign3A_233 = arith.cmpi sgt, %jit3A, %sign3A_232 : i32
      %sign3A_234 = arith.extui %sign3A_233 : i1 to i32
      %sign3A_235 = arith.constant 0 : i32
      %sign3A_236 = arith.cmpi slt, %jit3A, %sign3A_235 : i32
      %sign3A_237 = arith.extui %sign3A_236 : i1 to i32
      %sign3A_238 = arith.subi %sign3A_234, %sign3A_237 : i32
      %ne3A = arith.cmpi ne, %sign3A_231, %sign3A_238 : i32
      %rem3A = arith.remsi %add3A_225, %jit3A : i32
      %ne3A_239 = arith.constant 0 : i32
      %ne3A_240 = arith.cmpi ne, %rem3A, %ne3A_239 : i32
      %and3A = arith.andi %ne3A, %ne3A_240 : i1
      %sub3A_241 = arith.constant 1 : i32
      %sub3A_242 = arith.subi %div3A, %sub3A_241 : i32
      %select_n3A = arith.select %and3A, %sub3A_242, %div3A : i32
      %jit3A_243 = arith.constant 2 : i32
      %eq3A = arith.constant 0 : i32
      %eq3A_244 = arith.cmpi eq, %jit3A_243, %eq3A : i32
      %jit3A_245 = arith.constant 1 : i32
      %select_n3A_246 = arith.select %eq3A_244, %jit3A_245, %jit3A_243 : i32
      %rem3A_247 = arith.remsi %add3A_225, %select_n3A_246 : i32
      %ne3A_248 = arith.constant 0 : i32
      %ne3A_249 = arith.cmpi ne, %rem3A_247, %ne3A_248 : i32
      %lt3A = arith.constant 0 : i32
      %lt3A_250 = arith.cmpi slt, %rem3A_247, %lt3A : i32
      %lt3A_251 = arith.constant 0 : i32
      %lt3A_252 = arith.cmpi slt, %select_n3A_246, %lt3A_251 : i32
      %ne3A_253 = arith.xori %lt3A_250, %lt3A_252 : i1
      %and3A_254 = arith.andi %ne3A_253, %ne3A_249 : i1
      %add3A_255 = arith.addi %rem3A_247, %select_n3A_246 : i32
      %select_n3A_256 = arith.select %and3A_254, %add3A_255, %rem3A_247 : i32
      %mul3A_257 = arith.constant 2048 : i32
      %mul3A_258 = arith.muli %select_n3A_256, %mul3A_257 : i32
      %dma_wait3A_259 = arith.constant 0 : i32
      %dma_wait3A_260 = arith.constant 0 : i32
      %dma_wait3A_261 = arith.constant 0 : i32
      %dma_wait3A_262 = arith.constant 0 : i32
      %dma_wait3A_263 = tpu.memref_slice %arg6[%dma_wait3A_259, %dma_wait3A_261, %dma_wait3A_262] : memref<5x1x2048xi32, #tpu.memory_space<vmem>> -> memref<1x1x2048xi32, #tpu.memory_space<vmem>>
      %dma_wait3A_264 = tpu.memref_squeeze %dma_wait3A_263 : memref<1x1x2048xi32, #tpu.memory_space<vmem>> -> memref<1x2048xi32, #tpu.memory_space<vmem>>
      %dma_wait3A_265 = tpu.memref_slice %arg2[%select_n3A, %mul3A_258] : memref<50x4096xi32, #tpu.memory_space<hbm>> -> memref<1x2048xi32, #tpu.memory_space<hbm>>
      %dma_wait3A_266 = tpu.memref_slice %arg8[%dma_wait3A_260] : memref<5x!tpu.dma_semaphore, #tpu.memory_space<semaphore_mem>> -> memref<1x!tpu.dma_semaphore, #tpu.memory_space<semaphore_mem>>
      %dma_wait3A_267 = tpu.memref_squeeze %dma_wait3A_266 : memref<1x!tpu.dma_semaphore, #tpu.memory_space<semaphore_mem>> -> memref<!tpu.dma_semaphore, #tpu.memory_space<semaphore_mem>>
      %dma_wait3A_268 = arith.constant 0 : i32
      %dma_wait3A_269 = arith.constant 0 : i32
      %dma_wait3A_270 = tpu.memref_slice %arg6[%dma_wait3A_259, %dma_wait3A_268, %dma_wait3A_269] : memref<5x1x2048xi32, #tpu.memory_space<vmem>> -> memref<1x1x2048xi32, #tpu.memory_space<vmem>>
      %dma_wait3A_271 = tpu.memref_squeeze %dma_wait3A_270 : memref<1x1x2048xi32, #tpu.memory_space<vmem>> -> memref<1x2048xi32, #tpu.memory_space<vmem>>
      %dma_wait3A_272 = tpu.memref_slice %arg2[%select_n3A, %mul3A_258] : memref<50x4096xi32, #tpu.memory_space<hbm>> -> memref<1x2048xi32, #tpu.memory_space<hbm>>
      tpu.wait_dma2 semaphore(%dma_wait3A_267 : memref<!tpu.dma_semaphore, #tpu.memory_space<semaphore_mem>>) src(%dma_wait3A_272 : memref<1x2048xi32, #tpu.memory_space<hbm>>) dst(%dma_wait3A_271 : memref<1x2048xi32, #tpu.memory_space<vmem>>)
      %gt3A = arith.constant 0 : i32
      %gt3A_273 = arith.cmpi sgt, %scan3A_221, %gt3A : i32
      %or3A = arith.constant false
      %or3A_274 = arith.ori %gt3A_273, %or3A : i1
      %convert_element_type3A = arith.extui %or3A_274 : i1 to i32
      %cond3A = arith.constant 0 : i32
      %cond3A_275 = arith.cmpi ne, %convert_element_type3A, %cond3A : i32
      scf.if %cond3A_275 {
        %dma_wait3A_926 = arith.constant 0 : i32
        %dma_wait3A_927 = arith.constant 0 : i32
        %dma_wait3A_928 = arith.constant 0 : i32
        %dma_wait3A_929 = arith.constant 0 : i32
        %dma_wait3A_930 = tpu.memref_slice %arg7[%dma_wait3A_926, %dma_wait3A_928, %dma_wait3A_929] : memref<5x1x2048xf32, #tpu.memory_space<vmem>> -> memref<1x1x2048xf32, #tpu.memory_space<vmem>>
        %dma_wait3A_931 = tpu.memref_squeeze %dma_wait3A_930 : memref<1x1x2048xf32, #tpu.memory_space<vmem>> -> memref<1x2048xf32, #tpu.memory_space<vmem>>
        %dma_wait3A_932 = tpu.memref_slice %arg4[%select_n3A, %add3A_94, %mul3A_258] : memref<50x64x4096xf32, #tpu.memory_space<hbm>> -> memref<1x1x2048xf32, #tpu.memory_space<hbm>>
        %dma_wait3A_933 = tpu.memref_squeeze %dma_wait3A_932 : memref<1x1x2048xf32, #tpu.memory_space<hbm>> -> memref<1x2048xf32, #tpu.memory_space<hbm>>
        %dma_wait3A_934 = tpu.memref_slice %arg9[%dma_wait3A_927] : memref<5x!tpu.dma_semaphore, #tpu.memory_space<semaphore_mem>> -> memref<1x!tpu.dma_semaphore, #tpu.memory_space<semaphore_mem>>
        %dma_wait3A_935 = tpu.memref_squeeze %dma_wait3A_934 : memref<1x!tpu.dma_semaphore, #tpu.memory_space<semaphore_mem>> -> memref<!tpu.dma_semaphore, #tpu.memory_space<semaphore_mem>>
        %dma_wait3A_936 = tpu.memref_slice %arg4[%select_n3A, %add3A_94, %mul3A_258] : memref<50x64x4096xf32, #tpu.memory_space<hbm>> -> memref<1x1x2048xf32, #tpu.memory_space<hbm>>
        %dma_wait3A_937 = tpu.memref_squeeze %dma_wait3A_936 : memref<1x1x2048xf32, #tpu.memory_space<hbm>> -> memref<1x2048xf32, #tpu.memory_space<hbm>>
        %dma_wait3A_938 = arith.constant 0 : i32
        %dma_wait3A_939 = arith.constant 0 : i32
        %dma_wait3A_940 = tpu.memref_slice %arg7[%dma_wait3A_926, %dma_wait3A_938, %dma_wait3A_939] : memref<5x1x2048xf32, #tpu.memory_space<vmem>> -> memref<1x1x2048xf32, #tpu.memory_space<vmem>>
        %dma_wait3A_941 = tpu.memref_squeeze %dma_wait3A_940 : memref<1x1x2048xf32, #tpu.memory_space<vmem>> -> memref<1x2048xf32, #tpu.memory_space<vmem>>
        tpu.wait_dma2 semaphore(%dma_wait3A_935 : memref<!tpu.dma_semaphore, #tpu.memory_space<semaphore_mem>>) src(%dma_wait3A_941 : memref<1x2048xf32, #tpu.memory_space<vmem>>) dst(%dma_wait3A_937 : memref<1x2048xf32, #tpu.memory_space<hbm>>)
      } else {
      }
      %scan3A_276 = arith.constant 0 : i32
      %scan3A_277 = arith.constant 0 : i32
      %scan3A_278 = arith.constant 8 : i32
      %scan3A_279 = arith.addi %scan3A_277, %scan3A_278 : i32
      %scan3A_280 = arith.constant 1 : i32
      scf.for %scan3A_926 = %scan3A_277 to %scan3A_279 step %scan3A_280  : i32 {
        %mul3A_927 = arith.constant 16 : i32
        %mul3A_928 = arith.muli %scan3A_926, %mul3A_927 : i32
        %mul3A_929 = arith.constant 16 : i32
        %mul3A_930 = arith.muli %mul3A_928, %mul3A_929 : i32
        %add3A_931 = arith.constant 0 : i32
        %add3A_932 = arith.addi %mul3A_930, %add3A_931 : i32
        %get3A = arith.constant 0 : i32
        %get3A_933 = arith.constant 0 : i32
        %get3A_934 = arith.index_cast %get3A : i32 to index
        %get3A_935 = arith.index_cast %get3A_933 : i32 to index
        %get3A_936 = arith.index_cast %add3A_932 : i32 to index
        %get3A_937 = tpu.vector_load %arg6[%get3A_934, %get3A_935, %get3A_936] {strides = array<i32>} : memref<5x1x2048xi32, #tpu.memory_space<vmem>>, vector<16xi32>,
        %add3A_938 = arith.constant 16 : i32
        %add3A_939 = arith.addi %mul3A_930, %add3A_938 : i32
        %get3A_940 = arith.constant 0 : i32
        %get3A_941 = arith.constant 0 : i32
        %get3A_942 = arith.index_cast %get3A_940 : i32 to index
        %get3A_943 = arith.index_cast %get3A_941 : i32 to index
        %get3A_944 = arith.index_cast %add3A_939 : i32 to index
        %get3A_945 = tpu.vector_load %arg6[%get3A_942, %get3A_943, %get3A_944] {strides = array<i32>} : memref<5x1x2048xi32, #tpu.memory_space<vmem>>, vector<16xi32>,
        %add3A_946 = arith.constant 32 : i32
        %add3A_947 = arith.addi %mul3A_930, %add3A_946 : i32
        %get3A_948 = arith.constant 0 : i32
        %get3A_949 = arith.constant 0 : i32
        %get3A_950 = arith.index_cast %get3A_948 : i32 to index
        %get3A_951 = arith.index_cast %get3A_949 : i32 to index
        %get3A_952 = arith.index_cast %add3A_947 : i32 to index
        %get3A_953 = tpu.vector_load %arg6[%get3A_950, %get3A_951, %get3A_952] {strides = array<i32>} : memref<5x1x2048xi32, #tpu.memory_space<vmem>>, vector<16xi32>,
        %add3A_954 = arith.constant 48 : i32
        %add3A_955 = arith.addi %mul3A_930, %add3A_954 : i32
        %get3A_956 = arith.constant 0 : i32
        %get3A_957 = arith.constant 0 : i32
        %get3A_958 = arith.index_cast %get3A_956 : i32 to index
        %get3A_959 = arith.index_cast %get3A_957 : i32 to index
        %get3A_960 = arith.index_cast %add3A_955 : i32 to index
        %get3A_961 = tpu.vector_load %arg6[%get3A_958, %get3A_959, %get3A_960] {strides = array<i32>} : memref<5x1x2048xi32, #tpu.memory_space<vmem>>, vector<16xi32>,
        %add3A_962 = arith.constant 64 : i32
        %add3A_963 = arith.addi %mul3A_930, %add3A_962 : i32
        %get3A_964 = arith.constant 0 : i32
        %get3A_965 = arith.constant 0 : i32
        %get3A_966 = arith.index_cast %get3A_964 : i32 to index
        %get3A_967 = arith.index_cast %get3A_965 : i32 to index
        %get3A_968 = arith.index_cast %add3A_963 : i32 to index
        %get3A_969 = tpu.vector_load %arg6[%get3A_966, %get3A_967, %get3A_968] {strides = array<i32>} : memref<5x1x2048xi32, #tpu.memory_space<vmem>>, vector<16xi32>,
        %add3A_970 = arith.constant 80 : i32
        %add3A_971 = arith.addi %mul3A_930, %add3A_970 : i32
        %get3A_972 = arith.constant 0 : i32
        %get3A_973 = arith.constant 0 : i32
        %get3A_974 = arith.index_cast %get3A_972 : i32 to index
        %get3A_975 = arith.index_cast %get3A_973 : i32 to index
        %get3A_976 = arith.index_cast %add3A_971 : i32 to index
        %get3A_977 = tpu.vector_load %arg6[%get3A_974, %get3A_975, %get3A_976] {strides = array<i32>} : memref<5x1x2048xi32, #tpu.memory_space<vmem>>, vector<16xi32>,
        %add3A_978 = arith.constant 96 : i32
        %add3A_979 = arith.addi %mul3A_930, %add3A_978 : i32
        %get3A_980 = arith.constant 0 : i32
        %get3A_981 = arith.constant 0 : i32
        %get3A_982 = arith.index_cast %get3A_980 : i32 to index
        %get3A_983 = arith.index_cast %get3A_981 : i32 to index
        %get3A_984 = arith.index_cast %add3A_979 : i32 to index
        %get3A_985 = tpu.vector_load %arg6[%get3A_982, %get3A_983, %get3A_984] {strides = array<i32>} : memref<5x1x2048xi32, #tpu.memory_space<vmem>>, vector<16xi32>,
        %add3A_986 = arith.constant 112 : i32
        %add3A_987 = arith.addi %mul3A_930, %add3A_986 : i32
        %get3A_988 = arith.constant 0 : i32
        %get3A_989 = arith.constant 0 : i32
        %get3A_990 = arith.index_cast %get3A_988 : i32 to index
        %get3A_991 = arith.index_cast %get3A_989 : i32 to index
        %get3A_992 = arith.index_cast %add3A_987 : i32 to index
        %get3A_993 = tpu.vector_load %arg6[%get3A_990, %get3A_991, %get3A_992] {strides = array<i32>} : memref<5x1x2048xi32, #tpu.memory_space<vmem>>, vector<16xi32>,
        %add3A_994 = arith.constant 128 : i32
        %add3A_995 = arith.addi %mul3A_930, %add3A_994 : i32
        %get3A_996 = arith.constant 0 : i32
        %get3A_997 = arith.constant 0 : i32
        %get3A_998 = arith.index_cast %get3A_996 : i32 to index
        %get3A_999 = arith.index_cast %get3A_997 : i32 to index
        %get3A_1000 = arith.index_cast %add3A_995 : i32 to index
        %get3A_1001 = tpu.vector_load %arg6[%get3A_998, %get3A_999, %get3A_1000] {strides = array<i32>} : memref<5x1x2048xi32, #tpu.memory_space<vmem>>, vector<16xi32>,
        %add3A_1002 = arith.constant 144 : i32
        %add3A_1003 = arith.addi %mul3A_930, %add3A_1002 : i32
        %get3A_1004 = arith.constant 0 : i32
        %get3A_1005 = arith.constant 0 : i32
        %get3A_1006 = arith.index_cast %get3A_1004 : i32 to index
        %get3A_1007 = arith.index_cast %get3A_1005 : i32 to index
        %get3A_1008 = arith.index_cast %add3A_1003 : i32 to index
        %get3A_1009 = tpu.vector_load %arg6[%get3A_1006, %get3A_1007, %get3A_1008] {strides = array<i32>} : memref<5x1x2048xi32, #tpu.memory_space<vmem>>, vector<16xi32>,
        %add3A_1010 = arith.constant 160 : i32
        %add3A_1011 = arith.addi %mul3A_930, %add3A_1010 : i32
        %get3A_1012 = arith.constant 0 : i32
        %get3A_1013 = arith.constant 0 : i32
        %get3A_1014 = arith.index_cast %get3A_1012 : i32 to index
        %get3A_1015 = arith.index_cast %get3A_1013 : i32 to index
        %get3A_1016 = arith.index_cast %add3A_1011 : i32 to index
        %get3A_1017 = tpu.vector_load %arg6[%get3A_1014, %get3A_1015, %get3A_1016] {strides = array<i32>} : memref<5x1x2048xi32, #tpu.memory_space<vmem>>, vector<16xi32>,
        %add3A_1018 = arith.constant 176 : i32
        %add3A_1019 = arith.addi %mul3A_930, %add3A_1018 : i32
        %get3A_1020 = arith.constant 0 : i32
        %get3A_1021 = arith.constant 0 : i32
        %get3A_1022 = arith.index_cast %get3A_1020 : i32 to index
        %get3A_1023 = arith.index_cast %get3A_1021 : i32 to index
        %get3A_1024 = arith.index_cast %add3A_1019 : i32 to index
        %get3A_1025 = tpu.vector_load %arg6[%get3A_1022, %get3A_1023, %get3A_1024] {strides = array<i32>} : memref<5x1x2048xi32, #tpu.memory_space<vmem>>, vector<16xi32>,
        %add3A_1026 = arith.constant 192 : i32
        %add3A_1027 = arith.addi %mul3A_930, %add3A_1026 : i32
        %get3A_1028 = arith.constant 0 : i32
        %get3A_1029 = arith.constant 0 : i32
        %get3A_1030 = arith.index_cast %get3A_1028 : i32 to index
        %get3A_1031 = arith.index_cast %get3A_1029 : i32 to index
        %get3A_1032 = arith.index_cast %add3A_1027 : i32 to index
        %get3A_1033 = tpu.vector_load %arg6[%get3A_1030, %get3A_1031, %get3A_1032] {strides = array<i32>} : memref<5x1x2048xi32, #tpu.memory_space<vmem>>, vector<16xi32>,
        %add3A_1034 = arith.constant 208 : i32
        %add3A_1035 = arith.addi %mul3A_930, %add3A_1034 : i32
        %get3A_1036 = arith.constant 0 : i32
        %get3A_1037 = arith.constant 0 : i32
        %get3A_1038 = arith.index_cast %get3A_1036 : i32 to index
        %get3A_1039 = arith.index_cast %get3A_1037 : i32 to index
        %get3A_1040 = arith.index_cast %add3A_1035 : i32 to index
        %get3A_1041 = tpu.vector_load %arg6[%get3A_1038, %get3A_1039, %get3A_1040] {strides = array<i32>} : memref<5x1x2048xi32, #tpu.memory_space<vmem>>, vector<16xi32>,
        %add3A_1042 = arith.constant 224 : i32
        %add3A_1043 = arith.addi %mul3A_930, %add3A_1042 : i32
        %get3A_1044 = arith.constant 0 : i32
        %get3A_1045 = arith.constant 0 : i32
        %get3A_1046 = arith.index_cast %get3A_1044 : i32 to index
        %get3A_1047 = arith.index_cast %get3A_1045 : i32 to index
        %get3A_1048 = arith.index_cast %add3A_1043 : i32 to index
        %get3A_1049 = tpu.vector_load %arg6[%get3A_1046, %get3A_1047, %get3A_1048] {strides = array<i32>} : memref<5x1x2048xi32, #tpu.memory_space<vmem>>, vector<16xi32>,
        %add3A_1050 = arith.constant 240 : i32
        %add3A_1051 = arith.addi %mul3A_930, %add3A_1050 : i32
        %get3A_1052 = arith.constant 0 : i32
        %get3A_1053 = arith.constant 0 : i32
        %get3A_1054 = arith.index_cast %get3A_1052 : i32 to index
        %get3A_1055 = arith.index_cast %get3A_1053 : i32 to index
        %get3A_1056 = arith.index_cast %add3A_1051 : i32 to index
        %get3A_1057 = tpu.vector_load %arg6[%get3A_1054, %get3A_1055, %get3A_1056] {strides = array<i32>} : memref<5x1x2048xi32, #tpu.memory_space<vmem>>, vector<16xi32>,
        %gather3A = tpu.vector_load_idx %arg5[%broadcast_in_dim3A_3, %get3A_937] : memref<1x100000xf32, #tpu.memory_space<vmem>>[vector<16xi32>, vector<16xi32>], vector<16xf32>,
        %gather3A_1058 = tpu.vector_load_idx %arg5[%broadcast_in_dim3A_3, %get3A_945] : memref<1x100000xf32, #tpu.memory_space<vmem>>[vector<16xi32>, vector<16xi32>], vector<16xf32>,
        %gather3A_1059 = tpu.vector_load_idx %arg5[%broadcast_in_dim3A_3, %get3A_953] : memref<1x100000xf32, #tpu.memory_space<vmem>>[vector<16xi32>, vector<16xi32>], vector<16xf32>,
        %gather3A_1060 = tpu.vector_load_idx %arg5[%broadcast_in_dim3A_3, %get3A_961] : memref<1x100000xf32, #tpu.memory_space<vmem>>[vector<16xi32>, vector<16xi32>], vector<16xf32>,
        %gather3A_1061 = tpu.vector_load_idx %arg5[%broadcast_in_dim3A_3, %get3A_969] : memref<1x100000xf32, #tpu.memory_space<vmem>>[vector<16xi32>, vector<16xi32>], vector<16xf32>,
        %gather3A_1062 = tpu.vector_load_idx %arg5[%broadcast_in_dim3A_3, %get3A_977] : memref<1x100000xf32, #tpu.memory_space<vmem>>[vector<16xi32>, vector<16xi32>], vector<16xf32>,
        %gather3A_1063 = tpu.vector_load_idx %arg5[%broadcast_in_dim3A_3, %get3A_985] : memref<1x100000xf32, #tpu.memory_space<vmem>>[vector<16xi32>, vector<16xi32>], vector<16xf32>,
        %gather3A_1064 = tpu.vector_load_idx %arg5[%broadcast_in_dim3A_3, %get3A_993] : memref<1x100000xf32, #tpu.memory_space<vmem>>[vector<16xi32>, vector<16xi32>], vector<16xf32>,
        %gather3A_1065 = tpu.vector_load_idx %arg5[%broadcast_in_dim3A_3, %get3A_1001] : memref<1x100000xf32, #tpu.memory_space<vmem>>[vector<16xi32>, vector<16xi32>], vector<16xf32>,
        %gather3A_1066 = tpu.vector_load_idx %arg5[%broadcast_in_dim3A_3, %get3A_1009] : memref<1x100000xf32, #tpu.memory_space<vmem>>[vector<16xi32>, vector<16xi32>], vector<16xf32>,
        %gather3A_1067 = tpu.vector_load_idx %arg5[%broadcast_in_dim3A_3, %get3A_1017] : memref<1x100000xf32, #tpu.memory_space<vmem>>[vector<16xi32>, vector<16xi32>], vector<16xf32>,
        %gather3A_1068 = tpu.vector_load_idx %arg5[%broadcast_in_dim3A_3, %get3A_1025] : memref<1x100000xf32, #tpu.memory_space<vmem>>[vector<16xi32>, vector<16xi32>], vector<16xf32>,
        %gather3A_1069 = tpu.vector_load_idx %arg5[%broadcast_in_dim3A_3, %get3A_1033] : memref<1x100000xf32, #tpu.memory_space<vmem>>[vector<16xi32>, vector<16xi32>], vector<16xf32>,
        %gather3A_1070 = tpu.vector_load_idx %arg5[%broadcast_in_dim3A_3, %get3A_1041] : memref<1x100000xf32, #tpu.memory_space<vmem>>[vector<16xi32>, vector<16xi32>], vector<16xf32>,
        %gather3A_1071 = tpu.vector_load_idx %arg5[%broadcast_in_dim3A_3, %get3A_1049] : memref<1x100000xf32, #tpu.memory_space<vmem>>[vector<16xi32>, vector<16xi32>], vector<16xf32>,
        %gather3A_1072 = tpu.vector_load_idx %arg5[%broadcast_in_dim3A_3, %get3A_1057] : memref<1x100000xf32, #tpu.memory_space<vmem>>[vector<16xi32>, vector<16xi32>], vector<16xf32>,
        %add3A_1073 = arith.constant 0 : i32
        %add3A_1074 = arith.addi %mul3A_930, %add3A_1073 : i32
        %swap3A = arith.constant 0 : i32
        %swap3A_1075 = arith.constant 0 : i32
        %swap3A_1076 = arith.index_cast %swap3A : i32 to index
        %swap3A_1077 = arith.index_cast %swap3A_1075 : i32 to index
        %swap3A_1078 = arith.index_cast %add3A_1074 : i32 to index
        %swap3A_1079 = tpu.vector_load %arg7[%swap3A_1076, %swap3A_1077, %swap3A_1078] {strides = array<i32>} : memref<5x1x2048xf32, #tpu.memory_space<vmem>>, vector<16xf32>,
        tpu.vector_store %arg7[%swap3A_1076, %swap3A_1077, %swap3A_1078], %gather3A {strides = array<i32>} : memref<5x1x2048xf32, #tpu.memory_space<vmem>>, vector<16xf32>,
        %add3A_1080 = arith.constant 16 : i32
        %add3A_1081 = arith.addi %mul3A_930, %add3A_1080 : i32
        %swap3A_1082 = arith.constant 0 : i32
        %swap3A_1083 = arith.constant 0 : i32
        %swap3A_1084 = arith.index_cast %swap3A_1082 : i32 to index
        %swap3A_1085 = arith.index_cast %swap3A_1083 : i32 to index
        %swap3A_1086 = arith.index_cast %add3A_1081 : i32 to index
        %swap3A_1087 = tpu.vector_load %arg7[%swap3A_1084, %swap3A_1085, %swap3A_1086] {strides = array<i32>} : memref<5x1x2048xf32, #tpu.memory_space<vmem>>, vector<16xf32>,
        tpu.vector_store %arg7[%swap3A_1084, %swap3A_1085, %swap3A_1086], %gather3A_1058 {strides = array<i32>} : memref<5x1x2048xf32, #tpu.memory_space<vmem>>, vector<16xf32>,
        %add3A_1088 = arith.constant 32 : i32
        %add3A_1089 = arith.addi %mul3A_930, %add3A_1088 : i32
        %swap3A_1090 = arith.constant 0 : i32
        %swap3A_1091 = arith.constant 0 : i32
        %swap3A_1092 = arith.index_cast %swap3A_1090 : i32 to index
        %swap3A_1093 = arith.index_cast %swap3A_1091 : i32 to index
        %swap3A_1094 = arith.index_cast %add3A_1089 : i32 to index
        %swap3A_1095 = tpu.vector_load %arg7[%swap3A_1092, %swap3A_1093, %swap3A_1094] {strides = array<i32>} : memref<5x1x2048xf32, #tpu.memory_space<vmem>>, vector<16xf32>,
        tpu.vector_store %arg7[%swap3A_1092, %swap3A_1093, %swap3A_1094], %gather3A_1059 {strides = array<i32>} : memref<5x1x2048xf32, #tpu.memory_space<vmem>>, vector<16xf32>,
        %add3A_1096 = arith.constant 48 : i32
        %add3A_1097 = arith.addi %mul3A_930, %add3A_1096 : i32
        %swap3A_1098 = arith.constant 0 : i32
        %swap3A_1099 = arith.constant 0 : i32
        %swap3A_1100 = arith.index_cast %swap3A_1098 : i32 to index
        %swap3A_1101 = arith.index_cast %swap3A_1099 : i32 to index
        %swap3A_1102 = arith.index_cast %add3A_1097 : i32 to index
        %swap3A_1103 = tpu.vector_load %arg7[%swap3A_1100, %swap3A_1101, %swap3A_1102] {strides = array<i32>} : memref<5x1x2048xf32, #tpu.memory_space<vmem>>, vector<16xf32>,
        tpu.vector_store %arg7[%swap3A_1100, %swap3A_1101, %swap3A_1102], %gather3A_1060 {strides = array<i32>} : memref<5x1x2048xf32, #tpu.memory_space<vmem>>, vector<16xf32>,
        %add3A_1104 = arith.constant 64 : i32
        %add3A_1105 = arith.addi %mul3A_930, %add3A_1104 : i32
        %swap3A_1106 = arith.constant 0 : i32
        %swap3A_1107 = arith.constant 0 : i32
        %swap3A_1108 = arith.index_cast %swap3A_1106 : i32 to index
        %swap3A_1109 = arith.index_cast %swap3A_1107 : i32 to index
        %swap3A_1110 = arith.index_cast %add3A_1105 : i32 to index
        %swap3A_1111 = tpu.vector_load %arg7[%swap3A_1108, %swap3A_1109, %swap3A_1110] {strides = array<i32>} : memref<5x1x2048xf32, #tpu.memory_space<vmem>>, vector<16xf32>,
        tpu.vector_store %arg7[%swap3A_1108, %swap3A_1109, %swap3A_1110], %gather3A_1061 {strides = array<i32>} : memref<5x1x2048xf32, #tpu.memory_space<vmem>>, vector<16xf32>,
        %add3A_1112 = arith.constant 80 : i32
        %add3A_1113 = arith.addi %mul3A_930, %add3A_1112 : i32
        %swap3A_1114 = arith.constant 0 : i32
        %swap3A_1115 = arith.constant 0 : i32
        %swap3A_1116 = arith.index_cast %swap3A_1114 : i32 to index
        %swap3A_1117 = arith.index_cast %swap3A_1115 : i32 to index
        %swap3A_1118 = arith.index_cast %add3A_1113 : i32 to index
        %swap3A_1119 = tpu.vector_load %arg7[%swap3A_1116, %swap3A_1117, %swap3A_1118] {strides = array<i32>} : memref<5x1x2048xf32, #tpu.memory_space<vmem>>, vector<16xf32>,
        tpu.vector_store %arg7[%swap3A_1116, %swap3A_1117, %swap3A_1118], %gather3A_1062 {strides = array<i32>} : memref<5x1x2048xf32, #tpu.memory_space<vmem>>, vector<16xf32>,
        %add3A_1120 = arith.constant 96 : i32
        %add3A_1121 = arith.addi %mul3A_930, %add3A_1120 : i32
        %swap3A_1122 = arith.constant 0 : i32
        %swap3A_1123 = arith.constant 0 : i32
        %swap3A_1124 = arith.index_cast %swap3A_1122 : i32 to index
        %swap3A_1125 = arith.index_cast %swap3A_1123 : i32 to index
        %swap3A_1126 = arith.index_cast %add3A_1121 : i32 to index
        %swap3A_1127 = tpu.vector_load %arg7[%swap3A_1124, %swap3A_1125, %swap3A_1126] {strides = array<i32>} : memref<5x1x2048xf32, #tpu.memory_space<vmem>>, vector<16xf32>,
        tpu.vector_store %arg7[%swap3A_1124, %swap3A_1125, %swap3A_1126], %gather3A_1063 {strides = array<i32>} : memref<5x1x2048xf32, #tpu.memory_space<vmem>>, vector<16xf32>,
        %add3A_1128 = arith.constant 112 : i32
        %add3A_1129 = arith.addi %mul3A_930, %add3A_1128 : i32
        %swap3A_1130 = arith.constant 0 : i32
        %swap3A_1131 = arith.constant 0 : i32
        %swap3A_1132 = arith.index_cast %swap3A_1130 : i32 to index
        %swap3A_1133 = arith.index_cast %swap3A_1131 : i32 to index
        %swap3A_1134 = arith.index_cast %add3A_1129 : i32 to index
        %swap3A_1135 = tpu.vector_load %arg7[%swap3A_1132, %swap3A_1133, %swap3A_1134] {strides = array<i32>} : memref<5x1x2048xf32, #tpu.memory_space<vmem>>, vector<16xf32>,
        tpu.vector_store %arg7[%swap3A_1132, %swap3A_1133, %swap3A_1134], %gather3A_1064 {strides = array<i32>} : memref<5x1x2048xf32, #tpu.memory_space<vmem>>, vector<16xf32>,
        %add3A_1136 = arith.constant 128 : i32
        %add3A_1137 = arith.addi %mul3A_930, %add3A_1136 : i32
        %swap3A_1138 = arith.constant 0 : i32
        %swap3A_1139 = arith.constant 0 : i32
        %swap3A_1140 = arith.index_cast %swap3A_1138 : i32 to index
        %swap3A_1141 = arith.index_cast %swap3A_1139 : i32 to index
        %swap3A_1142 = arith.index_cast %add3A_1137 : i32 to index
        %swap3A_1143 = tpu.vector_load %arg7[%swap3A_1140, %swap3A_1141, %swap3A_1142] {strides = array<i32>} : memref<5x1x2048xf32, #tpu.memory_space<vmem>>, vector<16xf32>,
        tpu.vector_store %arg7[%swap3A_1140, %swap3A_1141, %swap3A_1142], %gather3A_1065 {strides = array<i32>} : memref<5x1x2048xf32, #tpu.memory_space<vmem>>, vector<16xf32>,
        %add3A_1144 = arith.constant 144 : i32
        %add3A_1145 = arith.addi %mul3A_930, %add3A_1144 : i32
        %swap3A_1146 = arith.constant 0 : i32
        %swap3A_1147 = arith.constant 0 : i32
        %swap3A_1148 = arith.index_cast %swap3A_1146 : i32 to index
        %swap3A_1149 = arith.index_cast %swap3A_1147 : i32 to index
        %swap3A_1150 = arith.index_cast %add3A_1145 : i32 to index
        %swap3A_1151 = tpu.vector_load %arg7[%swap3A_1148, %swap3A_1149, %swap3A_1150] {strides = array<i32>} : memref<5x1x2048xf32, #tpu.memory_space<vmem>>, vector<16xf32>,
        tpu.vector_store %arg7[%swap3A_1148, %swap3A_1149, %swap3A_1150], %gather3A_1066 {strides = array<i32>} : memref<5x1x2048xf32, #tpu.memory_space<vmem>>, vector<16xf32>,
        %add3A_1152 = arith.constant 160 : i32
        %add3A_1153 = arith.addi %mul3A_930, %add3A_1152 : i32
        %swap3A_1154 = arith.constant 0 : i32
        %swap3A_1155 = arith.constant 0 : i32
        %swap3A_1156 = arith.index_cast %swap3A_1154 : i32 to index
        %swap3A_1157 = arith.index_cast %swap3A_1155 : i32 to index
        %swap3A_1158 = arith.index_cast %add3A_1153 : i32 to index
        %swap3A_1159 = tpu.vector_load %arg7[%swap3A_1156, %swap3A_1157, %swap3A_1158] {strides = array<i32>} : memref<5x1x2048xf32, #tpu.memory_space<vmem>>, vector<16xf32>,
        tpu.vector_store %arg7[%swap3A_1156, %swap3A_1157, %swap3A_1158], %gather3A_1067 {strides = array<i32>} : memref<5x1x2048xf32, #tpu.memory_space<vmem>>, vector<16xf32>,
        %add3A_1160 = arith.constant 176 : i32
        %add3A_1161 = arith.addi %mul3A_930, %add3A_1160 : i32
        %swap3A_1162 = arith.constant 0 : i32
        %swap3A_1163 = arith.constant 0 : i32
        %swap3A_1164 = arith.index_cast %swap3A_1162 : i32 to index
        %swap3A_1165 = arith.index_cast %swap3A_1163 : i32 to index
        %swap3A_1166 = arith.index_cast %add3A_1161 : i32 to index
        %swap3A_1167 = tpu.vector_load %arg7[%swap3A_1164, %swap3A_1165, %swap3A_1166] {strides = array<i32>} : memref<5x1x2048xf32, #tpu.memory_space<vmem>>, vector<16xf32>,
        tpu.vector_store %arg7[%swap3A_1164, %swap3A_1165, %swap3A_1166], %gather3A_1068 {strides = array<i32>} : memref<5x1x2048xf32, #tpu.memory_space<vmem>>, vector<16xf32>,
        %add3A_1168 = arith.constant 192 : i32
        %add3A_1169 = arith.addi %mul3A_930, %add3A_1168 : i32
        %swap3A_1170 = arith.constant 0 : i32
        %swap3A_1171 = arith.constant 0 : i32
        %swap3A_1172 = arith.index_cast %swap3A_1170 : i32 to index
        %swap3A_1173 = arith.index_cast %swap3A_1171 : i32 to index
        %swap3A_1174 = arith.index_cast %add3A_1169 : i32 to index
        %swap3A_1175 = tpu.vector_load %arg7[%swap3A_1172, %swap3A_1173, %swap3A_1174] {strides = array<i32>} : memref<5x1x2048xf32, #tpu.memory_space<vmem>>, vector<16xf32>,
        tpu.vector_store %arg7[%swap3A_1172, %swap3A_1173, %swap3A_1174], %gather3A_1069 {strides = array<i32>} : memref<5x1x2048xf32, #tpu.memory_space<vmem>>, vector<16xf32>,
        %add3A_1176 = arith.constant 208 : i32
        %add3A_1177 = arith.addi %mul3A_930, %add3A_1176 : i32
        %swap3A_1178 = arith.constant 0 : i32
        %swap3A_1179 = arith.constant 0 : i32
        %swap3A_1180 = arith.index_cast %swap3A_1178 : i32 to index
        %swap3A_1181 = arith.index_cast %swap3A_1179 : i32 to index
        %swap3A_1182 = arith.index_cast %add3A_1177 : i32 to index
        %swap3A_1183 = tpu.vector_load %arg7[%swap3A_1180, %swap3A_1181, %swap3A_1182] {strides = array<i32>} : memref<5x1x2048xf32, #tpu.memory_space<vmem>>, vector<16xf32>,
        tpu.vector_store %arg7[%swap3A_1180, %swap3A_1181, %swap3A_1182], %gather3A_1070 {strides = array<i32>} : memref<5x1x2048xf32, #tpu.memory_space<vmem>>, vector<16xf32>,
        %add3A_1184 = arith.constant 224 : i32
        %add3A_1185 = arith.addi %mul3A_930, %add3A_1184 : i32
        %swap3A_1186 = arith.constant 0 : i32
        %swap3A_1187 = arith.constant 0 : i32
        %swap3A_1188 = arith.index_cast %swap3A_1186 : i32 to index
        %swap3A_1189 = arith.index_cast %swap3A_1187 : i32 to index
        %swap3A_1190 = arith.index_cast %add3A_1185 : i32 to index
        %swap3A_1191 = tpu.vector_load %arg7[%swap3A_1188, %swap3A_1189, %swap3A_1190] {strides = array<i32>} : memref<5x1x2048xf32, #tpu.memory_space<vmem>>, vector<16xf32>,
        tpu.vector_store %arg7[%swap3A_1188, %swap3A_1189, %swap3A_1190], %gather3A_1071 {strides = array<i32>} : memref<5x1x2048xf32, #tpu.memory_space<vmem>>, vector<16xf32>,
        %add3A_1192 = arith.constant 240 : i32
        %add3A_1193 = arith.addi %mul3A_930, %add3A_1192 : i32
        %swap3A_1194 = arith.constant 0 : i32
        %swap3A_1195 = arith.constant 0 : i32
        %swap3A_1196 = arith.index_cast %swap3A_1194 : i32 to index
        %swap3A_1197 = arith.index_cast %swap3A_1195 : i32 to index
        %swap3A_1198 = arith.index_cast %add3A_1193 : i32 to index
        %swap3A_1199 = tpu.vector_load %arg7[%swap3A_1196, %swap3A_1197, %swap3A_1198] {strides = array<i32>} : memref<5x1x2048xf32, #tpu.memory_space<vmem>>, vector<16xf32>,
        tpu.vector_store %arg7[%swap3A_1196, %swap3A_1197, %swap3A_1198], %gather3A_1072 {strides = array<i32>} : memref<5x1x2048xf32, #tpu.memory_space<vmem>>, vector<16xf32>,
      }
      %scan3A_281 = arith.constant 8 : i32
      %dma_start3A_282 = arith.constant 0 : i32
      %dma_start3A_283 = arith.constant 0 : i32
      %dma_start3A_284 = arith.constant 0 : i32
      %dma_start3A_285 = arith.constant 0 : i32
      %dma_start3A_286 = tpu.memref_slice %arg7[%dma_start3A_282, %dma_start3A_284, %dma_start3A_285] : memref<5x1x2048xf32, #tpu.memory_space<vmem>> -> memref<1x1x2048xf32, #tpu.memory_space<vmem>>
      %dma_start3A_287 = tpu.memref_squeeze %dma_start3A_286 : memref<1x1x2048xf32, #tpu.memory_space<vmem>> -> memref<1x2048xf32, #tpu.memory_space<vmem>>
      %dma_start3A_288 = tpu.memref_slice %arg4[%select_n3A, %add3A_94, %mul3A_258] : memref<50x64x4096xf32, #tpu.memory_space<hbm>> -> memref<1x1x2048xf32, #tpu.memory_space<hbm>>
      %dma_start3A_289 = tpu.memref_squeeze %dma_start3A_288 : memref<1x1x2048xf32, #tpu.memory_space<hbm>> -> memref<1x2048xf32, #tpu.memory_space<hbm>>
      %dma_start3A_290 = tpu.memref_slice %arg9[%dma_start3A_283] : memref<5x!tpu.dma_semaphore, #tpu.memory_space<semaphore_mem>> -> memref<1x!tpu.dma_semaphore, #tpu.memory_space<semaphore_mem>>
      %dma_start3A_291 = tpu.memref_squeeze %dma_start3A_290 : memref<1x!tpu.dma_semaphore, #tpu.memory_space<semaphore_mem>> -> memref<!tpu.dma_semaphore, #tpu.memory_space<semaphore_mem>>
      %dma_start3A_292 = tpu.memref_slice %arg4[%select_n3A, %add3A_94, %mul3A_258] : memref<50x64x4096xf32, #tpu.memory_space<hbm>> -> memref<1x1x2048xf32, #tpu.memory_space<hbm>>
      %dma_start3A_293 = tpu.memref_squeeze %dma_start3A_292 : memref<1x1x2048xf32, #tpu.memory_space<hbm>> -> memref<1x2048xf32, #tpu.memory_space<hbm>>
      %dma_start3A_294 = arith.constant 0 : i32
      %dma_start3A_295 = arith.constant 0 : i32
      %dma_start3A_296 = tpu.memref_slice %arg7[%dma_start3A_282, %dma_start3A_294, %dma_start3A_295] : memref<5x1x2048xf32, #tpu.memory_space<vmem>> -> memref<1x1x2048xf32, #tpu.memory_space<vmem>>
      %dma_start3A_297 = tpu.memref_squeeze %dma_start3A_296 : memref<1x1x2048xf32, #tpu.memory_space<vmem>> -> memref<1x2048xf32, #tpu.memory_space<vmem>>
      tpu.enqueue_dma source(%dma_start3A_297 : memref<1x2048xf32, #tpu.memory_space<vmem>>) target(%dma_start3A_293 : memref<1x2048xf32, #tpu.memory_space<hbm>>) target_semaphore(%dma_start3A_291 : memref<!tpu.dma_semaphore, #tpu.memory_space<semaphore_mem>>)
      %add3A_298 = arith.constant 5 : i32
      %add3A_299 = arith.addi %add3A_225, %add3A_298 : i32
      %lt3A_300 = arith.constant 100 : i32
      %lt3A_301 = arith.cmpi slt, %add3A_299, %lt3A_300 : i32
      %sub3A_302 = arith.constant 100 : i32
      %sub3A_303 = arith.subi %add3A_299, %sub3A_302 : i32
      %select_n3A_304 = arith.select %lt3A_301, %add3A_299, %sub3A_303 : i32
      %jit3A_305 = arith.constant 2 : i32
      %div3A_306 = arith.divsi %select_n3A_304, %jit3A_305 : i32
      %sign3A_307 = arith.constant 0 : i32
      %sign3A_308 = arith.cmpi sgt, %select_n3A_304, %sign3A_307 : i32
      %sign3A_309 = arith.extui %sign3A_308 : i1 to i32
      %sign3A_310 = arith.constant 0 : i32
      %sign3A_311 = arith.cmpi slt, %select_n3A_304, %sign3A_310 : i32
      %sign3A_312 = arith.extui %sign3A_311 : i1 to i32
      %sign3A_313 = arith.subi %sign3A_309, %sign3A_312 : i32
      %sign3A_314 = arith.constant 0 : i32
      %sign3A_315 = arith.cmpi sgt, %jit3A_305, %sign3A_314 : i32
      %sign3A_316 = arith.extui %sign3A_315 : i1 to i32
      %sign3A_317 = arith.constant 0 : i32
      %sign3A_318 = arith.cmpi slt, %jit3A_305, %sign3A_317 : i32
      %sign3A_319 = arith.extui %sign3A_318 : i1 to i32
      %sign3A_320 = arith.subi %sign3A_316, %sign3A_319 : i32
      %ne3A_321 = arith.cmpi ne, %sign3A_313, %sign3A_320 : i32
      %rem3A_322 = arith.remsi %select_n3A_304, %jit3A_305 : i32
      %ne3A_323 = arith.constant 0 : i32
      %ne3A_324 = arith.cmpi ne, %rem3A_322, %ne3A_323 : i32
      %and3A_325 = arith.andi %ne3A_321, %ne3A_324 : i1
      %sub3A_326 = arith.constant 1 : i32
      %sub3A_327 = arith.subi %div3A_306, %sub3A_326 : i32
      %select_n3A_328 = arith.select %and3A_325, %sub3A_327, %div3A_306 : i32
      %jit3A_329 = arith.constant 2 : i32
      %eq3A_330 = arith.constant 0 : i32
      %eq3A_331 = arith.cmpi eq, %jit3A_329, %eq3A_330 : i32
      %jit3A_332 = arith.constant 1 : i32
      %select_n3A_333 = arith.select %eq3A_331, %jit3A_332, %jit3A_329 : i32
      %rem3A_334 = arith.remsi %select_n3A_304, %select_n3A_333 : i32
      %ne3A_335 = arith.constant 0 : i32
      %ne3A_336 = arith.cmpi ne, %rem3A_334, %ne3A_335 : i32
      %lt3A_337 = arith.constant 0 : i32
      %lt3A_338 = arith.cmpi slt, %rem3A_334, %lt3A_337 : i32
      %lt3A_339 = arith.constant 0 : i32
      %lt3A_340 = arith.cmpi slt, %select_n3A_333, %lt3A_339 : i32
      %ne3A_341 = arith.xori %lt3A_338, %lt3A_340 : i1
      %and3A_342 = arith.andi %ne3A_341, %ne3A_336 : i1
      %add3A_343 = arith.addi %rem3A_334, %select_n3A_333 : i32
      %select_n3A_344 = arith.select %and3A_342, %add3A_343, %rem3A_334 : i32
      %mul3A_345 = arith.constant 2048 : i32
      %mul3A_346 = arith.muli %select_n3A_344, %mul3A_345 : i32
      %lt3A_347 = arith.constant 19 : i32
      %lt3A_348 = arith.cmpi slt, %scan3A_221, %lt3A_347 : i32
      %or3A_349 = arith.constant true
      %or3A_350 = arith.ori %lt3A_348, %or3A_349 : i1
      %convert_element_type3A_351 = arith.extui %or3A_350 : i1 to i32
      %cond3A_352 = arith.constant 0 : i32
      %cond3A_353 = arith.cmpi ne, %convert_element_type3A_351, %cond3A_352 : i32
      scf.if %cond3A_353 {
        %dma_start3A_926 = arith.constant 0 : i32
        %dma_start3A_927 = arith.constant 0 : i32
        %dma_start3A_928 = arith.constant 0 : i32
        %dma_start3A_929 = arith.constant 0 : i32
        %dma_start3A_930 = tpu.memref_slice %arg6[%dma_start3A_926, %dma_start3A_928, %dma_start3A_929] : memref<5x1x2048xi32, #tpu.memory_space<vmem>> -> memref<1x1x2048xi32, #tpu.memory_space<vmem>>
        %dma_start3A_931 = tpu.memref_squeeze %dma_start3A_930 : memref<1x1x2048xi32, #tpu.memory_space<vmem>> -> memref<1x2048xi32, #tpu.memory_space<vmem>>
        %dma_start3A_932 = tpu.memref_slice %arg2[%select_n3A_328, %mul3A_346] : memref<50x4096xi32, #tpu.memory_space<hbm>> -> memref<1x2048xi32, #tpu.memory_space<hbm>>
        %dma_start3A_933 = tpu.memref_slice %arg8[%dma_start3A_927] : memref<5x!tpu.dma_semaphore, #tpu.memory_space<semaphore_mem>> -> memref<1x!tpu.dma_semaphore, #tpu.memory_space<semaphore_mem>>
        %dma_start3A_934 = tpu.memref_squeeze %dma_start3A_933 : memref<1x!tpu.dma_semaphore, #tpu.memory_space<semaphore_mem>> -> memref<!tpu.dma_semaphore, #tpu.memory_space<semaphore_mem>>
        %dma_start3A_935 = arith.constant 0 : i32
        %dma_start3A_936 = arith.constant 0 : i32
        %dma_start3A_937 = tpu.memref_slice %arg6[%dma_start3A_926, %dma_start3A_935, %dma_start3A_936] : memref<5x1x2048xi32, #tpu.memory_space<vmem>> -> memref<1x1x2048xi32, #tpu.memory_space<vmem>>
        %dma_start3A_938 = tpu.memref_squeeze %dma_start3A_937 : memref<1x1x2048xi32, #tpu.memory_space<vmem>> -> memref<1x2048xi32, #tpu.memory_space<vmem>>
        %dma_start3A_939 = tpu.memref_slice %arg2[%select_n3A_328, %mul3A_346] : memref<50x4096xi32, #tpu.memory_space<hbm>> -> memref<1x2048xi32, #tpu.memory_space<hbm>>
        tpu.enqueue_dma source(%dma_start3A_939 : memref<1x2048xi32, #tpu.memory_space<hbm>>) target(%dma_start3A_938 : memref<1x2048xi32, #tpu.memory_space<vmem>>) target_semaphore(%dma_start3A_934 : memref<!tpu.dma_semaphore, #tpu.memory_space<semaphore_mem>>)
      } else {
      }
      %add3A_354 = arith.constant 1 : i32
      %add3A_355 = arith.addi %mul3A_223, %add3A_354 : i32
      %jit3A_356 = arith.constant 2 : i32
      %div3A_357 = arith.divsi %add3A_355, %jit3A_356 : i32
      %sign3A_358 = arith.constant 0 : i32
      %sign3A_359 = arith.cmpi sgt, %add3A_355, %sign3A_358 : i32
      %sign3A_360 = arith.extui %sign3A_359 : i1 to i32
      %sign3A_361 = arith.constant 0 : i32
      %sign3A_362 = arith.cmpi slt, %add3A_355, %sign3A_361 : i32
      %sign3A_363 = arith.extui %sign3A_362 : i1 to i32
      %sign3A_364 = arith.subi %sign3A_360, %sign3A_363 : i32
      %sign3A_365 = arith.constant 0 : i32
      %sign3A_366 = arith.cmpi sgt, %jit3A_356, %sign3A_365 : i32
      %sign3A_367 = arith.extui %sign3A_366 : i1 to i32
      %sign3A_368 = arith.constant 0 : i32
      %sign3A_369 = arith.cmpi slt, %jit3A_356, %sign3A_368 : i32
      %sign3A_370 = arith.extui %sign3A_369 : i1 to i32
      %sign3A_371 = arith.subi %sign3A_367, %sign3A_370 : i32
      %ne3A_372 = arith.cmpi ne, %sign3A_364, %sign3A_371 : i32
      %rem3A_373 = arith.remsi %add3A_355, %jit3A_356 : i32
      %ne3A_374 = arith.constant 0 : i32
      %ne3A_375 = arith.cmpi ne, %rem3A_373, %ne3A_374 : i32
      %and3A_376 = arith.andi %ne3A_372, %ne3A_375 : i1
      %sub3A_377 = arith.constant 1 : i32
      %sub3A_378 = arith.subi %div3A_357, %sub3A_377 : i32
      %select_n3A_379 = arith.select %and3A_376, %sub3A_378, %div3A_357 : i32
      %jit3A_380 = arith.constant 2 : i32
      %eq3A_381 = arith.constant 0 : i32
      %eq3A_382 = arith.cmpi eq, %jit3A_380, %eq3A_381 : i32
      %jit3A_383 = arith.constant 1 : i32
      %select_n3A_384 = arith.select %eq3A_382, %jit3A_383, %jit3A_380 : i32
      %rem3A_385 = arith.remsi %add3A_355, %select_n3A_384 : i32
      %ne3A_386 = arith.constant 0 : i32
      %ne3A_387 = arith.cmpi ne, %rem3A_385, %ne3A_386 : i32
      %lt3A_388 = arith.constant 0 : i32
      %lt3A_389 = arith.cmpi slt, %rem3A_385, %lt3A_388 : i32
      %lt3A_390 = arith.constant 0 : i32
      %lt3A_391 = arith.cmpi slt, %select_n3A_384, %lt3A_390 : i32
      %ne3A_392 = arith.xori %lt3A_389, %lt3A_391 : i1
      %and3A_393 = arith.andi %ne3A_392, %ne3A_387 : i1
      %add3A_394 = arith.addi %rem3A_385, %select_n3A_384 : i32
      %select_n3A_395 = arith.select %and3A_393, %add3A_394, %rem3A_385 : i32
      %mul3A_396 = arith.constant 2048 : i32
      %mul3A_397 = arith.muli %select_n3A_395, %mul3A_396 : i32
      %dma_wait3A_398 = arith.constant 1 : i32
      %dma_wait3A_399 = arith.constant 1 : i32
      %dma_wait3A_400 = arith.constant 0 : i32
      %dma_wait3A_401 = arith.constant 0 : i32
      %dma_wait3A_402 = tpu.memref_slice %arg6[%dma_wait3A_398, %dma_wait3A_400, %dma_wait3A_401] : memref<5x1x2048xi32, #tpu.memory_space<vmem>> -> memref<1x1x2048xi32, #tpu.memory_space<vmem>>
      %dma_wait3A_403 = tpu.memref_squeeze %dma_wait3A_402 : memref<1x1x2048xi32, #tpu.memory_space<vmem>> -> memref<1x2048xi32, #tpu.memory_space<vmem>>
      %dma_wait3A_404 = tpu.memref_slice %arg2[%select_n3A_379, %mul3A_397] : memref<50x4096xi32, #tpu.memory_space<hbm>> -> memref<1x2048xi32, #tpu.memory_space<hbm>>
      %dma_wait3A_405 = tpu.memref_slice %arg8[%dma_wait3A_399] : memref<5x!tpu.dma_semaphore, #tpu.memory_space<semaphore_mem>> -> memref<1x!tpu.dma_semaphore, #tpu.memory_space<semaphore_mem>>
      %dma_wait3A_406 = tpu.memref_squeeze %dma_wait3A_405 : memref<1x!tpu.dma_semaphore, #tpu.memory_space<semaphore_mem>> -> memref<!tpu.dma_semaphore, #tpu.memory_space<semaphore_mem>>
      %dma_wait3A_407 = arith.constant 0 : i32
      %dma_wait3A_408 = arith.constant 0 : i32
      %dma_wait3A_409 = tpu.memref_slice %arg6[%dma_wait3A_398, %dma_wait3A_407, %dma_wait3A_408] : memref<5x1x2048xi32, #tpu.memory_space<vmem>> -> memref<1x1x2048xi32, #tpu.memory_space<vmem>>
      %dma_wait3A_410 = tpu.memref_squeeze %dma_wait3A_409 : memref<1x1x2048xi32, #tpu.memory_space<vmem>> -> memref<1x2048xi32, #tpu.memory_space<vmem>>
      %dma_wait3A_411 = tpu.memref_slice %arg2[%select_n3A_379, %mul3A_397] : memref<50x4096xi32, #tpu.memory_space<hbm>> -> memref<1x2048xi32, #tpu.memory_space<hbm>>
      tpu.wait_dma2 semaphore(%dma_wait3A_406 : memref<!tpu.dma_semaphore, #tpu.memory_space<semaphore_mem>>) src(%dma_wait3A_411 : memref<1x2048xi32, #tpu.memory_space<hbm>>) dst(%dma_wait3A_410 : memref<1x2048xi32, #tpu.memory_space<vmem>>)
      %gt3A_412 = arith.constant 0 : i32
      %gt3A_413 = arith.cmpi sgt, %scan3A_221, %gt3A_412 : i32
      %or3A_414 = arith.constant false
      %or3A_415 = arith.ori %gt3A_413, %or3A_414 : i1
      %convert_element_type3A_416 = arith.extui %or3A_415 : i1 to i32
      %cond3A_417 = arith.constant 0 : i32
      %cond3A_418 = arith.cmpi ne, %convert_element_type3A_416, %cond3A_417 : i32
      scf.if %cond3A_418 {
        %dma_wait3A_926 = arith.constant 1 : i32
        %dma_wait3A_927 = arith.constant 1 : i32
        %dma_wait3A_928 = arith.constant 0 : i32
        %dma_wait3A_929 = arith.constant 0 : i32
        %dma_wait3A_930 = tpu.memref_slice %arg7[%dma_wait3A_926, %dma_wait3A_928, %dma_wait3A_929] : memref<5x1x2048xf32, #tpu.memory_space<vmem>> -> memref<1x1x2048xf32, #tpu.memory_space<vmem>>
        %dma_wait3A_931 = tpu.memref_squeeze %dma_wait3A_930 : memref<1x1x2048xf32, #tpu.memory_space<vmem>> -> memref<1x2048xf32, #tpu.memory_space<vmem>>
        %dma_wait3A_932 = tpu.memref_slice %arg4[%select_n3A_379, %add3A_94, %mul3A_397] : memref<50x64x4096xf32, #tpu.memory_space<hbm>> -> memref<1x1x2048xf32, #tpu.memory_space<hbm>>
        %dma_wait3A_933 = tpu.memref_squeeze %dma_wait3A_932 : memref<1x1x2048xf32, #tpu.memory_space<hbm>> -> memref<1x2048xf32, #tpu.memory_space<hbm>>
        %dma_wait3A_934 = tpu.memref_slice %arg9[%dma_wait3A_927] : memref<5x!tpu.dma_semaphore, #tpu.memory_space<semaphore_mem>> -> memref<1x!tpu.dma_semaphore, #tpu.memory_space<semaphore_mem>>
        %dma_wait3A_935 = tpu.memref_squeeze %dma_wait3A_934 : memref<1x!tpu.dma_semaphore, #tpu.memory_space<semaphore_mem>> -> memref<!tpu.dma_semaphore, #tpu.memory_space<semaphore_mem>>
        %dma_wait3A_936 = tpu.memref_slice %arg4[%select_n3A_379, %add3A_94, %mul3A_397] : memref<50x64x4096xf32, #tpu.memory_space<hbm>> -> memref<1x1x2048xf32, #tpu.memory_space<hbm>>
        %dma_wait3A_937 = tpu.memref_squeeze %dma_wait3A_936 : memref<1x1x2048xf32, #tpu.memory_space<hbm>> -> memref<1x2048xf32, #tpu.memory_space<hbm>>
        %dma_wait3A_938 = arith.constant 0 : i32
        %dma_wait3A_939 = arith.constant 0 : i32
        %dma_wait3A_940 = tpu.memref_slice %arg7[%dma_wait3A_926, %dma_wait3A_938, %dma_wait3A_939] : memref<5x1x2048xf32, #tpu.memory_space<vmem>> -> memref<1x1x2048xf32, #tpu.memory_space<vmem>>
        %dma_wait3A_941 = tpu.memref_squeeze %dma_wait3A_940 : memref<1x1x2048xf32, #tpu.memory_space<vmem>> -> memref<1x2048xf32, #tpu.memory_space<vmem>>
        tpu.wait_dma2 semaphore(%dma_wait3A_935 : memref<!tpu.dma_semaphore, #tpu.memory_space<semaphore_mem>>) src(%dma_wait3A_941 : memref<1x2048xf32, #tpu.memory_space<vmem>>) dst(%dma_wait3A_937 : memref<1x2048xf32, #tpu.memory_space<hbm>>)
      } else {
      }
      %scan3A_419 = arith.constant 0 : i32
      %scan3A_420 = arith.constant 0 : i32
      %scan3A_421 = arith.constant 8 : i32
      %scan3A_422 = arith.addi %scan3A_420, %scan3A_421 : i32
      %scan3A_423 = arith.constant 1 : i32
      scf.for %scan3A_926 = %scan3A_420 to %scan3A_422 step %scan3A_423  : i32 {
        %mul3A_927 = arith.constant 16 : i32
        %mul3A_928 = arith.muli %scan3A_926, %mul3A_927 : i32
        %mul3A_929 = arith.constant 16 : i32
        %mul3A_930 = arith.muli %mul3A_928, %mul3A_929 : i32
        %add3A_931 = arith.constant 0 : i32
        %add3A_932 = arith.addi %mul3A_930, %add3A_931 : i32
        %get3A = arith.constant 1 : i32
        %get3A_933 = arith.constant 0 : i32
        %get3A_934 = arith.index_cast %get3A : i32 to index
        %get3A_935 = arith.index_cast %get3A_933 : i32 to index
        %get3A_936 = arith.index_cast %add3A_932 : i32 to index
        %get3A_937 = tpu.vector_load %arg6[%get3A_934, %get3A_935, %get3A_936] {strides = array<i32>} : memref<5x1x2048xi32, #tpu.memory_space<vmem>>, vector<16xi32>,
        %add3A_938 = arith.constant 16 : i32
        %add3A_939 = arith.addi %mul3A_930, %add3A_938 : i32
        %get3A_940 = arith.constant 1 : i32
        %get3A_941 = arith.constant 0 : i32
        %get3A_942 = arith.index_cast %get3A_940 : i32 to index
        %get3A_943 = arith.index_cast %get3A_941 : i32 to index
        %get3A_944 = arith.index_cast %add3A_939 : i32 to index
        %get3A_945 = tpu.vector_load %arg6[%get3A_942, %get3A_943, %get3A_944] {strides = array<i32>} : memref<5x1x2048xi32, #tpu.memory_space<vmem>>, vector<16xi32>,
        %add3A_946 = arith.constant 32 : i32
        %add3A_947 = arith.addi %mul3A_930, %add3A_946 : i32
        %get3A_948 = arith.constant 1 : i32
        %get3A_949 = arith.constant 0 : i32
        %get3A_950 = arith.index_cast %get3A_948 : i32 to index
        %get3A_951 = arith.index_cast %get3A_949 : i32 to index
        %get3A_952 = arith.index_cast %add3A_947 : i32 to index
        %get3A_953 = tpu.vector_load %arg6[%get3A_950, %get3A_951, %get3A_952] {strides = array<i32>} : memref<5x1x2048xi32, #tpu.memory_space<vmem>>, vector<16xi32>,
        %add3A_954 = arith.constant 48 : i32
        %add3A_955 = arith.addi %mul3A_930, %add3A_954 : i32
        %get3A_956 = arith.constant 1 : i32
        %get3A_957 = arith.constant 0 : i32
        %get3A_958 = arith.index_cast %get3A_956 : i32 to index
        %get3A_959 = arith.index_cast %get3A_957 : i32 to index
        %get3A_960 = arith.index_cast %add3A_955 : i32 to index
        %get3A_961 = tpu.vector_load %arg6[%get3A_958, %get3A_959, %get3A_960] {strides = array<i32>} : memref<5x1x2048xi32, #tpu.memory_space<vmem>>, vector<16xi32>,
        %add3A_962 = arith.constant 64 : i32
        %add3A_963 = arith.addi %mul3A_930, %add3A_962 : i32
        %get3A_964 = arith.constant 1 : i32
        %get3A_965 = arith.constant 0 : i32
        %get3A_966 = arith.index_cast %get3A_964 : i32 to index
        %get3A_967 = arith.index_cast %get3A_965 : i32 to index
        %get3A_968 = arith.index_cast %add3A_963 : i32 to index
        %get3A_969 = tpu.vector_load %arg6[%get3A_966, %get3A_967, %get3A_968] {strides = array<i32>} : memref<5x1x2048xi32, #tpu.memory_space<vmem>>, vector<16xi32>,
        %add3A_970 = arith.constant 80 : i32
        %add3A_971 = arith.addi %mul3A_930, %add3A_970 : i32
        %get3A_972 = arith.constant 1 : i32
        %get3A_973 = arith.constant 0 : i32
        %get3A_974 = arith.index_cast %get3A_972 : i32 to index
        %get3A_975 = arith.index_cast %get3A_973 : i32 to index
        %get3A_976 = arith.index_cast %add3A_971 : i32 to index
        %get3A_977 = tpu.vector_load %arg6[%get3A_974, %get3A_975, %get3A_976] {strides = array<i32>} : memref<5x1x2048xi32, #tpu.memory_space<vmem>>, vector<16xi32>,
        %add3A_978 = arith.constant 96 : i32
        %add3A_979 = arith.addi %mul3A_930, %add3A_978 : i32
        %get3A_980 = arith.constant 1 : i32
        %get3A_981 = arith.constant 0 : i32
        %get3A_982 = arith.index_cast %get3A_980 : i32 to index
        %get3A_983 = arith.index_cast %get3A_981 : i32 to index
        %get3A_984 = arith.index_cast %add3A_979 : i32 to index
        %get3A_985 = tpu.vector_load %arg6[%get3A_982, %get3A_983, %get3A_984] {strides = array<i32>} : memref<5x1x2048xi32, #tpu.memory_space<vmem>>, vector<16xi32>,
        %add3A_986 = arith.constant 112 : i32
        %add3A_987 = arith.addi %mul3A_930, %add3A_986 : i32
        %get3A_988 = arith.constant 1 : i32
        %get3A_989 = arith.constant 0 : i32
        %get3A_990 = arith.index_cast %get3A_988 : i32 to index
        %get3A_991 = arith.index_cast %get3A_989 : i32 to index
        %get3A_992 = arith.index_cast %add3A_987 : i32 to index
        %get3A_993 = tpu.vector_load %arg6[%get3A_990, %get3A_991, %get3A_992] {strides = array<i32>} : memref<5x1x2048xi32, #tpu.memory_space<vmem>>, vector<16xi32>,
        %add3A_994 = arith.constant 128 : i32
        %add3A_995 = arith.addi %mul3A_930, %add3A_994 : i32
        %get3A_996 = arith.constant 1 : i32
        %get3A_997 = arith.constant 0 : i32
        %get3A_998 = arith.index_cast %get3A_996 : i32 to index
        %get3A_999 = arith.index_cast %get3A_997 : i32 to index
        %get3A_1000 = arith.index_cast %add3A_995 : i32 to index
        %get3A_1001 = tpu.vector_load %arg6[%get3A_998, %get3A_999, %get3A_1000] {strides = array<i32>} : memref<5x1x2048xi32, #tpu.memory_space<vmem>>, vector<16xi32>,
        %add3A_1002 = arith.constant 144 : i32
        %add3A_1003 = arith.addi %mul3A_930, %add3A_1002 : i32
        %get3A_1004 = arith.constant 1 : i32
        %get3A_1005 = arith.constant 0 : i32
        %get3A_1006 = arith.index_cast %get3A_1004 : i32 to index
        %get3A_1007 = arith.index_cast %get3A_1005 : i32 to index
        %get3A_1008 = arith.index_cast %add3A_1003 : i32 to index
        %get3A_1009 = tpu.vector_load %arg6[%get3A_1006, %get3A_1007, %get3A_1008] {strides = array<i32>} : memref<5x1x2048xi32, #tpu.memory_space<vmem>>, vector<16xi32>,
        %add3A_1010 = arith.constant 160 : i32
        %add3A_1011 = arith.addi %mul3A_930, %add3A_1010 : i32
        %get3A_1012 = arith.constant 1 : i32
        %get3A_1013 = arith.constant 0 : i32
        %get3A_1014 = arith.index_cast %get3A_1012 : i32 to index
        %get3A_1015 = arith.index_cast %get3A_1013 : i32 to index
        %get3A_1016 = arith.index_cast %add3A_1011 : i32 to index
        %get3A_1017 = tpu.vector_load %arg6[%get3A_1014, %get3A_1015, %get3A_1016] {strides = array<i32>} : memref<5x1x2048xi32, #tpu.memory_space<vmem>>, vector<16xi32>,
        %add3A_1018 = arith.constant 176 : i32
        %add3A_1019 = arith.addi %mul3A_930, %add3A_1018 : i32
        %get3A_1020 = arith.constant 1 : i32
        %get3A_1021 = arith.constant 0 : i32
        %get3A_1022 = arith.index_cast %get3A_1020 : i32 to index
        %get3A_1023 = arith.index_cast %get3A_1021 : i32 to index
        %get3A_1024 = arith.index_cast %add3A_1019 : i32 to index
        %get3A_1025 = tpu.vector_load %arg6[%get3A_1022, %get3A_1023, %get3A_1024] {strides = array<i32>} : memref<5x1x2048xi32, #tpu.memory_space<vmem>>, vector<16xi32>,
        %add3A_1026 = arith.constant 192 : i32
        %add3A_1027 = arith.addi %mul3A_930, %add3A_1026 : i32
        %get3A_1028 = arith.constant 1 : i32
        %get3A_1029 = arith.constant 0 : i32
        %get3A_1030 = arith.index_cast %get3A_1028 : i32 to index
        %get3A_1031 = arith.index_cast %get3A_1029 : i32 to index
        %get3A_1032 = arith.index_cast %add3A_1027 : i32 to index
        %get3A_1033 = tpu.vector_load %arg6[%get3A_1030, %get3A_1031, %get3A_1032] {strides = array<i32>} : memref<5x1x2048xi32, #tpu.memory_space<vmem>>, vector<16xi32>,
        %add3A_1034 = arith.constant 208 : i32
        %add3A_1035 = arith.addi %mul3A_930, %add3A_1034 : i32
        %get3A_1036 = arith.constant 1 : i32
        %get3A_1037 = arith.constant 0 : i32
        %get3A_1038 = arith.index_cast %get3A_1036 : i32 to index
        %get3A_1039 = arith.index_cast %get3A_1037 : i32 to index
        %get3A_1040 = arith.index_cast %add3A_1035 : i32 to index
        %get3A_1041 = tpu.vector_load %arg6[%get3A_1038, %get3A_1039, %get3A_1040] {strides = array<i32>} : memref<5x1x2048xi32, #tpu.memory_space<vmem>>, vector<16xi32>,
        %add3A_1042 = arith.constant 224 : i32
        %add3A_1043 = arith.addi %mul3A_930, %add3A_1042 : i32
        %get3A_1044 = arith.constant 1 : i32
        %get3A_1045 = arith.constant 0 : i32
        %get3A_1046 = arith.index_cast %get3A_1044 : i32 to index
        %get3A_1047 = arith.index_cast %get3A_1045 : i32 to index
        %get3A_1048 = arith.index_cast %add3A_1043 : i32 to index
        %get3A_1049 = tpu.vector_load %arg6[%get3A_1046, %get3A_1047, %get3A_1048] {strides = array<i32>} : memref<5x1x2048xi32, #tpu.memory_space<vmem>>, vector<16xi32>,
        %add3A_1050 = arith.constant 240 : i32
        %add3A_1051 = arith.addi %mul3A_930, %add3A_1050 : i32
        %get3A_1052 = arith.constant 1 : i32
        %get3A_1053 = arith.constant 0 : i32
        %get3A_1054 = arith.index_cast %get3A_1052 : i32 to index
        %get3A_1055 = arith.index_cast %get3A_1053 : i32 to index
        %get3A_1056 = arith.index_cast %add3A_1051 : i32 to index
        %get3A_1057 = tpu.vector_load %arg6[%get3A_1054, %get3A_1055, %get3A_1056] {strides = array<i32>} : memref<5x1x2048xi32, #tpu.memory_space<vmem>>, vector<16xi32>,
        %gather3A = tpu.vector_load_idx %arg5[%broadcast_in_dim3A_3, %get3A_937] : memref<1x100000xf32, #tpu.memory_space<vmem>>[vector<16xi32>, vector<16xi32>], vector<16xf32>,
        %gather3A_1058 = tpu.vector_load_idx %arg5[%broadcast_in_dim3A_3, %get3A_945] : memref<1x100000xf32, #tpu.memory_space<vmem>>[vector<16xi32>, vector<16xi32>], vector<16xf32>,
        %gather3A_1059 = tpu.vector_load_idx %arg5[%broadcast_in_dim3A_3, %get3A_953] : memref<1x100000xf32, #tpu.memory_space<vmem>>[vector<16xi32>, vector<16xi32>], vector<16xf32>,
        %gather3A_1060 = tpu.vector_load_idx %arg5[%broadcast_in_dim3A_3, %get3A_961] : memref<1x100000xf32, #tpu.memory_space<vmem>>[vector<16xi32>, vector<16xi32>], vector<16xf32>,
        %gather3A_1061 = tpu.vector_load_idx %arg5[%broadcast_in_dim3A_3, %get3A_969] : memref<1x100000xf32, #tpu.memory_space<vmem>>[vector<16xi32>, vector<16xi32>], vector<16xf32>,
        %gather3A_1062 = tpu.vector_load_idx %arg5[%broadcast_in_dim3A_3, %get3A_977] : memref<1x100000xf32, #tpu.memory_space<vmem>>[vector<16xi32>, vector<16xi32>], vector<16xf32>,
        %gather3A_1063 = tpu.vector_load_idx %arg5[%broadcast_in_dim3A_3, %get3A_985] : memref<1x100000xf32, #tpu.memory_space<vmem>>[vector<16xi32>, vector<16xi32>], vector<16xf32>,
        %gather3A_1064 = tpu.vector_load_idx %arg5[%broadcast_in_dim3A_3, %get3A_993] : memref<1x100000xf32, #tpu.memory_space<vmem>>[vector<16xi32>, vector<16xi32>], vector<16xf32>,
        %gather3A_1065 = tpu.vector_load_idx %arg5[%broadcast_in_dim3A_3, %get3A_1001] : memref<1x100000xf32, #tpu.memory_space<vmem>>[vector<16xi32>, vector<16xi32>], vector<16xf32>,
        %gather3A_1066 = tpu.vector_load_idx %arg5[%broadcast_in_dim3A_3, %get3A_1009] : memref<1x100000xf32, #tpu.memory_space<vmem>>[vector<16xi32>, vector<16xi32>], vector<16xf32>,
        %gather3A_1067 = tpu.vector_load_idx %arg5[%broadcast_in_dim3A_3, %get3A_1017] : memref<1x100000xf32, #tpu.memory_space<vmem>>[vector<16xi32>, vector<16xi32>], vector<16xf32>,
        %gather3A_1068 = tpu.vector_load_idx %arg5[%broadcast_in_dim3A_3, %get3A_1025] : memref<1x100000xf32, #tpu.memory_space<vmem>>[vector<16xi32>, vector<16xi32>], vector<16xf32>,
        %gather3A_1069 = tpu.vector_load_idx %arg5[%broadcast_in_dim3A_3, %get3A_1033] : memref<1x100000xf32, #tpu.memory_space<vmem>>[vector<16xi32>, vector<16xi32>], vector<16xf32>,
        %gather3A_1070 = tpu.vector_load_idx %arg5[%broadcast_in_dim3A_3, %get3A_1041] : memref<1x100000xf32, #tpu.memory_space<vmem>>[vector<16xi32>, vector<16xi32>], vector<16xf32>,
        %gather3A_1071 = tpu.vector_load_idx %arg5[%broadcast_in_dim3A_3, %get3A_1049] : memref<1x100000xf32, #tpu.memory_space<vmem>>[vector<16xi32>, vector<16xi32>], vector<16xf32>,
        %gather3A_1072 = tpu.vector_load_idx %arg5[%broadcast_in_dim3A_3, %get3A_1057] : memref<1x100000xf32, #tpu.memory_space<vmem>>[vector<16xi32>, vector<16xi32>], vector<16xf32>,
        %add3A_1073 = arith.constant 0 : i32
        %add3A_1074 = arith.addi %mul3A_930, %add3A_1073 : i32
        %swap3A = arith.constant 1 : i32
        %swap3A_1075 = arith.constant 0 : i32
        %swap3A_1076 = arith.index_cast %swap3A : i32 to index
        %swap3A_1077 = arith.index_cast %swap3A_1075 : i32 to index
        %swap3A_1078 = arith.index_cast %add3A_1074 : i32 to index
        %swap3A_1079 = tpu.vector_load %arg7[%swap3A_1076, %swap3A_1077, %swap3A_1078] {strides = array<i32>} : memref<5x1x2048xf32, #tpu.memory_space<vmem>>, vector<16xf32>,
        tpu.vector_store %arg7[%swap3A_1076, %swap3A_1077, %swap3A_1078], %gather3A {strides = array<i32>} : memref<5x1x2048xf32, #tpu.memory_space<vmem>>, vector<16xf32>,
        %add3A_1080 = arith.constant 16 : i32
        %add3A_1081 = arith.addi %mul3A_930, %add3A_1080 : i32
        %swap3A_1082 = arith.constant 1 : i32
        %swap3A_1083 = arith.constant 0 : i32
        %swap3A_1084 = arith.index_cast %swap3A_1082 : i32 to index
        %swap3A_1085 = arith.index_cast %swap3A_1083 : i32 to index
        %swap3A_1086 = arith.index_cast %add3A_1081 : i32 to index
        %swap3A_1087 = tpu.vector_load %arg7[%swap3A_1084, %swap3A_1085, %swap3A_1086] {strides = array<i32>} : memref<5x1x2048xf32, #tpu.memory_space<vmem>>, vector<16xf32>,
        tpu.vector_store %arg7[%swap3A_1084, %swap3A_1085, %swap3A_1086], %gather3A_1058 {strides = array<i32>} : memref<5x1x2048xf32, #tpu.memory_space<vmem>>, vector<16xf32>,
        %add3A_1088 = arith.constant 32 : i32
        %add3A_1089 = arith.addi %mul3A_930, %add3A_1088 : i32
        %swap3A_1090 = arith.constant 1 : i32
        %swap3A_1091 = arith.constant 0 : i32
        %swap3A_1092 = arith.index_cast %swap3A_1090 : i32 to index
        %swap3A_1093 = arith.index_cast %swap3A_1091 : i32 to index
        %swap3A_1094 = arith.index_cast %add3A_1089 : i32 to index
        %swap3A_1095 = tpu.vector_load %arg7[%swap3A_1092, %swap3A_1093, %swap3A_1094] {strides = array<i32>} : memref<5x1x2048xf32, #tpu.memory_space<vmem>>, vector<16xf32>,
        tpu.vector_store %arg7[%swap3A_1092, %swap3A_1093, %swap3A_1094], %gather3A_1059 {strides = array<i32>} : memref<5x1x2048xf32, #tpu.memory_space<vmem>>, vector<16xf32>,
        %add3A_1096 = arith.constant 48 : i32
        %add3A_1097 = arith.addi %mul3A_930, %add3A_1096 : i32
        %swap3A_1098 = arith.constant 1 : i32
        %swap3A_1099 = arith.constant 0 : i32
        %swap3A_1100 = arith.index_cast %swap3A_1098 : i32 to index
        %swap3A_1101 = arith.index_cast %swap3A_1099 : i32 to index
        %swap3A_1102 = arith.index_cast %add3A_1097 : i32 to index
        %swap3A_1103 = tpu.vector_load %arg7[%swap3A_1100, %swap3A_1101, %swap3A_1102] {strides = array<i32>} : memref<5x1x2048xf32, #tpu.memory_space<vmem>>, vector<16xf32>,
        tpu.vector_store %arg7[%swap3A_1100, %swap3A_1101, %swap3A_1102], %gather3A_1060 {strides = array<i32>} : memref<5x1x2048xf32, #tpu.memory_space<vmem>>, vector<16xf32>,
        %add3A_1104 = arith.constant 64 : i32
        %add3A_1105 = arith.addi %mul3A_930, %add3A_1104 : i32
        %swap3A_1106 = arith.constant 1 : i32
        %swap3A_1107 = arith.constant 0 : i32
        %swap3A_1108 = arith.index_cast %swap3A_1106 : i32 to index
        %swap3A_1109 = arith.index_cast %swap3A_1107 : i32 to index
        %swap3A_1110 = arith.index_cast %add3A_1105 : i32 to index
        %swap3A_1111 = tpu.vector_load %arg7[%swap3A_1108, %swap3A_1109, %swap3A_1110] {strides = array<i32>} : memref<5x1x2048xf32, #tpu.memory_space<vmem>>, vector<16xf32>,
        tpu.vector_store %arg7[%swap3A_1108, %swap3A_1109, %swap3A_1110], %gather3A_1061 {strides = array<i32>} : memref<5x1x2048xf32, #tpu.memory_space<vmem>>, vector<16xf32>,
        %add3A_1112 = arith.constant 80 : i32
        %add3A_1113 = arith.addi %mul3A_930, %add3A_1112 : i32
        %swap3A_1114 = arith.constant 1 : i32
        %swap3A_1115 = arith.constant 0 : i32
        %swap3A_1116 = arith.index_cast %swap3A_1114 : i32 to index
        %swap3A_1117 = arith.index_cast %swap3A_1115 : i32 to index
        %swap3A_1118 = arith.index_cast %add3A_1113 : i32 to index
        %swap3A_1119 = tpu.vector_load %arg7[%swap3A_1116, %swap3A_1117, %swap3A_1118] {strides = array<i32>} : memref<5x1x2048xf32, #tpu.memory_space<vmem>>, vector<16xf32>,
        tpu.vector_store %arg7[%swap3A_1116, %swap3A_1117, %swap3A_1118], %gather3A_1062 {strides = array<i32>} : memref<5x1x2048xf32, #tpu.memory_space<vmem>>, vector<16xf32>,
        %add3A_1120 = arith.constant 96 : i32
        %add3A_1121 = arith.addi %mul3A_930, %add3A_1120 : i32
        %swap3A_1122 = arith.constant 1 : i32
        %swap3A_1123 = arith.constant 0 : i32
        %swap3A_1124 = arith.index_cast %swap3A_1122 : i32 to index
        %swap3A_1125 = arith.index_cast %swap3A_1123 : i32 to index
        %swap3A_1126 = arith.index_cast %add3A_1121 : i32 to index
        %swap3A_1127 = tpu.vector_load %arg7[%swap3A_1124, %swap3A_1125, %swap3A_1126] {strides = array<i32>} : memref<5x1x2048xf32, #tpu.memory_space<vmem>>, vector<16xf32>,
        tpu.vector_store %arg7[%swap3A_1124, %swap3A_1125, %swap3A_1126], %gather3A_1063 {strides = array<i32>} : memref<5x1x2048xf32, #tpu.memory_space<vmem>>, vector<16xf32>,
        %add3A_1128 = arith.constant 112 : i32
        %add3A_1129 = arith.addi %mul3A_930, %add3A_1128 : i32
        %swap3A_1130 = arith.constant 1 : i32
        %swap3A_1131 = arith.constant 0 : i32
        %swap3A_1132 = arith.index_cast %swap3A_1130 : i32 to index
        %swap3A_1133 = arith.index_cast %swap3A_1131 : i32 to index
        %swap3A_1134 = arith.index_cast %add3A_1129 : i32 to index
        %swap3A_1135 = tpu.vector_load %arg7[%swap3A_1132, %swap3A_1133, %swap3A_1134] {strides = array<i32>} : memref<5x1x2048xf32, #tpu.memory_space<vmem>>, vector<16xf32>,
        tpu.vector_store %arg7[%swap3A_1132, %swap3A_1133, %swap3A_1134], %gather3A_1064 {strides = array<i32>} : memref<5x1x2048xf32, #tpu.memory_space<vmem>>, vector<16xf32>,
        %add3A_1136 = arith.constant 128 : i32
        %add3A_1137 = arith.addi %mul3A_930, %add3A_1136 : i32
        %swap3A_1138 = arith.constant 1 : i32
        %swap3A_1139 = arith.constant 0 : i32
        %swap3A_1140 = arith.index_cast %swap3A_1138 : i32 to index
        %swap3A_1141 = arith.index_cast %swap3A_1139 : i32 to index
        %swap3A_1142 = arith.index_cast %add3A_1137 : i32 to index
        %swap3A_1143 = tpu.vector_load %arg7[%swap3A_1140, %swap3A_1141, %swap3A_1142] {strides = array<i32>} : memref<5x1x2048xf32, #tpu.memory_space<vmem>>, vector<16xf32>,
        tpu.vector_store %arg7[%swap3A_1140, %swap3A_1141, %swap3A_1142], %gather3A_1065 {strides = array<i32>} : memref<5x1x2048xf32, #tpu.memory_space<vmem>>, vector<16xf32>,
        %add3A_1144 = arith.constant 144 : i32
        %add3A_1145 = arith.addi %mul3A_930, %add3A_1144 : i32
        %swap3A_1146 = arith.constant 1 : i32
        %swap3A_1147 = arith.constant 0 : i32
        %swap3A_1148 = arith.index_cast %swap3A_1146 : i32 to index
        %swap3A_1149 = arith.index_cast %swap3A_1147 : i32 to index
        %swap3A_1150 = arith.index_cast %add3A_1145 : i32 to index
        %swap3A_1151 = tpu.vector_load %arg7[%swap3A_1148, %swap3A_1149, %swap3A_1150] {strides = array<i32>} : memref<5x1x2048xf32, #tpu.memory_space<vmem>>, vector<16xf32>,
        tpu.vector_store %arg7[%swap3A_1148, %swap3A_1149, %swap3A_1150], %gather3A_1066 {strides = array<i32>} : memref<5x1x2048xf32, #tpu.memory_space<vmem>>, vector<16xf32>,
        %add3A_1152 = arith.constant 160 : i32
        %add3A_1153 = arith.addi %mul3A_930, %add3A_1152 : i32
        %swap3A_1154 = arith.constant 1 : i32
        %swap3A_1155 = arith.constant 0 : i32
        %swap3A_1156 = arith.index_cast %swap3A_1154 : i32 to index
        %swap3A_1157 = arith.index_cast %swap3A_1155 : i32 to index
        %swap3A_1158 = arith.index_cast %add3A_1153 : i32 to index
        %swap3A_1159 = tpu.vector_load %arg7[%swap3A_1156, %swap3A_1157, %swap3A_1158] {strides = array<i32>} : memref<5x1x2048xf32, #tpu.memory_space<vmem>>, vector<16xf32>,
        tpu.vector_store %arg7[%swap3A_1156, %swap3A_1157, %swap3A_1158], %gather3A_1067 {strides = array<i32>} : memref<5x1x2048xf32, #tpu.memory_space<vmem>>, vector<16xf32>,
        %add3A_1160 = arith.constant 176 : i32
        %add3A_1161 = arith.addi %mul3A_930, %add3A_1160 : i32
        %swap3A_1162 = arith.constant 1 : i32
        %swap3A_1163 = arith.constant 0 : i32
        %swap3A_1164 = arith.index_cast %swap3A_1162 : i32 to index
        %swap3A_1165 = arith.index_cast %swap3A_1163 : i32 to index
        %swap3A_1166 = arith.index_cast %add3A_1161 : i32 to index
        %swap3A_1167 = tpu.vector_load %arg7[%swap3A_1164, %swap3A_1165, %swap3A_1166] {strides = array<i32>} : memref<5x1x2048xf32, #tpu.memory_space<vmem>>, vector<16xf32>,
        tpu.vector_store %arg7[%swap3A_1164, %swap3A_1165, %swap3A_1166], %gather3A_1068 {strides = array<i32>} : memref<5x1x2048xf32, #tpu.memory_space<vmem>>, vector<16xf32>,
        %add3A_1168 = arith.constant 192 : i32
        %add3A_1169 = arith.addi %mul3A_930, %add3A_1168 : i32
        %swap3A_1170 = arith.constant 1 : i32
        %swap3A_1171 = arith.constant 0 : i32
        %swap3A_1172 = arith.index_cast %swap3A_1170 : i32 to index
        %swap3A_1173 = arith.index_cast %swap3A_1171 : i32 to index
        %swap3A_1174 = arith.index_cast %add3A_1169 : i32 to index
        %swap3A_1175 = tpu.vector_load %arg7[%swap3A_1172, %swap3A_1173, %swap3A_1174] {strides = array<i32>} : memref<5x1x2048xf32, #tpu.memory_space<vmem>>, vector<16xf32>,
        tpu.vector_store %arg7[%swap3A_1172, %swap3A_1173, %swap3A_1174], %gather3A_1069 {strides = array<i32>} : memref<5x1x2048xf32, #tpu.memory_space<vmem>>, vector<16xf32>,
        %add3A_1176 = arith.constant 208 : i32
        %add3A_1177 = arith.addi %mul3A_930, %add3A_1176 : i32
        %swap3A_1178 = arith.constant 1 : i32
        %swap3A_1179 = arith.constant 0 : i32
        %swap3A_1180 = arith.index_cast %swap3A_1178 : i32 to index
        %swap3A_1181 = arith.index_cast %swap3A_1179 : i32 to index
        %swap3A_1182 = arith.index_cast %add3A_1177 : i32 to index
        %swap3A_1183 = tpu.vector_load %arg7[%swap3A_1180, %swap3A_1181, %swap3A_1182] {strides = array<i32>} : memref<5x1x2048xf32, #tpu.memory_space<vmem>>, vector<16xf32>,
        tpu.vector_store %arg7[%swap3A_1180, %swap3A_1181, %swap3A_1182], %gather3A_1070 {strides = array<i32>} : memref<5x1x2048xf32, #tpu.memory_space<vmem>>, vector<16xf32>,
        %add3A_1184 = arith.constant 224 : i32
        %add3A_1185 = arith.addi %mul3A_930, %add3A_1184 : i32
        %swap3A_1186 = arith.constant 1 : i32
        %swap3A_1187 = arith.constant 0 : i32
        %swap3A_1188 = arith.index_cast %swap3A_1186 : i32 to index
        %swap3A_1189 = arith.index_cast %swap3A_1187 : i32 to index
        %swap3A_1190 = arith.index_cast %add3A_1185 : i32 to index
        %swap3A_1191 = tpu.vector_load %arg7[%swap3A_1188, %swap3A_1189, %swap3A_1190] {strides = array<i32>} : memref<5x1x2048xf32, #tpu.memory_space<vmem>>, vector<16xf32>,
        tpu.vector_store %arg7[%swap3A_1188, %swap3A_1189, %swap3A_1190], %gather3A_1071 {strides = array<i32>} : memref<5x1x2048xf32, #tpu.memory_space<vmem>>, vector<16xf32>,
        %add3A_1192 = arith.constant 240 : i32
        %add3A_1193 = arith.addi %mul3A_930, %add3A_1192 : i32
        %swap3A_1194 = arith.constant 1 : i32
        %swap3A_1195 = arith.constant 0 : i32
        %swap3A_1196 = arith.index_cast %swap3A_1194 : i32 to index
        %swap3A_1197 = arith.index_cast %swap3A_1195 : i32 to index
        %swap3A_1198 = arith.index_cast %add3A_1193 : i32 to index
        %swap3A_1199 = tpu.vector_load %arg7[%swap3A_1196, %swap3A_1197, %swap3A_1198] {strides = array<i32>} : memref<5x1x2048xf32, #tpu.memory_space<vmem>>, vector<16xf32>,
        tpu.vector_store %arg7[%swap3A_1196, %swap3A_1197, %swap3A_1198], %gather3A_1072 {strides = array<i32>} : memref<5x1x2048xf32, #tpu.memory_space<vmem>>, vector<16xf32>,
      }
      %scan3A_424 = arith.constant 8 : i32
      %dma_start3A_425 = arith.constant 1 : i32
      %dma_start3A_426 = arith.constant 1 : i32
      %dma_start3A_427 = arith.constant 0 : i32
      %dma_start3A_428 = arith.constant 0 : i32
      %dma_start3A_429 = tpu.memref_slice %arg7[%dma_start3A_425, %dma_start3A_427, %dma_start3A_428] : memref<5x1x2048xf32, #tpu.memory_space<vmem>> -> memref<1x1x2048xf32, #tpu.memory_space<vmem>>
      %dma_start3A_430 = tpu.memref_squeeze %dma_start3A_429 : memref<1x1x2048xf32, #tpu.memory_space<vmem>> -> memref<1x2048xf32, #tpu.memory_space<vmem>>
      %dma_start3A_431 = tpu.memref_slice %arg4[%select_n3A_379, %add3A_94, %mul3A_397] : memref<50x64x4096xf32, #tpu.memory_space<hbm>> -> memref<1x1x2048xf32, #tpu.memory_space<hbm>>
      %dma_start3A_432 = tpu.memref_squeeze %dma_start3A_431 : memref<1x1x2048xf32, #tpu.memory_space<hbm>> -> memref<1x2048xf32, #tpu.memory_space<hbm>>
      %dma_start3A_433 = tpu.memref_slice %arg9[%dma_start3A_426] : memref<5x!tpu.dma_semaphore, #tpu.memory_space<semaphore_mem>> -> memref<1x!tpu.dma_semaphore, #tpu.memory_space<semaphore_mem>>
      %dma_start3A_434 = tpu.memref_squeeze %dma_start3A_433 : memref<1x!tpu.dma_semaphore, #tpu.memory_space<semaphore_mem>> -> memref<!tpu.dma_semaphore, #tpu.memory_space<semaphore_mem>>
      %dma_start3A_435 = tpu.memref_slice %arg4[%select_n3A_379, %add3A_94, %mul3A_397] : memref<50x64x4096xf32, #tpu.memory_space<hbm>> -> memref<1x1x2048xf32, #tpu.memory_space<hbm>>
      %dma_start3A_436 = tpu.memref_squeeze %dma_start3A_435 : memref<1x1x2048xf32, #tpu.memory_space<hbm>> -> memref<1x2048xf32, #tpu.memory_space<hbm>>
      %dma_start3A_437 = arith.constant 0 : i32
      %dma_start3A_438 = arith.constant 0 : i32
      %dma_start3A_439 = tpu.memref_slice %arg7[%dma_start3A_425, %dma_start3A_437, %dma_start3A_438] : memref<5x1x2048xf32, #tpu.memory_space<vmem>> -> memref<1x1x2048xf32, #tpu.memory_space<vmem>>
      %dma_start3A_440 = tpu.memref_squeeze %dma_start3A_439 : memref<1x1x2048xf32, #tpu.memory_space<vmem>> -> memref<1x2048xf32, #tpu.memory_space<vmem>>
      tpu.enqueue_dma source(%dma_start3A_440 : memref<1x2048xf32, #tpu.memory_space<vmem>>) target(%dma_start3A_436 : memref<1x2048xf32, #tpu.memory_space<hbm>>) target_semaphore(%dma_start3A_434 : memref<!tpu.dma_semaphore, #tpu.memory_space<semaphore_mem>>)
      %add3A_441 = arith.constant 5 : i32
      %add3A_442 = arith.addi %add3A_355, %add3A_441 : i32
      %lt3A_443 = arith.constant 100 : i32
      %lt3A_444 = arith.cmpi slt, %add3A_442, %lt3A_443 : i32
      %sub3A_445 = arith.constant 100 : i32
      %sub3A_446 = arith.subi %add3A_442, %sub3A_445 : i32
      %select_n3A_447 = arith.select %lt3A_444, %add3A_442, %sub3A_446 : i32
      %jit3A_448 = arith.constant 2 : i32
      %div3A_449 = arith.divsi %select_n3A_447, %jit3A_448 : i32
      %sign3A_450 = arith.constant 0 : i32
      %sign3A_451 = arith.cmpi sgt, %select_n3A_447, %sign3A_450 : i32
      %sign3A_452 = arith.extui %sign3A_451 : i1 to i32
      %sign3A_453 = arith.constant 0 : i32
      %sign3A_454 = arith.cmpi slt, %select_n3A_447, %sign3A_453 : i32
      %sign3A_455 = arith.extui %sign3A_454 : i1 to i32
      %sign3A_456 = arith.subi %sign3A_452, %sign3A_455 : i32
      %sign3A_457 = arith.constant 0 : i32
      %sign3A_458 = arith.cmpi sgt, %jit3A_448, %sign3A_457 : i32
      %sign3A_459 = arith.extui %sign3A_458 : i1 to i32
      %sign3A_460 = arith.constant 0 : i32
      %sign3A_461 = arith.cmpi slt, %jit3A_448, %sign3A_460 : i32
      %sign3A_462 = arith.extui %sign3A_461 : i1 to i32
      %sign3A_463 = arith.subi %sign3A_459, %sign3A_462 : i32
      %ne3A_464 = arith.cmpi ne, %sign3A_456, %sign3A_463 : i32
      %rem3A_465 = arith.remsi %select_n3A_447, %jit3A_448 : i32
      %ne3A_466 = arith.constant 0 : i32
      %ne3A_467 = arith.cmpi ne, %rem3A_465, %ne3A_466 : i32
      %and3A_468 = arith.andi %ne3A_464, %ne3A_467 : i1
      %sub3A_469 = arith.constant 1 : i32
      %sub3A_470 = arith.subi %div3A_449, %sub3A_469 : i32
      %select_n3A_471 = arith.select %and3A_468, %sub3A_470, %div3A_449 : i32
      %jit3A_472 = arith.constant 2 : i32
      %eq3A_473 = arith.constant 0 : i32
      %eq3A_474 = arith.cmpi eq, %jit3A_472, %eq3A_473 : i32
      %jit3A_475 = arith.constant 1 : i32
      %select_n3A_476 = arith.select %eq3A_474, %jit3A_475, %jit3A_472 : i32
      %rem3A_477 = arith.remsi %select_n3A_447, %select_n3A_476 : i32
      %ne3A_478 = arith.constant 0 : i32
      %ne3A_479 = arith.cmpi ne, %rem3A_477, %ne3A_478 : i32
      %lt3A_480 = arith.constant 0 : i32
      %lt3A_481 = arith.cmpi slt, %rem3A_477, %lt3A_480 : i32
      %lt3A_482 = arith.constant 0 : i32
      %lt3A_483 = arith.cmpi slt, %select_n3A_476, %lt3A_482 : i32
      %ne3A_484 = arith.xori %lt3A_481, %lt3A_483 : i1
      %and3A_485 = arith.andi %ne3A_484, %ne3A_479 : i1
      %add3A_486 = arith.addi %rem3A_477, %select_n3A_476 : i32
      %select_n3A_487 = arith.select %and3A_485, %add3A_486, %rem3A_477 : i32
      %mul3A_488 = arith.constant 2048 : i32
      %mul3A_489 = arith.muli %select_n3A_487, %mul3A_488 : i32
      %lt3A_490 = arith.constant 19 : i32
      %lt3A_491 = arith.cmpi slt, %scan3A_221, %lt3A_490 : i32
      %or3A_492 = arith.constant true
      %or3A_493 = arith.ori %lt3A_491, %or3A_492 : i1
      %convert_element_type3A_494 = arith.extui %or3A_493 : i1 to i32
      %cond3A_495 = arith.constant 0 : i32
      %cond3A_496 = arith.cmpi ne, %convert_element_type3A_494, %cond3A_495 : i32
      scf.if %cond3A_496 {
        %dma_start3A_926 = arith.constant 1 : i32
        %dma_start3A_927 = arith.constant 1 : i32
        %dma_start3A_928 = arith.constant 0 : i32
        %dma_start3A_929 = arith.constant 0 : i32
        %dma_start3A_930 = tpu.memref_slice %arg6[%dma_start3A_926, %dma_start3A_928, %dma_start3A_929] : memref<5x1x2048xi32, #tpu.memory_space<vmem>> -> memref<1x1x2048xi32, #tpu.memory_space<vmem>>
        %dma_start3A_931 = tpu.memref_squeeze %dma_start3A_930 : memref<1x1x2048xi32, #tpu.memory_space<vmem>> -> memref<1x2048xi32, #tpu.memory_space<vmem>>
        %dma_start3A_932 = tpu.memref_slice %arg2[%select_n3A_471, %mul3A_489] : memref<50x4096xi32, #tpu.memory_space<hbm>> -> memref<1x2048xi32, #tpu.memory_space<hbm>>
        %dma_start3A_933 = tpu.memref_slice %arg8[%dma_start3A_927] : memref<5x!tpu.dma_semaphore, #tpu.memory_space<semaphore_mem>> -> memref<1x!tpu.dma_semaphore, #tpu.memory_space<semaphore_mem>>
        %dma_start3A_934 = tpu.memref_squeeze %dma_start3A_933 : memref<1x!tpu.dma_semaphore, #tpu.memory_space<semaphore_mem>> -> memref<!tpu.dma_semaphore, #tpu.memory_space<semaphore_mem>>
        %dma_start3A_935 = arith.constant 0 : i32
        %dma_start3A_936 = arith.constant 0 : i32
        %dma_start3A_937 = tpu.memref_slice %arg6[%dma_start3A_926, %dma_start3A_935, %dma_start3A_936] : memref<5x1x2048xi32, #tpu.memory_space<vmem>> -> memref<1x1x2048xi32, #tpu.memory_space<vmem>>
        %dma_start3A_938 = tpu.memref_squeeze %dma_start3A_937 : memref<1x1x2048xi32, #tpu.memory_space<vmem>> -> memref<1x2048xi32, #tpu.memory_space<vmem>>
        %dma_start3A_939 = tpu.memref_slice %arg2[%select_n3A_471, %mul3A_489] : memref<50x4096xi32, #tpu.memory_space<hbm>> -> memref<1x2048xi32, #tpu.memory_space<hbm>>
        tpu.enqueue_dma source(%dma_start3A_939 : memref<1x2048xi32, #tpu.memory_space<hbm>>) target(%dma_start3A_938 : memref<1x2048xi32, #tpu.memory_space<vmem>>) target_semaphore(%dma_start3A_934 : memref<!tpu.dma_semaphore, #tpu.memory_space<semaphore_mem>>)
      } else {
      }
      %add3A_497 = arith.constant 2 : i32
      %add3A_498 = arith.addi %mul3A_223, %add3A_497 : i32
      %jit3A_499 = arith.constant 2 : i32
      %div3A_500 = arith.divsi %add3A_498, %jit3A_499 : i32
      %sign3A_501 = arith.constant 0 : i32
      %sign3A_502 = arith.cmpi sgt, %add3A_498, %sign3A_501 : i32
      %sign3A_503 = arith.extui %sign3A_502 : i1 to i32
      %sign3A_504 = arith.constant 0 : i32
      %sign3A_505 = arith.cmpi slt, %add3A_498, %sign3A_504 : i32
      %sign3A_506 = arith.extui %sign3A_505 : i1 to i32
      %sign3A_507 = arith.subi %sign3A_503, %sign3A_506 : i32
      %sign3A_508 = arith.constant 0 : i32
      %sign3A_509 = arith.cmpi sgt, %jit3A_499, %sign3A_508 : i32
      %sign3A_510 = arith.extui %sign3A_509 : i1 to i32
      %sign3A_511 = arith.constant 0 : i32
      %sign3A_512 = arith.cmpi slt, %jit3A_499, %sign3A_511 : i32
      %sign3A_513 = arith.extui %sign3A_512 : i1 to i32
      %sign3A_514 = arith.subi %sign3A_510, %sign3A_513 : i32
      %ne3A_515 = arith.cmpi ne, %sign3A_507, %sign3A_514 : i32
      %rem3A_516 = arith.remsi %add3A_498, %jit3A_499 : i32
      %ne3A_517 = arith.constant 0 : i32
      %ne3A_518 = arith.cmpi ne, %rem3A_516, %ne3A_517 : i32
      %and3A_519 = arith.andi %ne3A_515, %ne3A_518 : i1
      %sub3A_520 = arith.constant 1 : i32
      %sub3A_521 = arith.subi %div3A_500, %sub3A_520 : i32
      %select_n3A_522 = arith.select %and3A_519, %sub3A_521, %div3A_500 : i32
      %jit3A_523 = arith.constant 2 : i32
      %eq3A_524 = arith.constant 0 : i32
      %eq3A_525 = arith.cmpi eq, %jit3A_523, %eq3A_524 : i32
      %jit3A_526 = arith.constant 1 : i32
      %select_n3A_527 = arith.select %eq3A_525, %jit3A_526, %jit3A_523 : i32
      %rem3A_528 = arith.remsi %add3A_498, %select_n3A_527 : i32
      %ne3A_529 = arith.constant 0 : i32
      %ne3A_530 = arith.cmpi ne, %rem3A_528, %ne3A_529 : i32
      %lt3A_531 = arith.constant 0 : i32
      %lt3A_532 = arith.cmpi slt, %rem3A_528, %lt3A_531 : i32
      %lt3A_533 = arith.constant 0 : i32
      %lt3A_534 = arith.cmpi slt, %select_n3A_527, %lt3A_533 : i32
      %ne3A_535 = arith.xori %lt3A_532, %lt3A_534 : i1
      %and3A_536 = arith.andi %ne3A_535, %ne3A_530 : i1
      %add3A_537 = arith.addi %rem3A_528, %select_n3A_527 : i32
      %select_n3A_538 = arith.select %and3A_536, %add3A_537, %rem3A_528 : i32
      %mul3A_539 = arith.constant 2048 : i32
      %mul3A_540 = arith.muli %select_n3A_538, %mul3A_539 : i32
      %dma_wait3A_541 = arith.constant 2 : i32
      %dma_wait3A_542 = arith.constant 2 : i32
      %dma_wait3A_543 = arith.constant 0 : i32
      %dma_wait3A_544 = arith.constant 0 : i32
      %dma_wait3A_545 = tpu.memref_slice %arg6[%dma_wait3A_541, %dma_wait3A_543, %dma_wait3A_544] : memref<5x1x2048xi32, #tpu.memory_space<vmem>> -> memref<1x1x2048xi32, #tpu.memory_space<vmem>>
      %dma_wait3A_546 = tpu.memref_squeeze %dma_wait3A_545 : memref<1x1x2048xi32, #tpu.memory_space<vmem>> -> memref<1x2048xi32, #tpu.memory_space<vmem>>
      %dma_wait3A_547 = tpu.memref_slice %arg2[%select_n3A_522, %mul3A_540] : memref<50x4096xi32, #tpu.memory_space<hbm>> -> memref<1x2048xi32, #tpu.memory_space<hbm>>
      %dma_wait3A_548 = tpu.memref_slice %arg8[%dma_wait3A_542] : memref<5x!tpu.dma_semaphore, #tpu.memory_space<semaphore_mem>> -> memref<1x!tpu.dma_semaphore, #tpu.memory_space<semaphore_mem>>
      %dma_wait3A_549 = tpu.memref_squeeze %dma_wait3A_548 : memref<1x!tpu.dma_semaphore, #tpu.memory_space<semaphore_mem>> -> memref<!tpu.dma_semaphore, #tpu.memory_space<semaphore_mem>>
      %dma_wait3A_550 = arith.constant 0 : i32
      %dma_wait3A_551 = arith.constant 0 : i32
      %dma_wait3A_552 = tpu.memref_slice %arg6[%dma_wait3A_541, %dma_wait3A_550, %dma_wait3A_551] : memref<5x1x2048xi32, #tpu.memory_space<vmem>> -> memref<1x1x2048xi32, #tpu.memory_space<vmem>>
      %dma_wait3A_553 = tpu.memref_squeeze %dma_wait3A_552 : memref<1x1x2048xi32, #tpu.memory_space<vmem>> -> memref<1x2048xi32, #tpu.memory_space<vmem>>
      %dma_wait3A_554 = tpu.memref_slice %arg2[%select_n3A_522, %mul3A_540] : memref<50x4096xi32, #tpu.memory_space<hbm>> -> memref<1x2048xi32, #tpu.memory_space<hbm>>
      tpu.wait_dma2 semaphore(%dma_wait3A_549 : memref<!tpu.dma_semaphore, #tpu.memory_space<semaphore_mem>>) src(%dma_wait3A_554 : memref<1x2048xi32, #tpu.memory_space<hbm>>) dst(%dma_wait3A_553 : memref<1x2048xi32, #tpu.memory_space<vmem>>)
      %gt3A_555 = arith.constant 0 : i32
      %gt3A_556 = arith.cmpi sgt, %scan3A_221, %gt3A_555 : i32
      %or3A_557 = arith.constant false
      %or3A_558 = arith.ori %gt3A_556, %or3A_557 : i1
      %convert_element_type3A_559 = arith.extui %or3A_558 : i1 to i32
      %cond3A_560 = arith.constant 0 : i32
      %cond3A_561 = arith.cmpi ne, %convert_element_type3A_559, %cond3A_560 : i32
      scf.if %cond3A_561 {
        %dma_wait3A_926 = arith.constant 2 : i32
        %dma_wait3A_927 = arith.constant 2 : i32
        %dma_wait3A_928 = arith.constant 0 : i32
        %dma_wait3A_929 = arith.constant 0 : i32
        %dma_wait3A_930 = tpu.memref_slice %arg7[%dma_wait3A_926, %dma_wait3A_928, %dma_wait3A_929] : memref<5x1x2048xf32, #tpu.memory_space<vmem>> -> memref<1x1x2048xf32, #tpu.memory_space<vmem>>
        %dma_wait3A_931 = tpu.memref_squeeze %dma_wait3A_930 : memref<1x1x2048xf32, #tpu.memory_space<vmem>> -> memref<1x2048xf32, #tpu.memory_space<vmem>>
        %dma_wait3A_932 = tpu.memref_slice %arg4[%select_n3A_522, %add3A_94, %mul3A_540] : memref<50x64x4096xf32, #tpu.memory_space<hbm>> -> memref<1x1x2048xf32, #tpu.memory_space<hbm>>
        %dma_wait3A_933 = tpu.memref_squeeze %dma_wait3A_932 : memref<1x1x2048xf32, #tpu.memory_space<hbm>> -> memref<1x2048xf32, #tpu.memory_space<hbm>>
        %dma_wait3A_934 = tpu.memref_slice %arg9[%dma_wait3A_927] : memref<5x!tpu.dma_semaphore, #tpu.memory_space<semaphore_mem>> -> memref<1x!tpu.dma_semaphore, #tpu.memory_space<semaphore_mem>>
        %dma_wait3A_935 = tpu.memref_squeeze %dma_wait3A_934 : memref<1x!tpu.dma_semaphore, #tpu.memory_space<semaphore_mem>> -> memref<!tpu.dma_semaphore, #tpu.memory_space<semaphore_mem>>
        %dma_wait3A_936 = tpu.memref_slice %arg4[%select_n3A_522, %add3A_94, %mul3A_540] : memref<50x64x4096xf32, #tpu.memory_space<hbm>> -> memref<1x1x2048xf32, #tpu.memory_space<hbm>>
        %dma_wait3A_937 = tpu.memref_squeeze %dma_wait3A_936 : memref<1x1x2048xf32, #tpu.memory_space<hbm>> -> memref<1x2048xf32, #tpu.memory_space<hbm>>
        %dma_wait3A_938 = arith.constant 0 : i32
        %dma_wait3A_939 = arith.constant 0 : i32
        %dma_wait3A_940 = tpu.memref_slice %arg7[%dma_wait3A_926, %dma_wait3A_938, %dma_wait3A_939] : memref<5x1x2048xf32, #tpu.memory_space<vmem>> -> memref<1x1x2048xf32, #tpu.memory_space<vmem>>
        %dma_wait3A_941 = tpu.memref_squeeze %dma_wait3A_940 : memref<1x1x2048xf32, #tpu.memory_space<vmem>> -> memref<1x2048xf32, #tpu.memory_space<vmem>>
        tpu.wait_dma2 semaphore(%dma_wait3A_935 : memref<!tpu.dma_semaphore, #tpu.memory_space<semaphore_mem>>) src(%dma_wait3A_941 : memref<1x2048xf32, #tpu.memory_space<vmem>>) dst(%dma_wait3A_937 : memref<1x2048xf32, #tpu.memory_space<hbm>>)
      } else {
      }
      %scan3A_562 = arith.constant 0 : i32
      %scan3A_563 = arith.constant 0 : i32
      %scan3A_564 = arith.constant 8 : i32
      %scan3A_565 = arith.addi %scan3A_563, %scan3A_564 : i32
      %scan3A_566 = arith.constant 1 : i32
      scf.for %scan3A_926 = %scan3A_563 to %scan3A_565 step %scan3A_566  : i32 {
        %mul3A_927 = arith.constant 16 : i32
        %mul3A_928 = arith.muli %scan3A_926, %mul3A_927 : i32
        %mul3A_929 = arith.constant 16 : i32
        %mul3A_930 = arith.muli %mul3A_928, %mul3A_929 : i32
        %add3A_931 = arith.constant 0 : i32
        %add3A_932 = arith.addi %mul3A_930, %add3A_931 : i32
        %get3A = arith.constant 2 : i32
        %get3A_933 = arith.constant 0 : i32
        %get3A_934 = arith.index_cast %get3A : i32 to index
        %get3A_935 = arith.index_cast %get3A_933 : i32 to index
        %get3A_936 = arith.index_cast %add3A_932 : i32 to index
        %get3A_937 = tpu.vector_load %arg6[%get3A_934, %get3A_935, %get3A_936] {strides = array<i32>} : memref<5x1x2048xi32, #tpu.memory_space<vmem>>, vector<16xi32>,
        %add3A_938 = arith.constant 16 : i32
        %add3A_939 = arith.addi %mul3A_930, %add3A_938 : i32
        %get3A_940 = arith.constant 2 : i32
        %get3A_941 = arith.constant 0 : i32
        %get3A_942 = arith.index_cast %get3A_940 : i32 to index
        %get3A_943 = arith.index_cast %get3A_941 : i32 to index
        %get3A_944 = arith.index_cast %add3A_939 : i32 to index
        %get3A_945 = tpu.vector_load %arg6[%get3A_942, %get3A_943, %get3A_944] {strides = array<i32>} : memref<5x1x2048xi32, #tpu.memory_space<vmem>>, vector<16xi32>,
        %add3A_946 = arith.constant 32 : i32
        %add3A_947 = arith.addi %mul3A_930, %add3A_946 : i32
        %get3A_948 = arith.constant 2 : i32
        %get3A_949 = arith.constant 0 : i32
        %get3A_950 = arith.index_cast %get3A_948 : i32 to index
        %get3A_951 = arith.index_cast %get3A_949 : i32 to index
        %get3A_952 = arith.index_cast %add3A_947 : i32 to index
        %get3A_953 = tpu.vector_load %arg6[%get3A_950, %get3A_951, %get3A_952] {strides = array<i32>} : memref<5x1x2048xi32, #tpu.memory_space<vmem>>, vector<16xi32>,
        %add3A_954 = arith.constant 48 : i32
        %add3A_955 = arith.addi %mul3A_930, %add3A_954 : i32
        %get3A_956 = arith.constant 2 : i32
        %get3A_957 = arith.constant 0 : i32
        %get3A_958 = arith.index_cast %get3A_956 : i32 to index
        %get3A_959 = arith.index_cast %get3A_957 : i32 to index
        %get3A_960 = arith.index_cast %add3A_955 : i32 to index
        %get3A_961 = tpu.vector_load %arg6[%get3A_958, %get3A_959, %get3A_960] {strides = array<i32>} : memref<5x1x2048xi32, #tpu.memory_space<vmem>>, vector<16xi32>,
        %add3A_962 = arith.constant 64 : i32
        %add3A_963 = arith.addi %mul3A_930, %add3A_962 : i32
        %get3A_964 = arith.constant 2 : i32
        %get3A_965 = arith.constant 0 : i32
        %get3A_966 = arith.index_cast %get3A_964 : i32 to index
        %get3A_967 = arith.index_cast %get3A_965 : i32 to index
        %get3A_968 = arith.index_cast %add3A_963 : i32 to index
        %get3A_969 = tpu.vector_load %arg6[%get3A_966, %get3A_967, %get3A_968] {strides = array<i32>} : memref<5x1x2048xi32, #tpu.memory_space<vmem>>, vector<16xi32>,
        %add3A_970 = arith.constant 80 : i32
        %add3A_971 = arith.addi %mul3A_930, %add3A_970 : i32
        %get3A_972 = arith.constant 2 : i32
        %get3A_973 = arith.constant 0 : i32
        %get3A_974 = arith.index_cast %get3A_972 : i32 to index
        %get3A_975 = arith.index_cast %get3A_973 : i32 to index
        %get3A_976 = arith.index_cast %add3A_971 : i32 to index
        %get3A_977 = tpu.vector_load %arg6[%get3A_974, %get3A_975, %get3A_976] {strides = array<i32>} : memref<5x1x2048xi32, #tpu.memory_space<vmem>>, vector<16xi32>,
        %add3A_978 = arith.constant 96 : i32
        %add3A_979 = arith.addi %mul3A_930, %add3A_978 : i32
        %get3A_980 = arith.constant 2 : i32
        %get3A_981 = arith.constant 0 : i32
        %get3A_982 = arith.index_cast %get3A_980 : i32 to index
        %get3A_983 = arith.index_cast %get3A_981 : i32 to index
        %get3A_984 = arith.index_cast %add3A_979 : i32 to index
        %get3A_985 = tpu.vector_load %arg6[%get3A_982, %get3A_983, %get3A_984] {strides = array<i32>} : memref<5x1x2048xi32, #tpu.memory_space<vmem>>, vector<16xi32>,
        %add3A_986 = arith.constant 112 : i32
        %add3A_987 = arith.addi %mul3A_930, %add3A_986 : i32
        %get3A_988 = arith.constant 2 : i32
        %get3A_989 = arith.constant 0 : i32
        %get3A_990 = arith.index_cast %get3A_988 : i32 to index
        %get3A_991 = arith.index_cast %get3A_989 : i32 to index
        %get3A_992 = arith.index_cast %add3A_987 : i32 to index
        %get3A_993 = tpu.vector_load %arg6[%get3A_990, %get3A_991, %get3A_992] {strides = array<i32>} : memref<5x1x2048xi32, #tpu.memory_space<vmem>>, vector<16xi32>,
        %add3A_994 = arith.constant 128 : i32
        %add3A_995 = arith.addi %mul3A_930, %add3A_994 : i32
        %get3A_996 = arith.constant 2 : i32
        %get3A_997 = arith.constant 0 : i32
        %get3A_998 = arith.index_cast %get3A_996 : i32 to index
        %get3A_999 = arith.index_cast %get3A_997 : i32 to index
        %get3A_1000 = arith.index_cast %add3A_995 : i32 to index
        %get3A_1001 = tpu.vector_load %arg6[%get3A_998, %get3A_999, %get3A_1000] {strides = array<i32>} : memref<5x1x2048xi32, #tpu.memory_space<vmem>>, vector<16xi32>,
        %add3A_1002 = arith.constant 144 : i32
        %add3A_1003 = arith.addi %mul3A_930, %add3A_1002 : i32
        %get3A_1004 = arith.constant 2 : i32
        %get3A_1005 = arith.constant 0 : i32
        %get3A_1006 = arith.index_cast %get3A_1004 : i32 to index
        %get3A_1007 = arith.index_cast %get3A_1005 : i32 to index
        %get3A_1008 = arith.index_cast %add3A_1003 : i32 to index
        %get3A_1009 = tpu.vector_load %arg6[%get3A_1006, %get3A_1007, %get3A_1008] {strides = array<i32>} : memref<5x1x2048xi32, #tpu.memory_space<vmem>>, vector<16xi32>,
        %add3A_1010 = arith.constant 160 : i32
        %add3A_1011 = arith.addi %mul3A_930, %add3A_1010 : i32
        %get3A_1012 = arith.constant 2 : i32
        %get3A_1013 = arith.constant 0 : i32
        %get3A_1014 = arith.index_cast %get3A_1012 : i32 to index
        %get3A_1015 = arith.index_cast %get3A_1013 : i32 to index
        %get3A_1016 = arith.index_cast %add3A_1011 : i32 to index
        %get3A_1017 = tpu.vector_load %arg6[%get3A_1014, %get3A_1015, %get3A_1016] {strides = array<i32>} : memref<5x1x2048xi32, #tpu.memory_space<vmem>>, vector<16xi32>,
        %add3A_1018 = arith.constant 176 : i32
        %add3A_1019 = arith.addi %mul3A_930, %add3A_1018 : i32
        %get3A_1020 = arith.constant 2 : i32
        %get3A_1021 = arith.constant 0 : i32
        %get3A_1022 = arith.index_cast %get3A_1020 : i32 to index
        %get3A_1023 = arith.index_cast %get3A_1021 : i32 to index
        %get3A_1024 = arith.index_cast %add3A_1019 : i32 to index
        %get3A_1025 = tpu.vector_load %arg6[%get3A_1022, %get3A_1023, %get3A_1024] {strides = array<i32>} : memref<5x1x2048xi32, #tpu.memory_space<vmem>>, vector<16xi32>,
        %add3A_1026 = arith.constant 192 : i32
        %add3A_1027 = arith.addi %mul3A_930, %add3A_1026 : i32
        %get3A_1028 = arith.constant 2 : i32
        %get3A_1029 = arith.constant 0 : i32
        %get3A_1030 = arith.index_cast %get3A_1028 : i32 to index
        %get3A_1031 = arith.index_cast %get3A_1029 : i32 to index
        %get3A_1032 = arith.index_cast %add3A_1027 : i32 to index
        %get3A_1033 = tpu.vector_load %arg6[%get3A_1030, %get3A_1031, %get3A_1032] {strides = array<i32>} : memref<5x1x2048xi32, #tpu.memory_space<vmem>>, vector<16xi32>,
        %add3A_1034 = arith.constant 208 : i32
        %add3A_1035 = arith.addi %mul3A_930, %add3A_1034 : i32
        %get3A_1036 = arith.constant 2 : i32
        %get3A_1037 = arith.constant 0 : i32
        %get3A_1038 = arith.index_cast %get3A_1036 : i32 to index
        %get3A_1039 = arith.index_cast %get3A_1037 : i32 to index
        %get3A_1040 = arith.index_cast %add3A_1035 : i32 to index
        %get3A_1041 = tpu.vector_load %arg6[%get3A_1038, %get3A_1039, %get3A_1040] {strides = array<i32>} : memref<5x1x2048xi32, #tpu.memory_space<vmem>>, vector<16xi32>,
        %add3A_1042 = arith.constant 224 : i32
        %add3A_1043 = arith.addi %mul3A_930, %add3A_1042 : i32
        %get3A_1044 = arith.constant 2 : i32
        %get3A_1045 = arith.constant 0 : i32
        %get3A_1046 = arith.index_cast %get3A_1044 : i32 to index
        %get3A_1047 = arith.index_cast %get3A_1045 : i32 to index
        %get3A_1048 = arith.index_cast %add3A_1043 : i32 to index
        %get3A_1049 = tpu.vector_load %arg6[%get3A_1046, %get3A_1047, %get3A_1048] {strides = array<i32>} : memref<5x1x2048xi32, #tpu.memory_space<vmem>>, vector<16xi32>,
        %add3A_1050 = arith.constant 240 : i32
        %add3A_1051 = arith.addi %mul3A_930, %add3A_1050 : i32
        %get3A_1052 = arith.constant 2 : i32
        %get3A_1053 = arith.constant 0 : i32
        %get3A_1054 = arith.index_cast %get3A_1052 : i32 to index
        %get3A_1055 = arith.index_cast %get3A_1053 : i32 to index
        %get3A_1056 = arith.index_cast %add3A_1051 : i32 to index
        %get3A_1057 = tpu.vector_load %arg6[%get3A_1054, %get3A_1055, %get3A_1056] {strides = array<i32>} : memref<5x1x2048xi32, #tpu.memory_space<vmem>>, vector<16xi32>,
        %gather3A = tpu.vector_load_idx %arg5[%broadcast_in_dim3A_3, %get3A_937] : memref<1x100000xf32, #tpu.memory_space<vmem>>[vector<16xi32>, vector<16xi32>], vector<16xf32>,
        %gather3A_1058 = tpu.vector_load_idx %arg5[%broadcast_in_dim3A_3, %get3A_945] : memref<1x100000xf32, #tpu.memory_space<vmem>>[vector<16xi32>, vector<16xi32>], vector<16xf32>,
        %gather3A_1059 = tpu.vector_load_idx %arg5[%broadcast_in_dim3A_3, %get3A_953] : memref<1x100000xf32, #tpu.memory_space<vmem>>[vector<16xi32>, vector<16xi32>], vector<16xf32>,
        %gather3A_1060 = tpu.vector_load_idx %arg5[%broadcast_in_dim3A_3, %get3A_961] : memref<1x100000xf32, #tpu.memory_space<vmem>>[vector<16xi32>, vector<16xi32>], vector<16xf32>,
        %gather3A_1061 = tpu.vector_load_idx %arg5[%broadcast_in_dim3A_3, %get3A_969] : memref<1x100000xf32, #tpu.memory_space<vmem>>[vector<16xi32>, vector<16xi32>], vector<16xf32>,
        %gather3A_1062 = tpu.vector_load_idx %arg5[%broadcast_in_dim3A_3, %get3A_977] : memref<1x100000xf32, #tpu.memory_space<vmem>>[vector<16xi32>, vector<16xi32>], vector<16xf32>,
        %gather3A_1063 = tpu.vector_load_idx %arg5[%broadcast_in_dim3A_3, %get3A_985] : memref<1x100000xf32, #tpu.memory_space<vmem>>[vector<16xi32>, vector<16xi32>], vector<16xf32>,
        %gather3A_1064 = tpu.vector_load_idx %arg5[%broadcast_in_dim3A_3, %get3A_993] : memref<1x100000xf32, #tpu.memory_space<vmem>>[vector<16xi32>, vector<16xi32>], vector<16xf32>,
        %gather3A_1065 = tpu.vector_load_idx %arg5[%broadcast_in_dim3A_3, %get3A_1001] : memref<1x100000xf32, #tpu.memory_space<vmem>>[vector<16xi32>, vector<16xi32>], vector<16xf32>,
        %gather3A_1066 = tpu.vector_load_idx %arg5[%broadcast_in_dim3A_3, %get3A_1009] : memref<1x100000xf32, #tpu.memory_space<vmem>>[vector<16xi32>, vector<16xi32>], vector<16xf32>,
        %gather3A_1067 = tpu.vector_load_idx %arg5[%broadcast_in_dim3A_3, %get3A_1017] : memref<1x100000xf32, #tpu.memory_space<vmem>>[vector<16xi32>, vector<16xi32>], vector<16xf32>,
        %gather3A_1068 = tpu.vector_load_idx %arg5[%broadcast_in_dim3A_3, %get3A_1025] : memref<1x100000xf32, #tpu.memory_space<vmem>>[vector<16xi32>, vector<16xi32>], vector<16xf32>,
        %gather3A_1069 = tpu.vector_load_idx %arg5[%broadcast_in_dim3A_3, %get3A_1033] : memref<1x100000xf32, #tpu.memory_space<vmem>>[vector<16xi32>, vector<16xi32>], vector<16xf32>,
        %gather3A_1070 = tpu.vector_load_idx %arg5[%broadcast_in_dim3A_3, %get3A_1041] : memref<1x100000xf32, #tpu.memory_space<vmem>>[vector<16xi32>, vector<16xi32>], vector<16xf32>,
        %gather3A_1071 = tpu.vector_load_idx %arg5[%broadcast_in_dim3A_3, %get3A_1049] : memref<1x100000xf32, #tpu.memory_space<vmem>>[vector<16xi32>, vector<16xi32>], vector<16xf32>,
        %gather3A_1072 = tpu.vector_load_idx %arg5[%broadcast_in_dim3A_3, %get3A_1057] : memref<1x100000xf32, #tpu.memory_space<vmem>>[vector<16xi32>, vector<16xi32>], vector<16xf32>,
        %add3A_1073 = arith.constant 0 : i32
        %add3A_1074 = arith.addi %mul3A_930, %add3A_1073 : i32
        %swap3A = arith.constant 2 : i32
        %swap3A_1075 = arith.constant 0 : i32
        %swap3A_1076 = arith.index_cast %swap3A : i32 to index
        %swap3A_1077 = arith.index_cast %swap3A_1075 : i32 to index
        %swap3A_1078 = arith.index_cast %add3A_1074 : i32 to index
        %swap3A_1079 = tpu.vector_load %arg7[%swap3A_1076, %swap3A_1077, %swap3A_1078] {strides = array<i32>} : memref<5x1x2048xf32, #tpu.memory_space<vmem>>, vector<16xf32>,
        tpu.vector_store %arg7[%swap3A_1076, %swap3A_1077, %swap3A_1078], %gather3A {strides = array<i32>} : memref<5x1x2048xf32, #tpu.memory_space<vmem>>, vector<16xf32>,
        %add3A_1080 = arith.constant 16 : i32
        %add3A_1081 = arith.addi %mul3A_930, %add3A_1080 : i32
        %swap3A_1082 = arith.constant 2 : i32
        %swap3A_1083 = arith.constant 0 : i32
        %swap3A_1084 = arith.index_cast %swap3A_1082 : i32 to index
        %swap3A_1085 = arith.index_cast %swap3A_1083 : i32 to index
        %swap3A_1086 = arith.index_cast %add3A_1081 : i32 to index
        %swap3A_1087 = tpu.vector_load %arg7[%swap3A_1084, %swap3A_1085, %swap3A_1086] {strides = array<i32>} : memref<5x1x2048xf32, #tpu.memory_space<vmem>>, vector<16xf32>,
        tpu.vector_store %arg7[%swap3A_1084, %swap3A_1085, %swap3A_1086], %gather3A_1058 {strides = array<i32>} : memref<5x1x2048xf32, #tpu.memory_space<vmem>>, vector<16xf32>,
        %add3A_1088 = arith.constant 32 : i32
        %add3A_1089 = arith.addi %mul3A_930, %add3A_1088 : i32
        %swap3A_1090 = arith.constant 2 : i32
        %swap3A_1091 = arith.constant 0 : i32
        %swap3A_1092 = arith.index_cast %swap3A_1090 : i32 to index
        %swap3A_1093 = arith.index_cast %swap3A_1091 : i32 to index
        %swap3A_1094 = arith.index_cast %add3A_1089 : i32 to index
        %swap3A_1095 = tpu.vector_load %arg7[%swap3A_1092, %swap3A_1093, %swap3A_1094] {strides = array<i32>} : memref<5x1x2048xf32, #tpu.memory_space<vmem>>, vector<16xf32>,
        tpu.vector_store %arg7[%swap3A_1092, %swap3A_1093, %swap3A_1094], %gather3A_1059 {strides = array<i32>} : memref<5x1x2048xf32, #tpu.memory_space<vmem>>, vector<16xf32>,
        %add3A_1096 = arith.constant 48 : i32
        %add3A_1097 = arith.addi %mul3A_930, %add3A_1096 : i32
        %swap3A_1098 = arith.constant 2 : i32
        %swap3A_1099 = arith.constant 0 : i32
        %swap3A_1100 = arith.index_cast %swap3A_1098 : i32 to index
        %swap3A_1101 = arith.index_cast %swap3A_1099 : i32 to index
        %swap3A_1102 = arith.index_cast %add3A_1097 : i32 to index
        %swap3A_1103 = tpu.vector_load %arg7[%swap3A_1100, %swap3A_1101, %swap3A_1102] {strides = array<i32>} : memref<5x1x2048xf32, #tpu.memory_space<vmem>>, vector<16xf32>,
        tpu.vector_store %arg7[%swap3A_1100, %swap3A_1101, %swap3A_1102], %gather3A_1060 {strides = array<i32>} : memref<5x1x2048xf32, #tpu.memory_space<vmem>>, vector<16xf32>,
        %add3A_1104 = arith.constant 64 : i32
        %add3A_1105 = arith.addi %mul3A_930, %add3A_1104 : i32
        %swap3A_1106 = arith.constant 2 : i32
        %swap3A_1107 = arith.constant 0 : i32
        %swap3A_1108 = arith.index_cast %swap3A_1106 : i32 to index
        %swap3A_1109 = arith.index_cast %swap3A_1107 : i32 to index
        %swap3A_1110 = arith.index_cast %add3A_1105 : i32 to index
        %swap3A_1111 = tpu.vector_load %arg7[%swap3A_1108, %swap3A_1109, %swap3A_1110] {strides = array<i32>} : memref<5x1x2048xf32, #tpu.memory_space<vmem>>, vector<16xf32>,
        tpu.vector_store %arg7[%swap3A_1108, %swap3A_1109, %swap3A_1110], %gather3A_1061 {strides = array<i32>} : memref<5x1x2048xf32, #tpu.memory_space<vmem>>, vector<16xf32>,
        %add3A_1112 = arith.constant 80 : i32
        %add3A_1113 = arith.addi %mul3A_930, %add3A_1112 : i32
        %swap3A_1114 = arith.constant 2 : i32
        %swap3A_1115 = arith.constant 0 : i32
        %swap3A_1116 = arith.index_cast %swap3A_1114 : i32 to index
        %swap3A_1117 = arith.index_cast %swap3A_1115 : i32 to index
        %swap3A_1118 = arith.index_cast %add3A_1113 : i32 to index
        %swap3A_1119 = tpu.vector_load %arg7[%swap3A_1116, %swap3A_1117, %swap3A_1118] {strides = array<i32>} : memref<5x1x2048xf32, #tpu.memory_space<vmem>>, vector<16xf32>,
        tpu.vector_store %arg7[%swap3A_1116, %swap3A_1117, %swap3A_1118], %gather3A_1062 {strides = array<i32>} : memref<5x1x2048xf32, #tpu.memory_space<vmem>>, vector<16xf32>,
        %add3A_1120 = arith.constant 96 : i32
        %add3A_1121 = arith.addi %mul3A_930, %add3A_1120 : i32
        %swap3A_1122 = arith.constant 2 : i32
        %swap3A_1123 = arith.constant 0 : i32
        %swap3A_1124 = arith.index_cast %swap3A_1122 : i32 to index
        %swap3A_1125 = arith.index_cast %swap3A_1123 : i32 to index
        %swap3A_1126 = arith.index_cast %add3A_1121 : i32 to index
        %swap3A_1127 = tpu.vector_load %arg7[%swap3A_1124, %swap3A_1125, %swap3A_1126] {strides = array<i32>} : memref<5x1x2048xf32, #tpu.memory_space<vmem>>, vector<16xf32>,
        tpu.vector_store %arg7[%swap3A_1124, %swap3A_1125, %swap3A_1126], %gather3A_1063 {strides = array<i32>} : memref<5x1x2048xf32, #tpu.memory_space<vmem>>, vector<16xf32>,
        %add3A_1128 = arith.constant 112 : i32
        %add3A_1129 = arith.addi %mul3A_930, %add3A_1128 : i32
        %swap3A_1130 = arith.constant 2 : i32
        %swap3A_1131 = arith.constant 0 : i32
        %swap3A_1132 = arith.index_cast %swap3A_1130 : i32 to index
        %swap3A_1133 = arith.index_cast %swap3A_1131 : i32 to index
        %swap3A_1134 = arith.index_cast %add3A_1129 : i32 to index
        %swap3A_1135 = tpu.vector_load %arg7[%swap3A_1132, %swap3A_1133, %swap3A_1134] {strides = array<i32>} : memref<5x1x2048xf32, #tpu.memory_space<vmem>>, vector<16xf32>,
        tpu.vector_store %arg7[%swap3A_1132, %swap3A_1133, %swap3A_1134], %gather3A_1064 {strides = array<i32>} : memref<5x1x2048xf32, #tpu.memory_space<vmem>>, vector<16xf32>,
        %add3A_1136 = arith.constant 128 : i32
        %add3A_1137 = arith.addi %mul3A_930, %add3A_1136 : i32
        %swap3A_1138 = arith.constant 2 : i32
        %swap3A_1139 = arith.constant 0 : i32
        %swap3A_1140 = arith.index_cast %swap3A_1138 : i32 to index
        %swap3A_1141 = arith.index_cast %swap3A_1139 : i32 to index
        %swap3A_1142 = arith.index_cast %add3A_1137 : i32 to index
        %swap3A_1143 = tpu.vector_load %arg7[%swap3A_1140, %swap3A_1141, %swap3A_1142] {strides = array<i32>} : memref<5x1x2048xf32, #tpu.memory_space<vmem>>, vector<16xf32>,
        tpu.vector_store %arg7[%swap3A_1140, %swap3A_1141, %swap3A_1142], %gather3A_1065 {strides = array<i32>} : memref<5x1x2048xf32, #tpu.memory_space<vmem>>, vector<16xf32>,
        %add3A_1144 = arith.constant 144 : i32
        %add3A_1145 = arith.addi %mul3A_930, %add3A_1144 : i32
        %swap3A_1146 = arith.constant 2 : i32
        %swap3A_1147 = arith.constant 0 : i32
        %swap3A_1148 = arith.index_cast %swap3A_1146 : i32 to index
        %swap3A_1149 = arith.index_cast %swap3A_1147 : i32 to index
        %swap3A_1150 = arith.index_cast %add3A_1145 : i32 to index
        %swap3A_1151 = tpu.vector_load %arg7[%swap3A_1148, %swap3A_1149, %swap3A_1150] {strides = array<i32>} : memref<5x1x2048xf32, #tpu.memory_space<vmem>>, vector<16xf32>,
        tpu.vector_store %arg7[%swap3A_1148, %swap3A_1149, %swap3A_1150], %gather3A_1066 {strides = array<i32>} : memref<5x1x2048xf32, #tpu.memory_space<vmem>>, vector<16xf32>,
        %add3A_1152 = arith.constant 160 : i32
        %add3A_1153 = arith.addi %mul3A_930, %add3A_1152 : i32
        %swap3A_1154 = arith.constant 2 : i32
        %swap3A_1155 = arith.constant 0 : i32
        %swap3A_1156 = arith.index_cast %swap3A_1154 : i32 to index
        %swap3A_1157 = arith.index_cast %swap3A_1155 : i32 to index
        %swap3A_1158 = arith.index_cast %add3A_1153 : i32 to index
        %swap3A_1159 = tpu.vector_load %arg7[%swap3A_1156, %swap3A_1157, %swap3A_1158] {strides = array<i32>} : memref<5x1x2048xf32, #tpu.memory_space<vmem>>, vector<16xf32>,
        tpu.vector_store %arg7[%swap3A_1156, %swap3A_1157, %swap3A_1158], %gather3A_1067 {strides = array<i32>} : memref<5x1x2048xf32, #tpu.memory_space<vmem>>, vector<16xf32>,
        %add3A_1160 = arith.constant 176 : i32
        %add3A_1161 = arith.addi %mul3A_930, %add3A_1160 : i32
        %swap3A_1162 = arith.constant 2 : i32
        %swap3A_1163 = arith.constant 0 : i32
        %swap3A_1164 = arith.index_cast %swap3A_1162 : i32 to index
        %swap3A_1165 = arith.index_cast %swap3A_1163 : i32 to index
        %swap3A_1166 = arith.index_cast %add3A_1161 : i32 to index
        %swap3A_1167 = tpu.vector_load %arg7[%swap3A_1164, %swap3A_1165, %swap3A_1166] {strides = array<i32>} : memref<5x1x2048xf32, #tpu.memory_space<vmem>>, vector<16xf32>,
        tpu.vector_store %arg7[%swap3A_1164, %swap3A_1165, %swap3A_1166], %gather3A_1068 {strides = array<i32>} : memref<5x1x2048xf32, #tpu.memory_space<vmem>>, vector<16xf32>,
        %add3A_1168 = arith.constant 192 : i32
        %add3A_1169 = arith.addi %mul3A_930, %add3A_1168 : i32
        %swap3A_1170 = arith.constant 2 : i32
        %swap3A_1171 = arith.constant 0 : i32
        %swap3A_1172 = arith.index_cast %swap3A_1170 : i32 to index
        %swap3A_1173 = arith.index_cast %swap3A_1171 : i32 to index
        %swap3A_1174 = arith.index_cast %add3A_1169 : i32 to index
        %swap3A_1175 = tpu.vector_load %arg7[%swap3A_1172, %swap3A_1173, %swap3A_1174] {strides = array<i32>} : memref<5x1x2048xf32, #tpu.memory_space<vmem>>, vector<16xf32>,
        tpu.vector_store %arg7[%swap3A_1172, %swap3A_1173, %swap3A_1174], %gather3A_1069 {strides = array<i32>} : memref<5x1x2048xf32, #tpu.memory_space<vmem>>, vector<16xf32>,
        %add3A_1176 = arith.constant 208 : i32
        %add3A_1177 = arith.addi %mul3A_930, %add3A_1176 : i32
        %swap3A_1178 = arith.constant 2 : i32
        %swap3A_1179 = arith.constant 0 : i32
        %swap3A_1180 = arith.index_cast %swap3A_1178 : i32 to index
        %swap3A_1181 = arith.index_cast %swap3A_1179 : i32 to index
        %swap3A_1182 = arith.index_cast %add3A_1177 : i32 to index
        %swap3A_1183 = tpu.vector_load %arg7[%swap3A_1180, %swap3A_1181, %swap3A_1182] {strides = array<i32>} : memref<5x1x2048xf32, #tpu.memory_space<vmem>>, vector<16xf32>,
        tpu.vector_store %arg7[%swap3A_1180, %swap3A_1181, %swap3A_1182], %gather3A_1070 {strides = array<i32>} : memref<5x1x2048xf32, #tpu.memory_space<vmem>>, vector<16xf32>,
        %add3A_1184 = arith.constant 224 : i32
        %add3A_1185 = arith.addi %mul3A_930, %add3A_1184 : i32
        %swap3A_1186 = arith.constant 2 : i32
        %swap3A_1187 = arith.constant 0 : i32
        %swap3A_1188 = arith.index_cast %swap3A_1186 : i32 to index
        %swap3A_1189 = arith.index_cast %swap3A_1187 : i32 to index
        %swap3A_1190 = arith.index_cast %add3A_1185 : i32 to index
        %swap3A_1191 = tpu.vector_load %arg7[%swap3A_1188, %swap3A_1189, %swap3A_1190] {strides = array<i32>} : memref<5x1x2048xf32, #tpu.memory_space<vmem>>, vector<16xf32>,
        tpu.vector_store %arg7[%swap3A_1188, %swap3A_1189, %swap3A_1190], %gather3A_1071 {strides = array<i32>} : memref<5x1x2048xf32, #tpu.memory_space<vmem>>, vector<16xf32>,
        %add3A_1192 = arith.constant 240 : i32
        %add3A_1193 = arith.addi %mul3A_930, %add3A_1192 : i32
        %swap3A_1194 = arith.constant 2 : i32
        %swap3A_1195 = arith.constant 0 : i32
        %swap3A_1196 = arith.index_cast %swap3A_1194 : i32 to index
        %swap3A_1197 = arith.index_cast %swap3A_1195 : i32 to index
        %swap3A_1198 = arith.index_cast %add3A_1193 : i32 to index
        %swap3A_1199 = tpu.vector_load %arg7[%swap3A_1196, %swap3A_1197, %swap3A_1198] {strides = array<i32>} : memref<5x1x2048xf32, #tpu.memory_space<vmem>>, vector<16xf32>,
        tpu.vector_store %arg7[%swap3A_1196, %swap3A_1197, %swap3A_1198], %gather3A_1072 {strides = array<i32>} : memref<5x1x2048xf32, #tpu.memory_space<vmem>>, vector<16xf32>,
      }
      %scan3A_567 = arith.constant 8 : i32
      %dma_start3A_568 = arith.constant 2 : i32
      %dma_start3A_569 = arith.constant 2 : i32
      %dma_start3A_570 = arith.constant 0 : i32
      %dma_start3A_571 = arith.constant 0 : i32
      %dma_start3A_572 = tpu.memref_slice %arg7[%dma_start3A_568, %dma_start3A_570, %dma_start3A_571] : memref<5x1x2048xf32, #tpu.memory_space<vmem>> -> memref<1x1x2048xf32, #tpu.memory_space<vmem>>
      %dma_start3A_573 = tpu.memref_squeeze %dma_start3A_572 : memref<1x1x2048xf32, #tpu.memory_space<vmem>> -> memref<1x2048xf32, #tpu.memory_space<vmem>>
      %dma_start3A_574 = tpu.memref_slice %arg4[%select_n3A_522, %add3A_94, %mul3A_540] : memref<50x64x4096xf32, #tpu.memory_space<hbm>> -> memref<1x1x2048xf32, #tpu.memory_space<hbm>>
      %dma_start3A_575 = tpu.memref_squeeze %dma_start3A_574 : memref<1x1x2048xf32, #tpu.memory_space<hbm>> -> memref<1x2048xf32, #tpu.memory_space<hbm>>
      %dma_start3A_576 = tpu.memref_slice %arg9[%dma_start3A_569] : memref<5x!tpu.dma_semaphore, #tpu.memory_space<semaphore_mem>> -> memref<1x!tpu.dma_semaphore, #tpu.memory_space<semaphore_mem>>
      %dma_start3A_577 = tpu.memref_squeeze %dma_start3A_576 : memref<1x!tpu.dma_semaphore, #tpu.memory_space<semaphore_mem>> -> memref<!tpu.dma_semaphore, #tpu.memory_space<semaphore_mem>>
      %dma_start3A_578 = tpu.memref_slice %arg4[%select_n3A_522, %add3A_94, %mul3A_540] : memref<50x64x4096xf32, #tpu.memory_space<hbm>> -> memref<1x1x2048xf32, #tpu.memory_space<hbm>>
      %dma_start3A_579 = tpu.memref_squeeze %dma_start3A_578 : memref<1x1x2048xf32, #tpu.memory_space<hbm>> -> memref<1x2048xf32, #tpu.memory_space<hbm>>
      %dma_start3A_580 = arith.constant 0 : i32
      %dma_start3A_581 = arith.constant 0 : i32
      %dma_start3A_582 = tpu.memref_slice %arg7[%dma_start3A_568, %dma_start3A_580, %dma_start3A_581] : memref<5x1x2048xf32, #tpu.memory_space<vmem>> -> memref<1x1x2048xf32, #tpu.memory_space<vmem>>
      %dma_start3A_583 = tpu.memref_squeeze %dma_start3A_582 : memref<1x1x2048xf32, #tpu.memory_space<vmem>> -> memref<1x2048xf32, #tpu.memory_space<vmem>>
      tpu.enqueue_dma source(%dma_start3A_583 : memref<1x2048xf32, #tpu.memory_space<vmem>>) target(%dma_start3A_579 : memref<1x2048xf32, #tpu.memory_space<hbm>>) target_semaphore(%dma_start3A_577 : memref<!tpu.dma_semaphore, #tpu.memory_space<semaphore_mem>>)
      %add3A_584 = arith.constant 5 : i32
      %add3A_585 = arith.addi %add3A_498, %add3A_584 : i32
      %lt3A_586 = arith.constant 100 : i32
      %lt3A_587 = arith.cmpi slt, %add3A_585, %lt3A_586 : i32
      %sub3A_588 = arith.constant 100 : i32
      %sub3A_589 = arith.subi %add3A_585, %sub3A_588 : i32
      %select_n3A_590 = arith.select %lt3A_587, %add3A_585, %sub3A_589 : i32
      %jit3A_591 = arith.constant 2 : i32
      %div3A_592 = arith.divsi %select_n3A_590, %jit3A_591 : i32
      %sign3A_593 = arith.constant 0 : i32
      %sign3A_594 = arith.cmpi sgt, %select_n3A_590, %sign3A_593 : i32
      %sign3A_595 = arith.extui %sign3A_594 : i1 to i32
      %sign3A_596 = arith.constant 0 : i32
      %sign3A_597 = arith.cmpi slt, %select_n3A_590, %sign3A_596 : i32
      %sign3A_598 = arith.extui %sign3A_597 : i1 to i32
      %sign3A_599 = arith.subi %sign3A_595, %sign3A_598 : i32
      %sign3A_600 = arith.constant 0 : i32
      %sign3A_601 = arith.cmpi sgt, %jit3A_591, %sign3A_600 : i32
      %sign3A_602 = arith.extui %sign3A_601 : i1 to i32
      %sign3A_603 = arith.constant 0 : i32
      %sign3A_604 = arith.cmpi slt, %jit3A_591, %sign3A_603 : i32
      %sign3A_605 = arith.extui %sign3A_604 : i1 to i32
      %sign3A_606 = arith.subi %sign3A_602, %sign3A_605 : i32
      %ne3A_607 = arith.cmpi ne, %sign3A_599, %sign3A_606 : i32
      %rem3A_608 = arith.remsi %select_n3A_590, %jit3A_591 : i32
      %ne3A_609 = arith.constant 0 : i32
      %ne3A_610 = arith.cmpi ne, %rem3A_608, %ne3A_609 : i32
      %and3A_611 = arith.andi %ne3A_607, %ne3A_610 : i1
      %sub3A_612 = arith.constant 1 : i32
      %sub3A_613 = arith.subi %div3A_592, %sub3A_612 : i32
      %select_n3A_614 = arith.select %and3A_611, %sub3A_613, %div3A_592 : i32
      %jit3A_615 = arith.constant 2 : i32
      %eq3A_616 = arith.constant 0 : i32
      %eq3A_617 = arith.cmpi eq, %jit3A_615, %eq3A_616 : i32
      %jit3A_618 = arith.constant 1 : i32
      %select_n3A_619 = arith.select %eq3A_617, %jit3A_618, %jit3A_615 : i32
      %rem3A_620 = arith.remsi %select_n3A_590, %select_n3A_619 : i32
      %ne3A_621 = arith.constant 0 : i32
      %ne3A_622 = arith.cmpi ne, %rem3A_620, %ne3A_621 : i32
      %lt3A_623 = arith.constant 0 : i32
      %lt3A_624 = arith.cmpi slt, %rem3A_620, %lt3A_623 : i32
      %lt3A_625 = arith.constant 0 : i32
      %lt3A_626 = arith.cmpi slt, %select_n3A_619, %lt3A_625 : i32
      %ne3A_627 = arith.xori %lt3A_624, %lt3A_626 : i1
      %and3A_628 = arith.andi %ne3A_627, %ne3A_622 : i1
      %add3A_629 = arith.addi %rem3A_620, %select_n3A_619 : i32
      %select_n3A_630 = arith.select %and3A_628, %add3A_629, %rem3A_620 : i32
      %mul3A_631 = arith.constant 2048 : i32
      %mul3A_632 = arith.muli %select_n3A_630, %mul3A_631 : i32
      %lt3A_633 = arith.constant 19 : i32
      %lt3A_634 = arith.cmpi slt, %scan3A_221, %lt3A_633 : i32
      %or3A_635 = arith.constant true
      %or3A_636 = arith.ori %lt3A_634, %or3A_635 : i1
      %convert_element_type3A_637 = arith.extui %or3A_636 : i1 to i32
      %cond3A_638 = arith.constant 0 : i32
      %cond3A_639 = arith.cmpi ne, %convert_element_type3A_637, %cond3A_638 : i32
      scf.if %cond3A_639 {
        %dma_start3A_926 = arith.constant 2 : i32
        %dma_start3A_927 = arith.constant 2 : i32
        %dma_start3A_928 = arith.constant 0 : i32
        %dma_start3A_929 = arith.constant 0 : i32
        %dma_start3A_930 = tpu.memref_slice %arg6[%dma_start3A_926, %dma_start3A_928, %dma_start3A_929] : memref<5x1x2048xi32, #tpu.memory_space<vmem>> -> memref<1x1x2048xi32, #tpu.memory_space<vmem>>
        %dma_start3A_931 = tpu.memref_squeeze %dma_start3A_930 : memref<1x1x2048xi32, #tpu.memory_space<vmem>> -> memref<1x2048xi32, #tpu.memory_space<vmem>>
        %dma_start3A_932 = tpu.memref_slice %arg2[%select_n3A_614, %mul3A_632] : memref<50x4096xi32, #tpu.memory_space<hbm>> -> memref<1x2048xi32, #tpu.memory_space<hbm>>
        %dma_start3A_933 = tpu.memref_slice %arg8[%dma_start3A_927] : memref<5x!tpu.dma_semaphore, #tpu.memory_space<semaphore_mem>> -> memref<1x!tpu.dma_semaphore, #tpu.memory_space<semaphore_mem>>
        %dma_start3A_934 = tpu.memref_squeeze %dma_start3A_933 : memref<1x!tpu.dma_semaphore, #tpu.memory_space<semaphore_mem>> -> memref<!tpu.dma_semaphore, #tpu.memory_space<semaphore_mem>>
        %dma_start3A_935 = arith.constant 0 : i32
        %dma_start3A_936 = arith.constant 0 : i32
        %dma_start3A_937 = tpu.memref_slice %arg6[%dma_start3A_926, %dma_start3A_935, %dma_start3A_936] : memref<5x1x2048xi32, #tpu.memory_space<vmem>> -> memref<1x1x2048xi32, #tpu.memory_space<vmem>>
        %dma_start3A_938 = tpu.memref_squeeze %dma_start3A_937 : memref<1x1x2048xi32, #tpu.memory_space<vmem>> -> memref<1x2048xi32, #tpu.memory_space<vmem>>
        %dma_start3A_939 = tpu.memref_slice %arg2[%select_n3A_614, %mul3A_632] : memref<50x4096xi32, #tpu.memory_space<hbm>> -> memref<1x2048xi32, #tpu.memory_space<hbm>>
        tpu.enqueue_dma source(%dma_start3A_939 : memref<1x2048xi32, #tpu.memory_space<hbm>>) target(%dma_start3A_938 : memref<1x2048xi32, #tpu.memory_space<vmem>>) target_semaphore(%dma_start3A_934 : memref<!tpu.dma_semaphore, #tpu.memory_space<semaphore_mem>>)
      } else {
      }
      %add3A_640 = arith.constant 3 : i32
      %add3A_641 = arith.addi %mul3A_223, %add3A_640 : i32
      %jit3A_642 = arith.constant 2 : i32
      %div3A_643 = arith.divsi %add3A_641, %jit3A_642 : i32
      %sign3A_644 = arith.constant 0 : i32
      %sign3A_645 = arith.cmpi sgt, %add3A_641, %sign3A_644 : i32
      %sign3A_646 = arith.extui %sign3A_645 : i1 to i32
      %sign3A_647 = arith.constant 0 : i32
      %sign3A_648 = arith.cmpi slt, %add3A_641, %sign3A_647 : i32
      %sign3A_649 = arith.extui %sign3A_648 : i1 to i32
      %sign3A_650 = arith.subi %sign3A_646, %sign3A_649 : i32
      %sign3A_651 = arith.constant 0 : i32
      %sign3A_652 = arith.cmpi sgt, %jit3A_642, %sign3A_651 : i32
      %sign3A_653 = arith.extui %sign3A_652 : i1 to i32
      %sign3A_654 = arith.constant 0 : i32
      %sign3A_655 = arith.cmpi slt, %jit3A_642, %sign3A_654 : i32
      %sign3A_656 = arith.extui %sign3A_655 : i1 to i32
      %sign3A_657 = arith.subi %sign3A_653, %sign3A_656 : i32
      %ne3A_658 = arith.cmpi ne, %sign3A_650, %sign3A_657 : i32
      %rem3A_659 = arith.remsi %add3A_641, %jit3A_642 : i32
      %ne3A_660 = arith.constant 0 : i32
      %ne3A_661 = arith.cmpi ne, %rem3A_659, %ne3A_660 : i32
      %and3A_662 = arith.andi %ne3A_658, %ne3A_661 : i1
      %sub3A_663 = arith.constant 1 : i32
      %sub3A_664 = arith.subi %div3A_643, %sub3A_663 : i32
      %select_n3A_665 = arith.select %and3A_662, %sub3A_664, %div3A_643 : i32
      %jit3A_666 = arith.constant 2 : i32
      %eq3A_667 = arith.constant 0 : i32
      %eq3A_668 = arith.cmpi eq, %jit3A_666, %eq3A_667 : i32
      %jit3A_669 = arith.constant 1 : i32
      %select_n3A_670 = arith.select %eq3A_668, %jit3A_669, %jit3A_666 : i32
      %rem3A_671 = arith.remsi %add3A_641, %select_n3A_670 : i32
      %ne3A_672 = arith.constant 0 : i32
      %ne3A_673 = arith.cmpi ne, %rem3A_671, %ne3A_672 : i32
      %lt3A_674 = arith.constant 0 : i32
      %lt3A_675 = arith.cmpi slt, %rem3A_671, %lt3A_674 : i32
      %lt3A_676 = arith.constant 0 : i32
      %lt3A_677 = arith.cmpi slt, %select_n3A_670, %lt3A_676 : i32
      %ne3A_678 = arith.xori %lt3A_675, %lt3A_677 : i1
      %and3A_679 = arith.andi %ne3A_678, %ne3A_673 : i1
      %add3A_680 = arith.addi %rem3A_671, %select_n3A_670 : i32
      %select_n3A_681 = arith.select %and3A_679, %add3A_680, %rem3A_671 : i32
      %mul3A_682 = arith.constant 2048 : i32
      %mul3A_683 = arith.muli %select_n3A_681, %mul3A_682 : i32
      %dma_wait3A_684 = arith.constant 3 : i32
      %dma_wait3A_685 = arith.constant 3 : i32
      %dma_wait3A_686 = arith.constant 0 : i32
      %dma_wait3A_687 = arith.constant 0 : i32
      %dma_wait3A_688 = tpu.memref_slice %arg6[%dma_wait3A_684, %dma_wait3A_686, %dma_wait3A_687] : memref<5x1x2048xi32, #tpu.memory_space<vmem>> -> memref<1x1x2048xi32, #tpu.memory_space<vmem>>
      %dma_wait3A_689 = tpu.memref_squeeze %dma_wait3A_688 : memref<1x1x2048xi32, #tpu.memory_space<vmem>> -> memref<1x2048xi32, #tpu.memory_space<vmem>>
      %dma_wait3A_690 = tpu.memref_slice %arg2[%select_n3A_665, %mul3A_683] : memref<50x4096xi32, #tpu.memory_space<hbm>> -> memref<1x2048xi32, #tpu.memory_space<hbm>>
      %dma_wait3A_691 = tpu.memref_slice %arg8[%dma_wait3A_685] : memref<5x!tpu.dma_semaphore, #tpu.memory_space<semaphore_mem>> -> memref<1x!tpu.dma_semaphore, #tpu.memory_space<semaphore_mem>>
      %dma_wait3A_692 = tpu.memref_squeeze %dma_wait3A_691 : memref<1x!tpu.dma_semaphore, #tpu.memory_space<semaphore_mem>> -> memref<!tpu.dma_semaphore, #tpu.memory_space<semaphore_mem>>
      %dma_wait3A_693 = arith.constant 0 : i32
      %dma_wait3A_694 = arith.constant 0 : i32
      %dma_wait3A_695 = tpu.memref_slice %arg6[%dma_wait3A_684, %dma_wait3A_693, %dma_wait3A_694] : memref<5x1x2048xi32, #tpu.memory_space<vmem>> -> memref<1x1x2048xi32, #tpu.memory_space<vmem>>
      %dma_wait3A_696 = tpu.memref_squeeze %dma_wait3A_695 : memref<1x1x2048xi32, #tpu.memory_space<vmem>> -> memref<1x2048xi32, #tpu.memory_space<vmem>>
      %dma_wait3A_697 = tpu.memref_slice %arg2[%select_n3A_665, %mul3A_683] : memref<50x4096xi32, #tpu.memory_space<hbm>> -> memref<1x2048xi32, #tpu.memory_space<hbm>>
      tpu.wait_dma2 semaphore(%dma_wait3A_692 : memref<!tpu.dma_semaphore, #tpu.memory_space<semaphore_mem>>) src(%dma_wait3A_697 : memref<1x2048xi32, #tpu.memory_space<hbm>>) dst(%dma_wait3A_696 : memref<1x2048xi32, #tpu.memory_space<vmem>>)
      %gt3A_698 = arith.constant 0 : i32
      %gt3A_699 = arith.cmpi sgt, %scan3A_221, %gt3A_698 : i32
      %or3A_700 = arith.constant false
      %or3A_701 = arith.ori %gt3A_699, %or3A_700 : i1
      %convert_element_type3A_702 = arith.extui %or3A_701 : i1 to i32
      %cond3A_703 = arith.constant 0 : i32
      %cond3A_704 = arith.cmpi ne, %convert_element_type3A_702, %cond3A_703 : i32
      scf.if %cond3A_704 {
        %dma_wait3A_926 = arith.constant 3 : i32
        %dma_wait3A_927 = arith.constant 3 : i32
        %dma_wait3A_928 = arith.constant 0 : i32
        %dma_wait3A_929 = arith.constant 0 : i32
        %dma_wait3A_930 = tpu.memref_slice %arg7[%dma_wait3A_926, %dma_wait3A_928, %dma_wait3A_929] : memref<5x1x2048xf32, #tpu.memory_space<vmem>> -> memref<1x1x2048xf32, #tpu.memory_space<vmem>>
        %dma_wait3A_931 = tpu.memref_squeeze %dma_wait3A_930 : memref<1x1x2048xf32, #tpu.memory_space<vmem>> -> memref<1x2048xf32, #tpu.memory_space<vmem>>
        %dma_wait3A_932 = tpu.memref_slice %arg4[%select_n3A_665, %add3A_94, %mul3A_683] : memref<50x64x4096xf32, #tpu.memory_space<hbm>> -> memref<1x1x2048xf32, #tpu.memory_space<hbm>>
        %dma_wait3A_933 = tpu.memref_squeeze %dma_wait3A_932 : memref<1x1x2048xf32, #tpu.memory_space<hbm>> -> memref<1x2048xf32, #tpu.memory_space<hbm>>
        %dma_wait3A_934 = tpu.memref_slice %arg9[%dma_wait3A_927] : memref<5x!tpu.dma_semaphore, #tpu.memory_space<semaphore_mem>> -> memref<1x!tpu.dma_semaphore, #tpu.memory_space<semaphore_mem>>
        %dma_wait3A_935 = tpu.memref_squeeze %dma_wait3A_934 : memref<1x!tpu.dma_semaphore, #tpu.memory_space<semaphore_mem>> -> memref<!tpu.dma_semaphore, #tpu.memory_space<semaphore_mem>>
        %dma_wait3A_936 = tpu.memref_slice %arg4[%select_n3A_665, %add3A_94, %mul3A_683] : memref<50x64x4096xf32, #tpu.memory_space<hbm>> -> memref<1x1x2048xf32, #tpu.memory_space<hbm>>
        %dma_wait3A_937 = tpu.memref_squeeze %dma_wait3A_936 : memref<1x1x2048xf32, #tpu.memory_space<hbm>> -> memref<1x2048xf32, #tpu.memory_space<hbm>>
        %dma_wait3A_938 = arith.constant 0 : i32
        %dma_wait3A_939 = arith.constant 0 : i32
        %dma_wait3A_940 = tpu.memref_slice %arg7[%dma_wait3A_926, %dma_wait3A_938, %dma_wait3A_939] : memref<5x1x2048xf32, #tpu.memory_space<vmem>> -> memref<1x1x2048xf32, #tpu.memory_space<vmem>>
        %dma_wait3A_941 = tpu.memref_squeeze %dma_wait3A_940 : memref<1x1x2048xf32, #tpu.memory_space<vmem>> -> memref<1x2048xf32, #tpu.memory_space<vmem>>
        tpu.wait_dma2 semaphore(%dma_wait3A_935 : memref<!tpu.dma_semaphore, #tpu.memory_space<semaphore_mem>>) src(%dma_wait3A_941 : memref<1x2048xf32, #tpu.memory_space<vmem>>) dst(%dma_wait3A_937 : memref<1x2048xf32, #tpu.memory_space<hbm>>)
      } else {
      }
      %scan3A_705 = arith.constant 0 : i32
      %scan3A_706 = arith.constant 0 : i32
      %scan3A_707 = arith.constant 8 : i32
      %scan3A_708 = arith.addi %scan3A_706, %scan3A_707 : i32
      %scan3A_709 = arith.constant 1 : i32
      scf.for %scan3A_926 = %scan3A_706 to %scan3A_708 step %scan3A_709  : i32 {
        %mul3A_927 = arith.constant 16 : i32
        %mul3A_928 = arith.muli %scan3A_926, %mul3A_927 : i32
        %mul3A_929 = arith.constant 16 : i32
        %mul3A_930 = arith.muli %mul3A_928, %mul3A_929 : i32
        %add3A_931 = arith.constant 0 : i32
        %add3A_932 = arith.addi %mul3A_930, %add3A_931 : i32
        %get3A = arith.constant 3 : i32
        %get3A_933 = arith.constant 0 : i32
        %get3A_934 = arith.index_cast %get3A : i32 to index
        %get3A_935 = arith.index_cast %get3A_933 : i32 to index
        %get3A_936 = arith.index_cast %add3A_932 : i32 to index
        %get3A_937 = tpu.vector_load %arg6[%get3A_934, %get3A_935, %get3A_936] {strides = array<i32>} : memref<5x1x2048xi32, #tpu.memory_space<vmem>>, vector<16xi32>,
        %add3A_938 = arith.constant 16 : i32
        %add3A_939 = arith.addi %mul3A_930, %add3A_938 : i32
        %get3A_940 = arith.constant 3 : i32
        %get3A_941 = arith.constant 0 : i32
        %get3A_942 = arith.index_cast %get3A_940 : i32 to index
        %get3A_943 = arith.index_cast %get3A_941 : i32 to index
        %get3A_944 = arith.index_cast %add3A_939 : i32 to index
        %get3A_945 = tpu.vector_load %arg6[%get3A_942, %get3A_943, %get3A_944] {strides = array<i32>} : memref<5x1x2048xi32, #tpu.memory_space<vmem>>, vector<16xi32>,
        %add3A_946 = arith.constant 32 : i32
        %add3A_947 = arith.addi %mul3A_930, %add3A_946 : i32
        %get3A_948 = arith.constant 3 : i32
        %get3A_949 = arith.constant 0 : i32
        %get3A_950 = arith.index_cast %get3A_948 : i32 to index
        %get3A_951 = arith.index_cast %get3A_949 : i32 to index
        %get3A_952 = arith.index_cast %add3A_947 : i32 to index
        %get3A_953 = tpu.vector_load %arg6[%get3A_950, %get3A_951, %get3A_952] {strides = array<i32>} : memref<5x1x2048xi32, #tpu.memory_space<vmem>>, vector<16xi32>,
        %add3A_954 = arith.constant 48 : i32
        %add3A_955 = arith.addi %mul3A_930, %add3A_954 : i32
        %get3A_956 = arith.constant 3 : i32
        %get3A_957 = arith.constant 0 : i32
        %get3A_958 = arith.index_cast %get3A_956 : i32 to index
        %get3A_959 = arith.index_cast %get3A_957 : i32 to index
        %get3A_960 = arith.index_cast %add3A_955 : i32 to index
        %get3A_961 = tpu.vector_load %arg6[%get3A_958, %get3A_959, %get3A_960] {strides = array<i32>} : memref<5x1x2048xi32, #tpu.memory_space<vmem>>, vector<16xi32>,
        %add3A_962 = arith.constant 64 : i32
        %add3A_963 = arith.addi %mul3A_930, %add3A_962 : i32
        %get3A_964 = arith.constant 3 : i32
        %get3A_965 = arith.constant 0 : i32
        %get3A_966 = arith.index_cast %get3A_964 : i32 to index
        %get3A_967 = arith.index_cast %get3A_965 : i32 to index
        %get3A_968 = arith.index_cast %add3A_963 : i32 to index
        %get3A_969 = tpu.vector_load %arg6[%get3A_966, %get3A_967, %get3A_968] {strides = array<i32>} : memref<5x1x2048xi32, #tpu.memory_space<vmem>>, vector<16xi32>,
        %add3A_970 = arith.constant 80 : i32
        %add3A_971 = arith.addi %mul3A_930, %add3A_970 : i32
        %get3A_972 = arith.constant 3 : i32
        %get3A_973 = arith.constant 0 : i32
        %get3A_974 = arith.index_cast %get3A_972 : i32 to index
        %get3A_975 = arith.index_cast %get3A_973 : i32 to index
        %get3A_976 = arith.index_cast %add3A_971 : i32 to index
        %get3A_977 = tpu.vector_load %arg6[%get3A_974, %get3A_975, %get3A_976] {strides = array<i32>} : memref<5x1x2048xi32, #tpu.memory_space<vmem>>, vector<16xi32>,
        %add3A_978 = arith.constant 96 : i32
        %add3A_979 = arith.addi %mul3A_930, %add3A_978 : i32
        %get3A_980 = arith.constant 3 : i32
        %get3A_981 = arith.constant 0 : i32
        %get3A_982 = arith.index_cast %get3A_980 : i32 to index
        %get3A_983 = arith.index_cast %get3A_981 : i32 to index
        %get3A_984 = arith.index_cast %add3A_979 : i32 to index
        %get3A_985 = tpu.vector_load %arg6[%get3A_982, %get3A_983, %get3A_984] {strides = array<i32>} : memref<5x1x2048xi32, #tpu.memory_space<vmem>>, vector<16xi32>,
        %add3A_986 = arith.constant 112 : i32
        %add3A_987 = arith.addi %mul3A_930, %add3A_986 : i32
        %get3A_988 = arith.constant 3 : i32
        %get3A_989 = arith.constant 0 : i32
        %get3A_990 = arith.index_cast %get3A_988 : i32 to index
        %get3A_991 = arith.index_cast %get3A_989 : i32 to index
        %get3A_992 = arith.index_cast %add3A_987 : i32 to index
        %get3A_993 = tpu.vector_load %arg6[%get3A_990, %get3A_991, %get3A_992] {strides = array<i32>} : memref<5x1x2048xi32, #tpu.memory_space<vmem>>, vector<16xi32>,
        %add3A_994 = arith.constant 128 : i32
        %add3A_995 = arith.addi %mul3A_930, %add3A_994 : i32
        %get3A_996 = arith.constant 3 : i32
        %get3A_997 = arith.constant 0 : i32
        %get3A_998 = arith.index_cast %get3A_996 : i32 to index
        %get3A_999 = arith.index_cast %get3A_997 : i32 to index
        %get3A_1000 = arith.index_cast %add3A_995 : i32 to index
        %get3A_1001 = tpu.vector_load %arg6[%get3A_998, %get3A_999, %get3A_1000] {strides = array<i32>} : memref<5x1x2048xi32, #tpu.memory_space<vmem>>, vector<16xi32>,
        %add3A_1002 = arith.constant 144 : i32
        %add3A_1003 = arith.addi %mul3A_930, %add3A_1002 : i32
        %get3A_1004 = arith.constant 3 : i32
        %get3A_1005 = arith.constant 0 : i32
        %get3A_1006 = arith.index_cast %get3A_1004 : i32 to index
        %get3A_1007 = arith.index_cast %get3A_1005 : i32 to index
        %get3A_1008 = arith.index_cast %add3A_1003 : i32 to index
        %get3A_1009 = tpu.vector_load %arg6[%get3A_1006, %get3A_1007, %get3A_1008] {strides = array<i32>} : memref<5x1x2048xi32, #tpu.memory_space<vmem>>, vector<16xi32>,
        %add3A_1010 = arith.constant 160 : i32
        %add3A_1011 = arith.addi %mul3A_930, %add3A_1010 : i32
        %get3A_1012 = arith.constant 3 : i32
        %get3A_1013 = arith.constant 0 : i32
        %get3A_1014 = arith.index_cast %get3A_1012 : i32 to index
        %get3A_1015 = arith.index_cast %get3A_1013 : i32 to index
        %get3A_1016 = arith.index_cast %add3A_1011 : i32 to index
        %get3A_1017 = tpu.vector_load %arg6[%get3A_1014, %get3A_1015, %get3A_1016] {strides = array<i32>} : memref<5x1x2048xi32, #tpu.memory_space<vmem>>, vector<16xi32>,
        %add3A_1018 = arith.constant 176 : i32
        %add3A_1019 = arith.addi %mul3A_930, %add3A_1018 : i32
        %get3A_1020 = arith.constant 3 : i32
        %get3A_1021 = arith.constant 0 : i32
        %get3A_1022 = arith.index_cast %get3A_1020 : i32 to index
        %get3A_1023 = arith.index_cast %get3A_1021 : i32 to index
        %get3A_1024 = arith.index_cast %add3A_1019 : i32 to index
        %get3A_1025 = tpu.vector_load %arg6[%get3A_1022, %get3A_1023, %get3A_1024] {strides = array<i32>} : memref<5x1x2048xi32, #tpu.memory_space<vmem>>, vector<16xi32>,
        %add3A_1026 = arith.constant 192 : i32
        %add3A_1027 = arith.addi %mul3A_930, %add3A_1026 : i32
        %get3A_1028 = arith.constant 3 : i32
        %get3A_1029 = arith.constant 0 : i32
        %get3A_1030 = arith.index_cast %get3A_1028 : i32 to index
        %get3A_1031 = arith.index_cast %get3A_1029 : i32 to index
        %get3A_1032 = arith.index_cast %add3A_1027 : i32 to index
        %get3A_1033 = tpu.vector_load %arg6[%get3A_1030, %get3A_1031, %get3A_1032] {strides = array<i32>} : memref<5x1x2048xi32, #tpu.memory_space<vmem>>, vector<16xi32>,
        %add3A_1034 = arith.constant 208 : i32
        %add3A_1035 = arith.addi %mul3A_930, %add3A_1034 : i32
        %get3A_1036 = arith.constant 3 : i32
        %get3A_1037 = arith.constant 0 : i32
        %get3A_1038 = arith.index_cast %get3A_1036 : i32 to index
        %get3A_1039 = arith.index_cast %get3A_1037 : i32 to index
        %get3A_1040 = arith.index_cast %add3A_1035 : i32 to index
        %get3A_1041 = tpu.vector_load %arg6[%get3A_1038, %get3A_1039, %get3A_1040] {strides = array<i32>} : memref<5x1x2048xi32, #tpu.memory_space<vmem>>, vector<16xi32>,
        %add3A_1042 = arith.constant 224 : i32
        %add3A_1043 = arith.addi %mul3A_930, %add3A_1042 : i32
        %get3A_1044 = arith.constant 3 : i32
        %get3A_1045 = arith.constant 0 : i32
        %get3A_1046 = arith.index_cast %get3A_1044 : i32 to index
        %get3A_1047 = arith.index_cast %get3A_1045 : i32 to index
        %get3A_1048 = arith.index_cast %add3A_1043 : i32 to index
        %get3A_1049 = tpu.vector_load %arg6[%get3A_1046, %get3A_1047, %get3A_1048] {strides = array<i32>} : memref<5x1x2048xi32, #tpu.memory_space<vmem>>, vector<16xi32>,
        %add3A_1050 = arith.constant 240 : i32
        %add3A_1051 = arith.addi %mul3A_930, %add3A_1050 : i32
        %get3A_1052 = arith.constant 3 : i32
        %get3A_1053 = arith.constant 0 : i32
        %get3A_1054 = arith.index_cast %get3A_1052 : i32 to index
        %get3A_1055 = arith.index_cast %get3A_1053 : i32 to index
        %get3A_1056 = arith.index_cast %add3A_1051 : i32 to index
        %get3A_1057 = tpu.vector_load %arg6[%get3A_1054, %get3A_1055, %get3A_1056] {strides = array<i32>} : memref<5x1x2048xi32, #tpu.memory_space<vmem>>, vector<16xi32>,
        %gather3A = tpu.vector_load_idx %arg5[%broadcast_in_dim3A_3, %get3A_937] : memref<1x100000xf32, #tpu.memory_space<vmem>>[vector<16xi32>, vector<16xi32>], vector<16xf32>,
        %gather3A_1058 = tpu.vector_load_idx %arg5[%broadcast_in_dim3A_3, %get3A_945] : memref<1x100000xf32, #tpu.memory_space<vmem>>[vector<16xi32>, vector<16xi32>], vector<16xf32>,
        %gather3A_1059 = tpu.vector_load_idx %arg5[%broadcast_in_dim3A_3, %get3A_953] : memref<1x100000xf32, #tpu.memory_space<vmem>>[vector<16xi32>, vector<16xi32>], vector<16xf32>,
        %gather3A_1060 = tpu.vector_load_idx %arg5[%broadcast_in_dim3A_3, %get3A_961] : memref<1x100000xf32, #tpu.memory_space<vmem>>[vector<16xi32>, vector<16xi32>], vector<16xf32>,
        %gather3A_1061 = tpu.vector_load_idx %arg5[%broadcast_in_dim3A_3, %get3A_969] : memref<1x100000xf32, #tpu.memory_space<vmem>>[vector<16xi32>, vector<16xi32>], vector<16xf32>,
        %gather3A_1062 = tpu.vector_load_idx %arg5[%broadcast_in_dim3A_3, %get3A_977] : memref<1x100000xf32, #tpu.memory_space<vmem>>[vector<16xi32>, vector<16xi32>], vector<16xf32>,
        %gather3A_1063 = tpu.vector_load_idx %arg5[%broadcast_in_dim3A_3, %get3A_985] : memref<1x100000xf32, #tpu.memory_space<vmem>>[vector<16xi32>, vector<16xi32>], vector<16xf32>,
        %gather3A_1064 = tpu.vector_load_idx %arg5[%broadcast_in_dim3A_3, %get3A_993] : memref<1x100000xf32, #tpu.memory_space<vmem>>[vector<16xi32>, vector<16xi32>], vector<16xf32>,
        %gather3A_1065 = tpu.vector_load_idx %arg5[%broadcast_in_dim3A_3, %get3A_1001] : memref<1x100000xf32, #tpu.memory_space<vmem>>[vector<16xi32>, vector<16xi32>], vector<16xf32>,
        %gather3A_1066 = tpu.vector_load_idx %arg5[%broadcast_in_dim3A_3, %get3A_1009] : memref<1x100000xf32, #tpu.memory_space<vmem>>[vector<16xi32>, vector<16xi32>], vector<16xf32>,
        %gather3A_1067 = tpu.vector_load_idx %arg5[%broadcast_in_dim3A_3, %get3A_1017] : memref<1x100000xf32, #tpu.memory_space<vmem>>[vector<16xi32>, vector<16xi32>], vector<16xf32>,
        %gather3A_1068 = tpu.vector_load_idx %arg5[%broadcast_in_dim3A_3, %get3A_1025] : memref<1x100000xf32, #tpu.memory_space<vmem>>[vector<16xi32>, vector<16xi32>], vector<16xf32>,
        %gather3A_1069 = tpu.vector_load_idx %arg5[%broadcast_in_dim3A_3, %get3A_1033] : memref<1x100000xf32, #tpu.memory_space<vmem>>[vector<16xi32>, vector<16xi32>], vector<16xf32>,
        %gather3A_1070 = tpu.vector_load_idx %arg5[%broadcast_in_dim3A_3, %get3A_1041] : memref<1x100000xf32, #tpu.memory_space<vmem>>[vector<16xi32>, vector<16xi32>], vector<16xf32>,
        %gather3A_1071 = tpu.vector_load_idx %arg5[%broadcast_in_dim3A_3, %get3A_1049] : memref<1x100000xf32, #tpu.memory_space<vmem>>[vector<16xi32>, vector<16xi32>], vector<16xf32>,
        %gather3A_1072 = tpu.vector_load_idx %arg5[%broadcast_in_dim3A_3, %get3A_1057] : memref<1x100000xf32, #tpu.memory_space<vmem>>[vector<16xi32>, vector<16xi32>], vector<16xf32>,
        %add3A_1073 = arith.constant 0 : i32
        %add3A_1074 = arith.addi %mul3A_930, %add3A_1073 : i32
        %swap3A = arith.constant 3 : i32
        %swap3A_1075 = arith.constant 0 : i32
        %swap3A_1076 = arith.index_cast %swap3A : i32 to index
        %swap3A_1077 = arith.index_cast %swap3A_1075 : i32 to index
        %swap3A_1078 = arith.index_cast %add3A_1074 : i32 to index
        %swap3A_1079 = tpu.vector_load %arg7[%swap3A_1076, %swap3A_1077, %swap3A_1078] {strides = array<i32>} : memref<5x1x2048xf32, #tpu.memory_space<vmem>>, vector<16xf32>,
        tpu.vector_store %arg7[%swap3A_1076, %swap3A_1077, %swap3A_1078], %gather3A {strides = array<i32>} : memref<5x1x2048xf32, #tpu.memory_space<vmem>>, vector<16xf32>,
        %add3A_1080 = arith.constant 16 : i32
        %add3A_1081 = arith.addi %mul3A_930, %add3A_1080 : i32
        %swap3A_1082 = arith.constant 3 : i32
        %swap3A_1083 = arith.constant 0 : i32
        %swap3A_1084 = arith.index_cast %swap3A_1082 : i32 to index
        %swap3A_1085 = arith.index_cast %swap3A_1083 : i32 to index
        %swap3A_1086 = arith.index_cast %add3A_1081 : i32 to index
        %swap3A_1087 = tpu.vector_load %arg7[%swap3A_1084, %swap3A_1085, %swap3A_1086] {strides = array<i32>} : memref<5x1x2048xf32, #tpu.memory_space<vmem>>, vector<16xf32>,
        tpu.vector_store %arg7[%swap3A_1084, %swap3A_1085, %swap3A_1086], %gather3A_1058 {strides = array<i32>} : memref<5x1x2048xf32, #tpu.memory_space<vmem>>, vector<16xf32>,
        %add3A_1088 = arith.constant 32 : i32
        %add3A_1089 = arith.addi %mul3A_930, %add3A_1088 : i32
        %swap3A_1090 = arith.constant 3 : i32
        %swap3A_1091 = arith.constant 0 : i32
        %swap3A_1092 = arith.index_cast %swap3A_1090 : i32 to index
        %swap3A_1093 = arith.index_cast %swap3A_1091 : i32 to index
        %swap3A_1094 = arith.index_cast %add3A_1089 : i32 to index
        %swap3A_1095 = tpu.vector_load %arg7[%swap3A_1092, %swap3A_1093, %swap3A_1094] {strides = array<i32>} : memref<5x1x2048xf32, #tpu.memory_space<vmem>>, vector<16xf32>,
        tpu.vector_store %arg7[%swap3A_1092, %swap3A_1093, %swap3A_1094], %gather3A_1059 {strides = array<i32>} : memref<5x1x2048xf32, #tpu.memory_space<vmem>>, vector<16xf32>,
        %add3A_1096 = arith.constant 48 : i32
        %add3A_1097 = arith.addi %mul3A_930, %add3A_1096 : i32
        %swap3A_1098 = arith.constant 3 : i32
        %swap3A_1099 = arith.constant 0 : i32
        %swap3A_1100 = arith.index_cast %swap3A_1098 : i32 to index
        %swap3A_1101 = arith.index_cast %swap3A_1099 : i32 to index
        %swap3A_1102 = arith.index_cast %add3A_1097 : i32 to index
        %swap3A_1103 = tpu.vector_load %arg7[%swap3A_1100, %swap3A_1101, %swap3A_1102] {strides = array<i32>} : memref<5x1x2048xf32, #tpu.memory_space<vmem>>, vector<16xf32>,
        tpu.vector_store %arg7[%swap3A_1100, %swap3A_1101, %swap3A_1102], %gather3A_1060 {strides = array<i32>} : memref<5x1x2048xf32, #tpu.memory_space<vmem>>, vector<16xf32>,
        %add3A_1104 = arith.constant 64 : i32
        %add3A_1105 = arith.addi %mul3A_930, %add3A_1104 : i32
        %swap3A_1106 = arith.constant 3 : i32
        %swap3A_1107 = arith.constant 0 : i32
        %swap3A_1108 = arith.index_cast %swap3A_1106 : i32 to index
        %swap3A_1109 = arith.index_cast %swap3A_1107 : i32 to index
        %swap3A_1110 = arith.index_cast %add3A_1105 : i32 to index
        %swap3A_1111 = tpu.vector_load %arg7[%swap3A_1108, %swap3A_1109, %swap3A_1110] {strides = array<i32>} : memref<5x1x2048xf32, #tpu.memory_space<vmem>>, vector<16xf32>,
        tpu.vector_store %arg7[%swap3A_1108, %swap3A_1109, %swap3A_1110], %gather3A_1061 {strides = array<i32>} : memref<5x1x2048xf32, #tpu.memory_space<vmem>>, vector<16xf32>,
        %add3A_1112 = arith.constant 80 : i32
        %add3A_1113 = arith.addi %mul3A_930, %add3A_1112 : i32
        %swap3A_1114 = arith.constant 3 : i32
        %swap3A_1115 = arith.constant 0 : i32
        %swap3A_1116 = arith.index_cast %swap3A_1114 : i32 to index
        %swap3A_1117 = arith.index_cast %swap3A_1115 : i32 to index
        %swap3A_1118 = arith.index_cast %add3A_1113 : i32 to index
        %swap3A_1119 = tpu.vector_load %arg7[%swap3A_1116, %swap3A_1117, %swap3A_1118] {strides = array<i32>} : memref<5x1x2048xf32, #tpu.memory_space<vmem>>, vector<16xf32>,
        tpu.vector_store %arg7[%swap3A_1116, %swap3A_1117, %swap3A_1118], %gather3A_1062 {strides = array<i32>} : memref<5x1x2048xf32, #tpu.memory_space<vmem>>, vector<16xf32>,
        %add3A_1120 = arith.constant 96 : i32
        %add3A_1121 = arith.addi %mul3A_930, %add3A_1120 : i32
        %swap3A_1122 = arith.constant 3 : i32
        %swap3A_1123 = arith.constant 0 : i32
        %swap3A_1124 = arith.index_cast %swap3A_1122 : i32 to index
        %swap3A_1125 = arith.index_cast %swap3A_1123 : i32 to index
        %swap3A_1126 = arith.index_cast %add3A_1121 : i32 to index
        %swap3A_1127 = tpu.vector_load %arg7[%swap3A_1124, %swap3A_1125, %swap3A_1126] {strides = array<i32>} : memref<5x1x2048xf32, #tpu.memory_space<vmem>>, vector<16xf32>,
        tpu.vector_store %arg7[%swap3A_1124, %swap3A_1125, %swap3A_1126], %gather3A_1063 {strides = array<i32>} : memref<5x1x2048xf32, #tpu.memory_space<vmem>>, vector<16xf32>,
        %add3A_1128 = arith.constant 112 : i32
        %add3A_1129 = arith.addi %mul3A_930, %add3A_1128 : i32
        %swap3A_1130 = arith.constant 3 : i32
        %swap3A_1131 = arith.constant 0 : i32
        %swap3A_1132 = arith.index_cast %swap3A_1130 : i32 to index
        %swap3A_1133 = arith.index_cast %swap3A_1131 : i32 to index
        %swap3A_1134 = arith.index_cast %add3A_1129 : i32 to index
        %swap3A_1135 = tpu.vector_load %arg7[%swap3A_1132, %swap3A_1133, %swap3A_1134] {strides = array<i32>} : memref<5x1x2048xf32, #tpu.memory_space<vmem>>, vector<16xf32>,
        tpu.vector_store %arg7[%swap3A_1132, %swap3A_1133, %swap3A_1134], %gather3A_1064 {strides = array<i32>} : memref<5x1x2048xf32, #tpu.memory_space<vmem>>, vector<16xf32>,
        %add3A_1136 = arith.constant 128 : i32
        %add3A_1137 = arith.addi %mul3A_930, %add3A_1136 : i32
        %swap3A_1138 = arith.constant 3 : i32
        %swap3A_1139 = arith.constant 0 : i32
        %swap3A_1140 = arith.index_cast %swap3A_1138 : i32 to index
        %swap3A_1141 = arith.index_cast %swap3A_1139 : i32 to index
        %swap3A_1142 = arith.index_cast %add3A_1137 : i32 to index
        %swap3A_1143 = tpu.vector_load %arg7[%swap3A_1140, %swap3A_1141, %swap3A_1142] {strides = array<i32>} : memref<5x1x2048xf32, #tpu.memory_space<vmem>>, vector<16xf32>,
        tpu.vector_store %arg7[%swap3A_1140, %swap3A_1141, %swap3A_1142], %gather3A_1065 {strides = array<i32>} : memref<5x1x2048xf32, #tpu.memory_space<vmem>>, vector<16xf32>,
        %add3A_1144 = arith.constant 144 : i32
        %add3A_1145 = arith.addi %mul3A_930, %add3A_1144 : i32
        %swap3A_1146 = arith.constant 3 : i32
        %swap3A_1147 = arith.constant 0 : i32
        %swap3A_1148 = arith.index_cast %swap3A_1146 : i32 to index
        %swap3A_1149 = arith.index_cast %swap3A_1147 : i32 to index
        %swap3A_1150 = arith.index_cast %add3A_1145 : i32 to index
        %swap3A_1151 = tpu.vector_load %arg7[%swap3A_1148, %swap3A_1149, %swap3A_1150] {strides = array<i32>} : memref<5x1x2048xf32, #tpu.memory_space<vmem>>, vector<16xf32>,
        tpu.vector_store %arg7[%swap3A_1148, %swap3A_1149, %swap3A_1150], %gather3A_1066 {strides = array<i32>} : memref<5x1x2048xf32, #tpu.memory_space<vmem>>, vector<16xf32>,
        %add3A_1152 = arith.constant 160 : i32
        %add3A_1153 = arith.addi %mul3A_930, %add3A_1152 : i32
        %swap3A_1154 = arith.constant 3 : i32
        %swap3A_1155 = arith.constant 0 : i32
        %swap3A_1156 = arith.index_cast %swap3A_1154 : i32 to index
        %swap3A_1157 = arith.index_cast %swap3A_1155 : i32 to index
        %swap3A_1158 = arith.index_cast %add3A_1153 : i32 to index
        %swap3A_1159 = tpu.vector_load %arg7[%swap3A_1156, %swap3A_1157, %swap3A_1158] {strides = array<i32>} : memref<5x1x2048xf32, #tpu.memory_space<vmem>>, vector<16xf32>,
        tpu.vector_store %arg7[%swap3A_1156, %swap3A_1157, %swap3A_1158], %gather3A_1067 {strides = array<i32>} : memref<5x1x2048xf32, #tpu.memory_space<vmem>>, vector<16xf32>,
        %add3A_1160 = arith.constant 176 : i32
        %add3A_1161 = arith.addi %mul3A_930, %add3A_1160 : i32
        %swap3A_1162 = arith.constant 3 : i32
        %swap3A_1163 = arith.constant 0 : i32
        %swap3A_1164 = arith.index_cast %swap3A_1162 : i32 to index
        %swap3A_1165 = arith.index_cast %swap3A_1163 : i32 to index
        %swap3A_1166 = arith.index_cast %add3A_1161 : i32 to index
        %swap3A_1167 = tpu.vector_load %arg7[%swap3A_1164, %swap3A_1165, %swap3A_1166] {strides = array<i32>} : memref<5x1x2048xf32, #tpu.memory_space<vmem>>, vector<16xf32>,
        tpu.vector_store %arg7[%swap3A_1164, %swap3A_1165, %swap3A_1166], %gather3A_1068 {strides = array<i32>} : memref<5x1x2048xf32, #tpu.memory_space<vmem>>, vector<16xf32>,
        %add3A_1168 = arith.constant 192 : i32
        %add3A_1169 = arith.addi %mul3A_930, %add3A_1168 : i32
        %swap3A_1170 = arith.constant 3 : i32
        %swap3A_1171 = arith.constant 0 : i32
        %swap3A_1172 = arith.index_cast %swap3A_1170 : i32 to index
        %swap3A_1173 = arith.index_cast %swap3A_1171 : i32 to index
        %swap3A_1174 = arith.index_cast %add3A_1169 : i32 to index
        %swap3A_1175 = tpu.vector_load %arg7[%swap3A_1172, %swap3A_1173, %swap3A_1174] {strides = array<i32>} : memref<5x1x2048xf32, #tpu.memory_space<vmem>>, vector<16xf32>,
        tpu.vector_store %arg7[%swap3A_1172, %swap3A_1173, %swap3A_1174], %gather3A_1069 {strides = array<i32>} : memref<5x1x2048xf32, #tpu.memory_space<vmem>>, vector<16xf32>,
        %add3A_1176 = arith.constant 208 : i32
        %add3A_1177 = arith.addi %mul3A_930, %add3A_1176 : i32
        %swap3A_1178 = arith.constant 3 : i32
        %swap3A_1179 = arith.constant 0 : i32
        %swap3A_1180 = arith.index_cast %swap3A_1178 : i32 to index
        %swap3A_1181 = arith.index_cast %swap3A_1179 : i32 to index
        %swap3A_1182 = arith.index_cast %add3A_1177 : i32 to index
        %swap3A_1183 = tpu.vector_load %arg7[%swap3A_1180, %swap3A_1181, %swap3A_1182] {strides = array<i32>} : memref<5x1x2048xf32, #tpu.memory_space<vmem>>, vector<16xf32>,
        tpu.vector_store %arg7[%swap3A_1180, %swap3A_1181, %swap3A_1182], %gather3A_1070 {strides = array<i32>} : memref<5x1x2048xf32, #tpu.memory_space<vmem>>, vector<16xf32>,
        %add3A_1184 = arith.constant 224 : i32
        %add3A_1185 = arith.addi %mul3A_930, %add3A_1184 : i32
        %swap3A_1186 = arith.constant 3 : i32
        %swap3A_1187 = arith.constant 0 : i32
        %swap3A_1188 = arith.index_cast %swap3A_1186 : i32 to index
        %swap3A_1189 = arith.index_cast %swap3A_1187 : i32 to index
        %swap3A_1190 = arith.index_cast %add3A_1185 : i32 to index
        %swap3A_1191 = tpu.vector_load %arg7[%swap3A_1188, %swap3A_1189, %swap3A_1190] {strides = array<i32>} : memref<5x1x2048xf32, #tpu.memory_space<vmem>>, vector<16xf32>,
        tpu.vector_store %arg7[%swap3A_1188, %swap3A_1189, %swap3A_1190], %gather3A_1071 {strides = array<i32>} : memref<5x1x2048xf32, #tpu.memory_space<vmem>>, vector<16xf32>,
        %add3A_1192 = arith.constant 240 : i32
        %add3A_1193 = arith.addi %mul3A_930, %add3A_1192 : i32
        %swap3A_1194 = arith.constant 3 : i32
        %swap3A_1195 = arith.constant 0 : i32
        %swap3A_1196 = arith.index_cast %swap3A_1194 : i32 to index
        %swap3A_1197 = arith.index_cast %swap3A_1195 : i32 to index
        %swap3A_1198 = arith.index_cast %add3A_1193 : i32 to index
        %swap3A_1199 = tpu.vector_load %arg7[%swap3A_1196, %swap3A_1197, %swap3A_1198] {strides = array<i32>} : memref<5x1x2048xf32, #tpu.memory_space<vmem>>, vector<16xf32>,
        tpu.vector_store %arg7[%swap3A_1196, %swap3A_1197, %swap3A_1198], %gather3A_1072 {strides = array<i32>} : memref<5x1x2048xf32, #tpu.memory_space<vmem>>, vector<16xf32>,
      }
      %scan3A_710 = arith.constant 8 : i32
      %dma_start3A_711 = arith.constant 3 : i32
      %dma_start3A_712 = arith.constant 3 : i32
      %dma_start3A_713 = arith.constant 0 : i32
      %dma_start3A_714 = arith.constant 0 : i32
      %dma_start3A_715 = tpu.memref_slice %arg7[%dma_start3A_711, %dma_start3A_713, %dma_start3A_714] : memref<5x1x2048xf32, #tpu.memory_space<vmem>> -> memref<1x1x2048xf32, #tpu.memory_space<vmem>>
      %dma_start3A_716 = tpu.memref_squeeze %dma_start3A_715 : memref<1x1x2048xf32, #tpu.memory_space<vmem>> -> memref<1x2048xf32, #tpu.memory_space<vmem>>
      %dma_start3A_717 = tpu.memref_slice %arg4[%select_n3A_665, %add3A_94, %mul3A_683] : memref<50x64x4096xf32, #tpu.memory_space<hbm>> -> memref<1x1x2048xf32, #tpu.memory_space<hbm>>
      %dma_start3A_718 = tpu.memref_squeeze %dma_start3A_717 : memref<1x1x2048xf32, #tpu.memory_space<hbm>> -> memref<1x2048xf32, #tpu.memory_space<hbm>>
      %dma_start3A_719 = tpu.memref_slice %arg9[%dma_start3A_712] : memref<5x!tpu.dma_semaphore, #tpu.memory_space<semaphore_mem>> -> memref<1x!tpu.dma_semaphore, #tpu.memory_space<semaphore_mem>>
      %dma_start3A_720 = tpu.memref_squeeze %dma_start3A_719 : memref<1x!tpu.dma_semaphore, #tpu.memory_space<semaphore_mem>> -> memref<!tpu.dma_semaphore, #tpu.memory_space<semaphore_mem>>
      %dma_start3A_721 = tpu.memref_slice %arg4[%select_n3A_665, %add3A_94, %mul3A_683] : memref<50x64x4096xf32, #tpu.memory_space<hbm>> -> memref<1x1x2048xf32, #tpu.memory_space<hbm>>
      %dma_start3A_722 = tpu.memref_squeeze %dma_start3A_721 : memref<1x1x2048xf32, #tpu.memory_space<hbm>> -> memref<1x2048xf32, #tpu.memory_space<hbm>>
      %dma_start3A_723 = arith.constant 0 : i32
      %dma_start3A_724 = arith.constant 0 : i32
      %dma_start3A_725 = tpu.memref_slice %arg7[%dma_start3A_711, %dma_start3A_723, %dma_start3A_724] : memref<5x1x2048xf32, #tpu.memory_space<vmem>> -> memref<1x1x2048xf32, #tpu.memory_space<vmem>>
      %dma_start3A_726 = tpu.memref_squeeze %dma_start3A_725 : memref<1x1x2048xf32, #tpu.memory_space<vmem>> -> memref<1x2048xf32, #tpu.memory_space<vmem>>
      tpu.enqueue_dma source(%dma_start3A_726 : memref<1x2048xf32, #tpu.memory_space<vmem>>) target(%dma_start3A_722 : memref<1x2048xf32, #tpu.memory_space<hbm>>) target_semaphore(%dma_start3A_720 : memref<!tpu.dma_semaphore, #tpu.memory_space<semaphore_mem>>)
      %add3A_727 = arith.constant 5 : i32
      %add3A_728 = arith.addi %add3A_641, %add3A_727 : i32
      %lt3A_729 = arith.constant 100 : i32
      %lt3A_730 = arith.cmpi slt, %add3A_728, %lt3A_729 : i32
      %sub3A_731 = arith.constant 100 : i32
      %sub3A_732 = arith.subi %add3A_728, %sub3A_731 : i32
      %select_n3A_733 = arith.select %lt3A_730, %add3A_728, %sub3A_732 : i32
      %jit3A_734 = arith.constant 2 : i32
      %div3A_735 = arith.divsi %select_n3A_733, %jit3A_734 : i32
      %sign3A_736 = arith.constant 0 : i32
      %sign3A_737 = arith.cmpi sgt, %select_n3A_733, %sign3A_736 : i32
      %sign3A_738 = arith.extui %sign3A_737 : i1 to i32
      %sign3A_739 = arith.constant 0 : i32
      %sign3A_740 = arith.cmpi slt, %select_n3A_733, %sign3A_739 : i32
      %sign3A_741 = arith.extui %sign3A_740 : i1 to i32
      %sign3A_742 = arith.subi %sign3A_738, %sign3A_741 : i32
      %sign3A_743 = arith.constant 0 : i32
      %sign3A_744 = arith.cmpi sgt, %jit3A_734, %sign3A_743 : i32
      %sign3A_745 = arith.extui %sign3A_744 : i1 to i32
      %sign3A_746 = arith.constant 0 : i32
      %sign3A_747 = arith.cmpi slt, %jit3A_734, %sign3A_746 : i32
      %sign3A_748 = arith.extui %sign3A_747 : i1 to i32
      %sign3A_749 = arith.subi %sign3A_745, %sign3A_748 : i32
      %ne3A_750 = arith.cmpi ne, %sign3A_742, %sign3A_749 : i32
      %rem3A_751 = arith.remsi %select_n3A_733, %jit3A_734 : i32
      %ne3A_752 = arith.constant 0 : i32
      %ne3A_753 = arith.cmpi ne, %rem3A_751, %ne3A_752 : i32
      %and3A_754 = arith.andi %ne3A_750, %ne3A_753 : i1
      %sub3A_755 = arith.constant 1 : i32
      %sub3A_756 = arith.subi %div3A_735, %sub3A_755 : i32
      %select_n3A_757 = arith.select %and3A_754, %sub3A_756, %div3A_735 : i32
      %jit3A_758 = arith.constant 2 : i32
      %eq3A_759 = arith.constant 0 : i32
      %eq3A_760 = arith.cmpi eq, %jit3A_758, %eq3A_759 : i32
      %jit3A_761 = arith.constant 1 : i32
      %select_n3A_762 = arith.select %eq3A_760, %jit3A_761, %jit3A_758 : i32
      %rem3A_763 = arith.remsi %select_n3A_733, %select_n3A_762 : i32
      %ne3A_764 = arith.constant 0 : i32
      %ne3A_765 = arith.cmpi ne, %rem3A_763, %ne3A_764 : i32
      %lt3A_766 = arith.constant 0 : i32
      %lt3A_767 = arith.cmpi slt, %rem3A_763, %lt3A_766 : i32
      %lt3A_768 = arith.constant 0 : i32
      %lt3A_769 = arith.cmpi slt, %select_n3A_762, %lt3A_768 : i32
      %ne3A_770 = arith.xori %lt3A_767, %lt3A_769 : i1
      %and3A_771 = arith.andi %ne3A_770, %ne3A_765 : i1
      %add3A_772 = arith.addi %rem3A_763, %select_n3A_762 : i32
      %select_n3A_773 = arith.select %and3A_771, %add3A_772, %rem3A_763 : i32
      %mul3A_774 = arith.constant 2048 : i32
      %mul3A_775 = arith.muli %select_n3A_773, %mul3A_774 : i32
      %lt3A_776 = arith.constant 19 : i32
      %lt3A_777 = arith.cmpi slt, %scan3A_221, %lt3A_776 : i32
      %or3A_778 = arith.constant true
      %or3A_779 = arith.ori %lt3A_777, %or3A_778 : i1
      %convert_element_type3A_780 = arith.extui %or3A_779 : i1 to i32
      %cond3A_781 = arith.constant 0 : i32
      %cond3A_782 = arith.cmpi ne, %convert_element_type3A_780, %cond3A_781 : i32
      scf.if %cond3A_782 {
        %dma_start3A_926 = arith.constant 3 : i32
        %dma_start3A_927 = arith.constant 3 : i32
        %dma_start3A_928 = arith.constant 0 : i32
        %dma_start3A_929 = arith.constant 0 : i32
        %dma_start3A_930 = tpu.memref_slice %arg6[%dma_start3A_926, %dma_start3A_928, %dma_start3A_929] : memref<5x1x2048xi32, #tpu.memory_space<vmem>> -> memref<1x1x2048xi32, #tpu.memory_space<vmem>>
        %dma_start3A_931 = tpu.memref_squeeze %dma_start3A_930 : memref<1x1x2048xi32, #tpu.memory_space<vmem>> -> memref<1x2048xi32, #tpu.memory_space<vmem>>
        %dma_start3A_932 = tpu.memref_slice %arg2[%select_n3A_757, %mul3A_775] : memref<50x4096xi32, #tpu.memory_space<hbm>> -> memref<1x2048xi32, #tpu.memory_space<hbm>>
        %dma_start3A_933 = tpu.memref_slice %arg8[%dma_start3A_927] : memref<5x!tpu.dma_semaphore, #tpu.memory_space<semaphore_mem>> -> memref<1x!tpu.dma_semaphore, #tpu.memory_space<semaphore_mem>>
        %dma_start3A_934 = tpu.memref_squeeze %dma_start3A_933 : memref<1x!tpu.dma_semaphore, #tpu.memory_space<semaphore_mem>> -> memref<!tpu.dma_semaphore, #tpu.memory_space<semaphore_mem>>
        %dma_start3A_935 = arith.constant 0 : i32
        %dma_start3A_936 = arith.constant 0 : i32
        %dma_start3A_937 = tpu.memref_slice %arg6[%dma_start3A_926, %dma_start3A_935, %dma_start3A_936] : memref<5x1x2048xi32, #tpu.memory_space<vmem>> -> memref<1x1x2048xi32, #tpu.memory_space<vmem>>
        %dma_start3A_938 = tpu.memref_squeeze %dma_start3A_937 : memref<1x1x2048xi32, #tpu.memory_space<vmem>> -> memref<1x2048xi32, #tpu.memory_space<vmem>>
        %dma_start3A_939 = tpu.memref_slice %arg2[%select_n3A_757, %mul3A_775] : memref<50x4096xi32, #tpu.memory_space<hbm>> -> memref<1x2048xi32, #tpu.memory_space<hbm>>
        tpu.enqueue_dma source(%dma_start3A_939 : memref<1x2048xi32, #tpu.memory_space<hbm>>) target(%dma_start3A_938 : memref<1x2048xi32, #tpu.memory_space<vmem>>) target_semaphore(%dma_start3A_934 : memref<!tpu.dma_semaphore, #tpu.memory_space<semaphore_mem>>)
      } else {
      }
      %add3A_783 = arith.constant 4 : i32
      %add3A_784 = arith.addi %mul3A_223, %add3A_783 : i32
      %jit3A_785 = arith.constant 2 : i32
      %div3A_786 = arith.divsi %add3A_784, %jit3A_785 : i32
      %sign3A_787 = arith.constant 0 : i32
      %sign3A_788 = arith.cmpi sgt, %add3A_784, %sign3A_787 : i32
      %sign3A_789 = arith.extui %sign3A_788 : i1 to i32
      %sign3A_790 = arith.constant 0 : i32
      %sign3A_791 = arith.cmpi slt, %add3A_784, %sign3A_790 : i32
      %sign3A_792 = arith.extui %sign3A_791 : i1 to i32
      %sign3A_793 = arith.subi %sign3A_789, %sign3A_792 : i32
      %sign3A_794 = arith.constant 0 : i32
      %sign3A_795 = arith.cmpi sgt, %jit3A_785, %sign3A_794 : i32
      %sign3A_796 = arith.extui %sign3A_795 : i1 to i32
      %sign3A_797 = arith.constant 0 : i32
      %sign3A_798 = arith.cmpi slt, %jit3A_785, %sign3A_797 : i32
      %sign3A_799 = arith.extui %sign3A_798 : i1 to i32
      %sign3A_800 = arith.subi %sign3A_796, %sign3A_799 : i32
      %ne3A_801 = arith.cmpi ne, %sign3A_793, %sign3A_800 : i32
      %rem3A_802 = arith.remsi %add3A_784, %jit3A_785 : i32
      %ne3A_803 = arith.constant 0 : i32
      %ne3A_804 = arith.cmpi ne, %rem3A_802, %ne3A_803 : i32
      %and3A_805 = arith.andi %ne3A_801, %ne3A_804 : i1
      %sub3A_806 = arith.constant 1 : i32
      %sub3A_807 = arith.subi %div3A_786, %sub3A_806 : i32
      %select_n3A_808 = arith.select %and3A_805, %sub3A_807, %div3A_786 : i32
      %jit3A_809 = arith.constant 2 : i32
      %eq3A_810 = arith.constant 0 : i32
      %eq3A_811 = arith.cmpi eq, %jit3A_809, %eq3A_810 : i32
      %jit3A_812 = arith.constant 1 : i32
      %select_n3A_813 = arith.select %eq3A_811, %jit3A_812, %jit3A_809 : i32
      %rem3A_814 = arith.remsi %add3A_784, %select_n3A_813 : i32
      %ne3A_815 = arith.constant 0 : i32
      %ne3A_816 = arith.cmpi ne, %rem3A_814, %ne3A_815 : i32
      %lt3A_817 = arith.constant 0 : i32
      %lt3A_818 = arith.cmpi slt, %rem3A_814, %lt3A_817 : i32
      %lt3A_819 = arith.constant 0 : i32
      %lt3A_820 = arith.cmpi slt, %select_n3A_813, %lt3A_819 : i32
      %ne3A_821 = arith.xori %lt3A_818, %lt3A_820 : i1
      %and3A_822 = arith.andi %ne3A_821, %ne3A_816 : i1
      %add3A_823 = arith.addi %rem3A_814, %select_n3A_813 : i32
      %select_n3A_824 = arith.select %and3A_822, %add3A_823, %rem3A_814 : i32
      %mul3A_825 = arith.constant 2048 : i32
      %mul3A_826 = arith.muli %select_n3A_824, %mul3A_825 : i32
      %dma_wait3A_827 = arith.constant 4 : i32
      %dma_wait3A_828 = arith.constant 4 : i32
      %dma_wait3A_829 = arith.constant 0 : i32
      %dma_wait3A_830 = arith.constant 0 : i32
      %dma_wait3A_831 = tpu.memref_slice %arg6[%dma_wait3A_827, %dma_wait3A_829, %dma_wait3A_830] : memref<5x1x2048xi32, #tpu.memory_space<vmem>> -> memref<1x1x2048xi32, #tpu.memory_space<vmem>>
      %dma_wait3A_832 = tpu.memref_squeeze %dma_wait3A_831 : memref<1x1x2048xi32, #tpu.memory_space<vmem>> -> memref<1x2048xi32, #tpu.memory_space<vmem>>
      %dma_wait3A_833 = tpu.memref_slice %arg2[%select_n3A_808, %mul3A_826] : memref<50x4096xi32, #tpu.memory_space<hbm>> -> memref<1x2048xi32, #tpu.memory_space<hbm>>
      %dma_wait3A_834 = tpu.memref_slice %arg8[%dma_wait3A_828] : memref<5x!tpu.dma_semaphore, #tpu.memory_space<semaphore_mem>> -> memref<1x!tpu.dma_semaphore, #tpu.memory_space<semaphore_mem>>
      %dma_wait3A_835 = tpu.memref_squeeze %dma_wait3A_834 : memref<1x!tpu.dma_semaphore, #tpu.memory_space<semaphore_mem>> -> memref<!tpu.dma_semaphore, #tpu.memory_space<semaphore_mem>>
      %dma_wait3A_836 = arith.constant 0 : i32
      %dma_wait3A_837 = arith.constant 0 : i32
      %dma_wait3A_838 = tpu.memref_slice %arg6[%dma_wait3A_827, %dma_wait3A_836, %dma_wait3A_837] : memref<5x1x2048xi32, #tpu.memory_space<vmem>> -> memref<1x1x2048xi32, #tpu.memory_space<vmem>>
      %dma_wait3A_839 = tpu.memref_squeeze %dma_wait3A_838 : memref<1x1x2048xi32, #tpu.memory_space<vmem>> -> memref<1x2048xi32, #tpu.memory_space<vmem>>
      %dma_wait3A_840 = tpu.memref_slice %arg2[%select_n3A_808, %mul3A_826] : memref<50x4096xi32, #tpu.memory_space<hbm>> -> memref<1x2048xi32, #tpu.memory_space<hbm>>
      tpu.wait_dma2 semaphore(%dma_wait3A_835 : memref<!tpu.dma_semaphore, #tpu.memory_space<semaphore_mem>>) src(%dma_wait3A_840 : memref<1x2048xi32, #tpu.memory_space<hbm>>) dst(%dma_wait3A_839 : memref<1x2048xi32, #tpu.memory_space<vmem>>)
      %gt3A_841 = arith.constant 0 : i32
      %gt3A_842 = arith.cmpi sgt, %scan3A_221, %gt3A_841 : i32
      %or3A_843 = arith.constant false
      %or3A_844 = arith.ori %gt3A_842, %or3A_843 : i1
      %convert_element_type3A_845 = arith.extui %or3A_844 : i1 to i32
      %cond3A_846 = arith.constant 0 : i32
      %cond3A_847 = arith.cmpi ne, %convert_element_type3A_845, %cond3A_846 : i32
      scf.if %cond3A_847 {
        %dma_wait3A_926 = arith.constant 4 : i32
        %dma_wait3A_927 = arith.constant 4 : i32
        %dma_wait3A_928 = arith.constant 0 : i32
        %dma_wait3A_929 = arith.constant 0 : i32
        %dma_wait3A_930 = tpu.memref_slice %arg7[%dma_wait3A_926, %dma_wait3A_928, %dma_wait3A_929] : memref<5x1x2048xf32, #tpu.memory_space<vmem>> -> memref<1x1x2048xf32, #tpu.memory_space<vmem>>
        %dma_wait3A_931 = tpu.memref_squeeze %dma_wait3A_930 : memref<1x1x2048xf32, #tpu.memory_space<vmem>> -> memref<1x2048xf32, #tpu.memory_space<vmem>>
        %dma_wait3A_932 = tpu.memref_slice %arg4[%select_n3A_808, %add3A_94, %mul3A_826] : memref<50x64x4096xf32, #tpu.memory_space<hbm>> -> memref<1x1x2048xf32, #tpu.memory_space<hbm>>
        %dma_wait3A_933 = tpu.memref_squeeze %dma_wait3A_932 : memref<1x1x2048xf32, #tpu.memory_space<hbm>> -> memref<1x2048xf32, #tpu.memory_space<hbm>>
        %dma_wait3A_934 = tpu.memref_slice %arg9[%dma_wait3A_927] : memref<5x!tpu.dma_semaphore, #tpu.memory_space<semaphore_mem>> -> memref<1x!tpu.dma_semaphore, #tpu.memory_space<semaphore_mem>>
        %dma_wait3A_935 = tpu.memref_squeeze %dma_wait3A_934 : memref<1x!tpu.dma_semaphore, #tpu.memory_space<semaphore_mem>> -> memref<!tpu.dma_semaphore, #tpu.memory_space<semaphore_mem>>
        %dma_wait3A_936 = tpu.memref_slice %arg4[%select_n3A_808, %add3A_94, %mul3A_826] : memref<50x64x4096xf32, #tpu.memory_space<hbm>> -> memref<1x1x2048xf32, #tpu.memory_space<hbm>>
        %dma_wait3A_937 = tpu.memref_squeeze %dma_wait3A_936 : memref<1x1x2048xf32, #tpu.memory_space<hbm>> -> memref<1x2048xf32, #tpu.memory_space<hbm>>
        %dma_wait3A_938 = arith.constant 0 : i32
        %dma_wait3A_939 = arith.constant 0 : i32
        %dma_wait3A_940 = tpu.memref_slice %arg7[%dma_wait3A_926, %dma_wait3A_938, %dma_wait3A_939] : memref<5x1x2048xf32, #tpu.memory_space<vmem>> -> memref<1x1x2048xf32, #tpu.memory_space<vmem>>
        %dma_wait3A_941 = tpu.memref_squeeze %dma_wait3A_940 : memref<1x1x2048xf32, #tpu.memory_space<vmem>> -> memref<1x2048xf32, #tpu.memory_space<vmem>>
        tpu.wait_dma2 semaphore(%dma_wait3A_935 : memref<!tpu.dma_semaphore, #tpu.memory_space<semaphore_mem>>) src(%dma_wait3A_941 : memref<1x2048xf32, #tpu.memory_space<vmem>>) dst(%dma_wait3A_937 : memref<1x2048xf32, #tpu.memory_space<hbm>>)
      } else {
      }
      %scan3A_848 = arith.constant 0 : i32
      %scan3A_849 = arith.constant 0 : i32
      %scan3A_850 = arith.constant 8 : i32
      %scan3A_851 = arith.addi %scan3A_849, %scan3A_850 : i32
      %scan3A_852 = arith.constant 1 : i32
      scf.for %scan3A_926 = %scan3A_849 to %scan3A_851 step %scan3A_852  : i32 {
        %mul3A_927 = arith.constant 16 : i32
        %mul3A_928 = arith.muli %scan3A_926, %mul3A_927 : i32
        %mul3A_929 = arith.constant 16 : i32
        %mul3A_930 = arith.muli %mul3A_928, %mul3A_929 : i32
        %add3A_931 = arith.constant 0 : i32
        %add3A_932 = arith.addi %mul3A_930, %add3A_931 : i32
        %get3A = arith.constant 4 : i32
        %get3A_933 = arith.constant 0 : i32
        %get3A_934 = arith.index_cast %get3A : i32 to index
        %get3A_935 = arith.index_cast %get3A_933 : i32 to index
        %get3A_936 = arith.index_cast %add3A_932 : i32 to index
        %get3A_937 = tpu.vector_load %arg6[%get3A_934, %get3A_935, %get3A_936] {strides = array<i32>} : memref<5x1x2048xi32, #tpu.memory_space<vmem>>, vector<16xi32>,
        %add3A_938 = arith.constant 16 : i32
        %add3A_939 = arith.addi %mul3A_930, %add3A_938 : i32
        %get3A_940 = arith.constant 4 : i32
        %get3A_941 = arith.constant 0 : i32
        %get3A_942 = arith.index_cast %get3A_940 : i32 to index
        %get3A_943 = arith.index_cast %get3A_941 : i32 to index
        %get3A_944 = arith.index_cast %add3A_939 : i32 to index
        %get3A_945 = tpu.vector_load %arg6[%get3A_942, %get3A_943, %get3A_944] {strides = array<i32>} : memref<5x1x2048xi32, #tpu.memory_space<vmem>>, vector<16xi32>,
        %add3A_946 = arith.constant 32 : i32
        %add3A_947 = arith.addi %mul3A_930, %add3A_946 : i32
        %get3A_948 = arith.constant 4 : i32
        %get3A_949 = arith.constant 0 : i32
        %get3A_950 = arith.index_cast %get3A_948 : i32 to index
        %get3A_951 = arith.index_cast %get3A_949 : i32 to index
        %get3A_952 = arith.index_cast %add3A_947 : i32 to index
        %get3A_953 = tpu.vector_load %arg6[%get3A_950, %get3A_951, %get3A_952] {strides = array<i32>} : memref<5x1x2048xi32, #tpu.memory_space<vmem>>, vector<16xi32>,
        %add3A_954 = arith.constant 48 : i32
        %add3A_955 = arith.addi %mul3A_930, %add3A_954 : i32
        %get3A_956 = arith.constant 4 : i32
        %get3A_957 = arith.constant 0 : i32
        %get3A_958 = arith.index_cast %get3A_956 : i32 to index
        %get3A_959 = arith.index_cast %get3A_957 : i32 to index
        %get3A_960 = arith.index_cast %add3A_955 : i32 to index
        %get3A_961 = tpu.vector_load %arg6[%get3A_958, %get3A_959, %get3A_960] {strides = array<i32>} : memref<5x1x2048xi32, #tpu.memory_space<vmem>>, vector<16xi32>,
        %add3A_962 = arith.constant 64 : i32
        %add3A_963 = arith.addi %mul3A_930, %add3A_962 : i32
        %get3A_964 = arith.constant 4 : i32
        %get3A_965 = arith.constant 0 : i32
        %get3A_966 = arith.index_cast %get3A_964 : i32 to index
        %get3A_967 = arith.index_cast %get3A_965 : i32 to index
        %get3A_968 = arith.index_cast %add3A_963 : i32 to index
        %get3A_969 = tpu.vector_load %arg6[%get3A_966, %get3A_967, %get3A_968] {strides = array<i32>} : memref<5x1x2048xi32, #tpu.memory_space<vmem>>, vector<16xi32>,
        %add3A_970 = arith.constant 80 : i32
        %add3A_971 = arith.addi %mul3A_930, %add3A_970 : i32
        %get3A_972 = arith.constant 4 : i32
        %get3A_973 = arith.constant 0 : i32
        %get3A_974 = arith.index_cast %get3A_972 : i32 to index
        %get3A_975 = arith.index_cast %get3A_973 : i32 to index
        %get3A_976 = arith.index_cast %add3A_971 : i32 to index
        %get3A_977 = tpu.vector_load %arg6[%get3A_974, %get3A_975, %get3A_976] {strides = array<i32>} : memref<5x1x2048xi32, #tpu.memory_space<vmem>>, vector<16xi32>,
        %add3A_978 = arith.constant 96 : i32
        %add3A_979 = arith.addi %mul3A_930, %add3A_978 : i32
        %get3A_980 = arith.constant 4 : i32
        %get3A_981 = arith.constant 0 : i32
        %get3A_982 = arith.index_cast %get3A_980 : i32 to index
        %get3A_983 = arith.index_cast %get3A_981 : i32 to index
        %get3A_984 = arith.index_cast %add3A_979 : i32 to index
        %get3A_985 = tpu.vector_load %arg6[%get3A_982, %get3A_983, %get3A_984] {strides = array<i32>} : memref<5x1x2048xi32, #tpu.memory_space<vmem>>, vector<16xi32>,
        %add3A_986 = arith.constant 112 : i32
        %add3A_987 = arith.addi %mul3A_930, %add3A_986 : i32
        %get3A_988 = arith.constant 4 : i32
        %get3A_989 = arith.constant 0 : i32
        %get3A_990 = arith.index_cast %get3A_988 : i32 to index
        %get3A_991 = arith.index_cast %get3A_989 : i32 to index
        %get3A_992 = arith.index_cast %add3A_987 : i32 to index
        %get3A_993 = tpu.vector_load %arg6[%get3A_990, %get3A_991, %get3A_992] {strides = array<i32>} : memref<5x1x2048xi32, #tpu.memory_space<vmem>>, vector<16xi32>,
        %add3A_994 = arith.constant 128 : i32
        %add3A_995 = arith.addi %mul3A_930, %add3A_994 : i32
        %get3A_996 = arith.constant 4 : i32
        %get3A_997 = arith.constant 0 : i32
        %get3A_998 = arith.index_cast %get3A_996 : i32 to index
        %get3A_999 = arith.index_cast %get3A_997 : i32 to index
        %get3A_1000 = arith.index_cast %add3A_995 : i32 to index
        %get3A_1001 = tpu.vector_load %arg6[%get3A_998, %get3A_999, %get3A_1000] {strides = array<i32>} : memref<5x1x2048xi32, #tpu.memory_space<vmem>>, vector<16xi32>,
        %add3A_1002 = arith.constant 144 : i32
        %add3A_1003 = arith.addi %mul3A_930, %add3A_1002 : i32
        %get3A_1004 = arith.constant 4 : i32
        %get3A_1005 = arith.constant 0 : i32
        %get3A_1006 = arith.index_cast %get3A_1004 : i32 to index
        %get3A_1007 = arith.index_cast %get3A_1005 : i32 to index
        %get3A_1008 = arith.index_cast %add3A_1003 : i32 to index
        %get3A_1009 = tpu.vector_load %arg6[%get3A_1006, %get3A_1007, %get3A_1008] {strides = array<i32>} : memref<5x1x2048xi32, #tpu.memory_space<vmem>>, vector<16xi32>,
        %add3A_1010 = arith.constant 160 : i32
        %add3A_1011 = arith.addi %mul3A_930, %add3A_1010 : i32
        %get3A_1012 = arith.constant 4 : i32
        %get3A_1013 = arith.constant 0 : i32
        %get3A_1014 = arith.index_cast %get3A_1012 : i32 to index
        %get3A_1015 = arith.index_cast %get3A_1013 : i32 to index
        %get3A_1016 = arith.index_cast %add3A_1011 : i32 to index
        %get3A_1017 = tpu.vector_load %arg6[%get3A_1014, %get3A_1015, %get3A_1016] {strides = array<i32>} : memref<5x1x2048xi32, #tpu.memory_space<vmem>>, vector<16xi32>,
        %add3A_1018 = arith.constant 176 : i32
        %add3A_1019 = arith.addi %mul3A_930, %add3A_1018 : i32
        %get3A_1020 = arith.constant 4 : i32
        %get3A_1021 = arith.constant 0 : i32
        %get3A_1022 = arith.index_cast %get3A_1020 : i32 to index
        %get3A_1023 = arith.index_cast %get3A_1021 : i32 to index
        %get3A_1024 = arith.index_cast %add3A_1019 : i32 to index
        %get3A_1025 = tpu.vector_load %arg6[%get3A_1022, %get3A_1023, %get3A_1024] {strides = array<i32>} : memref<5x1x2048xi32, #tpu.memory_space<vmem>>, vector<16xi32>,
        %add3A_1026 = arith.constant 192 : i32
        %add3A_1027 = arith.addi %mul3A_930, %add3A_1026 : i32
        %get3A_1028 = arith.constant 4 : i32
        %get3A_1029 = arith.constant 0 : i32
        %get3A_1030 = arith.index_cast %get3A_1028 : i32 to index
        %get3A_1031 = arith.index_cast %get3A_1029 : i32 to index
        %get3A_1032 = arith.index_cast %add3A_1027 : i32 to index
        %get3A_1033 = tpu.vector_load %arg6[%get3A_1030, %get3A_1031, %get3A_1032] {strides = array<i32>} : memref<5x1x2048xi32, #tpu.memory_space<vmem>>, vector<16xi32>,
        %add3A_1034 = arith.constant 208 : i32
        %add3A_1035 = arith.addi %mul3A_930, %add3A_1034 : i32
        %get3A_1036 = arith.constant 4 : i32
        %get3A_1037 = arith.constant 0 : i32
        %get3A_1038 = arith.index_cast %get3A_1036 : i32 to index
        %get3A_1039 = arith.index_cast %get3A_1037 : i32 to index
        %get3A_1040 = arith.index_cast %add3A_1035 : i32 to index
        %get3A_1041 = tpu.vector_load %arg6[%get3A_1038, %get3A_1039, %get3A_1040] {strides = array<i32>} : memref<5x1x2048xi32, #tpu.memory_space<vmem>>, vector<16xi32>,
        %add3A_1042 = arith.constant 224 : i32
        %add3A_1043 = arith.addi %mul3A_930, %add3A_1042 : i32
        %get3A_1044 = arith.constant 4 : i32
        %get3A_1045 = arith.constant 0 : i32
        %get3A_1046 = arith.index_cast %get3A_1044 : i32 to index
        %get3A_1047 = arith.index_cast %get3A_1045 : i32 to index
        %get3A_1048 = arith.index_cast %add3A_1043 : i32 to index
        %get3A_1049 = tpu.vector_load %arg6[%get3A_1046, %get3A_1047, %get3A_1048] {strides = array<i32>} : memref<5x1x2048xi32, #tpu.memory_space<vmem>>, vector<16xi32>,
        %add3A_1050 = arith.constant 240 : i32
        %add3A_1051 = arith.addi %mul3A_930, %add3A_1050 : i32
        %get3A_1052 = arith.constant 4 : i32
        %get3A_1053 = arith.constant 0 : i32
        %get3A_1054 = arith.index_cast %get3A_1052 : i32 to index
        %get3A_1055 = arith.index_cast %get3A_1053 : i32 to index
        %get3A_1056 = arith.index_cast %add3A_1051 : i32 to index
        %get3A_1057 = tpu.vector_load %arg6[%get3A_1054, %get3A_1055, %get3A_1056] {strides = array<i32>} : memref<5x1x2048xi32, #tpu.memory_space<vmem>>, vector<16xi32>,
        %gather3A = tpu.vector_load_idx %arg5[%broadcast_in_dim3A_3, %get3A_937] : memref<1x100000xf32, #tpu.memory_space<vmem>>[vector<16xi32>, vector<16xi32>], vector<16xf32>,
        %gather3A_1058 = tpu.vector_load_idx %arg5[%broadcast_in_dim3A_3, %get3A_945] : memref<1x100000xf32, #tpu.memory_space<vmem>>[vector<16xi32>, vector<16xi32>], vector<16xf32>,
        %gather3A_1059 = tpu.vector_load_idx %arg5[%broadcast_in_dim3A_3, %get3A_953] : memref<1x100000xf32, #tpu.memory_space<vmem>>[vector<16xi32>, vector<16xi32>], vector<16xf32>,
        %gather3A_1060 = tpu.vector_load_idx %arg5[%broadcast_in_dim3A_3, %get3A_961] : memref<1x100000xf32, #tpu.memory_space<vmem>>[vector<16xi32>, vector<16xi32>], vector<16xf32>,
        %gather3A_1061 = tpu.vector_load_idx %arg5[%broadcast_in_dim3A_3, %get3A_969] : memref<1x100000xf32, #tpu.memory_space<vmem>>[vector<16xi32>, vector<16xi32>], vector<16xf32>,
        %gather3A_1062 = tpu.vector_load_idx %arg5[%broadcast_in_dim3A_3, %get3A_977] : memref<1x100000xf32, #tpu.memory_space<vmem>>[vector<16xi32>, vector<16xi32>], vector<16xf32>,
        %gather3A_1063 = tpu.vector_load_idx %arg5[%broadcast_in_dim3A_3, %get3A_985] : memref<1x100000xf32, #tpu.memory_space<vmem>>[vector<16xi32>, vector<16xi32>], vector<16xf32>,
        %gather3A_1064 = tpu.vector_load_idx %arg5[%broadcast_in_dim3A_3, %get3A_993] : memref<1x100000xf32, #tpu.memory_space<vmem>>[vector<16xi32>, vector<16xi32>], vector<16xf32>,
        %gather3A_1065 = tpu.vector_load_idx %arg5[%broadcast_in_dim3A_3, %get3A_1001] : memref<1x100000xf32, #tpu.memory_space<vmem>>[vector<16xi32>, vector<16xi32>], vector<16xf32>,
        %gather3A_1066 = tpu.vector_load_idx %arg5[%broadcast_in_dim3A_3, %get3A_1009] : memref<1x100000xf32, #tpu.memory_space<vmem>>[vector<16xi32>, vector<16xi32>], vector<16xf32>,
        %gather3A_1067 = tpu.vector_load_idx %arg5[%broadcast_in_dim3A_3, %get3A_1017] : memref<1x100000xf32, #tpu.memory_space<vmem>>[vector<16xi32>, vector<16xi32>], vector<16xf32>,
        %gather3A_1068 = tpu.vector_load_idx %arg5[%broadcast_in_dim3A_3, %get3A_1025] : memref<1x100000xf32, #tpu.memory_space<vmem>>[vector<16xi32>, vector<16xi32>], vector<16xf32>,
        %gather3A_1069 = tpu.vector_load_idx %arg5[%broadcast_in_dim3A_3, %get3A_1033] : memref<1x100000xf32, #tpu.memory_space<vmem>>[vector<16xi32>, vector<16xi32>], vector<16xf32>,
        %gather3A_1070 = tpu.vector_load_idx %arg5[%broadcast_in_dim3A_3, %get3A_1041] : memref<1x100000xf32, #tpu.memory_space<vmem>>[vector<16xi32>, vector<16xi32>], vector<16xf32>,
        %gather3A_1071 = tpu.vector_load_idx %arg5[%broadcast_in_dim3A_3, %get3A_1049] : memref<1x100000xf32, #tpu.memory_space<vmem>>[vector<16xi32>, vector<16xi32>], vector<16xf32>,
        %gather3A_1072 = tpu.vector_load_idx %arg5[%broadcast_in_dim3A_3, %get3A_1057] : memref<1x100000xf32, #tpu.memory_space<vmem>>[vector<16xi32>, vector<16xi32>], vector<16xf32>,
        %add3A_1073 = arith.constant 0 : i32
        %add3A_1074 = arith.addi %mul3A_930, %add3A_1073 : i32
        %swap3A = arith.constant 4 : i32
        %swap3A_1075 = arith.constant 0 : i32
        %swap3A_1076 = arith.index_cast %swap3A : i32 to index
        %swap3A_1077 = arith.index_cast %swap3A_1075 : i32 to index
        %swap3A_1078 = arith.index_cast %add3A_1074 : i32 to index
        %swap3A_1079 = tpu.vector_load %arg7[%swap3A_1076, %swap3A_1077, %swap3A_1078] {strides = array<i32>} : memref<5x1x2048xf32, #tpu.memory_space<vmem>>, vector<16xf32>,
        tpu.vector_store %arg7[%swap3A_1076, %swap3A_1077, %swap3A_1078], %gather3A {strides = array<i32>} : memref<5x1x2048xf32, #tpu.memory_space<vmem>>, vector<16xf32>,
        %add3A_1080 = arith.constant 16 : i32
        %add3A_1081 = arith.addi %mul3A_930, %add3A_1080 : i32
        %swap3A_1082 = arith.constant 4 : i32
        %swap3A_1083 = arith.constant 0 : i32
        %swap3A_1084 = arith.index_cast %swap3A_1082 : i32 to index
        %swap3A_1085 = arith.index_cast %swap3A_1083 : i32 to index
        %swap3A_1086 = arith.index_cast %add3A_1081 : i32 to index
        %swap3A_1087 = tpu.vector_load %arg7[%swap3A_1084, %swap3A_1085, %swap3A_1086] {strides = array<i32>} : memref<5x1x2048xf32, #tpu.memory_space<vmem>>, vector<16xf32>,
        tpu.vector_store %arg7[%swap3A_1084, %swap3A_1085, %swap3A_1086], %gather3A_1058 {strides = array<i32>} : memref<5x1x2048xf32, #tpu.memory_space<vmem>>, vector<16xf32>,
        %add3A_1088 = arith.constant 32 : i32
        %add3A_1089 = arith.addi %mul3A_930, %add3A_1088 : i32
        %swap3A_1090 = arith.constant 4 : i32
        %swap3A_1091 = arith.constant 0 : i32
        %swap3A_1092 = arith.index_cast %swap3A_1090 : i32 to index
        %swap3A_1093 = arith.index_cast %swap3A_1091 : i32 to index
        %swap3A_1094 = arith.index_cast %add3A_1089 : i32 to index
        %swap3A_1095 = tpu.vector_load %arg7[%swap3A_1092, %swap3A_1093, %swap3A_1094] {strides = array<i32>} : memref<5x1x2048xf32, #tpu.memory_space<vmem>>, vector<16xf32>,
        tpu.vector_store %arg7[%swap3A_1092, %swap3A_1093, %swap3A_1094], %gather3A_1059 {strides = array<i32>} : memref<5x1x2048xf32, #tpu.memory_space<vmem>>, vector<16xf32>,
        %add3A_1096 = arith.constant 48 : i32
        %add3A_1097 = arith.addi %mul3A_930, %add3A_1096 : i32
        %swap3A_1098 = arith.constant 4 : i32
        %swap3A_1099 = arith.constant 0 : i32
        %swap3A_1100 = arith.index_cast %swap3A_1098 : i32 to index
        %swap3A_1101 = arith.index_cast %swap3A_1099 : i32 to index
        %swap3A_1102 = arith.index_cast %add3A_1097 : i32 to index
        %swap3A_1103 = tpu.vector_load %arg7[%swap3A_1100, %swap3A_1101, %swap3A_1102] {strides = array<i32>} : memref<5x1x2048xf32, #tpu.memory_space<vmem>>, vector<16xf32>,
        tpu.vector_store %arg7[%swap3A_1100, %swap3A_1101, %swap3A_1102], %gather3A_1060 {strides = array<i32>} : memref<5x1x2048xf32, #tpu.memory_space<vmem>>, vector<16xf32>,
        %add3A_1104 = arith.constant 64 : i32
        %add3A_1105 = arith.addi %mul3A_930, %add3A_1104 : i32
        %swap3A_1106 = arith.constant 4 : i32
        %swap3A_1107 = arith.constant 0 : i32
        %swap3A_1108 = arith.index_cast %swap3A_1106 : i32 to index
        %swap3A_1109 = arith.index_cast %swap3A_1107 : i32 to index
        %swap3A_1110 = arith.index_cast %add3A_1105 : i32 to index
        %swap3A_1111 = tpu.vector_load %arg7[%swap3A_1108, %swap3A_1109, %swap3A_1110] {strides = array<i32>} : memref<5x1x2048xf32, #tpu.memory_space<vmem>>, vector<16xf32>,
        tpu.vector_store %arg7[%swap3A_1108, %swap3A_1109, %swap3A_1110], %gather3A_1061 {strides = array<i32>} : memref<5x1x2048xf32, #tpu.memory_space<vmem>>, vector<16xf32>,
        %add3A_1112 = arith.constant 80 : i32
        %add3A_1113 = arith.addi %mul3A_930, %add3A_1112 : i32
        %swap3A_1114 = arith.constant 4 : i32
        %swap3A_1115 = arith.constant 0 : i32
        %swap3A_1116 = arith.index_cast %swap3A_1114 : i32 to index
        %swap3A_1117 = arith.index_cast %swap3A_1115 : i32 to index
        %swap3A_1118 = arith.index_cast %add3A_1113 : i32 to index
        %swap3A_1119 = tpu.vector_load %arg7[%swap3A_1116, %swap3A_1117, %swap3A_1118] {strides = array<i32>} : memref<5x1x2048xf32, #tpu.memory_space<vmem>>, vector<16xf32>,
        tpu.vector_store %arg7[%swap3A_1116, %swap3A_1117, %swap3A_1118], %gather3A_1062 {strides = array<i32>} : memref<5x1x2048xf32, #tpu.memory_space<vmem>>, vector<16xf32>,
        %add3A_1120 = arith.constant 96 : i32
        %add3A_1121 = arith.addi %mul3A_930, %add3A_1120 : i32
        %swap3A_1122 = arith.constant 4 : i32
        %swap3A_1123 = arith.constant 0 : i32
        %swap3A_1124 = arith.index_cast %swap3A_1122 : i32 to index
        %swap3A_1125 = arith.index_cast %swap3A_1123 : i32 to index
        %swap3A_1126 = arith.index_cast %add3A_1121 : i32 to index
        %swap3A_1127 = tpu.vector_load %arg7[%swap3A_1124, %swap3A_1125, %swap3A_1126] {strides = array<i32>} : memref<5x1x2048xf32, #tpu.memory_space<vmem>>, vector<16xf32>,
        tpu.vector_store %arg7[%swap3A_1124, %swap3A_1125, %swap3A_1126], %gather3A_1063 {strides = array<i32>} : memref<5x1x2048xf32, #tpu.memory_space<vmem>>, vector<16xf32>,
        %add3A_1128 = arith.constant 112 : i32
        %add3A_1129 = arith.addi %mul3A_930, %add3A_1128 : i32
        %swap3A_1130 = arith.constant 4 : i32
        %swap3A_1131 = arith.constant 0 : i32
        %swap3A_1132 = arith.index_cast %swap3A_1130 : i32 to index
        %swap3A_1133 = arith.index_cast %swap3A_1131 : i32 to index
        %swap3A_1134 = arith.index_cast %add3A_1129 : i32 to index
        %swap3A_1135 = tpu.vector_load %arg7[%swap3A_1132, %swap3A_1133, %swap3A_1134] {strides = array<i32>} : memref<5x1x2048xf32, #tpu.memory_space<vmem>>, vector<16xf32>,
        tpu.vector_store %arg7[%swap3A_1132, %swap3A_1133, %swap3A_1134], %gather3A_1064 {strides = array<i32>} : memref<5x1x2048xf32, #tpu.memory_space<vmem>>, vector<16xf32>,
        %add3A_1136 = arith.constant 128 : i32
        %add3A_1137 = arith.addi %mul3A_930, %add3A_1136 : i32
        %swap3A_1138 = arith.constant 4 : i32
        %swap3A_1139 = arith.constant 0 : i32
        %swap3A_1140 = arith.index_cast %swap3A_1138 : i32 to index
        %swap3A_1141 = arith.index_cast %swap3A_1139 : i32 to index
        %swap3A_1142 = arith.index_cast %add3A_1137 : i32 to index
        %swap3A_1143 = tpu.vector_load %arg7[%swap3A_1140, %swap3A_1141, %swap3A_1142] {strides = array<i32>} : memref<5x1x2048xf32, #tpu.memory_space<vmem>>, vector<16xf32>,
        tpu.vector_store %arg7[%swap3A_1140, %swap3A_1141, %swap3A_1142], %gather3A_1065 {strides = array<i32>} : memref<5x1x2048xf32, #tpu.memory_space<vmem>>, vector<16xf32>,
        %add3A_1144 = arith.constant 144 : i32
        %add3A_1145 = arith.addi %mul3A_930, %add3A_1144 : i32
        %swap3A_1146 = arith.constant 4 : i32
        %swap3A_1147 = arith.constant 0 : i32
        %swap3A_1148 = arith.index_cast %swap3A_1146 : i32 to index
        %swap3A_1149 = arith.index_cast %swap3A_1147 : i32 to index
        %swap3A_1150 = arith.index_cast %add3A_1145 : i32 to index
        %swap3A_1151 = tpu.vector_load %arg7[%swap3A_1148, %swap3A_1149, %swap3A_1150] {strides = array<i32>} : memref<5x1x2048xf32, #tpu.memory_space<vmem>>, vector<16xf32>,
        tpu.vector_store %arg7[%swap3A_1148, %swap3A_1149, %swap3A_1150], %gather3A_1066 {strides = array<i32>} : memref<5x1x2048xf32, #tpu.memory_space<vmem>>, vector<16xf32>,
        %add3A_1152 = arith.constant 160 : i32
        %add3A_1153 = arith.addi %mul3A_930, %add3A_1152 : i32
        %swap3A_1154 = arith.constant 4 : i32
        %swap3A_1155 = arith.constant 0 : i32
        %swap3A_1156 = arith.index_cast %swap3A_1154 : i32 to index
        %swap3A_1157 = arith.index_cast %swap3A_1155 : i32 to index
        %swap3A_1158 = arith.index_cast %add3A_1153 : i32 to index
        %swap3A_1159 = tpu.vector_load %arg7[%swap3A_1156, %swap3A_1157, %swap3A_1158] {strides = array<i32>} : memref<5x1x2048xf32, #tpu.memory_space<vmem>>, vector<16xf32>,
        tpu.vector_store %arg7[%swap3A_1156, %swap3A_1157, %swap3A_1158], %gather3A_1067 {strides = array<i32>} : memref<5x1x2048xf32, #tpu.memory_space<vmem>>, vector<16xf32>,
        %add3A_1160 = arith.constant 176 : i32
        %add3A_1161 = arith.addi %mul3A_930, %add3A_1160 : i32
        %swap3A_1162 = arith.constant 4 : i32
        %swap3A_1163 = arith.constant 0 : i32
        %swap3A_1164 = arith.index_cast %swap3A_1162 : i32 to index
        %swap3A_1165 = arith.index_cast %swap3A_1163 : i32 to index
        %swap3A_1166 = arith.index_cast %add3A_1161 : i32 to index
        %swap3A_1167 = tpu.vector_load %arg7[%swap3A_1164, %swap3A_1165, %swap3A_1166] {strides = array<i32>} : memref<5x1x2048xf32, #tpu.memory_space<vmem>>, vector<16xf32>,
        tpu.vector_store %arg7[%swap3A_1164, %swap3A_1165, %swap3A_1166], %gather3A_1068 {strides = array<i32>} : memref<5x1x2048xf32, #tpu.memory_space<vmem>>, vector<16xf32>,
        %add3A_1168 = arith.constant 192 : i32
        %add3A_1169 = arith.addi %mul3A_930, %add3A_1168 : i32
        %swap3A_1170 = arith.constant 4 : i32
        %swap3A_1171 = arith.constant 0 : i32
        %swap3A_1172 = arith.index_cast %swap3A_1170 : i32 to index
        %swap3A_1173 = arith.index_cast %swap3A_1171 : i32 to index
        %swap3A_1174 = arith.index_cast %add3A_1169 : i32 to index
        %swap3A_1175 = tpu.vector_load %arg7[%swap3A_1172, %swap3A_1173, %swap3A_1174] {strides = array<i32>} : memref<5x1x2048xf32, #tpu.memory_space<vmem>>, vector<16xf32>,
        tpu.vector_store %arg7[%swap3A_1172, %swap3A_1173, %swap3A_1174], %gather3A_1069 {strides = array<i32>} : memref<5x1x2048xf32, #tpu.memory_space<vmem>>, vector<16xf32>,
        %add3A_1176 = arith.constant 208 : i32
        %add3A_1177 = arith.addi %mul3A_930, %add3A_1176 : i32
        %swap3A_1178 = arith.constant 4 : i32
        %swap3A_1179 = arith.constant 0 : i32
        %swap3A_1180 = arith.index_cast %swap3A_1178 : i32 to index
        %swap3A_1181 = arith.index_cast %swap3A_1179 : i32 to index
        %swap3A_1182 = arith.index_cast %add3A_1177 : i32 to index
        %swap3A_1183 = tpu.vector_load %arg7[%swap3A_1180, %swap3A_1181, %swap3A_1182] {strides = array<i32>} : memref<5x1x2048xf32, #tpu.memory_space<vmem>>, vector<16xf32>,
        tpu.vector_store %arg7[%swap3A_1180, %swap3A_1181, %swap3A_1182], %gather3A_1070 {strides = array<i32>} : memref<5x1x2048xf32, #tpu.memory_space<vmem>>, vector<16xf32>,
        %add3A_1184 = arith.constant 224 : i32
        %add3A_1185 = arith.addi %mul3A_930, %add3A_1184 : i32
        %swap3A_1186 = arith.constant 4 : i32
        %swap3A_1187 = arith.constant 0 : i32
        %swap3A_1188 = arith.index_cast %swap3A_1186 : i32 to index
        %swap3A_1189 = arith.index_cast %swap3A_1187 : i32 to index
        %swap3A_1190 = arith.index_cast %add3A_1185 : i32 to index
        %swap3A_1191 = tpu.vector_load %arg7[%swap3A_1188, %swap3A_1189, %swap3A_1190] {strides = array<i32>} : memref<5x1x2048xf32, #tpu.memory_space<vmem>>, vector<16xf32>,
        tpu.vector_store %arg7[%swap3A_1188, %swap3A_1189, %swap3A_1190], %gather3A_1071 {strides = array<i32>} : memref<5x1x2048xf32, #tpu.memory_space<vmem>>, vector<16xf32>,
        %add3A_1192 = arith.constant 240 : i32
        %add3A_1193 = arith.addi %mul3A_930, %add3A_1192 : i32
        %swap3A_1194 = arith.constant 4 : i32
        %swap3A_1195 = arith.constant 0 : i32
        %swap3A_1196 = arith.index_cast %swap3A_1194 : i32 to index
        %swap3A_1197 = arith.index_cast %swap3A_1195 : i32 to index
        %swap3A_1198 = arith.index_cast %add3A_1193 : i32 to index
        %swap3A_1199 = tpu.vector_load %arg7[%swap3A_1196, %swap3A_1197, %swap3A_1198] {strides = array<i32>} : memref<5x1x2048xf32, #tpu.memory_space<vmem>>, vector<16xf32>,
        tpu.vector_store %arg7[%swap3A_1196, %swap3A_1197, %swap3A_1198], %gather3A_1072 {strides = array<i32>} : memref<5x1x2048xf32, #tpu.memory_space<vmem>>, vector<16xf32>,
      }
      %scan3A_853 = arith.constant 8 : i32
      %dma_start3A_854 = arith.constant 4 : i32
      %dma_start3A_855 = arith.constant 4 : i32
      %dma_start3A_856 = arith.constant 0 : i32
      %dma_start3A_857 = arith.constant 0 : i32
      %dma_start3A_858 = tpu.memref_slice %arg7[%dma_start3A_854, %dma_start3A_856, %dma_start3A_857] : memref<5x1x2048xf32, #tpu.memory_space<vmem>> -> memref<1x1x2048xf32, #tpu.memory_space<vmem>>
      %dma_start3A_859 = tpu.memref_squeeze %dma_start3A_858 : memref<1x1x2048xf32, #tpu.memory_space<vmem>> -> memref<1x2048xf32, #tpu.memory_space<vmem>>
      %dma_start3A_860 = tpu.memref_slice %arg4[%select_n3A_808, %add3A_94, %mul3A_826] : memref<50x64x4096xf32, #tpu.memory_space<hbm>> -> memref<1x1x2048xf32, #tpu.memory_space<hbm>>
      %dma_start3A_861 = tpu.memref_squeeze %dma_start3A_860 : memref<1x1x2048xf32, #tpu.memory_space<hbm>> -> memref<1x2048xf32, #tpu.memory_space<hbm>>
      %dma_start3A_862 = tpu.memref_slice %arg9[%dma_start3A_855] : memref<5x!tpu.dma_semaphore, #tpu.memory_space<semaphore_mem>> -> memref<1x!tpu.dma_semaphore, #tpu.memory_space<semaphore_mem>>
      %dma_start3A_863 = tpu.memref_squeeze %dma_start3A_862 : memref<1x!tpu.dma_semaphore, #tpu.memory_space<semaphore_mem>> -> memref<!tpu.dma_semaphore, #tpu.memory_space<semaphore_mem>>
      %dma_start3A_864 = tpu.memref_slice %arg4[%select_n3A_808, %add3A_94, %mul3A_826] : memref<50x64x4096xf32, #tpu.memory_space<hbm>> -> memref<1x1x2048xf32, #tpu.memory_space<hbm>>
      %dma_start3A_865 = tpu.memref_squeeze %dma_start3A_864 : memref<1x1x2048xf32, #tpu.memory_space<hbm>> -> memref<1x2048xf32, #tpu.memory_space<hbm>>
      %dma_start3A_866 = arith.constant 0 : i32
      %dma_start3A_867 = arith.constant 0 : i32
      %dma_start3A_868 = tpu.memref_slice %arg7[%dma_start3A_854, %dma_start3A_866, %dma_start3A_867] : memref<5x1x2048xf32, #tpu.memory_space<vmem>> -> memref<1x1x2048xf32, #tpu.memory_space<vmem>>
      %dma_start3A_869 = tpu.memref_squeeze %dma_start3A_868 : memref<1x1x2048xf32, #tpu.memory_space<vmem>> -> memref<1x2048xf32, #tpu.memory_space<vmem>>
      tpu.enqueue_dma source(%dma_start3A_869 : memref<1x2048xf32, #tpu.memory_space<vmem>>) target(%dma_start3A_865 : memref<1x2048xf32, #tpu.memory_space<hbm>>) target_semaphore(%dma_start3A_863 : memref<!tpu.dma_semaphore, #tpu.memory_space<semaphore_mem>>)
      %add3A_870 = arith.constant 5 : i32
      %add3A_871 = arith.addi %add3A_784, %add3A_870 : i32
      %lt3A_872 = arith.constant 100 : i32
      %lt3A_873 = arith.cmpi slt, %add3A_871, %lt3A_872 : i32
      %sub3A_874 = arith.constant 100 : i32
      %sub3A_875 = arith.subi %add3A_871, %sub3A_874 : i32
      %select_n3A_876 = arith.select %lt3A_873, %add3A_871, %sub3A_875 : i32
      %jit3A_877 = arith.constant 2 : i32
      %div3A_878 = arith.divsi %select_n3A_876, %jit3A_877 : i32
      %sign3A_879 = arith.constant 0 : i32
      %sign3A_880 = arith.cmpi sgt, %select_n3A_876, %sign3A_879 : i32
      %sign3A_881 = arith.extui %sign3A_880 : i1 to i32
      %sign3A_882 = arith.constant 0 : i32
      %sign3A_883 = arith.cmpi slt, %select_n3A_876, %sign3A_882 : i32
      %sign3A_884 = arith.extui %sign3A_883 : i1 to i32
      %sign3A_885 = arith.subi %sign3A_881, %sign3A_884 : i32
      %sign3A_886 = arith.constant 0 : i32
      %sign3A_887 = arith.cmpi sgt, %jit3A_877, %sign3A_886 : i32
      %sign3A_888 = arith.extui %sign3A_887 : i1 to i32
      %sign3A_889 = arith.constant 0 : i32
      %sign3A_890 = arith.cmpi slt, %jit3A_877, %sign3A_889 : i32
      %sign3A_891 = arith.extui %sign3A_890 : i1 to i32
      %sign3A_892 = arith.subi %sign3A_888, %sign3A_891 : i32
      %ne3A_893 = arith.cmpi ne, %sign3A_885, %sign3A_892 : i32
      %rem3A_894 = arith.remsi %select_n3A_876, %jit3A_877 : i32
      %ne3A_895 = arith.constant 0 : i32
      %ne3A_896 = arith.cmpi ne, %rem3A_894, %ne3A_895 : i32
      %and3A_897 = arith.andi %ne3A_893, %ne3A_896 : i1
      %sub3A_898 = arith.constant 1 : i32
      %sub3A_899 = arith.subi %div3A_878, %sub3A_898 : i32
      %select_n3A_900 = arith.select %and3A_897, %sub3A_899, %div3A_878 : i32
      %jit3A_901 = arith.constant 2 : i32
      %eq3A_902 = arith.constant 0 : i32
      %eq3A_903 = arith.cmpi eq, %jit3A_901, %eq3A_902 : i32
      %jit3A_904 = arith.constant 1 : i32
      %select_n3A_905 = arith.select %eq3A_903, %jit3A_904, %jit3A_901 : i32
      %rem3A_906 = arith.remsi %select_n3A_876, %select_n3A_905 : i32
      %ne3A_907 = arith.constant 0 : i32
      %ne3A_908 = arith.cmpi ne, %rem3A_906, %ne3A_907 : i32
      %lt3A_909 = arith.constant 0 : i32
      %lt3A_910 = arith.cmpi slt, %rem3A_906, %lt3A_909 : i32
      %lt3A_911 = arith.constant 0 : i32
      %lt3A_912 = arith.cmpi slt, %select_n3A_905, %lt3A_911 : i32
      %ne3A_913 = arith.xori %lt3A_910, %lt3A_912 : i1
      %and3A_914 = arith.andi %ne3A_913, %ne3A_908 : i1
      %add3A_915 = arith.addi %rem3A_906, %select_n3A_905 : i32
      %select_n3A_916 = arith.select %and3A_914, %add3A_915, %rem3A_906 : i32
      %mul3A_917 = arith.constant 2048 : i32
      %mul3A_918 = arith.muli %select_n3A_916, %mul3A_917 : i32
      %lt3A_919 = arith.constant 19 : i32
      %lt3A_920 = arith.cmpi slt, %scan3A_221, %lt3A_919 : i32
      %or3A_921 = arith.constant true
      %or3A_922 = arith.ori %lt3A_920, %or3A_921 : i1
      %convert_element_type3A_923 = arith.extui %or3A_922 : i1 to i32
      %cond3A_924 = arith.constant 0 : i32
      %cond3A_925 = arith.cmpi ne, %convert_element_type3A_923, %cond3A_924 : i32
      scf.if %cond3A_925 {
        %dma_start3A_926 = arith.constant 4 : i32
        %dma_start3A_927 = arith.constant 4 : i32
        %dma_start3A_928 = arith.constant 0 : i32
        %dma_start3A_929 = arith.constant 0 : i32
        %dma_start3A_930 = tpu.memref_slice %arg6[%dma_start3A_926, %dma_start3A_928, %dma_start3A_929] : memref<5x1x2048xi32, #tpu.memory_space<vmem>> -> memref<1x1x2048xi32, #tpu.memory_space<vmem>>
        %dma_start3A_931 = tpu.memref_squeeze %dma_start3A_930 : memref<1x1x2048xi32, #tpu.memory_space<vmem>> -> memref<1x2048xi32, #tpu.memory_space<vmem>>
        %dma_start3A_932 = tpu.memref_slice %arg2[%select_n3A_900, %mul3A_918] : memref<50x4096xi32, #tpu.memory_space<hbm>> -> memref<1x2048xi32, #tpu.memory_space<hbm>>
        %dma_start3A_933 = tpu.memref_slice %arg8[%dma_start3A_927] : memref<5x!tpu.dma_semaphore, #tpu.memory_space<semaphore_mem>> -> memref<1x!tpu.dma_semaphore, #tpu.memory_space<semaphore_mem>>
        %dma_start3A_934 = tpu.memref_squeeze %dma_start3A_933 : memref<1x!tpu.dma_semaphore, #tpu.memory_space<semaphore_mem>> -> memref<!tpu.dma_semaphore, #tpu.memory_space<semaphore_mem>>
        %dma_start3A_935 = arith.constant 0 : i32
        %dma_start3A_936 = arith.constant 0 : i32
        %dma_start3A_937 = tpu.memref_slice %arg6[%dma_start3A_926, %dma_start3A_935, %dma_start3A_936] : memref<5x1x2048xi32, #tpu.memory_space<vmem>> -> memref<1x1x2048xi32, #tpu.memory_space<vmem>>
        %dma_start3A_938 = tpu.memref_squeeze %dma_start3A_937 : memref<1x1x2048xi32, #tpu.memory_space<vmem>> -> memref<1x2048xi32, #tpu.memory_space<vmem>>
        %dma_start3A_939 = tpu.memref_slice %arg2[%select_n3A_900, %mul3A_918] : memref<50x4096xi32, #tpu.memory_space<hbm>> -> memref<1x2048xi32, #tpu.memory_space<hbm>>
        tpu.enqueue_dma source(%dma_start3A_939 : memref<1x2048xi32, #tpu.memory_space<hbm>>) target(%dma_start3A_938 : memref<1x2048xi32, #tpu.memory_space<vmem>>) target_semaphore(%dma_start3A_934 : memref<!tpu.dma_semaphore, #tpu.memory_space<semaphore_mem>>)
      } else {
      }
    }
    %scan3A_99 = arith.constant 20 : i32
    %add3A_100 = arith.constant 1 : i32
    %add3A_101 = arith.addi %mul3A_2, %add3A_100 : i32
    "tpu.region"() ({
      %run_scoped3A = tpu.sem_alloc : memref<!tpu.dma_semaphore, #tpu.memory_space<semaphore_mem>>
      %dma_start3A_221 = arith.constant 0 : i32
      %dma_start3A_222 = tpu.memref_slice %arg3[%add3A_101, %dma_start3A_221] : memref<64x100000xf32, #tpu.memory_space<hbm>> -> memref<1x100000xf32, #tpu.memory_space<hbm>>
      %dma_start3A_223 = arith.constant 0 : i32
      %dma_start3A_224 = tpu.memref_slice %arg3[%add3A_101, %dma_start3A_223] : memref<64x100000xf32, #tpu.memory_space<hbm>> -> memref<1x100000xf32, #tpu.memory_space<hbm>>
      tpu.enqueue_dma source(%dma_start3A_224 : memref<1x100000xf32, #tpu.memory_space<hbm>>) target(%arg5 : memref<1x100000xf32, #tpu.memory_space<vmem>>) target_semaphore(%run_scoped3A : memref<!tpu.dma_semaphore, #tpu.memory_space<semaphore_mem>>)
      %dma_wait3A_225 = arith.constant 0 : i32
      %dma_wait3A_226 = tpu.memref_slice %arg3[%add3A_101, %dma_wait3A_225] : memref<64x100000xf32, #tpu.memory_space<hbm>> -> memref<1x100000xf32, #tpu.memory_space<hbm>>
      %dma_wait3A_227 = arith.constant 0 : i32
      %dma_wait3A_228 = tpu.memref_slice %arg3[%add3A_101, %dma_wait3A_227] : memref<64x100000xf32, #tpu.memory_space<hbm>> -> memref<1x100000xf32, #tpu.memory_space<hbm>>
      tpu.wait_dma2 semaphore(%run_scoped3A : memref<!tpu.dma_semaphore, #tpu.memory_space<semaphore_mem>>) src(%dma_wait3A_228 : memref<1x100000xf32, #tpu.memory_space<hbm>>) dst(%arg5 : memref<1x100000xf32, #tpu.memory_space<vmem>>)
      tpu.yield
    }) : () -> ()
    %scan3A_102 = arith.constant 0 : i32
    %scan3A_103 = arith.constant 0 : i32
    %scan3A_104 = arith.constant 20 : i32
    %scan3A_105 = arith.addi %scan3A_103, %scan3A_104 : i32
    %scan3A_106 = arith.constant 1 : i32
    scf.for %scan3A_221 = %scan3A_103 to %scan3A_105 step %scan3A_106  : i32 {
      %mul3A_222 = arith.constant 5 : i32
      %mul3A_223 = arith.muli %scan3A_221, %mul3A_222 : i32
      %add3A_224 = arith.constant 0 : i32
      %add3A_225 = arith.addi %mul3A_223, %add3A_224 : i32
      %jit3A = arith.constant 2 : i32
      %div3A = arith.divsi %add3A_225, %jit3A : i32
      %sign3A = arith.constant 0 : i32
      %sign3A_226 = arith.cmpi sgt, %add3A_225, %sign3A : i32
      %sign3A_227 = arith.extui %sign3A_226 : i1 to i32
      %sign3A_228 = arith.constant 0 : i32
      %sign3A_229 = arith.cmpi slt, %add3A_225, %sign3A_228 : i32
      %sign3A_230 = arith.extui %sign3A_229 : i1 to i32
      %sign3A_231 = arith.subi %sign3A_227, %sign3A_230 : i32
      %sign3A_232 = arith.constant 0 : i32
      %sign3A_233 = arith.cmpi sgt, %jit3A, %sign3A_232 : i32
      %sign3A_234 = arith.extui %sign3A_233 : i1 to i32
      %sign3A_235 = arith.constant 0 : i32
      %sign3A_236 = arith.cmpi slt, %jit3A, %sign3A_235 : i32
      %sign3A_237 = arith.extui %sign3A_236 : i1 to i32
      %sign3A_238 = arith.subi %sign3A_234, %sign3A_237 : i32
      %ne3A = arith.cmpi ne, %sign3A_231, %sign3A_238 : i32
      %rem3A = arith.remsi %add3A_225, %jit3A : i32
      %ne3A_239 = arith.constant 0 : i32
      %ne3A_240 = arith.cmpi ne, %rem3A, %ne3A_239 : i32
      %and3A = arith.andi %ne3A, %ne3A_240 : i1
      %sub3A_241 = arith.constant 1 : i32
      %sub3A_242 = arith.subi %div3A, %sub3A_241 : i32
      %select_n3A = arith.select %and3A, %sub3A_242, %div3A : i32
      %jit3A_243 = arith.constant 2 : i32
      %eq3A = arith.constant 0 : i32
      %eq3A_244 = arith.cmpi eq, %jit3A_243, %eq3A : i32
      %jit3A_245 = arith.constant 1 : i32
      %select_n3A_246 = arith.select %eq3A_244, %jit3A_245, %jit3A_243 : i32
      %rem3A_247 = arith.remsi %add3A_225, %select_n3A_246 : i32
      %ne3A_248 = arith.constant 0 : i32
      %ne3A_249 = arith.cmpi ne, %rem3A_247, %ne3A_248 : i32
      %lt3A = arith.constant 0 : i32
      %lt3A_250 = arith.cmpi slt, %rem3A_247, %lt3A : i32
      %lt3A_251 = arith.constant 0 : i32
      %lt3A_252 = arith.cmpi slt, %select_n3A_246, %lt3A_251 : i32
      %ne3A_253 = arith.xori %lt3A_250, %lt3A_252 : i1
      %and3A_254 = arith.andi %ne3A_253, %ne3A_249 : i1
      %add3A_255 = arith.addi %rem3A_247, %select_n3A_246 : i32
      %select_n3A_256 = arith.select %and3A_254, %add3A_255, %rem3A_247 : i32
      %mul3A_257 = arith.constant 2048 : i32
      %mul3A_258 = arith.muli %select_n3A_256, %mul3A_257 : i32
      %dma_wait3A_259 = arith.constant 0 : i32
      %dma_wait3A_260 = arith.constant 0 : i32
      %dma_wait3A_261 = arith.constant 0 : i32
      %dma_wait3A_262 = arith.constant 0 : i32
      %dma_wait3A_263 = tpu.memref_slice %arg6[%dma_wait3A_259, %dma_wait3A_261, %dma_wait3A_262] : memref<5x1x2048xi32, #tpu.memory_space<vmem>> -> memref<1x1x2048xi32, #tpu.memory_space<vmem>>
      %dma_wait3A_264 = tpu.memref_squeeze %dma_wait3A_263 : memref<1x1x2048xi32, #tpu.memory_space<vmem>> -> memref<1x2048xi32, #tpu.memory_space<vmem>>
      %dma_wait3A_265 = tpu.memref_slice %arg2[%select_n3A, %mul3A_258] : memref<50x4096xi32, #tpu.memory_space<hbm>> -> memref<1x2048xi32, #tpu.memory_space<hbm>>
      %dma_wait3A_266 = tpu.memref_slice %arg8[%dma_wait3A_260] : memref<5x!tpu.dma_semaphore, #tpu.memory_space<semaphore_mem>> -> memref<1x!tpu.dma_semaphore, #tpu.memory_space<semaphore_mem>>
      %dma_wait3A_267 = tpu.memref_squeeze %dma_wait3A_266 : memref<1x!tpu.dma_semaphore, #tpu.memory_space<semaphore_mem>> -> memref<!tpu.dma_semaphore, #tpu.memory_space<semaphore_mem>>
      %dma_wait3A_268 = arith.constant 0 : i32
      %dma_wait3A_269 = arith.constant 0 : i32
      %dma_wait3A_270 = tpu.memref_slice %arg6[%dma_wait3A_259, %dma_wait3A_268, %dma_wait3A_269] : memref<5x1x2048xi32, #tpu.memory_space<vmem>> -> memref<1x1x2048xi32, #tpu.memory_space<vmem>>
      %dma_wait3A_271 = tpu.memref_squeeze %dma_wait3A_270 : memref<1x1x2048xi32, #tpu.memory_space<vmem>> -> memref<1x2048xi32, #tpu.memory_space<vmem>>
      %dma_wait3A_272 = tpu.memref_slice %arg2[%select_n3A, %mul3A_258] : memref<50x4096xi32, #tpu.memory_space<hbm>> -> memref<1x2048xi32, #tpu.memory_space<hbm>>
      tpu.wait_dma2 semaphore(%dma_wait3A_267 : memref<!tpu.dma_semaphore, #tpu.memory_space<semaphore_mem>>) src(%dma_wait3A_272 : memref<1x2048xi32, #tpu.memory_space<hbm>>) dst(%dma_wait3A_271 : memref<1x2048xi32, #tpu.memory_space<vmem>>)
      %gt3A = arith.constant 0 : i32
      %gt3A_273 = arith.cmpi sgt, %scan3A_221, %gt3A : i32
      %or3A = arith.constant true
      %or3A_274 = arith.ori %gt3A_273, %or3A : i1
      %convert_element_type3A = arith.extui %or3A_274 : i1 to i32
      %cond3A = arith.constant 0 : i32
      %cond3A_275 = arith.cmpi ne, %convert_element_type3A, %cond3A : i32
      scf.if %cond3A_275 {
        %dma_wait3A_926 = arith.constant 0 : i32
        %dma_wait3A_927 = arith.constant 0 : i32
        %dma_wait3A_928 = arith.constant 0 : i32
        %dma_wait3A_929 = arith.constant 0 : i32
        %dma_wait3A_930 = tpu.memref_slice %arg7[%dma_wait3A_926, %dma_wait3A_928, %dma_wait3A_929] : memref<5x1x2048xf32, #tpu.memory_space<vmem>> -> memref<1x1x2048xf32, #tpu.memory_space<vmem>>
        %dma_wait3A_931 = tpu.memref_squeeze %dma_wait3A_930 : memref<1x1x2048xf32, #tpu.memory_space<vmem>> -> memref<1x2048xf32, #tpu.memory_space<vmem>>
        %dma_wait3A_932 = tpu.memref_slice %arg4[%select_n3A, %add3A_101, %mul3A_258] : memref<50x64x4096xf32, #tpu.memory_space<hbm>> -> memref<1x1x2048xf32, #tpu.memory_space<hbm>>
        %dma_wait3A_933 = tpu.memref_squeeze %dma_wait3A_932 : memref<1x1x2048xf32, #tpu.memory_space<hbm>> -> memref<1x2048xf32, #tpu.memory_space<hbm>>
        %dma_wait3A_934 = tpu.memref_slice %arg9[%dma_wait3A_927] : memref<5x!tpu.dma_semaphore, #tpu.memory_space<semaphore_mem>> -> memref<1x!tpu.dma_semaphore, #tpu.memory_space<semaphore_mem>>
        %dma_wait3A_935 = tpu.memref_squeeze %dma_wait3A_934 : memref<1x!tpu.dma_semaphore, #tpu.memory_space<semaphore_mem>> -> memref<!tpu.dma_semaphore, #tpu.memory_space<semaphore_mem>>
        %dma_wait3A_936 = tpu.memref_slice %arg4[%select_n3A, %add3A_101, %mul3A_258] : memref<50x64x4096xf32, #tpu.memory_space<hbm>> -> memref<1x1x2048xf32, #tpu.memory_space<hbm>>
        %dma_wait3A_937 = tpu.memref_squeeze %dma_wait3A_936 : memref<1x1x2048xf32, #tpu.memory_space<hbm>> -> memref<1x2048xf32, #tpu.memory_space<hbm>>
        %dma_wait3A_938 = arith.constant 0 : i32
        %dma_wait3A_939 = arith.constant 0 : i32
        %dma_wait3A_940 = tpu.memref_slice %arg7[%dma_wait3A_926, %dma_wait3A_938, %dma_wait3A_939] : memref<5x1x2048xf32, #tpu.memory_space<vmem>> -> memref<1x1x2048xf32, #tpu.memory_space<vmem>>
        %dma_wait3A_941 = tpu.memref_squeeze %dma_wait3A_940 : memref<1x1x2048xf32, #tpu.memory_space<vmem>> -> memref<1x2048xf32, #tpu.memory_space<vmem>>
        tpu.wait_dma2 semaphore(%dma_wait3A_935 : memref<!tpu.dma_semaphore, #tpu.memory_space<semaphore_mem>>) src(%dma_wait3A_941 : memref<1x2048xf32, #tpu.memory_space<vmem>>) dst(%dma_wait3A_937 : memref<1x2048xf32, #tpu.memory_space<hbm>>)
      } else {
      }
      %scan3A_276 = arith.constant 0 : i32
      %scan3A_277 = arith.constant 0 : i32
      %scan3A_278 = arith.constant 8 : i32
      %scan3A_279 = arith.addi %scan3A_277, %scan3A_278 : i32
      %scan3A_280 = arith.constant 1 : i32
      scf.for %scan3A_926 = %scan3A_277 to %scan3A_279 step %scan3A_280  : i32 {
        %mul3A_927 = arith.constant 16 : i32
        %mul3A_928 = arith.muli %scan3A_926, %mul3A_927 : i32
        %mul3A_929 = arith.constant 16 : i32
        %mul3A_930 = arith.muli %mul3A_928, %mul3A_929 : i32
        %add3A_931 = arith.constant 0 : i32
        %add3A_932 = arith.addi %mul3A_930, %add3A_931 : i32
        %get3A = arith.constant 0 : i32
        %get3A_933 = arith.constant 0 : i32
        %get3A_934 = arith.index_cast %get3A : i32 to index
        %get3A_935 = arith.index_cast %get3A_933 : i32 to index
        %get3A_936 = arith.index_cast %add3A_932 : i32 to index
        %get3A_937 = tpu.vector_load %arg6[%get3A_934, %get3A_935, %get3A_936] {strides = array<i32>} : memref<5x1x2048xi32, #tpu.memory_space<vmem>>, vector<16xi32>,
        %add3A_938 = arith.constant 16 : i32
        %add3A_939 = arith.addi %mul3A_930, %add3A_938 : i32
        %get3A_940 = arith.constant 0 : i32
        %get3A_941 = arith.constant 0 : i32
        %get3A_942 = arith.index_cast %get3A_940 : i32 to index
        %get3A_943 = arith.index_cast %get3A_941 : i32 to index
        %get3A_944 = arith.index_cast %add3A_939 : i32 to index
        %get3A_945 = tpu.vector_load %arg6[%get3A_942, %get3A_943, %get3A_944] {strides = array<i32>} : memref<5x1x2048xi32, #tpu.memory_space<vmem>>, vector<16xi32>,
        %add3A_946 = arith.constant 32 : i32
        %add3A_947 = arith.addi %mul3A_930, %add3A_946 : i32
        %get3A_948 = arith.constant 0 : i32
        %get3A_949 = arith.constant 0 : i32
        %get3A_950 = arith.index_cast %get3A_948 : i32 to index
        %get3A_951 = arith.index_cast %get3A_949 : i32 to index
        %get3A_952 = arith.index_cast %add3A_947 : i32 to index
        %get3A_953 = tpu.vector_load %arg6[%get3A_950, %get3A_951, %get3A_952] {strides = array<i32>} : memref<5x1x2048xi32, #tpu.memory_space<vmem>>, vector<16xi32>,
        %add3A_954 = arith.constant 48 : i32
        %add3A_955 = arith.addi %mul3A_930, %add3A_954 : i32
        %get3A_956 = arith.constant 0 : i32
        %get3A_957 = arith.constant 0 : i32
        %get3A_958 = arith.index_cast %get3A_956 : i32 to index
        %get3A_959 = arith.index_cast %get3A_957 : i32 to index
        %get3A_960 = arith.index_cast %add3A_955 : i32 to index
        %get3A_961 = tpu.vector_load %arg6[%get3A_958, %get3A_959, %get3A_960] {strides = array<i32>} : memref<5x1x2048xi32, #tpu.memory_space<vmem>>, vector<16xi32>,
        %add3A_962 = arith.constant 64 : i32
        %add3A_963 = arith.addi %mul3A_930, %add3A_962 : i32
        %get3A_964 = arith.constant 0 : i32
        %get3A_965 = arith.constant 0 : i32
        %get3A_966 = arith.index_cast %get3A_964 : i32 to index
        %get3A_967 = arith.index_cast %get3A_965 : i32 to index
        %get3A_968 = arith.index_cast %add3A_963 : i32 to index
        %get3A_969 = tpu.vector_load %arg6[%get3A_966, %get3A_967, %get3A_968] {strides = array<i32>} : memref<5x1x2048xi32, #tpu.memory_space<vmem>>, vector<16xi32>,
        %add3A_970 = arith.constant 80 : i32
        %add3A_971 = arith.addi %mul3A_930, %add3A_970 : i32
        %get3A_972 = arith.constant 0 : i32
        %get3A_973 = arith.constant 0 : i32
        %get3A_974 = arith.index_cast %get3A_972 : i32 to index
        %get3A_975 = arith.index_cast %get3A_973 : i32 to index
        %get3A_976 = arith.index_cast %add3A_971 : i32 to index
        %get3A_977 = tpu.vector_load %arg6[%get3A_974, %get3A_975, %get3A_976] {strides = array<i32>} : memref<5x1x2048xi32, #tpu.memory_space<vmem>>, vector<16xi32>,
        %add3A_978 = arith.constant 96 : i32
        %add3A_979 = arith.addi %mul3A_930, %add3A_978 : i32
        %get3A_980 = arith.constant 0 : i32
        %get3A_981 = arith.constant 0 : i32
        %get3A_982 = arith.index_cast %get3A_980 : i32 to index
        %get3A_983 = arith.index_cast %get3A_981 : i32 to index
        %get3A_984 = arith.index_cast %add3A_979 : i32 to index
        %get3A_985 = tpu.vector_load %arg6[%get3A_982, %get3A_983, %get3A_984] {strides = array<i32>} : memref<5x1x2048xi32, #tpu.memory_space<vmem>>, vector<16xi32>,
        %add3A_986 = arith.constant 112 : i32
        %add3A_987 = arith.addi %mul3A_930, %add3A_986 : i32
        %get3A_988 = arith.constant 0 : i32
        %get3A_989 = arith.constant 0 : i32
        %get3A_990 = arith.index_cast %get3A_988 : i32 to index
        %get3A_991 = arith.index_cast %get3A_989 : i32 to index
        %get3A_992 = arith.index_cast %add3A_987 : i32 to index
        %get3A_993 = tpu.vector_load %arg6[%get3A_990, %get3A_991, %get3A_992] {strides = array<i32>} : memref<5x1x2048xi32, #tpu.memory_space<vmem>>, vector<16xi32>,
        %add3A_994 = arith.constant 128 : i32
        %add3A_995 = arith.addi %mul3A_930, %add3A_994 : i32
        %get3A_996 = arith.constant 0 : i32
        %get3A_997 = arith.constant 0 : i32
        %get3A_998 = arith.index_cast %get3A_996 : i32 to index
        %get3A_999 = arith.index_cast %get3A_997 : i32 to index
        %get3A_1000 = arith.index_cast %add3A_995 : i32 to index
        %get3A_1001 = tpu.vector_load %arg6[%get3A_998, %get3A_999, %get3A_1000] {strides = array<i32>} : memref<5x1x2048xi32, #tpu.memory_space<vmem>>, vector<16xi32>,
        %add3A_1002 = arith.constant 144 : i32
        %add3A_1003 = arith.addi %mul3A_930, %add3A_1002 : i32
        %get3A_1004 = arith.constant 0 : i32
        %get3A_1005 = arith.constant 0 : i32
        %get3A_1006 = arith.index_cast %get3A_1004 : i32 to index
        %get3A_1007 = arith.index_cast %get3A_1005 : i32 to index
        %get3A_1008 = arith.index_cast %add3A_1003 : i32 to index
        %get3A_1009 = tpu.vector_load %arg6[%get3A_1006, %get3A_1007, %get3A_1008] {strides = array<i32>} : memref<5x1x2048xi32, #tpu.memory_space<vmem>>, vector<16xi32>,
        %add3A_1010 = arith.constant 160 : i32
        %add3A_1011 = arith.addi %mul3A_930, %add3A_1010 : i32
        %get3A_1012 = arith.constant 0 : i32
        %get3A_1013 = arith.constant 0 : i32
        %get3A_1014 = arith.index_cast %get3A_1012 : i32 to index
        %get3A_1015 = arith.index_cast %get3A_1013 : i32 to index
        %get3A_1016 = arith.index_cast %add3A_1011 : i32 to index
        %get3A_1017 = tpu.vector_load %arg6[%get3A_1014, %get3A_1015, %get3A_1016] {strides = array<i32>} : memref<5x1x2048xi32, #tpu.memory_space<vmem>>, vector<16xi32>,
        %add3A_1018 = arith.constant 176 : i32
        %add3A_1019 = arith.addi %mul3A_930, %add3A_1018 : i32
        %get3A_1020 = arith.constant 0 : i32
        %get3A_1021 = arith.constant 0 : i32
        %get3A_1022 = arith.index_cast %get3A_1020 : i32 to index
        %get3A_1023 = arith.index_cast %get3A_1021 : i32 to index
        %get3A_1024 = arith.index_cast %add3A_1019 : i32 to index
        %get3A_1025 = tpu.vector_load %arg6[%get3A_1022, %get3A_1023, %get3A_1024] {strides = array<i32>} : memref<5x1x2048xi32, #tpu.memory_space<vmem>>, vector<16xi32>,
        %add3A_1026 = arith.constant 192 : i32
        %add3A_1027 = arith.addi %mul3A_930, %add3A_1026 : i32
        %get3A_1028 = arith.constant 0 : i32
        %get3A_1029 = arith.constant 0 : i32
        %get3A_1030 = arith.index_cast %get3A_1028 : i32 to index
        %get3A_1031 = arith.index_cast %get3A_1029 : i32 to index
        %get3A_1032 = arith.index_cast %add3A_1027 : i32 to index
        %get3A_1033 = tpu.vector_load %arg6[%get3A_1030, %get3A_1031, %get3A_1032] {strides = array<i32>} : memref<5x1x2048xi32, #tpu.memory_space<vmem>>, vector<16xi32>,
        %add3A_1034 = arith.constant 208 : i32
        %add3A_1035 = arith.addi %mul3A_930, %add3A_1034 : i32
        %get3A_1036 = arith.constant 0 : i32
        %get3A_1037 = arith.constant 0 : i32
        %get3A_1038 = arith.index_cast %get3A_1036 : i32 to index
        %get3A_1039 = arith.index_cast %get3A_1037 : i32 to index
        %get3A_1040 = arith.index_cast %add3A_1035 : i32 to index
        %get3A_1041 = tpu.vector_load %arg6[%get3A_1038, %get3A_1039, %get3A_1040] {strides = array<i32>} : memref<5x1x2048xi32, #tpu.memory_space<vmem>>, vector<16xi32>,
        %add3A_1042 = arith.constant 224 : i32
        %add3A_1043 = arith.addi %mul3A_930, %add3A_1042 : i32
        %get3A_1044 = arith.constant 0 : i32
        %get3A_1045 = arith.constant 0 : i32
        %get3A_1046 = arith.index_cast %get3A_1044 : i32 to index
        %get3A_1047 = arith.index_cast %get3A_1045 : i32 to index
        %get3A_1048 = arith.index_cast %add3A_1043 : i32 to index
        %get3A_1049 = tpu.vector_load %arg6[%get3A_1046, %get3A_1047, %get3A_1048] {strides = array<i32>} : memref<5x1x2048xi32, #tpu.memory_space<vmem>>, vector<16xi32>,
        %add3A_1050 = arith.constant 240 : i32
        %add3A_1051 = arith.addi %mul3A_930, %add3A_1050 : i32
        %get3A_1052 = arith.constant 0 : i32
        %get3A_1053 = arith.constant 0 : i32
        %get3A_1054 = arith.index_cast %get3A_1052 : i32 to index
        %get3A_1055 = arith.index_cast %get3A_1053 : i32 to index
        %get3A_1056 = arith.index_cast %add3A_1051 : i32 to index
        %get3A_1057 = tpu.vector_load %arg6[%get3A_1054, %get3A_1055, %get3A_1056] {strides = array<i32>} : memref<5x1x2048xi32, #tpu.memory_space<vmem>>, vector<16xi32>,
        %gather3A = tpu.vector_load_idx %arg5[%broadcast_in_dim3A_3, %get3A_937] : memref<1x100000xf32, #tpu.memory_space<vmem>>[vector<16xi32>, vector<16xi32>], vector<16xf32>,
        %gather3A_1058 = tpu.vector_load_idx %arg5[%broadcast_in_dim3A_3, %get3A_945] : memref<1x100000xf32, #tpu.memory_space<vmem>>[vector<16xi32>, vector<16xi32>], vector<16xf32>,
        %gather3A_1059 = tpu.vector_load_idx %arg5[%broadcast_in_dim3A_3, %get3A_953] : memref<1x100000xf32, #tpu.memory_space<vmem>>[vector<16xi32>, vector<16xi32>], vector<16xf32>,
        %gather3A_1060 = tpu.vector_load_idx %arg5[%broadcast_in_dim3A_3, %get3A_961] : memref<1x100000xf32, #tpu.memory_space<vmem>>[vector<16xi32>, vector<16xi32>], vector<16xf32>,
        %gather3A_1061 = tpu.vector_load_idx %arg5[%broadcast_in_dim3A_3, %get3A_969] : memref<1x100000xf32, #tpu.memory_space<vmem>>[vector<16xi32>, vector<16xi32>], vector<16xf32>,
        %gather3A_1062 = tpu.vector_load_idx %arg5[%broadcast_in_dim3A_3, %get3A_977] : memref<1x100000xf32, #tpu.memory_space<vmem>>[vector<16xi32>, vector<16xi32>], vector<16xf32>,
        %gather3A_1063 = tpu.vector_load_idx %arg5[%broadcast_in_dim3A_3, %get3A_985] : memref<1x100000xf32, #tpu.memory_space<vmem>>[vector<16xi32>, vector<16xi32>], vector<16xf32>,
        %gather3A_1064 = tpu.vector_load_idx %arg5[%broadcast_in_dim3A_3, %get3A_993] : memref<1x100000xf32, #tpu.memory_space<vmem>>[vector<16xi32>, vector<16xi32>], vector<16xf32>,
        %gather3A_1065 = tpu.vector_load_idx %arg5[%broadcast_in_dim3A_3, %get3A_1001] : memref<1x100000xf32, #tpu.memory_space<vmem>>[vector<16xi32>, vector<16xi32>], vector<16xf32>,
        %gather3A_1066 = tpu.vector_load_idx %arg5[%broadcast_in_dim3A_3, %get3A_1009] : memref<1x100000xf32, #tpu.memory_space<vmem>>[vector<16xi32>, vector<16xi32>], vector<16xf32>,
        %gather3A_1067 = tpu.vector_load_idx %arg5[%broadcast_in_dim3A_3, %get3A_1017] : memref<1x100000xf32, #tpu.memory_space<vmem>>[vector<16xi32>, vector<16xi32>], vector<16xf32>,
        %gather3A_1068 = tpu.vector_load_idx %arg5[%broadcast_in_dim3A_3, %get3A_1025] : memref<1x100000xf32, #tpu.memory_space<vmem>>[vector<16xi32>, vector<16xi32>], vector<16xf32>,
        %gather3A_1069 = tpu.vector_load_idx %arg5[%broadcast_in_dim3A_3, %get3A_1033] : memref<1x100000xf32, #tpu.memory_space<vmem>>[vector<16xi32>, vector<16xi32>], vector<16xf32>,
        %gather3A_1070 = tpu.vector_load_idx %arg5[%broadcast_in_dim3A_3, %get3A_1041] : memref<1x100000xf32, #tpu.memory_space<vmem>>[vector<16xi32>, vector<16xi32>], vector<16xf32>,
        %gather3A_1071 = tpu.vector_load_idx %arg5[%broadcast_in_dim3A_3, %get3A_1049] : memref<1x100000xf32, #tpu.memory_space<vmem>>[vector<16xi32>, vector<16xi32>], vector<16xf32>,
        %gather3A_1072 = tpu.vector_load_idx %arg5[%broadcast_in_dim3A_3, %get3A_1057] : memref<1x100000xf32, #tpu.memory_space<vmem>>[vector<16xi32>, vector<16xi32>], vector<16xf32>,
        %add3A_1073 = arith.constant 0 : i32
        %add3A_1074 = arith.addi %mul3A_930, %add3A_1073 : i32
        %swap3A = arith.constant 0 : i32
        %swap3A_1075 = arith.constant 0 : i32
        %swap3A_1076 = arith.index_cast %swap3A : i32 to index
        %swap3A_1077 = arith.index_cast %swap3A_1075 : i32 to index
        %swap3A_1078 = arith.index_cast %add3A_1074 : i32 to index
        %swap3A_1079 = tpu.vector_load %arg7[%swap3A_1076, %swap3A_1077, %swap3A_1078] {strides = array<i32>} : memref<5x1x2048xf32, #tpu.memory_space<vmem>>, vector<16xf32>,
        tpu.vector_store %arg7[%swap3A_1076, %swap3A_1077, %swap3A_1078], %gather3A {strides = array<i32>} : memref<5x1x2048xf32, #tpu.memory_space<vmem>>, vector<16xf32>,
        %add3A_1080 = arith.constant 16 : i32
        %add3A_1081 = arith.addi %mul3A_930, %add3A_1080 : i32
        %swap3A_1082 = arith.constant 0 : i32
        %swap3A_1083 = arith.constant 0 : i32
        %swap3A_1084 = arith.index_cast %swap3A_1082 : i32 to index
        %swap3A_1085 = arith.index_cast %swap3A_1083 : i32 to index
        %swap3A_1086 = arith.index_cast %add3A_1081 : i32 to index
        %swap3A_1087 = tpu.vector_load %arg7[%swap3A_1084, %swap3A_1085, %swap3A_1086] {strides = array<i32>} : memref<5x1x2048xf32, #tpu.memory_space<vmem>>, vector<16xf32>,
        tpu.vector_store %arg7[%swap3A_1084, %swap3A_1085, %swap3A_1086], %gather3A_1058 {strides = array<i32>} : memref<5x1x2048xf32, #tpu.memory_space<vmem>>, vector<16xf32>,
        %add3A_1088 = arith.constant 32 : i32
        %add3A_1089 = arith.addi %mul3A_930, %add3A_1088 : i32
        %swap3A_1090 = arith.constant 0 : i32
        %swap3A_1091 = arith.constant 0 : i32
        %swap3A_1092 = arith.index_cast %swap3A_1090 : i32 to index
        %swap3A_1093 = arith.index_cast %swap3A_1091 : i32 to index
        %swap3A_1094 = arith.index_cast %add3A_1089 : i32 to index
        %swap3A_1095 = tpu.vector_load %arg7[%swap3A_1092, %swap3A_1093, %swap3A_1094] {strides = array<i32>} : memref<5x1x2048xf32, #tpu.memory_space<vmem>>, vector<16xf32>,
        tpu.vector_store %arg7[%swap3A_1092, %swap3A_1093, %swap3A_1094], %gather3A_1059 {strides = array<i32>} : memref<5x1x2048xf32, #tpu.memory_space<vmem>>, vector<16xf32>,
        %add3A_1096 = arith.constant 48 : i32
        %add3A_1097 = arith.addi %mul3A_930, %add3A_1096 : i32
        %swap3A_1098 = arith.constant 0 : i32
        %swap3A_1099 = arith.constant 0 : i32
        %swap3A_1100 = arith.index_cast %swap3A_1098 : i32 to index
        %swap3A_1101 = arith.index_cast %swap3A_1099 : i32 to index
        %swap3A_1102 = arith.index_cast %add3A_1097 : i32 to index
        %swap3A_1103 = tpu.vector_load %arg7[%swap3A_1100, %swap3A_1101, %swap3A_1102] {strides = array<i32>} : memref<5x1x2048xf32, #tpu.memory_space<vmem>>, vector<16xf32>,
        tpu.vector_store %arg7[%swap3A_1100, %swap3A_1101, %swap3A_1102], %gather3A_1060 {strides = array<i32>} : memref<5x1x2048xf32, #tpu.memory_space<vmem>>, vector<16xf32>,
        %add3A_1104 = arith.constant 64 : i32
        %add3A_1105 = arith.addi %mul3A_930, %add3A_1104 : i32
        %swap3A_1106 = arith.constant 0 : i32
        %swap3A_1107 = arith.constant 0 : i32
        %swap3A_1108 = arith.index_cast %swap3A_1106 : i32 to index
        %swap3A_1109 = arith.index_cast %swap3A_1107 : i32 to index
        %swap3A_1110 = arith.index_cast %add3A_1105 : i32 to index
        %swap3A_1111 = tpu.vector_load %arg7[%swap3A_1108, %swap3A_1109, %swap3A_1110] {strides = array<i32>} : memref<5x1x2048xf32, #tpu.memory_space<vmem>>, vector<16xf32>,
        tpu.vector_store %arg7[%swap3A_1108, %swap3A_1109, %swap3A_1110], %gather3A_1061 {strides = array<i32>} : memref<5x1x2048xf32, #tpu.memory_space<vmem>>, vector<16xf32>,
        %add3A_1112 = arith.constant 80 : i32
        %add3A_1113 = arith.addi %mul3A_930, %add3A_1112 : i32
        %swap3A_1114 = arith.constant 0 : i32
        %swap3A_1115 = arith.constant 0 : i32
        %swap3A_1116 = arith.index_cast %swap3A_1114 : i32 to index
        %swap3A_1117 = arith.index_cast %swap3A_1115 : i32 to index
        %swap3A_1118 = arith.index_cast %add3A_1113 : i32 to index
        %swap3A_1119 = tpu.vector_load %arg7[%swap3A_1116, %swap3A_1117, %swap3A_1118] {strides = array<i32>} : memref<5x1x2048xf32, #tpu.memory_space<vmem>>, vector<16xf32>,
        tpu.vector_store %arg7[%swap3A_1116, %swap3A_1117, %swap3A_1118], %gather3A_1062 {strides = array<i32>} : memref<5x1x2048xf32, #tpu.memory_space<vmem>>, vector<16xf32>,
        %add3A_1120 = arith.constant 96 : i32
        %add3A_1121 = arith.addi %mul3A_930, %add3A_1120 : i32
        %swap3A_1122 = arith.constant 0 : i32
        %swap3A_1123 = arith.constant 0 : i32
        %swap3A_1124 = arith.index_cast %swap3A_1122 : i32 to index
        %swap3A_1125 = arith.index_cast %swap3A_1123 : i32 to index
        %swap3A_1126 = arith.index_cast %add3A_1121 : i32 to index
        %swap3A_1127 = tpu.vector_load %arg7[%swap3A_1124, %swap3A_1125, %swap3A_1126] {strides = array<i32>} : memref<5x1x2048xf32, #tpu.memory_space<vmem>>, vector<16xf32>,
        tpu.vector_store %arg7[%swap3A_1124, %swap3A_1125, %swap3A_1126], %gather3A_1063 {strides = array<i32>} : memref<5x1x2048xf32, #tpu.memory_space<vmem>>, vector<16xf32>,
        %add3A_1128 = arith.constant 112 : i32
        %add3A_1129 = arith.addi %mul3A_930, %add3A_1128 : i32
        %swap3A_1130 = arith.constant 0 : i32
        %swap3A_1131 = arith.constant 0 : i32
        %swap3A_1132 = arith.index_cast %swap3A_1130 : i32 to index
        %swap3A_1133 = arith.index_cast %swap3A_1131 : i32 to index
        %swap3A_1134 = arith.index_cast %add3A_1129 : i32 to index
        %swap3A_1135 = tpu.vector_load %arg7[%swap3A_1132, %swap3A_1133, %swap3A_1134] {strides = array<i32>} : memref<5x1x2048xf32, #tpu.memory_space<vmem>>, vector<16xf32>,
        tpu.vector_store %arg7[%swap3A_1132, %swap3A_1133, %swap3A_1134], %gather3A_1064 {strides = array<i32>} : memref<5x1x2048xf32, #tpu.memory_space<vmem>>, vector<16xf32>,
        %add3A_1136 = arith.constant 128 : i32
        %add3A_1137 = arith.addi %mul3A_930, %add3A_1136 : i32
        %swap3A_1138 = arith.constant 0 : i32
        %swap3A_1139 = arith.constant 0 : i32
        %swap3A_1140 = arith.index_cast %swap3A_1138 : i32 to index
        %swap3A_1141 = arith.index_cast %swap3A_1139 : i32 to index
        %swap3A_1142 = arith.index_cast %add3A_1137 : i32 to index
        %swap3A_1143 = tpu.vector_load %arg7[%swap3A_1140, %swap3A_1141, %swap3A_1142] {strides = array<i32>} : memref<5x1x2048xf32, #tpu.memory_space<vmem>>, vector<16xf32>,
        tpu.vector_store %arg7[%swap3A_1140, %swap3A_1141, %swap3A_1142], %gather3A_1065 {strides = array<i32>} : memref<5x1x2048xf32, #tpu.memory_space<vmem>>, vector<16xf32>,
        %add3A_1144 = arith.constant 144 : i32
        %add3A_1145 = arith.addi %mul3A_930, %add3A_1144 : i32
        %swap3A_1146 = arith.constant 0 : i32
        %swap3A_1147 = arith.constant 0 : i32
        %swap3A_1148 = arith.index_cast %swap3A_1146 : i32 to index
        %swap3A_1149 = arith.index_cast %swap3A_1147 : i32 to index
        %swap3A_1150 = arith.index_cast %add3A_1145 : i32 to index
        %swap3A_1151 = tpu.vector_load %arg7[%swap3A_1148, %swap3A_1149, %swap3A_1150] {strides = array<i32>} : memref<5x1x2048xf32, #tpu.memory_space<vmem>>, vector<16xf32>,
        tpu.vector_store %arg7[%swap3A_1148, %swap3A_1149, %swap3A_1150], %gather3A_1066 {strides = array<i32>} : memref<5x1x2048xf32, #tpu.memory_space<vmem>>, vector<16xf32>,
        %add3A_1152 = arith.constant 160 : i32
        %add3A_1153 = arith.addi %mul3A_930, %add3A_1152 : i32
        %swap3A_1154 = arith.constant 0 : i32
        %swap3A_1155 = arith.constant 0 : i32
        %swap3A_1156 = arith.index_cast %swap3A_1154 : i32 to index
        %swap3A_1157 = arith.index_cast %swap3A_1155 : i32 to index
        %swap3A_1158 = arith.index_cast %add3A_1153 : i32 to index
        %swap3A_1159 = tpu.vector_load %arg7[%swap3A_1156, %swap3A_1157, %swap3A_1158] {strides = array<i32>} : memref<5x1x2048xf32, #tpu.memory_space<vmem>>, vector<16xf32>,
        tpu.vector_store %arg7[%swap3A_1156, %swap3A_1157, %swap3A_1158], %gather3A_1067 {strides = array<i32>} : memref<5x1x2048xf32, #tpu.memory_space<vmem>>, vector<16xf32>,
        %add3A_1160 = arith.constant 176 : i32
        %add3A_1161 = arith.addi %mul3A_930, %add3A_1160 : i32
        %swap3A_1162 = arith.constant 0 : i32
        %swap3A_1163 = arith.constant 0 : i32
        %swap3A_1164 = arith.index_cast %swap3A_1162 : i32 to index
        %swap3A_1165 = arith.index_cast %swap3A_1163 : i32 to index
        %swap3A_1166 = arith.index_cast %add3A_1161 : i32 to index
        %swap3A_1167 = tpu.vector_load %arg7[%swap3A_1164, %swap3A_1165, %swap3A_1166] {strides = array<i32>} : memref<5x1x2048xf32, #tpu.memory_space<vmem>>, vector<16xf32>,
        tpu.vector_store %arg7[%swap3A_1164, %swap3A_1165, %swap3A_1166], %gather3A_1068 {strides = array<i32>} : memref<5x1x2048xf32, #tpu.memory_space<vmem>>, vector<16xf32>,
        %add3A_1168 = arith.constant 192 : i32
        %add3A_1169 = arith.addi %mul3A_930, %add3A_1168 : i32
        %swap3A_1170 = arith.constant 0 : i32
        %swap3A_1171 = arith.constant 0 : i32
        %swap3A_1172 = arith.index_cast %swap3A_1170 : i32 to index
        %swap3A_1173 = arith.index_cast %swap3A_1171 : i32 to index
        %swap3A_1174 = arith.index_cast %add3A_1169 : i32 to index
        %swap3A_1175 = tpu.vector_load %arg7[%swap3A_1172, %swap3A_1173, %swap3A_1174] {strides = array<i32>} : memref<5x1x2048xf32, #tpu.memory_space<vmem>>, vector<16xf32>,
        tpu.vector_store %arg7[%swap3A_1172, %swap3A_1173, %swap3A_1174], %gather3A_1069 {strides = array<i32>} : memref<5x1x2048xf32, #tpu.memory_space<vmem>>, vector<16xf32>,
        %add3A_1176 = arith.constant 208 : i32
        %add3A_1177 = arith.addi %mul3A_930, %add3A_1176 : i32
        %swap3A_1178 = arith.constant 0 : i32
        %swap3A_1179 = arith.constant 0 : i32
        %swap3A_1180 = arith.index_cast %swap3A_1178 : i32 to index
        %swap3A_1181 = arith.index_cast %swap3A_1179 : i32 to index
        %swap3A_1182 = arith.index_cast %add3A_1177 : i32 to index
        %swap3A_1183 = tpu.vector_load %arg7[%swap3A_1180, %swap3A_1181, %swap3A_1182] {strides = array<i32>} : memref<5x1x2048xf32, #tpu.memory_space<vmem>>, vector<16xf32>,
        tpu.vector_store %arg7[%swap3A_1180, %swap3A_1181, %swap3A_1182], %gather3A_1070 {strides = array<i32>} : memref<5x1x2048xf32, #tpu.memory_space<vmem>>, vector<16xf32>,
        %add3A_1184 = arith.constant 224 : i32
        %add3A_1185 = arith.addi %mul3A_930, %add3A_1184 : i32
        %swap3A_1186 = arith.constant 0 : i32
        %swap3A_1187 = arith.constant 0 : i32
        %swap3A_1188 = arith.index_cast %swap3A_1186 : i32 to index
        %swap3A_1189 = arith.index_cast %swap3A_1187 : i32 to index
        %swap3A_1190 = arith.index_cast %add3A_1185 : i32 to index
        %swap3A_1191 = tpu.vector_load %arg7[%swap3A_1188, %swap3A_1189, %swap3A_1190] {strides = array<i32>} : memref<5x1x2048xf32, #tpu.memory_space<vmem>>, vector<16xf32>,
        tpu.vector_store %arg7[%swap3A_1188, %swap3A_1189, %swap3A_1190], %gather3A_1071 {strides = array<i32>} : memref<5x1x2048xf32, #tpu.memory_space<vmem>>, vector<16xf32>,
        %add3A_1192 = arith.constant 240 : i32
        %add3A_1193 = arith.addi %mul3A_930, %add3A_1192 : i32
        %swap3A_1194 = arith.constant 0 : i32
        %swap3A_1195 = arith.constant 0 : i32
        %swap3A_1196 = arith.index_cast %swap3A_1194 : i32 to index
        %swap3A_1197 = arith.index_cast %swap3A_1195 : i32 to index
        %swap3A_1198 = arith.index_cast %add3A_1193 : i32 to index
        %swap3A_1199 = tpu.vector_load %arg7[%swap3A_1196, %swap3A_1197, %swap3A_1198] {strides = array<i32>} : memref<5x1x2048xf32, #tpu.memory_space<vmem>>, vector<16xf32>,
        tpu.vector_store %arg7[%swap3A_1196, %swap3A_1197, %swap3A_1198], %gather3A_1072 {strides = array<i32>} : memref<5x1x2048xf32, #tpu.memory_space<vmem>>, vector<16xf32>,
      }
      %scan3A_281 = arith.constant 8 : i32
      %dma_start3A_282 = arith.constant 0 : i32
      %dma_start3A_283 = arith.constant 0 : i32
      %dma_start3A_284 = arith.constant 0 : i32
      %dma_start3A_285 = arith.constant 0 : i32
      %dma_start3A_286 = tpu.memref_slice %arg7[%dma_start3A_282, %dma_start3A_284, %dma_start3A_285] : memref<5x1x2048xf32, #tpu.memory_space<vmem>> -> memref<1x1x2048xf32, #tpu.memory_space<vmem>>
      %dma_start3A_287 = tpu.memref_squeeze %dma_start3A_286 : memref<1x1x2048xf32, #tpu.memory_space<vmem>> -> memref<1x2048xf32, #tpu.memory_space<vmem>>
      %dma_start3A_288 = tpu.memref_slice %arg4[%select_n3A, %add3A_101, %mul3A_258] : memref<50x64x4096xf32, #tpu.memory_space<hbm>> -> memref<1x1x2048xf32, #tpu.memory_space<hbm>>
      %dma_start3A_289 = tpu.memref_squeeze %dma_start3A_288 : memref<1x1x2048xf32, #tpu.memory_space<hbm>> -> memref<1x2048xf32, #tpu.memory_space<hbm>>
      %dma_start3A_290 = tpu.memref_slice %arg9[%dma_start3A_283] : memref<5x!tpu.dma_semaphore, #tpu.memory_space<semaphore_mem>> -> memref<1x!tpu.dma_semaphore, #tpu.memory_space<semaphore_mem>>
      %dma_start3A_291 = tpu.memref_squeeze %dma_start3A_290 : memref<1x!tpu.dma_semaphore, #tpu.memory_space<semaphore_mem>> -> memref<!tpu.dma_semaphore, #tpu.memory_space<semaphore_mem>>
      %dma_start3A_292 = tpu.memref_slice %arg4[%select_n3A, %add3A_101, %mul3A_258] : memref<50x64x4096xf32, #tpu.memory_space<hbm>> -> memref<1x1x2048xf32, #tpu.memory_space<hbm>>
      %dma_start3A_293 = tpu.memref_squeeze %dma_start3A_292 : memref<1x1x2048xf32, #tpu.memory_space<hbm>> -> memref<1x2048xf32, #tpu.memory_space<hbm>>
      %dma_start3A_294 = arith.constant 0 : i32
      %dma_start3A_295 = arith.constant 0 : i32
      %dma_start3A_296 = tpu.memref_slice %arg7[%dma_start3A_282, %dma_start3A_294, %dma_start3A_295] : memref<5x1x2048xf32, #tpu.memory_space<vmem>> -> memref<1x1x2048xf32, #tpu.memory_space<vmem>>
      %dma_start3A_297 = tpu.memref_squeeze %dma_start3A_296 : memref<1x1x2048xf32, #tpu.memory_space<vmem>> -> memref<1x2048xf32, #tpu.memory_space<vmem>>
      tpu.enqueue_dma source(%dma_start3A_297 : memref<1x2048xf32, #tpu.memory_space<vmem>>) target(%dma_start3A_293 : memref<1x2048xf32, #tpu.memory_space<hbm>>) target_semaphore(%dma_start3A_291 : memref<!tpu.dma_semaphore, #tpu.memory_space<semaphore_mem>>)
      %add3A_298 = arith.constant 5 : i32
      %add3A_299 = arith.addi %add3A_225, %add3A_298 : i32
      %lt3A_300 = arith.constant 100 : i32
      %lt3A_301 = arith.cmpi slt, %add3A_299, %lt3A_300 : i32
      %sub3A_302 = arith.constant 100 : i32
      %sub3A_303 = arith.subi %add3A_299, %sub3A_302 : i32
      %select_n3A_304 = arith.select %lt3A_301, %add3A_299, %sub3A_303 : i32
      %jit3A_305 = arith.constant 2 : i32
      %div3A_306 = arith.divsi %select_n3A_304, %jit3A_305 : i32
      %sign3A_307 = arith.constant 0 : i32
      %sign3A_308 = arith.cmpi sgt, %select_n3A_304, %sign3A_307 : i32
      %sign3A_309 = arith.extui %sign3A_308 : i1 to i32
      %sign3A_310 = arith.constant 0 : i32
      %sign3A_311 = arith.cmpi slt, %select_n3A_304, %sign3A_310 : i32
      %sign3A_312 = arith.extui %sign3A_311 : i1 to i32
      %sign3A_313 = arith.subi %sign3A_309, %sign3A_312 : i32
      %sign3A_314 = arith.constant 0 : i32
      %sign3A_315 = arith.cmpi sgt, %jit3A_305, %sign3A_314 : i32
      %sign3A_316 = arith.extui %sign3A_315 : i1 to i32
      %sign3A_317 = arith.constant 0 : i32
      %sign3A_318 = arith.cmpi slt, %jit3A_305, %sign3A_317 : i32
      %sign3A_319 = arith.extui %sign3A_318 : i1 to i32
      %sign3A_320 = arith.subi %sign3A_316, %sign3A_319 : i32
      %ne3A_321 = arith.cmpi ne, %sign3A_313, %sign3A_320 : i32
      %rem3A_322 = arith.remsi %select_n3A_304, %jit3A_305 : i32
      %ne3A_323 = arith.constant 0 : i32
      %ne3A_324 = arith.cmpi ne, %rem3A_322, %ne3A_323 : i32
      %and3A_325 = arith.andi %ne3A_321, %ne3A_324 : i1
      %sub3A_326 = arith.constant 1 : i32
      %sub3A_327 = arith.subi %div3A_306, %sub3A_326 : i32
      %select_n3A_328 = arith.select %and3A_325, %sub3A_327, %div3A_306 : i32
      %jit3A_329 = arith.constant 2 : i32
      %eq3A_330 = arith.constant 0 : i32
      %eq3A_331 = arith.cmpi eq, %jit3A_329, %eq3A_330 : i32
      %jit3A_332 = arith.constant 1 : i32
      %select_n3A_333 = arith.select %eq3A_331, %jit3A_332, %jit3A_329 : i32
      %rem3A_334 = arith.remsi %select_n3A_304, %select_n3A_333 : i32
      %ne3A_335 = arith.constant 0 : i32
      %ne3A_336 = arith.cmpi ne, %rem3A_334, %ne3A_335 : i32
      %lt3A_337 = arith.constant 0 : i32
      %lt3A_338 = arith.cmpi slt, %rem3A_334, %lt3A_337 : i32
      %lt3A_339 = arith.constant 0 : i32
      %lt3A_340 = arith.cmpi slt, %select_n3A_333, %lt3A_339 : i32
      %ne3A_341 = arith.xori %lt3A_338, %lt3A_340 : i1
      %and3A_342 = arith.andi %ne3A_341, %ne3A_336 : i1
      %add3A_343 = arith.addi %rem3A_334, %select_n3A_333 : i32
      %select_n3A_344 = arith.select %and3A_342, %add3A_343, %rem3A_334 : i32
      %mul3A_345 = arith.constant 2048 : i32
      %mul3A_346 = arith.muli %select_n3A_344, %mul3A_345 : i32
      %lt3A_347 = arith.constant 19 : i32
      %lt3A_348 = arith.cmpi slt, %scan3A_221, %lt3A_347 : i32
      %or3A_349 = arith.constant false
      %or3A_350 = arith.ori %lt3A_348, %or3A_349 : i1
      %convert_element_type3A_351 = arith.extui %or3A_350 : i1 to i32
      %cond3A_352 = arith.constant 0 : i32
      %cond3A_353 = arith.cmpi ne, %convert_element_type3A_351, %cond3A_352 : i32
      scf.if %cond3A_353 {
        %dma_start3A_926 = arith.constant 0 : i32
        %dma_start3A_927 = arith.constant 0 : i32
        %dma_start3A_928 = arith.constant 0 : i32
        %dma_start3A_929 = arith.constant 0 : i32
        %dma_start3A_930 = tpu.memref_slice %arg6[%dma_start3A_926, %dma_start3A_928, %dma_start3A_929] : memref<5x1x2048xi32, #tpu.memory_space<vmem>> -> memref<1x1x2048xi32, #tpu.memory_space<vmem>>
        %dma_start3A_931 = tpu.memref_squeeze %dma_start3A_930 : memref<1x1x2048xi32, #tpu.memory_space<vmem>> -> memref<1x2048xi32, #tpu.memory_space<vmem>>
        %dma_start3A_932 = tpu.memref_slice %arg2[%select_n3A_328, %mul3A_346] : memref<50x4096xi32, #tpu.memory_space<hbm>> -> memref<1x2048xi32, #tpu.memory_space<hbm>>
        %dma_start3A_933 = tpu.memref_slice %arg8[%dma_start3A_927] : memref<5x!tpu.dma_semaphore, #tpu.memory_space<semaphore_mem>> -> memref<1x!tpu.dma_semaphore, #tpu.memory_space<semaphore_mem>>
        %dma_start3A_934 = tpu.memref_squeeze %dma_start3A_933 : memref<1x!tpu.dma_semaphore, #tpu.memory_space<semaphore_mem>> -> memref<!tpu.dma_semaphore, #tpu.memory_space<semaphore_mem>>
        %dma_start3A_935 = arith.constant 0 : i32
        %dma_start3A_936 = arith.constant 0 : i32
        %dma_start3A_937 = tpu.memref_slice %arg6[%dma_start3A_926, %dma_start3A_935, %dma_start3A_936] : memref<5x1x2048xi32, #tpu.memory_space<vmem>> -> memref<1x1x2048xi32, #tpu.memory_space<vmem>>
        %dma_start3A_938 = tpu.memref_squeeze %dma_start3A_937 : memref<1x1x2048xi32, #tpu.memory_space<vmem>> -> memref<1x2048xi32, #tpu.memory_space<vmem>>
        %dma_start3A_939 = tpu.memref_slice %arg2[%select_n3A_328, %mul3A_346] : memref<50x4096xi32, #tpu.memory_space<hbm>> -> memref<1x2048xi32, #tpu.memory_space<hbm>>
        tpu.enqueue_dma source(%dma_start3A_939 : memref<1x2048xi32, #tpu.memory_space<hbm>>) target(%dma_start3A_938 : memref<1x2048xi32, #tpu.memory_space<vmem>>) target_semaphore(%dma_start3A_934 : memref<!tpu.dma_semaphore, #tpu.memory_space<semaphore_mem>>)
      } else {
      }
      %add3A_354 = arith.constant 1 : i32
      %add3A_355 = arith.addi %mul3A_223, %add3A_354 : i32
      %jit3A_356 = arith.constant 2 : i32
      %div3A_357 = arith.divsi %add3A_355, %jit3A_356 : i32
      %sign3A_358 = arith.constant 0 : i32
      %sign3A_359 = arith.cmpi sgt, %add3A_355, %sign3A_358 : i32
      %sign3A_360 = arith.extui %sign3A_359 : i1 to i32
      %sign3A_361 = arith.constant 0 : i32
      %sign3A_362 = arith.cmpi slt, %add3A_355, %sign3A_361 : i32
      %sign3A_363 = arith.extui %sign3A_362 : i1 to i32
      %sign3A_364 = arith.subi %sign3A_360, %sign3A_363 : i32
      %sign3A_365 = arith.constant 0 : i32
      %sign3A_366 = arith.cmpi sgt, %jit3A_356, %sign3A_365 : i32
      %sign3A_367 = arith.extui %sign3A_366 : i1 to i32
      %sign3A_368 = arith.constant 0 : i32
      %sign3A_369 = arith.cmpi slt, %jit3A_356, %sign3A_368 : i32
      %sign3A_370 = arith.extui %sign3A_369 : i1 to i32
      %sign3A_371 = arith.subi %sign3A_367, %sign3A_370 : i32
      %ne3A_372 = arith.cmpi ne, %sign3A_364, %sign3A_371 : i32
      %rem3A_373 = arith.remsi %add3A_355, %jit3A_356 : i32
      %ne3A_374 = arith.constant 0 : i32
      %ne3A_375 = arith.cmpi ne, %rem3A_373, %ne3A_374 : i32
      %and3A_376 = arith.andi %ne3A_372, %ne3A_375 : i1
      %sub3A_377 = arith.constant 1 : i32
      %sub3A_378 = arith.subi %div3A_357, %sub3A_377 : i32
      %select_n3A_379 = arith.select %and3A_376, %sub3A_378, %div3A_357 : i32
      %jit3A_380 = arith.constant 2 : i32
      %eq3A_381 = arith.constant 0 : i32
      %eq3A_382 = arith.cmpi eq, %jit3A_380, %eq3A_381 : i32
      %jit3A_383 = arith.constant 1 : i32
      %select_n3A_384 = arith.select %eq3A_382, %jit3A_383, %jit3A_380 : i32
      %rem3A_385 = arith.remsi %add3A_355, %select_n3A_384 : i32
      %ne3A_386 = arith.constant 0 : i32
      %ne3A_387 = arith.cmpi ne, %rem3A_385, %ne3A_386 : i32
      %lt3A_388 = arith.constant 0 : i32
      %lt3A_389 = arith.cmpi slt, %rem3A_385, %lt3A_388 : i32
      %lt3A_390 = arith.constant 0 : i32
      %lt3A_391 = arith.cmpi slt, %select_n3A_384, %lt3A_390 : i32
      %ne3A_392 = arith.xori %lt3A_389, %lt3A_391 : i1
      %and3A_393 = arith.andi %ne3A_392, %ne3A_387 : i1
      %add3A_394 = arith.addi %rem3A_385, %select_n3A_384 : i32
      %select_n3A_395 = arith.select %and3A_393, %add3A_394, %rem3A_385 : i32
      %mul3A_396 = arith.constant 2048 : i32
      %mul3A_397 = arith.muli %select_n3A_395, %mul3A_396 : i32
      %dma_wait3A_398 = arith.constant 1 : i32
      %dma_wait3A_399 = arith.constant 1 : i32
      %dma_wait3A_400 = arith.constant 0 : i32
      %dma_wait3A_401 = arith.constant 0 : i32
      %dma_wait3A_402 = tpu.memref_slice %arg6[%dma_wait3A_398, %dma_wait3A_400, %dma_wait3A_401] : memref<5x1x2048xi32, #tpu.memory_space<vmem>> -> memref<1x1x2048xi32, #tpu.memory_space<vmem>>
      %dma_wait3A_403 = tpu.memref_squeeze %dma_wait3A_402 : memref<1x1x2048xi32, #tpu.memory_space<vmem>> -> memref<1x2048xi32, #tpu.memory_space<vmem>>
      %dma_wait3A_404 = tpu.memref_slice %arg2[%select_n3A_379, %mul3A_397] : memref<50x4096xi32, #tpu.memory_space<hbm>> -> memref<1x2048xi32, #tpu.memory_space<hbm>>
      %dma_wait3A_405 = tpu.memref_slice %arg8[%dma_wait3A_399] : memref<5x!tpu.dma_semaphore, #tpu.memory_space<semaphore_mem>> -> memref<1x!tpu.dma_semaphore, #tpu.memory_space<semaphore_mem>>
      %dma_wait3A_406 = tpu.memref_squeeze %dma_wait3A_405 : memref<1x!tpu.dma_semaphore, #tpu.memory_space<semaphore_mem>> -> memref<!tpu.dma_semaphore, #tpu.memory_space<semaphore_mem>>
      %dma_wait3A_407 = arith.constant 0 : i32
      %dma_wait3A_408 = arith.constant 0 : i32
      %dma_wait3A_409 = tpu.memref_slice %arg6[%dma_wait3A_398, %dma_wait3A_407, %dma_wait3A_408] : memref<5x1x2048xi32, #tpu.memory_space<vmem>> -> memref<1x1x2048xi32, #tpu.memory_space<vmem>>
      %dma_wait3A_410 = tpu.memref_squeeze %dma_wait3A_409 : memref<1x1x2048xi32, #tpu.memory_space<vmem>> -> memref<1x2048xi32, #tpu.memory_space<vmem>>
      %dma_wait3A_411 = tpu.memref_slice %arg2[%select_n3A_379, %mul3A_397] : memref<50x4096xi32, #tpu.memory_space<hbm>> -> memref<1x2048xi32, #tpu.memory_space<hbm>>
      tpu.wait_dma2 semaphore(%dma_wait3A_406 : memref<!tpu.dma_semaphore, #tpu.memory_space<semaphore_mem>>) src(%dma_wait3A_411 : memref<1x2048xi32, #tpu.memory_space<hbm>>) dst(%dma_wait3A_410 : memref<1x2048xi32, #tpu.memory_space<vmem>>)
      %gt3A_412 = arith.constant 0 : i32
      %gt3A_413 = arith.cmpi sgt, %scan3A_221, %gt3A_412 : i32
      %or3A_414 = arith.constant true
      %or3A_415 = arith.ori %gt3A_413, %or3A_414 : i1
      %convert_element_type3A_416 = arith.extui %or3A_415 : i1 to i32
      %cond3A_417 = arith.constant 0 : i32
      %cond3A_418 = arith.cmpi ne, %convert_element_type3A_416, %cond3A_417 : i32
      scf.if %cond3A_418 {
        %dma_wait3A_926 = arith.constant 1 : i32
        %dma_wait3A_927 = arith.constant 1 : i32
        %dma_wait3A_928 = arith.constant 0 : i32
        %dma_wait3A_929 = arith.constant 0 : i32
        %dma_wait3A_930 = tpu.memref_slice %arg7[%dma_wait3A_926, %dma_wait3A_928, %dma_wait3A_929] : memref<5x1x2048xf32, #tpu.memory_space<vmem>> -> memref<1x1x2048xf32, #tpu.memory_space<vmem>>
        %dma_wait3A_931 = tpu.memref_squeeze %dma_wait3A_930 : memref<1x1x2048xf32, #tpu.memory_space<vmem>> -> memref<1x2048xf32, #tpu.memory_space<vmem>>
        %dma_wait3A_932 = tpu.memref_slice %arg4[%select_n3A_379, %add3A_101, %mul3A_397] : memref<50x64x4096xf32, #tpu.memory_space<hbm>> -> memref<1x1x2048xf32, #tpu.memory_space<hbm>>
        %dma_wait3A_933 = tpu.memref_squeeze %dma_wait3A_932 : memref<1x1x2048xf32, #tpu.memory_space<hbm>> -> memref<1x2048xf32, #tpu.memory_space<hbm>>
        %dma_wait3A_934 = tpu.memref_slice %arg9[%dma_wait3A_927] : memref<5x!tpu.dma_semaphore, #tpu.memory_space<semaphore_mem>> -> memref<1x!tpu.dma_semaphore, #tpu.memory_space<semaphore_mem>>
        %dma_wait3A_935 = tpu.memref_squeeze %dma_wait3A_934 : memref<1x!tpu.dma_semaphore, #tpu.memory_space<semaphore_mem>> -> memref<!tpu.dma_semaphore, #tpu.memory_space<semaphore_mem>>
        %dma_wait3A_936 = tpu.memref_slice %arg4[%select_n3A_379, %add3A_101, %mul3A_397] : memref<50x64x4096xf32, #tpu.memory_space<hbm>> -> memref<1x1x2048xf32, #tpu.memory_space<hbm>>
        %dma_wait3A_937 = tpu.memref_squeeze %dma_wait3A_936 : memref<1x1x2048xf32, #tpu.memory_space<hbm>> -> memref<1x2048xf32, #tpu.memory_space<hbm>>
        %dma_wait3A_938 = arith.constant 0 : i32
        %dma_wait3A_939 = arith.constant 0 : i32
        %dma_wait3A_940 = tpu.memref_slice %arg7[%dma_wait3A_926, %dma_wait3A_938, %dma_wait3A_939] : memref<5x1x2048xf32, #tpu.memory_space<vmem>> -> memref<1x1x2048xf32, #tpu.memory_space<vmem>>
        %dma_wait3A_941 = tpu.memref_squeeze %dma_wait3A_940 : memref<1x1x2048xf32, #tpu.memory_space<vmem>> -> memref<1x2048xf32, #tpu.memory_space<vmem>>
        tpu.wait_dma2 semaphore(%dma_wait3A_935 : memref<!tpu.dma_semaphore, #tpu.memory_space<semaphore_mem>>) src(%dma_wait3A_941 : memref<1x2048xf32, #tpu.memory_space<vmem>>) dst(%dma_wait3A_937 : memref<1x2048xf32, #tpu.memory_space<hbm>>)
      } else {
      }
      %scan3A_419 = arith.constant 0 : i32
      %scan3A_420 = arith.constant 0 : i32
      %scan3A_421 = arith.constant 8 : i32
      %scan3A_422 = arith.addi %scan3A_420, %scan3A_421 : i32
      %scan3A_423 = arith.constant 1 : i32
      scf.for %scan3A_926 = %scan3A_420 to %scan3A_422 step %scan3A_423  : i32 {
        %mul3A_927 = arith.constant 16 : i32
        %mul3A_928 = arith.muli %scan3A_926, %mul3A_927 : i32
        %mul3A_929 = arith.constant 16 : i32
        %mul3A_930 = arith.muli %mul3A_928, %mul3A_929 : i32
        %add3A_931 = arith.constant 0 : i32
        %add3A_932 = arith.addi %mul3A_930, %add3A_931 : i32
        %get3A = arith.constant 1 : i32
        %get3A_933 = arith.constant 0 : i32
        %get3A_934 = arith.index_cast %get3A : i32 to index
        %get3A_935 = arith.index_cast %get3A_933 : i32 to index
        %get3A_936 = arith.index_cast %add3A_932 : i32 to index
        %get3A_937 = tpu.vector_load %arg6[%get3A_934, %get3A_935, %get3A_936] {strides = array<i32>} : memref<5x1x2048xi32, #tpu.memory_space<vmem>>, vector<16xi32>,
        %add3A_938 = arith.constant 16 : i32
        %add3A_939 = arith.addi %mul3A_930, %add3A_938 : i32
        %get3A_940 = arith.constant 1 : i32
        %get3A_941 = arith.constant 0 : i32
        %get3A_942 = arith.index_cast %get3A_940 : i32 to index
        %get3A_943 = arith.index_cast %get3A_941 : i32 to index
        %get3A_944 = arith.index_cast %add3A_939 : i32 to index
        %get3A_945 = tpu.vector_load %arg6[%get3A_942, %get3A_943, %get3A_944] {strides = array<i32>} : memref<5x1x2048xi32, #tpu.memory_space<vmem>>, vector<16xi32>,
        %add3A_946 = arith.constant 32 : i32
        %add3A_947 = arith.addi %mul3A_930, %add3A_946 : i32
        %get3A_948 = arith.constant 1 : i32
        %get3A_949 = arith.constant 0 : i32
        %get3A_950 = arith.index_cast %get3A_948 : i32 to index
        %get3A_951 = arith.index_cast %get3A_949 : i32 to index
        %get3A_952 = arith.index_cast %add3A_947 : i32 to index
        %get3A_953 = tpu.vector_load %arg6[%get3A_950, %get3A_951, %get3A_952] {strides = array<i32>} : memref<5x1x2048xi32, #tpu.memory_space<vmem>>, vector<16xi32>,
        %add3A_954 = arith.constant 48 : i32
        %add3A_955 = arith.addi %mul3A_930, %add3A_954 : i32
        %get3A_956 = arith.constant 1 : i32
        %get3A_957 = arith.constant 0 : i32
        %get3A_958 = arith.index_cast %get3A_956 : i32 to index
        %get3A_959 = arith.index_cast %get3A_957 : i32 to index
        %get3A_960 = arith.index_cast %add3A_955 : i32 to index
        %get3A_961 = tpu.vector_load %arg6[%get3A_958, %get3A_959, %get3A_960] {strides = array<i32>} : memref<5x1x2048xi32, #tpu.memory_space<vmem>>, vector<16xi32>,
        %add3A_962 = arith.constant 64 : i32
        %add3A_963 = arith.addi %mul3A_930, %add3A_962 : i32
        %get3A_964 = arith.constant 1 : i32
        %get3A_965 = arith.constant 0 : i32
        %get3A_966 = arith.index_cast %get3A_964 : i32 to index
        %get3A_967 = arith.index_cast %get3A_965 : i32 to index
        %get3A_968 = arith.index_cast %add3A_963 : i32 to index
        %get3A_969 = tpu.vector_load %arg6[%get3A_966, %get3A_967, %get3A_968] {strides = array<i32>} : memref<5x1x2048xi32, #tpu.memory_space<vmem>>, vector<16xi32>,
        %add3A_970 = arith.constant 80 : i32
        %add3A_971 = arith.addi %mul3A_930, %add3A_970 : i32
        %get3A_972 = arith.constant 1 : i32
        %get3A_973 = arith.constant 0 : i32
        %get3A_974 = arith.index_cast %get3A_972 : i32 to index
        %get3A_975 = arith.index_cast %get3A_973 : i32 to index
        %get3A_976 = arith.index_cast %add3A_971 : i32 to index
        %get3A_977 = tpu.vector_load %arg6[%get3A_974, %get3A_975, %get3A_976] {strides = array<i32>} : memref<5x1x2048xi32, #tpu.memory_space<vmem>>, vector<16xi32>,
        %add3A_978 = arith.constant 96 : i32
        %add3A_979 = arith.addi %mul3A_930, %add3A_978 : i32
        %get3A_980 = arith.constant 1 : i32
        %get3A_981 = arith.constant 0 : i32
        %get3A_982 = arith.index_cast %get3A_980 : i32 to index
        %get3A_983 = arith.index_cast %get3A_981 : i32 to index
        %get3A_984 = arith.index_cast %add3A_979 : i32 to index
        %get3A_985 = tpu.vector_load %arg6[%get3A_982, %get3A_983, %get3A_984] {strides = array<i32>} : memref<5x1x2048xi32, #tpu.memory_space<vmem>>, vector<16xi32>,
        %add3A_986 = arith.constant 112 : i32
        %add3A_987 = arith.addi %mul3A_930, %add3A_986 : i32
        %get3A_988 = arith.constant 1 : i32
        %get3A_989 = arith.constant 0 : i32
        %get3A_990 = arith.index_cast %get3A_988 : i32 to index
        %get3A_991 = arith.index_cast %get3A_989 : i32 to index
        %get3A_992 = arith.index_cast %add3A_987 : i32 to index
        %get3A_993 = tpu.vector_load %arg6[%get3A_990, %get3A_991, %get3A_992] {strides = array<i32>} : memref<5x1x2048xi32, #tpu.memory_space<vmem>>, vector<16xi32>,
        %add3A_994 = arith.constant 128 : i32
        %add3A_995 = arith.addi %mul3A_930, %add3A_994 : i32
        %get3A_996 = arith.constant 1 : i32
        %get3A_997 = arith.constant 0 : i32
        %get3A_998 = arith.index_cast %get3A_996 : i32 to index
        %get3A_999 = arith.index_cast %get3A_997 : i32 to index
        %get3A_1000 = arith.index_cast %add3A_995 : i32 to index
        %get3A_1001 = tpu.vector_load %arg6[%get3A_998, %get3A_999, %get3A_1000] {strides = array<i32>} : memref<5x1x2048xi32, #tpu.memory_space<vmem>>, vector<16xi32>,
        %add3A_1002 = arith.constant 144 : i32
        %add3A_1003 = arith.addi %mul3A_930, %add3A_1002 : i32
        %get3A_1004 = arith.constant 1 : i32
        %get3A_1005 = arith.constant 0 : i32
        %get3A_1006 = arith.index_cast %get3A_1004 : i32 to index
        %get3A_1007 = arith.index_cast %get3A_1005 : i32 to index
        %get3A_1008 = arith.index_cast %add3A_1003 : i32 to index
        %get3A_1009 = tpu.vector_load %arg6[%get3A_1006, %get3A_1007, %get3A_1008] {strides = array<i32>} : memref<5x1x2048xi32, #tpu.memory_space<vmem>>, vector<16xi32>,
        %add3A_1010 = arith.constant 160 : i32
        %add3A_1011 = arith.addi %mul3A_930, %add3A_1010 : i32
        %get3A_1012 = arith.constant 1 : i32
        %get3A_1013 = arith.constant 0 : i32
        %get3A_1014 = arith.index_cast %get3A_1012 : i32 to index
        %get3A_1015 = arith.index_cast %get3A_1013 : i32 to index
        %get3A_1016 = arith.index_cast %add3A_1011 : i32 to index
        %get3A_1017 = tpu.vector_load %arg6[%get3A_1014, %get3A_1015, %get3A_1016] {strides = array<i32>} : memref<5x1x2048xi32, #tpu.memory_space<vmem>>, vector<16xi32>,
        %add3A_1018 = arith.constant 176 : i32
        %add3A_1019 = arith.addi %mul3A_930, %add3A_1018 : i32
        %get3A_1020 = arith.constant 1 : i32
        %get3A_1021 = arith.constant 0 : i32
        %get3A_1022 = arith.index_cast %get3A_1020 : i32 to index
        %get3A_1023 = arith.index_cast %get3A_1021 : i32 to index
        %get3A_1024 = arith.index_cast %add3A_1019 : i32 to index
        %get3A_1025 = tpu.vector_load %arg6[%get3A_1022, %get3A_1023, %get3A_1024] {strides = array<i32>} : memref<5x1x2048xi32, #tpu.memory_space<vmem>>, vector<16xi32>,
        %add3A_1026 = arith.constant 192 : i32
        %add3A_1027 = arith.addi %mul3A_930, %add3A_1026 : i32
        %get3A_1028 = arith.constant 1 : i32
        %get3A_1029 = arith.constant 0 : i32
        %get3A_1030 = arith.index_cast %get3A_1028 : i32 to index
        %get3A_1031 = arith.index_cast %get3A_1029 : i32 to index
        %get3A_1032 = arith.index_cast %add3A_1027 : i32 to index
        %get3A_1033 = tpu.vector_load %arg6[%get3A_1030, %get3A_1031, %get3A_1032] {strides = array<i32>} : memref<5x1x2048xi32, #tpu.memory_space<vmem>>, vector<16xi32>,
        %add3A_1034 = arith.constant 208 : i32
        %add3A_1035 = arith.addi %mul3A_930, %add3A_1034 : i32
        %get3A_1036 = arith.constant 1 : i32
        %get3A_1037 = arith.constant 0 : i32
        %get3A_1038 = arith.index_cast %get3A_1036 : i32 to index
        %get3A_1039 = arith.index_cast %get3A_1037 : i32 to index
        %get3A_1040 = arith.index_cast %add3A_1035 : i32 to index
        %get3A_1041 = tpu.vector_load %arg6[%get3A_1038, %get3A_1039, %get3A_1040] {strides = array<i32>} : memref<5x1x2048xi32, #tpu.memory_space<vmem>>, vector<16xi32>,
        %add3A_1042 = arith.constant 224 : i32
        %add3A_1043 = arith.addi %mul3A_930, %add3A_1042 : i32
        %get3A_1044 = arith.constant 1 : i32
        %get3A_1045 = arith.constant 0 : i32
        %get3A_1046 = arith.index_cast %get3A_1044 : i32 to index
        %get3A_1047 = arith.index_cast %get3A_1045 : i32 to index
        %get3A_1048 = arith.index_cast %add3A_1043 : i32 to index
        %get3A_1049 = tpu.vector_load %arg6[%get3A_1046, %get3A_1047, %get3A_1048] {strides = array<i32>} : memref<5x1x2048xi32, #tpu.memory_space<vmem>>, vector<16xi32>,
        %add3A_1050 = arith.constant 240 : i32
        %add3A_1051 = arith.addi %mul3A_930, %add3A_1050 : i32
        %get3A_1052 = arith.constant 1 : i32
        %get3A_1053 = arith.constant 0 : i32
        %get3A_1054 = arith.index_cast %get3A_1052 : i32 to index
        %get3A_1055 = arith.index_cast %get3A_1053 : i32 to index
        %get3A_1056 = arith.index_cast %add3A_1051 : i32 to index
        %get3A_1057 = tpu.vector_load %arg6[%get3A_1054, %get3A_1055, %get3A_1056] {strides = array<i32>} : memref<5x1x2048xi32, #tpu.memory_space<vmem>>, vector<16xi32>,
        %gather3A = tpu.vector_load_idx %arg5[%broadcast_in_dim3A_3, %get3A_937] : memref<1x100000xf32, #tpu.memory_space<vmem>>[vector<16xi32>, vector<16xi32>], vector<16xf32>,
        %gather3A_1058 = tpu.vector_load_idx %arg5[%broadcast_in_dim3A_3, %get3A_945] : memref<1x100000xf32, #tpu.memory_space<vmem>>[vector<16xi32>, vector<16xi32>], vector<16xf32>,
        %gather3A_1059 = tpu.vector_load_idx %arg5[%broadcast_in_dim3A_3, %get3A_953] : memref<1x100000xf32, #tpu.memory_space<vmem>>[vector<16xi32>, vector<16xi32>], vector<16xf32>,
        %gather3A_1060 = tpu.vector_load_idx %arg5[%broadcast_in_dim3A_3, %get3A_961] : memref<1x100000xf32, #tpu.memory_space<vmem>>[vector<16xi32>, vector<16xi32>], vector<16xf32>,
        %gather3A_1061 = tpu.vector_load_idx %arg5[%broadcast_in_dim3A_3, %get3A_969] : memref<1x100000xf32, #tpu.memory_space<vmem>>[vector<16xi32>, vector<16xi32>], vector<16xf32>,
        %gather3A_1062 = tpu.vector_load_idx %arg5[%broadcast_in_dim3A_3, %get3A_977] : memref<1x100000xf32, #tpu.memory_space<vmem>>[vector<16xi32>, vector<16xi32>], vector<16xf32>,
        %gather3A_1063 = tpu.vector_load_idx %arg5[%broadcast_in_dim3A_3, %get3A_985] : memref<1x100000xf32, #tpu.memory_space<vmem>>[vector<16xi32>, vector<16xi32>], vector<16xf32>,
        %gather3A_1064 = tpu.vector_load_idx %arg5[%broadcast_in_dim3A_3, %get3A_993] : memref<1x100000xf32, #tpu.memory_space<vmem>>[vector<16xi32>, vector<16xi32>], vector<16xf32>,
        %gather3A_1065 = tpu.vector_load_idx %arg5[%broadcast_in_dim3A_3, %get3A_1001] : memref<1x100000xf32, #tpu.memory_space<vmem>>[vector<16xi32>, vector<16xi32>], vector<16xf32>,
        %gather3A_1066 = tpu.vector_load_idx %arg5[%broadcast_in_dim3A_3, %get3A_1009] : memref<1x100000xf32, #tpu.memory_space<vmem>>[vector<16xi32>, vector<16xi32>], vector<16xf32>,
        %gather3A_1067 = tpu.vector_load_idx %arg5[%broadcast_in_dim3A_3, %get3A_1017] : memref<1x100000xf32, #tpu.memory_space<vmem>>[vector<16xi32>, vector<16xi32>], vector<16xf32>,
        %gather3A_1068 = tpu.vector_load_idx %arg5[%broadcast_in_dim3A_3, %get3A_1025] : memref<1x100000xf32, #tpu.memory_space<vmem>>[vector<16xi32>, vector<16xi32>], vector<16xf32>,
        %gather3A_1069 = tpu.vector_load_idx %arg5[%broadcast_in_dim3A_3, %get3A_1033] : memref<1x100000xf32, #tpu.memory_space<vmem>>[vector<16xi32>, vector<16xi32>], vector<16xf32>,
        %gather3A_1070 = tpu.vector_load_idx %arg5[%broadcast_in_dim3A_3, %get3A_1041] : memref<1x100000xf32, #tpu.memory_space<vmem>>[vector<16xi32>, vector<16xi32>], vector<16xf32>,
        %gather3A_1071 = tpu.vector_load_idx %arg5[%broadcast_in_dim3A_3, %get3A_1049] : memref<1x100000xf32, #tpu.memory_space<vmem>>[vector<16xi32>, vector<16xi32>], vector<16xf32>,
        %gather3A_1072 = tpu.vector_load_idx %arg5[%broadcast_in_dim3A_3, %get3A_1057] : memref<1x100000xf32, #tpu.memory_space<vmem>>[vector<16xi32>, vector<16xi32>], vector<16xf32>,
        %add3A_1073 = arith.constant 0 : i32
        %add3A_1074 = arith.addi %mul3A_930, %add3A_1073 : i32
        %swap3A = arith.constant 1 : i32
        %swap3A_1075 = arith.constant 0 : i32
        %swap3A_1076 = arith.index_cast %swap3A : i32 to index
        %swap3A_1077 = arith.index_cast %swap3A_1075 : i32 to index
        %swap3A_1078 = arith.index_cast %add3A_1074 : i32 to index
        %swap3A_1079 = tpu.vector_load %arg7[%swap3A_1076, %swap3A_1077, %swap3A_1078] {strides = array<i32>} : memref<5x1x2048xf32, #tpu.memory_space<vmem>>, vector<16xf32>,
        tpu.vector_store %arg7[%swap3A_1076, %swap3A_1077, %swap3A_1078], %gather3A {strides = array<i32>} : memref<5x1x2048xf32, #tpu.memory_space<vmem>>, vector<16xf32>,
        %add3A_1080 = arith.constant 16 : i32
        %add3A_1081 = arith.addi %mul3A_930, %add3A_1080 : i32
        %swap3A_1082 = arith.constant 1 : i32
        %swap3A_1083 = arith.constant 0 : i32
        %swap3A_1084 = arith.index_cast %swap3A_1082 : i32 to index
        %swap3A_1085 = arith.index_cast %swap3A_1083 : i32 to index
        %swap3A_1086 = arith.index_cast %add3A_1081 : i32 to index
        %swap3A_1087 = tpu.vector_load %arg7[%swap3A_1084, %swap3A_1085, %swap3A_1086] {strides = array<i32>} : memref<5x1x2048xf32, #tpu.memory_space<vmem>>, vector<16xf32>,
        tpu.vector_store %arg7[%swap3A_1084, %swap3A_1085, %swap3A_1086], %gather3A_1058 {strides = array<i32>} : memref<5x1x2048xf32, #tpu.memory_space<vmem>>, vector<16xf32>,
        %add3A_1088 = arith.constant 32 : i32
        %add3A_1089 = arith.addi %mul3A_930, %add3A_1088 : i32
        %swap3A_1090 = arith.constant 1 : i32
        %swap3A_1091 = arith.constant 0 : i32
        %swap3A_1092 = arith.index_cast %swap3A_1090 : i32 to index
        %swap3A_1093 = arith.index_cast %swap3A_1091 : i32 to index
        %swap3A_1094 = arith.index_cast %add3A_1089 : i32 to index
        %swap3A_1095 = tpu.vector_load %arg7[%swap3A_1092, %swap3A_1093, %swap3A_1094] {strides = array<i32>} : memref<5x1x2048xf32, #tpu.memory_space<vmem>>, vector<16xf32>,
        tpu.vector_store %arg7[%swap3A_1092, %swap3A_1093, %swap3A_1094], %gather3A_1059 {strides = array<i32>} : memref<5x1x2048xf32, #tpu.memory_space<vmem>>, vector<16xf32>,
        %add3A_1096 = arith.constant 48 : i32
        %add3A_1097 = arith.addi %mul3A_930, %add3A_1096 : i32
        %swap3A_1098 = arith.constant 1 : i32
        %swap3A_1099 = arith.constant 0 : i32
        %swap3A_1100 = arith.index_cast %swap3A_1098 : i32 to index
        %swap3A_1101 = arith.index_cast %swap3A_1099 : i32 to index
        %swap3A_1102 = arith.index_cast %add3A_1097 : i32 to index
        %swap3A_1103 = tpu.vector_load %arg7[%swap3A_1100, %swap3A_1101, %swap3A_1102] {strides = array<i32>} : memref<5x1x2048xf32, #tpu.memory_space<vmem>>, vector<16xf32>,
        tpu.vector_store %arg7[%swap3A_1100, %swap3A_1101, %swap3A_1102], %gather3A_1060 {strides = array<i32>} : memref<5x1x2048xf32, #tpu.memory_space<vmem>>, vector<16xf32>,
        %add3A_1104 = arith.constant 64 : i32
        %add3A_1105 = arith.addi %mul3A_930, %add3A_1104 : i32
        %swap3A_1106 = arith.constant 1 : i32
        %swap3A_1107 = arith.constant 0 : i32
        %swap3A_1108 = arith.index_cast %swap3A_1106 : i32 to index
        %swap3A_1109 = arith.index_cast %swap3A_1107 : i32 to index
        %swap3A_1110 = arith.index_cast %add3A_1105 : i32 to index
        %swap3A_1111 = tpu.vector_load %arg7[%swap3A_1108, %swap3A_1109, %swap3A_1110] {strides = array<i32>} : memref<5x1x2048xf32, #tpu.memory_space<vmem>>, vector<16xf32>,
        tpu.vector_store %arg7[%swap3A_1108, %swap3A_1109, %swap3A_1110], %gather3A_1061 {strides = array<i32>} : memref<5x1x2048xf32, #tpu.memory_space<vmem>>, vector<16xf32>,
        %add3A_1112 = arith.constant 80 : i32
        %add3A_1113 = arith.addi %mul3A_930, %add3A_1112 : i32
        %swap3A_1114 = arith.constant 1 : i32
        %swap3A_1115 = arith.constant 0 : i32
        %swap3A_1116 = arith.index_cast %swap3A_1114 : i32 to index
        %swap3A_1117 = arith.index_cast %swap3A_1115 : i32 to index
        %swap3A_1118 = arith.index_cast %add3A_1113 : i32 to index
        %swap3A_1119 = tpu.vector_load %arg7[%swap3A_1116, %swap3A_1117, %swap3A_1118] {strides = array<i32>} : memref<5x1x2048xf32, #tpu.memory_space<vmem>>, vector<16xf32>,
        tpu.vector_store %arg7[%swap3A_1116, %swap3A_1117, %swap3A_1118], %gather3A_1062 {strides = array<i32>} : memref<5x1x2048xf32, #tpu.memory_space<vmem>>, vector<16xf32>,
        %add3A_1120 = arith.constant 96 : i32
        %add3A_1121 = arith.addi %mul3A_930, %add3A_1120 : i32
        %swap3A_1122 = arith.constant 1 : i32
        %swap3A_1123 = arith.constant 0 : i32
        %swap3A_1124 = arith.index_cast %swap3A_1122 : i32 to index
        %swap3A_1125 = arith.index_cast %swap3A_1123 : i32 to index
        %swap3A_1126 = arith.index_cast %add3A_1121 : i32 to index
        %swap3A_1127 = tpu.vector_load %arg7[%swap3A_1124, %swap3A_1125, %swap3A_1126] {strides = array<i32>} : memref<5x1x2048xf32, #tpu.memory_space<vmem>>, vector<16xf32>,
        tpu.vector_store %arg7[%swap3A_1124, %swap3A_1125, %swap3A_1126], %gather3A_1063 {strides = array<i32>} : memref<5x1x2048xf32, #tpu.memory_space<vmem>>, vector<16xf32>,
        %add3A_1128 = arith.constant 112 : i32
        %add3A_1129 = arith.addi %mul3A_930, %add3A_1128 : i32
        %swap3A_1130 = arith.constant 1 : i32
        %swap3A_1131 = arith.constant 0 : i32
        %swap3A_1132 = arith.index_cast %swap3A_1130 : i32 to index
        %swap3A_1133 = arith.index_cast %swap3A_1131 : i32 to index
        %swap3A_1134 = arith.index_cast %add3A_1129 : i32 to index
        %swap3A_1135 = tpu.vector_load %arg7[%swap3A_1132, %swap3A_1133, %swap3A_1134] {strides = array<i32>} : memref<5x1x2048xf32, #tpu.memory_space<vmem>>, vector<16xf32>,
        tpu.vector_store %arg7[%swap3A_1132, %swap3A_1133, %swap3A_1134], %gather3A_1064 {strides = array<i32>} : memref<5x1x2048xf32, #tpu.memory_space<vmem>>, vector<16xf32>,
        %add3A_1136 = arith.constant 128 : i32
        %add3A_1137 = arith.addi %mul3A_930, %add3A_1136 : i32
        %swap3A_1138 = arith.constant 1 : i32
        %swap3A_1139 = arith.constant 0 : i32
        %swap3A_1140 = arith.index_cast %swap3A_1138 : i32 to index
        %swap3A_1141 = arith.index_cast %swap3A_1139 : i32 to index
        %swap3A_1142 = arith.index_cast %add3A_1137 : i32 to index
        %swap3A_1143 = tpu.vector_load %arg7[%swap3A_1140, %swap3A_1141, %swap3A_1142] {strides = array<i32>} : memref<5x1x2048xf32, #tpu.memory_space<vmem>>, vector<16xf32>,
        tpu.vector_store %arg7[%swap3A_1140, %swap3A_1141, %swap3A_1142], %gather3A_1065 {strides = array<i32>} : memref<5x1x2048xf32, #tpu.memory_space<vmem>>, vector<16xf32>,
        %add3A_1144 = arith.constant 144 : i32
        %add3A_1145 = arith.addi %mul3A_930, %add3A_1144 : i32
        %swap3A_1146 = arith.constant 1 : i32
        %swap3A_1147 = arith.constant 0 : i32
        %swap3A_1148 = arith.index_cast %swap3A_1146 : i32 to index
        %swap3A_1149 = arith.index_cast %swap3A_1147 : i32 to index
        %swap3A_1150 = arith.index_cast %add3A_1145 : i32 to index
        %swap3A_1151 = tpu.vector_load %arg7[%swap3A_1148, %swap3A_1149, %swap3A_1150] {strides = array<i32>} : memref<5x1x2048xf32, #tpu.memory_space<vmem>>, vector<16xf32>,
        tpu.vector_store %arg7[%swap3A_1148, %swap3A_1149, %swap3A_1150], %gather3A_1066 {strides = array<i32>} : memref<5x1x2048xf32, #tpu.memory_space<vmem>>, vector<16xf32>,
        %add3A_1152 = arith.constant 160 : i32
        %add3A_1153 = arith.addi %mul3A_930, %add3A_1152 : i32
        %swap3A_1154 = arith.constant 1 : i32
        %swap3A_1155 = arith.constant 0 : i32
        %swap3A_1156 = arith.index_cast %swap3A_1154 : i32 to index
        %swap3A_1157 = arith.index_cast %swap3A_1155 : i32 to index
        %swap3A_1158 = arith.index_cast %add3A_1153 : i32 to index
        %swap3A_1159 = tpu.vector_load %arg7[%swap3A_1156, %swap3A_1157, %swap3A_1158] {strides = array<i32>} : memref<5x1x2048xf32, #tpu.memory_space<vmem>>, vector<16xf32>,
        tpu.vector_store %arg7[%swap3A_1156, %swap3A_1157, %swap3A_1158], %gather3A_1067 {strides = array<i32>} : memref<5x1x2048xf32, #tpu.memory_space<vmem>>, vector<16xf32>,
        %add3A_1160 = arith.constant 176 : i32
        %add3A_1161 = arith.addi %mul3A_930, %add3A_1160 : i32
        %swap3A_1162 = arith.constant 1 : i32
        %swap3A_1163 = arith.constant 0 : i32
        %swap3A_1164 = arith.index_cast %swap3A_1162 : i32 to index
        %swap3A_1165 = arith.index_cast %swap3A_1163 : i32 to index
        %swap3A_1166 = arith.index_cast %add3A_1161 : i32 to index
        %swap3A_1167 = tpu.vector_load %arg7[%swap3A_1164, %swap3A_1165, %swap3A_1166] {strides = array<i32>} : memref<5x1x2048xf32, #tpu.memory_space<vmem>>, vector<16xf32>,
        tpu.vector_store %arg7[%swap3A_1164, %swap3A_1165, %swap3A_1166], %gather3A_1068 {strides = array<i32>} : memref<5x1x2048xf32, #tpu.memory_space<vmem>>, vector<16xf32>,
        %add3A_1168 = arith.constant 192 : i32
        %add3A_1169 = arith.addi %mul3A_930, %add3A_1168 : i32
        %swap3A_1170 = arith.constant 1 : i32
        %swap3A_1171 = arith.constant 0 : i32
        %swap3A_1172 = arith.index_cast %swap3A_1170 : i32 to index
        %swap3A_1173 = arith.index_cast %swap3A_1171 : i32 to index
        %swap3A_1174 = arith.index_cast %add3A_1169 : i32 to index
        %swap3A_1175 = tpu.vector_load %arg7[%swap3A_1172, %swap3A_1173, %swap3A_1174] {strides = array<i32>} : memref<5x1x2048xf32, #tpu.memory_space<vmem>>, vector<16xf32>,
        tpu.vector_store %arg7[%swap3A_1172, %swap3A_1173, %swap3A_1174], %gather3A_1069 {strides = array<i32>} : memref<5x1x2048xf32, #tpu.memory_space<vmem>>, vector<16xf32>,
        %add3A_1176 = arith.constant 208 : i32
        %add3A_1177 = arith.addi %mul3A_930, %add3A_1176 : i32
        %swap3A_1178 = arith.constant 1 : i32
        %swap3A_1179 = arith.constant 0 : i32
        %swap3A_1180 = arith.index_cast %swap3A_1178 : i32 to index
        %swap3A_1181 = arith.index_cast %swap3A_1179 : i32 to index
        %swap3A_1182 = arith.index_cast %add3A_1177 : i32 to index
        %swap3A_1183 = tpu.vector_load %arg7[%swap3A_1180, %swap3A_1181, %swap3A_1182] {strides = array<i32>} : memref<5x1x2048xf32, #tpu.memory_space<vmem>>, vector<16xf32>,
        tpu.vector_store %arg7[%swap3A_1180, %swap3A_1181, %swap3A_1182], %gather3A_1070 {strides = array<i32>} : memref<5x1x2048xf32, #tpu.memory_space<vmem>>, vector<16xf32>,
        %add3A_1184 = arith.constant 224 : i32
        %add3A_1185 = arith.addi %mul3A_930, %add3A_1184 : i32
        %swap3A_1186 = arith.constant 1 : i32
        %swap3A_1187 = arith.constant 0 : i32
        %swap3A_1188 = arith.index_cast %swap3A_1186 : i32 to index
        %swap3A_1189 = arith.index_cast %swap3A_1187 : i32 to index
        %swap3A_1190 = arith.index_cast %add3A_1185 : i32 to index
        %swap3A_1191 = tpu.vector_load %arg7[%swap3A_1188, %swap3A_1189, %swap3A_1190] {strides = array<i32>} : memref<5x1x2048xf32, #tpu.memory_space<vmem>>, vector<16xf32>,
        tpu.vector_store %arg7[%swap3A_1188, %swap3A_1189, %swap3A_1190], %gather3A_1071 {strides = array<i32>} : memref<5x1x2048xf32, #tpu.memory_space<vmem>>, vector<16xf32>,
        %add3A_1192 = arith.constant 240 : i32
        %add3A_1193 = arith.addi %mul3A_930, %add3A_1192 : i32
        %swap3A_1194 = arith.constant 1 : i32
        %swap3A_1195 = arith.constant 0 : i32
        %swap3A_1196 = arith.index_cast %swap3A_1194 : i32 to index
        %swap3A_1197 = arith.index_cast %swap3A_1195 : i32 to index
        %swap3A_1198 = arith.index_cast %add3A_1193 : i32 to index
        %swap3A_1199 = tpu.vector_load %arg7[%swap3A_1196, %swap3A_1197, %swap3A_1198] {strides = array<i32>} : memref<5x1x2048xf32, #tpu.memory_space<vmem>>, vector<16xf32>,
        tpu.vector_store %arg7[%swap3A_1196, %swap3A_1197, %swap3A_1198], %gather3A_1072 {strides = array<i32>} : memref<5x1x2048xf32, #tpu.memory_space<vmem>>, vector<16xf32>,
      }
      %scan3A_424 = arith.constant 8 : i32
      %dma_start3A_425 = arith.constant 1 : i32
      %dma_start3A_426 = arith.constant 1 : i32
      %dma_start3A_427 = arith.constant 0 : i32
      %dma_start3A_428 = arith.constant 0 : i32
      %dma_start3A_429 = tpu.memref_slice %arg7[%dma_start3A_425, %dma_start3A_427, %dma_start3A_428] : memref<5x1x2048xf32, #tpu.memory_space<vmem>> -> memref<1x1x2048xf32, #tpu.memory_space<vmem>>
      %dma_start3A_430 = tpu.memref_squeeze %dma_start3A_429 : memref<1x1x2048xf32, #tpu.memory_space<vmem>> -> memref<1x2048xf32, #tpu.memory_space<vmem>>
      %dma_start3A_431 = tpu.memref_slice %arg4[%select_n3A_379, %add3A_101, %mul3A_397] : memref<50x64x4096xf32, #tpu.memory_space<hbm>> -> memref<1x1x2048xf32, #tpu.memory_space<hbm>>
      %dma_start3A_432 = tpu.memref_squeeze %dma_start3A_431 : memref<1x1x2048xf32, #tpu.memory_space<hbm>> -> memref<1x2048xf32, #tpu.memory_space<hbm>>
      %dma_start3A_433 = tpu.memref_slice %arg9[%dma_start3A_426] : memref<5x!tpu.dma_semaphore, #tpu.memory_space<semaphore_mem>> -> memref<1x!tpu.dma_semaphore, #tpu.memory_space<semaphore_mem>>
      %dma_start3A_434 = tpu.memref_squeeze %dma_start3A_433 : memref<1x!tpu.dma_semaphore, #tpu.memory_space<semaphore_mem>> -> memref<!tpu.dma_semaphore, #tpu.memory_space<semaphore_mem>>
      %dma_start3A_435 = tpu.memref_slice %arg4[%select_n3A_379, %add3A_101, %mul3A_397] : memref<50x64x4096xf32, #tpu.memory_space<hbm>> -> memref<1x1x2048xf32, #tpu.memory_space<hbm>>
      %dma_start3A_436 = tpu.memref_squeeze %dma_start3A_435 : memref<1x1x2048xf32, #tpu.memory_space<hbm>> -> memref<1x2048xf32, #tpu.memory_space<hbm>>
      %dma_start3A_437 = arith.constant 0 : i32
      %dma_start3A_438 = arith.constant 0 : i32
      %dma_start3A_439 = tpu.memref_slice %arg7[%dma_start3A_425, %dma_start3A_437, %dma_start3A_438] : memref<5x1x2048xf32, #tpu.memory_space<vmem>> -> memref<1x1x2048xf32, #tpu.memory_space<vmem>>
      %dma_start3A_440 = tpu.memref_squeeze %dma_start3A_439 : memref<1x1x2048xf32, #tpu.memory_space<vmem>> -> memref<1x2048xf32, #tpu.memory_space<vmem>>
      tpu.enqueue_dma source(%dma_start3A_440 : memref<1x2048xf32, #tpu.memory_space<vmem>>) target(%dma_start3A_436 : memref<1x2048xf32, #tpu.memory_space<hbm>>) target_semaphore(%dma_start3A_434 : memref<!tpu.dma_semaphore, #tpu.memory_space<semaphore_mem>>)
      %add3A_441 = arith.constant 5 : i32
      %add3A_442 = arith.addi %add3A_355, %add3A_441 : i32
      %lt3A_443 = arith.constant 100 : i32
      %lt3A_444 = arith.cmpi slt, %add3A_442, %lt3A_443 : i32
      %sub3A_445 = arith.constant 100 : i32
      %sub3A_446 = arith.subi %add3A_442, %sub3A_445 : i32
      %select_n3A_447 = arith.select %lt3A_444, %add3A_442, %sub3A_446 : i32
      %jit3A_448 = arith.constant 2 : i32
      %div3A_449 = arith.divsi %select_n3A_447, %jit3A_448 : i32
      %sign3A_450 = arith.constant 0 : i32
      %sign3A_451 = arith.cmpi sgt, %select_n3A_447, %sign3A_450 : i32
      %sign3A_452 = arith.extui %sign3A_451 : i1 to i32
      %sign3A_453 = arith.constant 0 : i32
      %sign3A_454 = arith.cmpi slt, %select_n3A_447, %sign3A_453 : i32
      %sign3A_455 = arith.extui %sign3A_454 : i1 to i32
      %sign3A_456 = arith.subi %sign3A_452, %sign3A_455 : i32
      %sign3A_457 = arith.constant 0 : i32
      %sign3A_458 = arith.cmpi sgt, %jit3A_448, %sign3A_457 : i32
      %sign3A_459 = arith.extui %sign3A_458 : i1 to i32
      %sign3A_460 = arith.constant 0 : i32
      %sign3A_461 = arith.cmpi slt, %jit3A_448, %sign3A_460 : i32
      %sign3A_462 = arith.extui %sign3A_461 : i1 to i32
      %sign3A_463 = arith.subi %sign3A_459, %sign3A_462 : i32
      %ne3A_464 = arith.cmpi ne, %sign3A_456, %sign3A_463 : i32
      %rem3A_465 = arith.remsi %select_n3A_447, %jit3A_448 : i32
      %ne3A_466 = arith.constant 0 : i32
      %ne3A_467 = arith.cmpi ne, %rem3A_465, %ne3A_466 : i32
      %and3A_468 = arith.andi %ne3A_464, %ne3A_467 : i1
      %sub3A_469 = arith.constant 1 : i32
      %sub3A_470 = arith.subi %div3A_449, %sub3A_469 : i32
      %select_n3A_471 = arith.select %and3A_468, %sub3A_470, %div3A_449 : i32
      %jit3A_472 = arith.constant 2 : i32
      %eq3A_473 = arith.constant 0 : i32
      %eq3A_474 = arith.cmpi eq, %jit3A_472, %eq3A_473 : i32
      %jit3A_475 = arith.constant 1 : i32
      %select_n3A_476 = arith.select %eq3A_474, %jit3A_475, %jit3A_472 : i32
      %rem3A_477 = arith.remsi %select_n3A_447, %select_n3A_476 : i32
      %ne3A_478 = arith.constant 0 : i32
      %ne3A_479 = arith.cmpi ne, %rem3A_477, %ne3A_478 : i32
      %lt3A_480 = arith.constant 0 : i32
      %lt3A_481 = arith.cmpi slt, %rem3A_477, %lt3A_480 : i32
      %lt3A_482 = arith.constant 0 : i32
      %lt3A_483 = arith.cmpi slt, %select_n3A_476, %lt3A_482 : i32
      %ne3A_484 = arith.xori %lt3A_481, %lt3A_483 : i1
      %and3A_485 = arith.andi %ne3A_484, %ne3A_479 : i1
      %add3A_486 = arith.addi %rem3A_477, %select_n3A_476 : i32
      %select_n3A_487 = arith.select %and3A_485, %add3A_486, %rem3A_477 : i32
      %mul3A_488 = arith.constant 2048 : i32
      %mul3A_489 = arith.muli %select_n3A_487, %mul3A_488 : i32
      %lt3A_490 = arith.constant 19 : i32
      %lt3A_491 = arith.cmpi slt, %scan3A_221, %lt3A_490 : i32
      %or3A_492 = arith.constant false
      %or3A_493 = arith.ori %lt3A_491, %or3A_492 : i1
      %convert_element_type3A_494 = arith.extui %or3A_493 : i1 to i32
      %cond3A_495 = arith.constant 0 : i32
      %cond3A_496 = arith.cmpi ne, %convert_element_type3A_494, %cond3A_495 : i32
      scf.if %cond3A_496 {
        %dma_start3A_926 = arith.constant 1 : i32
        %dma_start3A_927 = arith.constant 1 : i32
        %dma_start3A_928 = arith.constant 0 : i32
        %dma_start3A_929 = arith.constant 0 : i32
        %dma_start3A_930 = tpu.memref_slice %arg6[%dma_start3A_926, %dma_start3A_928, %dma_start3A_929] : memref<5x1x2048xi32, #tpu.memory_space<vmem>> -> memref<1x1x2048xi32, #tpu.memory_space<vmem>>
        %dma_start3A_931 = tpu.memref_squeeze %dma_start3A_930 : memref<1x1x2048xi32, #tpu.memory_space<vmem>> -> memref<1x2048xi32, #tpu.memory_space<vmem>>
        %dma_start3A_932 = tpu.memref_slice %arg2[%select_n3A_471, %mul3A_489] : memref<50x4096xi32, #tpu.memory_space<hbm>> -> memref<1x2048xi32, #tpu.memory_space<hbm>>
        %dma_start3A_933 = tpu.memref_slice %arg8[%dma_start3A_927] : memref<5x!tpu.dma_semaphore, #tpu.memory_space<semaphore_mem>> -> memref<1x!tpu.dma_semaphore, #tpu.memory_space<semaphore_mem>>
        %dma_start3A_934 = tpu.memref_squeeze %dma_start3A_933 : memref<1x!tpu.dma_semaphore, #tpu.memory_space<semaphore_mem>> -> memref<!tpu.dma_semaphore, #tpu.memory_space<semaphore_mem>>
        %dma_start3A_935 = arith.constant 0 : i32
        %dma_start3A_936 = arith.constant 0 : i32
        %dma_start3A_937 = tpu.memref_slice %arg6[%dma_start3A_926, %dma_start3A_935, %dma_start3A_936] : memref<5x1x2048xi32, #tpu.memory_space<vmem>> -> memref<1x1x2048xi32, #tpu.memory_space<vmem>>
        %dma_start3A_938 = tpu.memref_squeeze %dma_start3A_937 : memref<1x1x2048xi32, #tpu.memory_space<vmem>> -> memref<1x2048xi32, #tpu.memory_space<vmem>>
        %dma_start3A_939 = tpu.memref_slice %arg2[%select_n3A_471, %mul3A_489] : memref<50x4096xi32, #tpu.memory_space<hbm>> -> memref<1x2048xi32, #tpu.memory_space<hbm>>
        tpu.enqueue_dma source(%dma_start3A_939 : memref<1x2048xi32, #tpu.memory_space<hbm>>) target(%dma_start3A_938 : memref<1x2048xi32, #tpu.memory_space<vmem>>) target_semaphore(%dma_start3A_934 : memref<!tpu.dma_semaphore, #tpu.memory_space<semaphore_mem>>)
      } else {
      }
      %add3A_497 = arith.constant 2 : i32
      %add3A_498 = arith.addi %mul3A_223, %add3A_497 : i32
      %jit3A_499 = arith.constant 2 : i32
      %div3A_500 = arith.divsi %add3A_498, %jit3A_499 : i32
      %sign3A_501 = arith.constant 0 : i32
      %sign3A_502 = arith.cmpi sgt, %add3A_498, %sign3A_501 : i32
      %sign3A_503 = arith.extui %sign3A_502 : i1 to i32
      %sign3A_504 = arith.constant 0 : i32
      %sign3A_505 = arith.cmpi slt, %add3A_498, %sign3A_504 : i32
      %sign3A_506 = arith.extui %sign3A_505 : i1 to i32
      %sign3A_507 = arith.subi %sign3A_503, %sign3A_506 : i32
      %sign3A_508 = arith.constant 0 : i32
      %sign3A_509 = arith.cmpi sgt, %jit3A_499, %sign3A_508 : i32
      %sign3A_510 = arith.extui %sign3A_509 : i1 to i32
      %sign3A_511 = arith.constant 0 : i32
      %sign3A_512 = arith.cmpi slt, %jit3A_499, %sign3A_511 : i32
      %sign3A_513 = arith.extui %sign3A_512 : i1 to i32
      %sign3A_514 = arith.subi %sign3A_510, %sign3A_513 : i32
      %ne3A_515 = arith.cmpi ne, %sign3A_507, %sign3A_514 : i32
      %rem3A_516 = arith.remsi %add3A_498, %jit3A_499 : i32
      %ne3A_517 = arith.constant 0 : i32
      %ne3A_518 = arith.cmpi ne, %rem3A_516, %ne3A_517 : i32
      %and3A_519 = arith.andi %ne3A_515, %ne3A_518 : i1
      %sub3A_520 = arith.constant 1 : i32
      %sub3A_521 = arith.subi %div3A_500, %sub3A_520 : i32
      %select_n3A_522 = arith.select %and3A_519, %sub3A_521, %div3A_500 : i32
      %jit3A_523 = arith.constant 2 : i32
      %eq3A_524 = arith.constant 0 : i32
      %eq3A_525 = arith.cmpi eq, %jit3A_523, %eq3A_524 : i32
      %jit3A_526 = arith.constant 1 : i32
      %select_n3A_527 = arith.select %eq3A_525, %jit3A_526, %jit3A_523 : i32
      %rem3A_528 = arith.remsi %add3A_498, %select_n3A_527 : i32
      %ne3A_529 = arith.constant 0 : i32
      %ne3A_530 = arith.cmpi ne, %rem3A_528, %ne3A_529 : i32
      %lt3A_531 = arith.constant 0 : i32
      %lt3A_532 = arith.cmpi slt, %rem3A_528, %lt3A_531 : i32
      %lt3A_533 = arith.constant 0 : i32
      %lt3A_534 = arith.cmpi slt, %select_n3A_527, %lt3A_533 : i32
      %ne3A_535 = arith.xori %lt3A_532, %lt3A_534 : i1
      %and3A_536 = arith.andi %ne3A_535, %ne3A_530 : i1
      %add3A_537 = arith.addi %rem3A_528, %select_n3A_527 : i32
      %select_n3A_538 = arith.select %and3A_536, %add3A_537, %rem3A_528 : i32
      %mul3A_539 = arith.constant 2048 : i32
      %mul3A_540 = arith.muli %select_n3A_538, %mul3A_539 : i32
      %dma_wait3A_541 = arith.constant 2 : i32
      %dma_wait3A_542 = arith.constant 2 : i32
      %dma_wait3A_543 = arith.constant 0 : i32
      %dma_wait3A_544 = arith.constant 0 : i32
      %dma_wait3A_545 = tpu.memref_slice %arg6[%dma_wait3A_541, %dma_wait3A_543, %dma_wait3A_544] : memref<5x1x2048xi32, #tpu.memory_space<vmem>> -> memref<1x1x2048xi32, #tpu.memory_space<vmem>>
      %dma_wait3A_546 = tpu.memref_squeeze %dma_wait3A_545 : memref<1x1x2048xi32, #tpu.memory_space<vmem>> -> memref<1x2048xi32, #tpu.memory_space<vmem>>
      %dma_wait3A_547 = tpu.memref_slice %arg2[%select_n3A_522, %mul3A_540] : memref<50x4096xi32, #tpu.memory_space<hbm>> -> memref<1x2048xi32, #tpu.memory_space<hbm>>
      %dma_wait3A_548 = tpu.memref_slice %arg8[%dma_wait3A_542] : memref<5x!tpu.dma_semaphore, #tpu.memory_space<semaphore_mem>> -> memref<1x!tpu.dma_semaphore, #tpu.memory_space<semaphore_mem>>
      %dma_wait3A_549 = tpu.memref_squeeze %dma_wait3A_548 : memref<1x!tpu.dma_semaphore, #tpu.memory_space<semaphore_mem>> -> memref<!tpu.dma_semaphore, #tpu.memory_space<semaphore_mem>>
      %dma_wait3A_550 = arith.constant 0 : i32
      %dma_wait3A_551 = arith.constant 0 : i32
      %dma_wait3A_552 = tpu.memref_slice %arg6[%dma_wait3A_541, %dma_wait3A_550, %dma_wait3A_551] : memref<5x1x2048xi32, #tpu.memory_space<vmem>> -> memref<1x1x2048xi32, #tpu.memory_space<vmem>>
      %dma_wait3A_553 = tpu.memref_squeeze %dma_wait3A_552 : memref<1x1x2048xi32, #tpu.memory_space<vmem>> -> memref<1x2048xi32, #tpu.memory_space<vmem>>
      %dma_wait3A_554 = tpu.memref_slice %arg2[%select_n3A_522, %mul3A_540] : memref<50x4096xi32, #tpu.memory_space<hbm>> -> memref<1x2048xi32, #tpu.memory_space<hbm>>
      tpu.wait_dma2 semaphore(%dma_wait3A_549 : memref<!tpu.dma_semaphore, #tpu.memory_space<semaphore_mem>>) src(%dma_wait3A_554 : memref<1x2048xi32, #tpu.memory_space<hbm>>) dst(%dma_wait3A_553 : memref<1x2048xi32, #tpu.memory_space<vmem>>)
      %gt3A_555 = arith.constant 0 : i32
      %gt3A_556 = arith.cmpi sgt, %scan3A_221, %gt3A_555 : i32
      %or3A_557 = arith.constant true
      %or3A_558 = arith.ori %gt3A_556, %or3A_557 : i1
      %convert_element_type3A_559 = arith.extui %or3A_558 : i1 to i32
      %cond3A_560 = arith.constant 0 : i32
      %cond3A_561 = arith.cmpi ne, %convert_element_type3A_559, %cond3A_560 : i32
      scf.if %cond3A_561 {
        %dma_wait3A_926 = arith.constant 2 : i32
        %dma_wait3A_927 = arith.constant 2 : i32
        %dma_wait3A_928 = arith.constant 0 : i32
        %dma_wait3A_929 = arith.constant 0 : i32
        %dma_wait3A_930 = tpu.memref_slice %arg7[%dma_wait3A_926, %dma_wait3A_928, %dma_wait3A_929] : memref<5x1x2048xf32, #tpu.memory_space<vmem>> -> memref<1x1x2048xf32, #tpu.memory_space<vmem>>
        %dma_wait3A_931 = tpu.memref_squeeze %dma_wait3A_930 : memref<1x1x2048xf32, #tpu.memory_space<vmem>> -> memref<1x2048xf32, #tpu.memory_space<vmem>>
        %dma_wait3A_932 = tpu.memref_slice %arg4[%select_n3A_522, %add3A_101, %mul3A_540] : memref<50x64x4096xf32, #tpu.memory_space<hbm>> -> memref<1x1x2048xf32, #tpu.memory_space<hbm>>
        %dma_wait3A_933 = tpu.memref_squeeze %dma_wait3A_932 : memref<1x1x2048xf32, #tpu.memory_space<hbm>> -> memref<1x2048xf32, #tpu.memory_space<hbm>>
        %dma_wait3A_934 = tpu.memref_slice %arg9[%dma_wait3A_927] : memref<5x!tpu.dma_semaphore, #tpu.memory_space<semaphore_mem>> -> memref<1x!tpu.dma_semaphore, #tpu.memory_space<semaphore_mem>>
        %dma_wait3A_935 = tpu.memref_squeeze %dma_wait3A_934 : memref<1x!tpu.dma_semaphore, #tpu.memory_space<semaphore_mem>> -> memref<!tpu.dma_semaphore, #tpu.memory_space<semaphore_mem>>
        %dma_wait3A_936 = tpu.memref_slice %arg4[%select_n3A_522, %add3A_101, %mul3A_540] : memref<50x64x4096xf32, #tpu.memory_space<hbm>> -> memref<1x1x2048xf32, #tpu.memory_space<hbm>>
        %dma_wait3A_937 = tpu.memref_squeeze %dma_wait3A_936 : memref<1x1x2048xf32, #tpu.memory_space<hbm>> -> memref<1x2048xf32, #tpu.memory_space<hbm>>
        %dma_wait3A_938 = arith.constant 0 : i32
        %dma_wait3A_939 = arith.constant 0 : i32
        %dma_wait3A_940 = tpu.memref_slice %arg7[%dma_wait3A_926, %dma_wait3A_938, %dma_wait3A_939] : memref<5x1x2048xf32, #tpu.memory_space<vmem>> -> memref<1x1x2048xf32, #tpu.memory_space<vmem>>
        %dma_wait3A_941 = tpu.memref_squeeze %dma_wait3A_940 : memref<1x1x2048xf32, #tpu.memory_space<vmem>> -> memref<1x2048xf32, #tpu.memory_space<vmem>>
        tpu.wait_dma2 semaphore(%dma_wait3A_935 : memref<!tpu.dma_semaphore, #tpu.memory_space<semaphore_mem>>) src(%dma_wait3A_941 : memref<1x2048xf32, #tpu.memory_space<vmem>>) dst(%dma_wait3A_937 : memref<1x2048xf32, #tpu.memory_space<hbm>>)
      } else {
      }
      %scan3A_562 = arith.constant 0 : i32
      %scan3A_563 = arith.constant 0 : i32
      %scan3A_564 = arith.constant 8 : i32
      %scan3A_565 = arith.addi %scan3A_563, %scan3A_564 : i32
      %scan3A_566 = arith.constant 1 : i32
      scf.for %scan3A_926 = %scan3A_563 to %scan3A_565 step %scan3A_566  : i32 {
        %mul3A_927 = arith.constant 16 : i32
        %mul3A_928 = arith.muli %scan3A_926, %mul3A_927 : i32
        %mul3A_929 = arith.constant 16 : i32
        %mul3A_930 = arith.muli %mul3A_928, %mul3A_929 : i32
        %add3A_931 = arith.constant 0 : i32
        %add3A_932 = arith.addi %mul3A_930, %add3A_931 : i32
        %get3A = arith.constant 2 : i32
        %get3A_933 = arith.constant 0 : i32
        %get3A_934 = arith.index_cast %get3A : i32 to index
        %get3A_935 = arith.index_cast %get3A_933 : i32 to index
        %get3A_936 = arith.index_cast %add3A_932 : i32 to index
        %get3A_937 = tpu.vector_load %arg6[%get3A_934, %get3A_935, %get3A_936] {strides = array<i32>} : memref<5x1x2048xi32, #tpu.memory_space<vmem>>, vector<16xi32>,
        %add3A_938 = arith.constant 16 : i32
        %add3A_939 = arith.addi %mul3A_930, %add3A_938 : i32
        %get3A_940 = arith.constant 2 : i32
        %get3A_941 = arith.constant 0 : i32
        %get3A_942 = arith.index_cast %get3A_940 : i32 to index
        %get3A_943 = arith.index_cast %get3A_941 : i32 to index
        %get3A_944 = arith.index_cast %add3A_939 : i32 to index
        %get3A_945 = tpu.vector_load %arg6[%get3A_942, %get3A_943, %get3A_944] {strides = array<i32>} : memref<5x1x2048xi32, #tpu.memory_space<vmem>>, vector<16xi32>,
        %add3A_946 = arith.constant 32 : i32
        %add3A_947 = arith.addi %mul3A_930, %add3A_946 : i32
        %get3A_948 = arith.constant 2 : i32
        %get3A_949 = arith.constant 0 : i32
        %get3A_950 = arith.index_cast %get3A_948 : i32 to index
        %get3A_951 = arith.index_cast %get3A_949 : i32 to index
        %get3A_952 = arith.index_cast %add3A_947 : i32 to index
        %get3A_953 = tpu.vector_load %arg6[%get3A_950, %get3A_951, %get3A_952] {strides = array<i32>} : memref<5x1x2048xi32, #tpu.memory_space<vmem>>, vector<16xi32>,
        %add3A_954 = arith.constant 48 : i32
        %add3A_955 = arith.addi %mul3A_930, %add3A_954 : i32
        %get3A_956 = arith.constant 2 : i32
        %get3A_957 = arith.constant 0 : i32
        %get3A_958 = arith.index_cast %get3A_956 : i32 to index
        %get3A_959 = arith.index_cast %get3A_957 : i32 to index
        %get3A_960 = arith.index_cast %add3A_955 : i32 to index
        %get3A_961 = tpu.vector_load %arg6[%get3A_958, %get3A_959, %get3A_960] {strides = array<i32>} : memref<5x1x2048xi32, #tpu.memory_space<vmem>>, vector<16xi32>,
        %add3A_962 = arith.constant 64 : i32
        %add3A_963 = arith.addi %mul3A_930, %add3A_962 : i32
        %get3A_964 = arith.constant 2 : i32
        %get3A_965 = arith.constant 0 : i32
        %get3A_966 = arith.index_cast %get3A_964 : i32 to index
        %get3A_967 = arith.index_cast %get3A_965 : i32 to index
        %get3A_968 = arith.index_cast %add3A_963 : i32 to index
        %get3A_969 = tpu.vector_load %arg6[%get3A_966, %get3A_967, %get3A_968] {strides = array<i32>} : memref<5x1x2048xi32, #tpu.memory_space<vmem>>, vector<16xi32>,
        %add3A_970 = arith.constant 80 : i32
        %add3A_971 = arith.addi %mul3A_930, %add3A_970 : i32
        %get3A_972 = arith.constant 2 : i32
        %get3A_973 = arith.constant 0 : i32
        %get3A_974 = arith.index_cast %get3A_972 : i32 to index
        %get3A_975 = arith.index_cast %get3A_973 : i32 to index
        %get3A_976 = arith.index_cast %add3A_971 : i32 to index
        %get3A_977 = tpu.vector_load %arg6[%get3A_974, %get3A_975, %get3A_976] {strides = array<i32>} : memref<5x1x2048xi32, #tpu.memory_space<vmem>>, vector<16xi32>,
        %add3A_978 = arith.constant 96 : i32
        %add3A_979 = arith.addi %mul3A_930, %add3A_978 : i32
        %get3A_980 = arith.constant 2 : i32
        %get3A_981 = arith.constant 0 : i32
        %get3A_982 = arith.index_cast %get3A_980 : i32 to index
        %get3A_983 = arith.index_cast %get3A_981 : i32 to index
        %get3A_984 = arith.index_cast %add3A_979 : i32 to index
        %get3A_985 = tpu.vector_load %arg6[%get3A_982, %get3A_983, %get3A_984] {strides = array<i32>} : memref<5x1x2048xi32, #tpu.memory_space<vmem>>, vector<16xi32>,
        %add3A_986 = arith.constant 112 : i32
        %add3A_987 = arith.addi %mul3A_930, %add3A_986 : i32
        %get3A_988 = arith.constant 2 : i32
        %get3A_989 = arith.constant 0 : i32
        %get3A_990 = arith.index_cast %get3A_988 : i32 to index
        %get3A_991 = arith.index_cast %get3A_989 : i32 to index
        %get3A_992 = arith.index_cast %add3A_987 : i32 to index
        %get3A_993 = tpu.vector_load %arg6[%get3A_990, %get3A_991, %get3A_992] {strides = array<i32>} : memref<5x1x2048xi32, #tpu.memory_space<vmem>>, vector<16xi32>,
        %add3A_994 = arith.constant 128 : i32
        %add3A_995 = arith.addi %mul3A_930, %add3A_994 : i32
        %get3A_996 = arith.constant 2 : i32
        %get3A_997 = arith.constant 0 : i32
        %get3A_998 = arith.index_cast %get3A_996 : i32 to index
        %get3A_999 = arith.index_cast %get3A_997 : i32 to index
        %get3A_1000 = arith.index_cast %add3A_995 : i32 to index
        %get3A_1001 = tpu.vector_load %arg6[%get3A_998, %get3A_999, %get3A_1000] {strides = array<i32>} : memref<5x1x2048xi32, #tpu.memory_space<vmem>>, vector<16xi32>,
        %add3A_1002 = arith.constant 144 : i32
        %add3A_1003 = arith.addi %mul3A_930, %add3A_1002 : i32
        %get3A_1004 = arith.constant 2 : i32
        %get3A_1005 = arith.constant 0 : i32
        %get3A_1006 = arith.index_cast %get3A_1004 : i32 to index
        %get3A_1007 = arith.index_cast %get3A_1005 : i32 to index
        %get3A_1008 = arith.index_cast %add3A_1003 : i32 to index
        %get3A_1009 = tpu.vector_load %arg6[%get3A_1006, %get3A_1007, %get3A_1008] {strides = array<i32>} : memref<5x1x2048xi32, #tpu.memory_space<vmem>>, vector<16xi32>,
        %add3A_1010 = arith.constant 160 : i32
        %add3A_1011 = arith.addi %mul3A_930, %add3A_1010 : i32
        %get3A_1012 = arith.constant 2 : i32
        %get3A_1013 = arith.constant 0 : i32
        %get3A_1014 = arith.index_cast %get3A_1012 : i32 to index
        %get3A_1015 = arith.index_cast %get3A_1013 : i32 to index
        %get3A_1016 = arith.index_cast %add3A_1011 : i32 to index
        %get3A_1017 = tpu.vector_load %arg6[%get3A_1014, %get3A_1015, %get3A_1016] {strides = array<i32>} : memref<5x1x2048xi32, #tpu.memory_space<vmem>>, vector<16xi32>,
        %add3A_1018 = arith.constant 176 : i32
        %add3A_1019 = arith.addi %mul3A_930, %add3A_1018 : i32
        %get3A_1020 = arith.constant 2 : i32
        %get3A_1021 = arith.constant 0 : i32
        %get3A_1022 = arith.index_cast %get3A_1020 : i32 to index
        %get3A_1023 = arith.index_cast %get3A_1021 : i32 to index
        %get3A_1024 = arith.index_cast %add3A_1019 : i32 to index
        %get3A_1025 = tpu.vector_load %arg6[%get3A_1022, %get3A_1023, %get3A_1024] {strides = array<i32>} : memref<5x1x2048xi32, #tpu.memory_space<vmem>>, vector<16xi32>,
        %add3A_1026 = arith.constant 192 : i32
        %add3A_1027 = arith.addi %mul3A_930, %add3A_1026 : i32
        %get3A_1028 = arith.constant 2 : i32
        %get3A_1029 = arith.constant 0 : i32
        %get3A_1030 = arith.index_cast %get3A_1028 : i32 to index
        %get3A_1031 = arith.index_cast %get3A_1029 : i32 to index
        %get3A_1032 = arith.index_cast %add3A_1027 : i32 to index
        %get3A_1033 = tpu.vector_load %arg6[%get3A_1030, %get3A_1031, %get3A_1032] {strides = array<i32>} : memref<5x1x2048xi32, #tpu.memory_space<vmem>>, vector<16xi32>,
        %add3A_1034 = arith.constant 208 : i32
        %add3A_1035 = arith.addi %mul3A_930, %add3A_1034 : i32
        %get3A_1036 = arith.constant 2 : i32
        %get3A_1037 = arith.constant 0 : i32
        %get3A_1038 = arith.index_cast %get3A_1036 : i32 to index
        %get3A_1039 = arith.index_cast %get3A_1037 : i32 to index
        %get3A_1040 = arith.index_cast %add3A_1035 : i32 to index
        %get3A_1041 = tpu.vector_load %arg6[%get3A_1038, %get3A_1039, %get3A_1040] {strides = array<i32>} : memref<5x1x2048xi32, #tpu.memory_space<vmem>>, vector<16xi32>,
        %add3A_1042 = arith.constant 224 : i32
        %add3A_1043 = arith.addi %mul3A_930, %add3A_1042 : i32
        %get3A_1044 = arith.constant 2 : i32
        %get3A_1045 = arith.constant 0 : i32
        %get3A_1046 = arith.index_cast %get3A_1044 : i32 to index
        %get3A_1047 = arith.index_cast %get3A_1045 : i32 to index
        %get3A_1048 = arith.index_cast %add3A_1043 : i32 to index
        %get3A_1049 = tpu.vector_load %arg6[%get3A_1046, %get3A_1047, %get3A_1048] {strides = array<i32>} : memref<5x1x2048xi32, #tpu.memory_space<vmem>>, vector<16xi32>,
        %add3A_1050 = arith.constant 240 : i32
        %add3A_1051 = arith.addi %mul3A_930, %add3A_1050 : i32
        %get3A_1052 = arith.constant 2 : i32
        %get3A_1053 = arith.constant 0 : i32
        %get3A_1054 = arith.index_cast %get3A_1052 : i32 to index
        %get3A_1055 = arith.index_cast %get3A_1053 : i32 to index
        %get3A_1056 = arith.index_cast %add3A_1051 : i32 to index
        %get3A_1057 = tpu.vector_load %arg6[%get3A_1054, %get3A_1055, %get3A_1056] {strides = array<i32>} : memref<5x1x2048xi32, #tpu.memory_space<vmem>>, vector<16xi32>,
        %gather3A = tpu.vector_load_idx %arg5[%broadcast_in_dim3A_3, %get3A_937] : memref<1x100000xf32, #tpu.memory_space<vmem>>[vector<16xi32>, vector<16xi32>], vector<16xf32>,
        %gather3A_1058 = tpu.vector_load_idx %arg5[%broadcast_in_dim3A_3, %get3A_945] : memref<1x100000xf32, #tpu.memory_space<vmem>>[vector<16xi32>, vector<16xi32>], vector<16xf32>,
        %gather3A_1059 = tpu.vector_load_idx %arg5[%broadcast_in_dim3A_3, %get3A_953] : memref<1x100000xf32, #tpu.memory_space<vmem>>[vector<16xi32>, vector<16xi32>], vector<16xf32>,
        %gather3A_1060 = tpu.vector_load_idx %arg5[%broadcast_in_dim3A_3, %get3A_961] : memref<1x100000xf32, #tpu.memory_space<vmem>>[vector<16xi32>, vector<16xi32>], vector<16xf32>,
        %gather3A_1061 = tpu.vector_load_idx %arg5[%broadcast_in_dim3A_3, %get3A_969] : memref<1x100000xf32, #tpu.memory_space<vmem>>[vector<16xi32>, vector<16xi32>], vector<16xf32>,
        %gather3A_1062 = tpu.vector_load_idx %arg5[%broadcast_in_dim3A_3, %get3A_977] : memref<1x100000xf32, #tpu.memory_space<vmem>>[vector<16xi32>, vector<16xi32>], vector<16xf32>,
        %gather3A_1063 = tpu.vector_load_idx %arg5[%broadcast_in_dim3A_3, %get3A_985] : memref<1x100000xf32, #tpu.memory_space<vmem>>[vector<16xi32>, vector<16xi32>], vector<16xf32>,
        %gather3A_1064 = tpu.vector_load_idx %arg5[%broadcast_in_dim3A_3, %get3A_993] : memref<1x100000xf32, #tpu.memory_space<vmem>>[vector<16xi32>, vector<16xi32>], vector<16xf32>,
        %gather3A_1065 = tpu.vector_load_idx %arg5[%broadcast_in_dim3A_3, %get3A_1001] : memref<1x100000xf32, #tpu.memory_space<vmem>>[vector<16xi32>, vector<16xi32>], vector<16xf32>,
        %gather3A_1066 = tpu.vector_load_idx %arg5[%broadcast_in_dim3A_3, %get3A_1009] : memref<1x100000xf32, #tpu.memory_space<vmem>>[vector<16xi32>, vector<16xi32>], vector<16xf32>,
        %gather3A_1067 = tpu.vector_load_idx %arg5[%broadcast_in_dim3A_3, %get3A_1017] : memref<1x100000xf32, #tpu.memory_space<vmem>>[vector<16xi32>, vector<16xi32>], vector<16xf32>,
        %gather3A_1068 = tpu.vector_load_idx %arg5[%broadcast_in_dim3A_3, %get3A_1025] : memref<1x100000xf32, #tpu.memory_space<vmem>>[vector<16xi32>, vector<16xi32>], vector<16xf32>,
        %gather3A_1069 = tpu.vector_load_idx %arg5[%broadcast_in_dim3A_3, %get3A_1033] : memref<1x100000xf32, #tpu.memory_space<vmem>>[vector<16xi32>, vector<16xi32>], vector<16xf32>,
        %gather3A_1070 = tpu.vector_load_idx %arg5[%broadcast_in_dim3A_3, %get3A_1041] : memref<1x100000xf32, #tpu.memory_space<vmem>>[vector<16xi32>, vector<16xi32>], vector<16xf32>,
        %gather3A_1071 = tpu.vector_load_idx %arg5[%broadcast_in_dim3A_3, %get3A_1049] : memref<1x100000xf32, #tpu.memory_space<vmem>>[vector<16xi32>, vector<16xi32>], vector<16xf32>,
        %gather3A_1072 = tpu.vector_load_idx %arg5[%broadcast_in_dim3A_3, %get3A_1057] : memref<1x100000xf32, #tpu.memory_space<vmem>>[vector<16xi32>, vector<16xi32>], vector<16xf32>,
        %add3A_1073 = arith.constant 0 : i32
        %add3A_1074 = arith.addi %mul3A_930, %add3A_1073 : i32
        %swap3A = arith.constant 2 : i32
        %swap3A_1075 = arith.constant 0 : i32
        %swap3A_1076 = arith.index_cast %swap3A : i32 to index
        %swap3A_1077 = arith.index_cast %swap3A_1075 : i32 to index
        %swap3A_1078 = arith.index_cast %add3A_1074 : i32 to index
        %swap3A_1079 = tpu.vector_load %arg7[%swap3A_1076, %swap3A_1077, %swap3A_1078] {strides = array<i32>} : memref<5x1x2048xf32, #tpu.memory_space<vmem>>, vector<16xf32>,
        tpu.vector_store %arg7[%swap3A_1076, %swap3A_1077, %swap3A_1078], %gather3A {strides = array<i32>} : memref<5x1x2048xf32, #tpu.memory_space<vmem>>, vector<16xf32>,
        %add3A_1080 = arith.constant 16 : i32
        %add3A_1081 = arith.addi %mul3A_930, %add3A_1080 : i32
        %swap3A_1082 = arith.constant 2 : i32
        %swap3A_1083 = arith.constant 0 : i32
        %swap3A_1084 = arith.index_cast %swap3A_1082 : i32 to index
        %swap3A_1085 = arith.index_cast %swap3A_1083 : i32 to index
        %swap3A_1086 = arith.index_cast %add3A_1081 : i32 to index
        %swap3A_1087 = tpu.vector_load %arg7[%swap3A_1084, %swap3A_1085, %swap3A_1086] {strides = array<i32>} : memref<5x1x2048xf32, #tpu.memory_space<vmem>>, vector<16xf32>,
        tpu.vector_store %arg7[%swap3A_1084, %swap3A_1085, %swap3A_1086], %gather3A_1058 {strides = array<i32>} : memref<5x1x2048xf32, #tpu.memory_space<vmem>>, vector<16xf32>,
        %add3A_1088 = arith.constant 32 : i32
        %add3A_1089 = arith.addi %mul3A_930, %add3A_1088 : i32
        %swap3A_1090 = arith.constant 2 : i32
        %swap3A_1091 = arith.constant 0 : i32
        %swap3A_1092 = arith.index_cast %swap3A_1090 : i32 to index
        %swap3A_1093 = arith.index_cast %swap3A_1091 : i32 to index
        %swap3A_1094 = arith.index_cast %add3A_1089 : i32 to index
        %swap3A_1095 = tpu.vector_load %arg7[%swap3A_1092, %swap3A_1093, %swap3A_1094] {strides = array<i32>} : memref<5x1x2048xf32, #tpu.memory_space<vmem>>, vector<16xf32>,
        tpu.vector_store %arg7[%swap3A_1092, %swap3A_1093, %swap3A_1094], %gather3A_1059 {strides = array<i32>} : memref<5x1x2048xf32, #tpu.memory_space<vmem>>, vector<16xf32>,
        %add3A_1096 = arith.constant 48 : i32
        %add3A_1097 = arith.addi %mul3A_930, %add3A_1096 : i32
        %swap3A_1098 = arith.constant 2 : i32
        %swap3A_1099 = arith.constant 0 : i32
        %swap3A_1100 = arith.index_cast %swap3A_1098 : i32 to index
        %swap3A_1101 = arith.index_cast %swap3A_1099 : i32 to index
        %swap3A_1102 = arith.index_cast %add3A_1097 : i32 to index
        %swap3A_1103 = tpu.vector_load %arg7[%swap3A_1100, %swap3A_1101, %swap3A_1102] {strides = array<i32>} : memref<5x1x2048xf32, #tpu.memory_space<vmem>>, vector<16xf32>,
        tpu.vector_store %arg7[%swap3A_1100, %swap3A_1101, %swap3A_1102], %gather3A_1060 {strides = array<i32>} : memref<5x1x2048xf32, #tpu.memory_space<vmem>>, vector<16xf32>,
        %add3A_1104 = arith.constant 64 : i32
        %add3A_1105 = arith.addi %mul3A_930, %add3A_1104 : i32
        %swap3A_1106 = arith.constant 2 : i32
        %swap3A_1107 = arith.constant 0 : i32
        %swap3A_1108 = arith.index_cast %swap3A_1106 : i32 to index
        %swap3A_1109 = arith.index_cast %swap3A_1107 : i32 to index
        %swap3A_1110 = arith.index_cast %add3A_1105 : i32 to index
        %swap3A_1111 = tpu.vector_load %arg7[%swap3A_1108, %swap3A_1109, %swap3A_1110] {strides = array<i32>} : memref<5x1x2048xf32, #tpu.memory_space<vmem>>, vector<16xf32>,
        tpu.vector_store %arg7[%swap3A_1108, %swap3A_1109, %swap3A_1110], %gather3A_1061 {strides = array<i32>} : memref<5x1x2048xf32, #tpu.memory_space<vmem>>, vector<16xf32>,
        %add3A_1112 = arith.constant 80 : i32
        %add3A_1113 = arith.addi %mul3A_930, %add3A_1112 : i32
        %swap3A_1114 = arith.constant 2 : i32
        %swap3A_1115 = arith.constant 0 : i32
        %swap3A_1116 = arith.index_cast %swap3A_1114 : i32 to index
        %swap3A_1117 = arith.index_cast %swap3A_1115 : i32 to index
        %swap3A_1118 = arith.index_cast %add3A_1113 : i32 to index
        %swap3A_1119 = tpu.vector_load %arg7[%swap3A_1116, %swap3A_1117, %swap3A_1118] {strides = array<i32>} : memref<5x1x2048xf32, #tpu.memory_space<vmem>>, vector<16xf32>,
        tpu.vector_store %arg7[%swap3A_1116, %swap3A_1117, %swap3A_1118], %gather3A_1062 {strides = array<i32>} : memref<5x1x2048xf32, #tpu.memory_space<vmem>>, vector<16xf32>,
        %add3A_1120 = arith.constant 96 : i32
        %add3A_1121 = arith.addi %mul3A_930, %add3A_1120 : i32
        %swap3A_1122 = arith.constant 2 : i32
        %swap3A_1123 = arith.constant 0 : i32
        %swap3A_1124 = arith.index_cast %swap3A_1122 : i32 to index
        %swap3A_1125 = arith.index_cast %swap3A_1123 : i32 to index
        %swap3A_1126 = arith.index_cast %add3A_1121 : i32 to index
        %swap3A_1127 = tpu.vector_load %arg7[%swap3A_1124, %swap3A_1125, %swap3A_1126] {strides = array<i32>} : memref<5x1x2048xf32, #tpu.memory_space<vmem>>, vector<16xf32>,
        tpu.vector_store %arg7[%swap3A_1124, %swap3A_1125, %swap3A_1126], %gather3A_1063 {strides = array<i32>} : memref<5x1x2048xf32, #tpu.memory_space<vmem>>, vector<16xf32>,
        %add3A_1128 = arith.constant 112 : i32
        %add3A_1129 = arith.addi %mul3A_930, %add3A_1128 : i32
        %swap3A_1130 = arith.constant 2 : i32
        %swap3A_1131 = arith.constant 0 : i32
        %swap3A_1132 = arith.index_cast %swap3A_1130 : i32 to index
        %swap3A_1133 = arith.index_cast %swap3A_1131 : i32 to index
        %swap3A_1134 = arith.index_cast %add3A_1129 : i32 to index
        %swap3A_1135 = tpu.vector_load %arg7[%swap3A_1132, %swap3A_1133, %swap3A_1134] {strides = array<i32>} : memref<5x1x2048xf32, #tpu.memory_space<vmem>>, vector<16xf32>,
        tpu.vector_store %arg7[%swap3A_1132, %swap3A_1133, %swap3A_1134], %gather3A_1064 {strides = array<i32>} : memref<5x1x2048xf32, #tpu.memory_space<vmem>>, vector<16xf32>,
        %add3A_1136 = arith.constant 128 : i32
        %add3A_1137 = arith.addi %mul3A_930, %add3A_1136 : i32
        %swap3A_1138 = arith.constant 2 : i32
        %swap3A_1139 = arith.constant 0 : i32
        %swap3A_1140 = arith.index_cast %swap3A_1138 : i32 to index
        %swap3A_1141 = arith.index_cast %swap3A_1139 : i32 to index
        %swap3A_1142 = arith.index_cast %add3A_1137 : i32 to index
        %swap3A_1143 = tpu.vector_load %arg7[%swap3A_1140, %swap3A_1141, %swap3A_1142] {strides = array<i32>} : memref<5x1x2048xf32, #tpu.memory_space<vmem>>, vector<16xf32>,
        tpu.vector_store %arg7[%swap3A_1140, %swap3A_1141, %swap3A_1142], %gather3A_1065 {strides = array<i32>} : memref<5x1x2048xf32, #tpu.memory_space<vmem>>, vector<16xf32>,
        %add3A_1144 = arith.constant 144 : i32
        %add3A_1145 = arith.addi %mul3A_930, %add3A_1144 : i32
        %swap3A_1146 = arith.constant 2 : i32
        %swap3A_1147 = arith.constant 0 : i32
        %swap3A_1148 = arith.index_cast %swap3A_1146 : i32 to index
        %swap3A_1149 = arith.index_cast %swap3A_1147 : i32 to index
        %swap3A_1150 = arith.index_cast %add3A_1145 : i32 to index
        %swap3A_1151 = tpu.vector_load %arg7[%swap3A_1148, %swap3A_1149, %swap3A_1150] {strides = array<i32>} : memref<5x1x2048xf32, #tpu.memory_space<vmem>>, vector<16xf32>,
        tpu.vector_store %arg7[%swap3A_1148, %swap3A_1149, %swap3A_1150], %gather3A_1066 {strides = array<i32>} : memref<5x1x2048xf32, #tpu.memory_space<vmem>>, vector<16xf32>,
        %add3A_1152 = arith.constant 160 : i32
        %add3A_1153 = arith.addi %mul3A_930, %add3A_1152 : i32
        %swap3A_1154 = arith.constant 2 : i32
        %swap3A_1155 = arith.constant 0 : i32
        %swap3A_1156 = arith.index_cast %swap3A_1154 : i32 to index
        %swap3A_1157 = arith.index_cast %swap3A_1155 : i32 to index
        %swap3A_1158 = arith.index_cast %add3A_1153 : i32 to index
        %swap3A_1159 = tpu.vector_load %arg7[%swap3A_1156, %swap3A_1157, %swap3A_1158] {strides = array<i32>} : memref<5x1x2048xf32, #tpu.memory_space<vmem>>, vector<16xf32>,
        tpu.vector_store %arg7[%swap3A_1156, %swap3A_1157, %swap3A_1158], %gather3A_1067 {strides = array<i32>} : memref<5x1x2048xf32, #tpu.memory_space<vmem>>, vector<16xf32>,
        %add3A_1160 = arith.constant 176 : i32
        %add3A_1161 = arith.addi %mul3A_930, %add3A_1160 : i32
        %swap3A_1162 = arith.constant 2 : i32
        %swap3A_1163 = arith.constant 0 : i32
        %swap3A_1164 = arith.index_cast %swap3A_1162 : i32 to index
        %swap3A_1165 = arith.index_cast %swap3A_1163 : i32 to index
        %swap3A_1166 = arith.index_cast %add3A_1161 : i32 to index
        %swap3A_1167 = tpu.vector_load %arg7[%swap3A_1164, %swap3A_1165, %swap3A_1166] {strides = array<i32>} : memref<5x1x2048xf32, #tpu.memory_space<vmem>>, vector<16xf32>,
        tpu.vector_store %arg7[%swap3A_1164, %swap3A_1165, %swap3A_1166], %gather3A_1068 {strides = array<i32>} : memref<5x1x2048xf32, #tpu.memory_space<vmem>>, vector<16xf32>,
        %add3A_1168 = arith.constant 192 : i32
        %add3A_1169 = arith.addi %mul3A_930, %add3A_1168 : i32
        %swap3A_1170 = arith.constant 2 : i32
        %swap3A_1171 = arith.constant 0 : i32
        %swap3A_1172 = arith.index_cast %swap3A_1170 : i32 to index
        %swap3A_1173 = arith.index_cast %swap3A_1171 : i32 to index
        %swap3A_1174 = arith.index_cast %add3A_1169 : i32 to index
        %swap3A_1175 = tpu.vector_load %arg7[%swap3A_1172, %swap3A_1173, %swap3A_1174] {strides = array<i32>} : memref<5x1x2048xf32, #tpu.memory_space<vmem>>, vector<16xf32>,
        tpu.vector_store %arg7[%swap3A_1172, %swap3A_1173, %swap3A_1174], %gather3A_1069 {strides = array<i32>} : memref<5x1x2048xf32, #tpu.memory_space<vmem>>, vector<16xf32>,
        %add3A_1176 = arith.constant 208 : i32
        %add3A_1177 = arith.addi %mul3A_930, %add3A_1176 : i32
        %swap3A_1178 = arith.constant 2 : i32
        %swap3A_1179 = arith.constant 0 : i32
        %swap3A_1180 = arith.index_cast %swap3A_1178 : i32 to index
        %swap3A_1181 = arith.index_cast %swap3A_1179 : i32 to index
        %swap3A_1182 = arith.index_cast %add3A_1177 : i32 to index
        %swap3A_1183 = tpu.vector_load %arg7[%swap3A_1180, %swap3A_1181, %swap3A_1182] {strides = array<i32>} : memref<5x1x2048xf32, #tpu.memory_space<vmem>>, vector<16xf32>,
        tpu.vector_store %arg7[%swap3A_1180, %swap3A_1181, %swap3A_1182], %gather3A_1070 {strides = array<i32>} : memref<5x1x2048xf32, #tpu.memory_space<vmem>>, vector<16xf32>,
        %add3A_1184 = arith.constant 224 : i32
        %add3A_1185 = arith.addi %mul3A_930, %add3A_1184 : i32
        %swap3A_1186 = arith.constant 2 : i32
        %swap3A_1187 = arith.constant 0 : i32
        %swap3A_1188 = arith.index_cast %swap3A_1186 : i32 to index
        %swap3A_1189 = arith.index_cast %swap3A_1187 : i32 to index
        %swap3A_1190 = arith.index_cast %add3A_1185 : i32 to index
        %swap3A_1191 = tpu.vector_load %arg7[%swap3A_1188, %swap3A_1189, %swap3A_1190] {strides = array<i32>} : memref<5x1x2048xf32, #tpu.memory_space<vmem>>, vector<16xf32>,
        tpu.vector_store %arg7[%swap3A_1188, %swap3A_1189, %swap3A_1190], %gather3A_1071 {strides = array<i32>} : memref<5x1x2048xf32, #tpu.memory_space<vmem>>, vector<16xf32>,
        %add3A_1192 = arith.constant 240 : i32
        %add3A_1193 = arith.addi %mul3A_930, %add3A_1192 : i32
        %swap3A_1194 = arith.constant 2 : i32
        %swap3A_1195 = arith.constant 0 : i32
        %swap3A_1196 = arith.index_cast %swap3A_1194 : i32 to index
        %swap3A_1197 = arith.index_cast %swap3A_1195 : i32 to index
        %swap3A_1198 = arith.index_cast %add3A_1193 : i32 to index
        %swap3A_1199 = tpu.vector_load %arg7[%swap3A_1196, %swap3A_1197, %swap3A_1198] {strides = array<i32>} : memref<5x1x2048xf32, #tpu.memory_space<vmem>>, vector<16xf32>,
        tpu.vector_store %arg7[%swap3A_1196, %swap3A_1197, %swap3A_1198], %gather3A_1072 {strides = array<i32>} : memref<5x1x2048xf32, #tpu.memory_space<vmem>>, vector<16xf32>,
      }
      %scan3A_567 = arith.constant 8 : i32
      %dma_start3A_568 = arith.constant 2 : i32
      %dma_start3A_569 = arith.constant 2 : i32
      %dma_start3A_570 = arith.constant 0 : i32
      %dma_start3A_571 = arith.constant 0 : i32
      %dma_start3A_572 = tpu.memref_slice %arg7[%dma_start3A_568, %dma_start3A_570, %dma_start3A_571] : memref<5x1x2048xf32, #tpu.memory_space<vmem>> -> memref<1x1x2048xf32, #tpu.memory_space<vmem>>
      %dma_start3A_573 = tpu.memref_squeeze %dma_start3A_572 : memref<1x1x2048xf32, #tpu.memory_space<vmem>> -> memref<1x2048xf32, #tpu.memory_space<vmem>>
      %dma_start3A_574 = tpu.memref_slice %arg4[%select_n3A_522, %add3A_101, %mul3A_540] : memref<50x64x4096xf32, #tpu.memory_space<hbm>> -> memref<1x1x2048xf32, #tpu.memory_space<hbm>>
      %dma_start3A_575 = tpu.memref_squeeze %dma_start3A_574 : memref<1x1x2048xf32, #tpu.memory_space<hbm>> -> memref<1x2048xf32, #tpu.memory_space<hbm>>
      %dma_start3A_576 = tpu.memref_slice %arg9[%dma_start3A_569] : memref<5x!tpu.dma_semaphore, #tpu.memory_space<semaphore_mem>> -> memref<1x!tpu.dma_semaphore, #tpu.memory_space<semaphore_mem>>
      %dma_start3A_577 = tpu.memref_squeeze %dma_start3A_576 : memref<1x!tpu.dma_semaphore, #tpu.memory_space<semaphore_mem>> -> memref<!tpu.dma_semaphore, #tpu.memory_space<semaphore_mem>>
      %dma_start3A_578 = tpu.memref_slice %arg4[%select_n3A_522, %add3A_101, %mul3A_540] : memref<50x64x4096xf32, #tpu.memory_space<hbm>> -> memref<1x1x2048xf32, #tpu.memory_space<hbm>>
      %dma_start3A_579 = tpu.memref_squeeze %dma_start3A_578 : memref<1x1x2048xf32, #tpu.memory_space<hbm>> -> memref<1x2048xf32, #tpu.memory_space<hbm>>
      %dma_start3A_580 = arith.constant 0 : i32
      %dma_start3A_581 = arith.constant 0 : i32
      %dma_start3A_582 = tpu.memref_slice %arg7[%dma_start3A_568, %dma_start3A_580, %dma_start3A_581] : memref<5x1x2048xf32, #tpu.memory_space<vmem>> -> memref<1x1x2048xf32, #tpu.memory_space<vmem>>
      %dma_start3A_583 = tpu.memref_squeeze %dma_start3A_582 : memref<1x1x2048xf32, #tpu.memory_space<vmem>> -> memref<1x2048xf32, #tpu.memory_space<vmem>>
      tpu.enqueue_dma source(%dma_start3A_583 : memref<1x2048xf32, #tpu.memory_space<vmem>>) target(%dma_start3A_579 : memref<1x2048xf32, #tpu.memory_space<hbm>>) target_semaphore(%dma_start3A_577 : memref<!tpu.dma_semaphore, #tpu.memory_space<semaphore_mem>>)
      %add3A_584 = arith.constant 5 : i32
      %add3A_585 = arith.addi %add3A_498, %add3A_584 : i32
      %lt3A_586 = arith.constant 100 : i32
      %lt3A_587 = arith.cmpi slt, %add3A_585, %lt3A_586 : i32
      %sub3A_588 = arith.constant 100 : i32
      %sub3A_589 = arith.subi %add3A_585, %sub3A_588 : i32
      %select_n3A_590 = arith.select %lt3A_587, %add3A_585, %sub3A_589 : i32
      %jit3A_591 = arith.constant 2 : i32
      %div3A_592 = arith.divsi %select_n3A_590, %jit3A_591 : i32
      %sign3A_593 = arith.constant 0 : i32
      %sign3A_594 = arith.cmpi sgt, %select_n3A_590, %sign3A_593 : i32
      %sign3A_595 = arith.extui %sign3A_594 : i1 to i32
      %sign3A_596 = arith.constant 0 : i32
      %sign3A_597 = arith.cmpi slt, %select_n3A_590, %sign3A_596 : i32
      %sign3A_598 = arith.extui %sign3A_597 : i1 to i32
      %sign3A_599 = arith.subi %sign3A_595, %sign3A_598 : i32
      %sign3A_600 = arith.constant 0 : i32
      %sign3A_601 = arith.cmpi sgt, %jit3A_591, %sign3A_600 : i32
      %sign3A_602 = arith.extui %sign3A_601 : i1 to i32
      %sign3A_603 = arith.constant 0 : i32
      %sign3A_604 = arith.cmpi slt, %jit3A_591, %sign3A_603 : i32
      %sign3A_605 = arith.extui %sign3A_604 : i1 to i32
      %sign3A_606 = arith.subi %sign3A_602, %sign3A_605 : i32
      %ne3A_607 = arith.cmpi ne, %sign3A_599, %sign3A_606 : i32
      %rem3A_608 = arith.remsi %select_n3A_590, %jit3A_591 : i32
      %ne3A_609 = arith.constant 0 : i32
      %ne3A_610 = arith.cmpi ne, %rem3A_608, %ne3A_609 : i32
      %and3A_611 = arith.andi %ne3A_607, %ne3A_610 : i1
      %sub3A_612 = arith.constant 1 : i32
      %sub3A_613 = arith.subi %div3A_592, %sub3A_612 : i32
      %select_n3A_614 = arith.select %and3A_611, %sub3A_613, %div3A_592 : i32
      %jit3A_615 = arith.constant 2 : i32
      %eq3A_616 = arith.constant 0 : i32
      %eq3A_617 = arith.cmpi eq, %jit3A_615, %eq3A_616 : i32
      %jit3A_618 = arith.constant 1 : i32
      %select_n3A_619 = arith.select %eq3A_617, %jit3A_618, %jit3A_615 : i32
      %rem3A_620 = arith.remsi %select_n3A_590, %select_n3A_619 : i32
      %ne3A_621 = arith.constant 0 : i32
      %ne3A_622 = arith.cmpi ne, %rem3A_620, %ne3A_621 : i32
      %lt3A_623 = arith.constant 0 : i32
      %lt3A_624 = arith.cmpi slt, %rem3A_620, %lt3A_623 : i32
      %lt3A_625 = arith.constant 0 : i32
      %lt3A_626 = arith.cmpi slt, %select_n3A_619, %lt3A_625 : i32
      %ne3A_627 = arith.xori %lt3A_624, %lt3A_626 : i1
      %and3A_628 = arith.andi %ne3A_627, %ne3A_622 : i1
      %add3A_629 = arith.addi %rem3A_620, %select_n3A_619 : i32
      %select_n3A_630 = arith.select %and3A_628, %add3A_629, %rem3A_620 : i32
      %mul3A_631 = arith.constant 2048 : i32
      %mul3A_632 = arith.muli %select_n3A_630, %mul3A_631 : i32
      %lt3A_633 = arith.constant 19 : i32
      %lt3A_634 = arith.cmpi slt, %scan3A_221, %lt3A_633 : i32
      %or3A_635 = arith.constant false
      %or3A_636 = arith.ori %lt3A_634, %or3A_635 : i1
      %convert_element_type3A_637 = arith.extui %or3A_636 : i1 to i32
      %cond3A_638 = arith.constant 0 : i32
      %cond3A_639 = arith.cmpi ne, %convert_element_type3A_637, %cond3A_638 : i32
      scf.if %cond3A_639 {
        %dma_start3A_926 = arith.constant 2 : i32
        %dma_start3A_927 = arith.constant 2 : i32
        %dma_start3A_928 = arith.constant 0 : i32
        %dma_start3A_929 = arith.constant 0 : i32
        %dma_start3A_930 = tpu.memref_slice %arg6[%dma_start3A_926, %dma_start3A_928, %dma_start3A_929] : memref<5x1x2048xi32, #tpu.memory_space<vmem>> -> memref<1x1x2048xi32, #tpu.memory_space<vmem>>
        %dma_start3A_931 = tpu.memref_squeeze %dma_start3A_930 : memref<1x1x2048xi32, #tpu.memory_space<vmem>> -> memref<1x2048xi32, #tpu.memory_space<vmem>>
        %dma_start3A_932 = tpu.memref_slice %arg2[%select_n3A_614, %mul3A_632] : memref<50x4096xi32, #tpu.memory_space<hbm>> -> memref<1x2048xi32, #tpu.memory_space<hbm>>
        %dma_start3A_933 = tpu.memref_slice %arg8[%dma_start3A_927] : memref<5x!tpu.dma_semaphore, #tpu.memory_space<semaphore_mem>> -> memref<1x!tpu.dma_semaphore, #tpu.memory_space<semaphore_mem>>
        %dma_start3A_934 = tpu.memref_squeeze %dma_start3A_933 : memref<1x!tpu.dma_semaphore, #tpu.memory_space<semaphore_mem>> -> memref<!tpu.dma_semaphore, #tpu.memory_space<semaphore_mem>>
        %dma_start3A_935 = arith.constant 0 : i32
        %dma_start3A_936 = arith.constant 0 : i32
        %dma_start3A_937 = tpu.memref_slice %arg6[%dma_start3A_926, %dma_start3A_935, %dma_start3A_936] : memref<5x1x2048xi32, #tpu.memory_space<vmem>> -> memref<1x1x2048xi32, #tpu.memory_space<vmem>>
        %dma_start3A_938 = tpu.memref_squeeze %dma_start3A_937 : memref<1x1x2048xi32, #tpu.memory_space<vmem>> -> memref<1x2048xi32, #tpu.memory_space<vmem>>
        %dma_start3A_939 = tpu.memref_slice %arg2[%select_n3A_614, %mul3A_632] : memref<50x4096xi32, #tpu.memory_space<hbm>> -> memref<1x2048xi32, #tpu.memory_space<hbm>>
        tpu.enqueue_dma source(%dma_start3A_939 : memref<1x2048xi32, #tpu.memory_space<hbm>>) target(%dma_start3A_938 : memref<1x2048xi32, #tpu.memory_space<vmem>>) target_semaphore(%dma_start3A_934 : memref<!tpu.dma_semaphore, #tpu.memory_space<semaphore_mem>>)
      } else {
      }
      %add3A_640 = arith.constant 3 : i32
      %add3A_641 = arith.addi %mul3A_223, %add3A_640 : i32
      %jit3A_642 = arith.constant 2 : i32
      %div3A_643 = arith.divsi %add3A_641, %jit3A_642 : i32
      %sign3A_644 = arith.constant 0 : i32
      %sign3A_645 = arith.cmpi sgt, %add3A_641, %sign3A_644 : i32
      %sign3A_646 = arith.extui %sign3A_645 : i1 to i32
      %sign3A_647 = arith.constant 0 : i32
      %sign3A_648 = arith.cmpi slt, %add3A_641, %sign3A_647 : i32
      %sign3A_649 = arith.extui %sign3A_648 : i1 to i32
      %sign3A_650 = arith.subi %sign3A_646, %sign3A_649 : i32
      %sign3A_651 = arith.constant 0 : i32
      %sign3A_652 = arith.cmpi sgt, %jit3A_642, %sign3A_651 : i32
      %sign3A_653 = arith.extui %sign3A_652 : i1 to i32
      %sign3A_654 = arith.constant 0 : i32
      %sign3A_655 = arith.cmpi slt, %jit3A_642, %sign3A_654 : i32
      %sign3A_656 = arith.extui %sign3A_655 : i1 to i32
      %sign3A_657 = arith.subi %sign3A_653, %sign3A_656 : i32
      %ne3A_658 = arith.cmpi ne, %sign3A_650, %sign3A_657 : i32
      %rem3A_659 = arith.remsi %add3A_641, %jit3A_642 : i32
      %ne3A_660 = arith.constant 0 : i32
      %ne3A_661 = arith.cmpi ne, %rem3A_659, %ne3A_660 : i32
      %and3A_662 = arith.andi %ne3A_658, %ne3A_661 : i1
      %sub3A_663 = arith.constant 1 : i32
      %sub3A_664 = arith.subi %div3A_643, %sub3A_663 : i32
      %select_n3A_665 = arith.select %and3A_662, %sub3A_664, %div3A_643 : i32
      %jit3A_666 = arith.constant 2 : i32
      %eq3A_667 = arith.constant 0 : i32
      %eq3A_668 = arith.cmpi eq, %jit3A_666, %eq3A_667 : i32
      %jit3A_669 = arith.constant 1 : i32
      %select_n3A_670 = arith.select %eq3A_668, %jit3A_669, %jit3A_666 : i32
      %rem3A_671 = arith.remsi %add3A_641, %select_n3A_670 : i32
      %ne3A_672 = arith.constant 0 : i32
      %ne3A_673 = arith.cmpi ne, %rem3A_671, %ne3A_672 : i32
      %lt3A_674 = arith.constant 0 : i32
      %lt3A_675 = arith.cmpi slt, %rem3A_671, %lt3A_674 : i32
      %lt3A_676 = arith.constant 0 : i32
      %lt3A_677 = arith.cmpi slt, %select_n3A_670, %lt3A_676 : i32
      %ne3A_678 = arith.xori %lt3A_675, %lt3A_677 : i1
      %and3A_679 = arith.andi %ne3A_678, %ne3A_673 : i1
      %add3A_680 = arith.addi %rem3A_671, %select_n3A_670 : i32
      %select_n3A_681 = arith.select %and3A_679, %add3A_680, %rem3A_671 : i32
      %mul3A_682 = arith.constant 2048 : i32
      %mul3A_683 = arith.muli %select_n3A_681, %mul3A_682 : i32
      %dma_wait3A_684 = arith.constant 3 : i32
      %dma_wait3A_685 = arith.constant 3 : i32
      %dma_wait3A_686 = arith.constant 0 : i32
      %dma_wait3A_687 = arith.constant 0 : i32
      %dma_wait3A_688 = tpu.memref_slice %arg6[%dma_wait3A_684, %dma_wait3A_686, %dma_wait3A_687] : memref<5x1x2048xi32, #tpu.memory_space<vmem>> -> memref<1x1x2048xi32, #tpu.memory_space<vmem>>
      %dma_wait3A_689 = tpu.memref_squeeze %dma_wait3A_688 : memref<1x1x2048xi32, #tpu.memory_space<vmem>> -> memref<1x2048xi32, #tpu.memory_space<vmem>>
      %dma_wait3A_690 = tpu.memref_slice %arg2[%select_n3A_665, %mul3A_683] : memref<50x4096xi32, #tpu.memory_space<hbm>> -> memref<1x2048xi32, #tpu.memory_space<hbm>>
      %dma_wait3A_691 = tpu.memref_slice %arg8[%dma_wait3A_685] : memref<5x!tpu.dma_semaphore, #tpu.memory_space<semaphore_mem>> -> memref<1x!tpu.dma_semaphore, #tpu.memory_space<semaphore_mem>>
      %dma_wait3A_692 = tpu.memref_squeeze %dma_wait3A_691 : memref<1x!tpu.dma_semaphore, #tpu.memory_space<semaphore_mem>> -> memref<!tpu.dma_semaphore, #tpu.memory_space<semaphore_mem>>
      %dma_wait3A_693 = arith.constant 0 : i32
      %dma_wait3A_694 = arith.constant 0 : i32
      %dma_wait3A_695 = tpu.memref_slice %arg6[%dma_wait3A_684, %dma_wait3A_693, %dma_wait3A_694] : memref<5x1x2048xi32, #tpu.memory_space<vmem>> -> memref<1x1x2048xi32, #tpu.memory_space<vmem>>
      %dma_wait3A_696 = tpu.memref_squeeze %dma_wait3A_695 : memref<1x1x2048xi32, #tpu.memory_space<vmem>> -> memref<1x2048xi32, #tpu.memory_space<vmem>>
      %dma_wait3A_697 = tpu.memref_slice %arg2[%select_n3A_665, %mul3A_683] : memref<50x4096xi32, #tpu.memory_space<hbm>> -> memref<1x2048xi32, #tpu.memory_space<hbm>>
      tpu.wait_dma2 semaphore(%dma_wait3A_692 : memref<!tpu.dma_semaphore, #tpu.memory_space<semaphore_mem>>) src(%dma_wait3A_697 : memref<1x2048xi32, #tpu.memory_space<hbm>>) dst(%dma_wait3A_696 : memref<1x2048xi32, #tpu.memory_space<vmem>>)
      %gt3A_698 = arith.constant 0 : i32
      %gt3A_699 = arith.cmpi sgt, %scan3A_221, %gt3A_698 : i32
      %or3A_700 = arith.constant true
      %or3A_701 = arith.ori %gt3A_699, %or3A_700 : i1
      %convert_element_type3A_702 = arith.extui %or3A_701 : i1 to i32
      %cond3A_703 = arith.constant 0 : i32
      %cond3A_704 = arith.cmpi ne, %convert_element_type3A_702, %cond3A_703 : i32
      scf.if %cond3A_704 {
        %dma_wait3A_926 = arith.constant 3 : i32
        %dma_wait3A_927 = arith.constant 3 : i32
        %dma_wait3A_928 = arith.constant 0 : i32
        %dma_wait3A_929 = arith.constant 0 : i32
        %dma_wait3A_930 = tpu.memref_slice %arg7[%dma_wait3A_926, %dma_wait3A_928, %dma_wait3A_929] : memref<5x1x2048xf32, #tpu.memory_space<vmem>> -> memref<1x1x2048xf32, #tpu.memory_space<vmem>>
        %dma_wait3A_931 = tpu.memref_squeeze %dma_wait3A_930 : memref<1x1x2048xf32, #tpu.memory_space<vmem>> -> memref<1x2048xf32, #tpu.memory_space<vmem>>
        %dma_wait3A_932 = tpu.memref_slice %arg4[%select_n3A_665, %add3A_101, %mul3A_683] : memref<50x64x4096xf32, #tpu.memory_space<hbm>> -> memref<1x1x2048xf32, #tpu.memory_space<hbm>>
        %dma_wait3A_933 = tpu.memref_squeeze %dma_wait3A_932 : memref<1x1x2048xf32, #tpu.memory_space<hbm>> -> memref<1x2048xf32, #tpu.memory_space<hbm>>
        %dma_wait3A_934 = tpu.memref_slice %arg9[%dma_wait3A_927] : memref<5x!tpu.dma_semaphore, #tpu.memory_space<semaphore_mem>> -> memref<1x!tpu.dma_semaphore, #tpu.memory_space<semaphore_mem>>
        %dma_wait3A_935 = tpu.memref_squeeze %dma_wait3A_934 : memref<1x!tpu.dma_semaphore, #tpu.memory_space<semaphore_mem>> -> memref<!tpu.dma_semaphore, #tpu.memory_space<semaphore_mem>>
        %dma_wait3A_936 = tpu.memref_slice %arg4[%select_n3A_665, %add3A_101, %mul3A_683] : memref<50x64x4096xf32, #tpu.memory_space<hbm>> -> memref<1x1x2048xf32, #tpu.memory_space<hbm>>
        %dma_wait3A_937 = tpu.memref_squeeze %dma_wait3A_936 : memref<1x1x2048xf32, #tpu.memory_space<hbm>> -> memref<1x2048xf32, #tpu.memory_space<hbm>>
        %dma_wait3A_938 = arith.constant 0 : i32
        %dma_wait3A_939 = arith.constant 0 : i32
        %dma_wait3A_940 = tpu.memref_slice %arg7[%dma_wait3A_926, %dma_wait3A_938, %dma_wait3A_939] : memref<5x1x2048xf32, #tpu.memory_space<vmem>> -> memref<1x1x2048xf32, #tpu.memory_space<vmem>>
        %dma_wait3A_941 = tpu.memref_squeeze %dma_wait3A_940 : memref<1x1x2048xf32, #tpu.memory_space<vmem>> -> memref<1x2048xf32, #tpu.memory_space<vmem>>
        tpu.wait_dma2 semaphore(%dma_wait3A_935 : memref<!tpu.dma_semaphore, #tpu.memory_space<semaphore_mem>>) src(%dma_wait3A_941 : memref<1x2048xf32, #tpu.memory_space<vmem>>) dst(%dma_wait3A_937 : memref<1x2048xf32, #tpu.memory_space<hbm>>)
      } else {
      }
      %scan3A_705 = arith.constant 0 : i32
      %scan3A_706 = arith.constant 0 : i32
      %scan3A_707 = arith.constant 8 : i32
      %scan3A_708 = arith.addi %scan3A_706, %scan3A_707 : i32
      %scan3A_709 = arith.constant 1 : i32
      scf.for %scan3A_926 = %scan3A_706 to %scan3A_708 step %scan3A_709  : i32 {
        %mul3A_927 = arith.constant 16 : i32
        %mul3A_928 = arith.muli %scan3A_926, %mul3A_927 : i32
        %mul3A_929 = arith.constant 16 : i32
        %mul3A_930 = arith.muli %mul3A_928, %mul3A_929 : i32
        %add3A_931 = arith.constant 0 : i32
        %add3A_932 = arith.addi %mul3A_930, %add3A_931 : i32
        %get3A = arith.constant 3 : i32
        %get3A_933 = arith.constant 0 : i32
        %get3A_934 = arith.index_cast %get3A : i32 to index
        %get3A_935 = arith.index_cast %get3A_933 : i32 to index
        %get3A_936 = arith.index_cast %add3A_932 : i32 to index
        %get3A_937 = tpu.vector_load %arg6[%get3A_934, %get3A_935, %get3A_936] {strides = array<i32>} : memref<5x1x2048xi32, #tpu.memory_space<vmem>>, vector<16xi32>,
        %add3A_938 = arith.constant 16 : i32
        %add3A_939 = arith.addi %mul3A_930, %add3A_938 : i32
        %get3A_940 = arith.constant 3 : i32
        %get3A_941 = arith.constant 0 : i32
        %get3A_942 = arith.index_cast %get3A_940 : i32 to index
        %get3A_943 = arith.index_cast %get3A_941 : i32 to index
        %get3A_944 = arith.index_cast %add3A_939 : i32 to index
        %get3A_945 = tpu.vector_load %arg6[%get3A_942, %get3A_943, %get3A_944] {strides = array<i32>} : memref<5x1x2048xi32, #tpu.memory_space<vmem>>, vector<16xi32>,
        %add3A_946 = arith.constant 32 : i32
        %add3A_947 = arith.addi %mul3A_930, %add3A_946 : i32
        %get3A_948 = arith.constant 3 : i32
        %get3A_949 = arith.constant 0 : i32
        %get3A_950 = arith.index_cast %get3A_948 : i32 to index
        %get3A_951 = arith.index_cast %get3A_949 : i32 to index
        %get3A_952 = arith.index_cast %add3A_947 : i32 to index
        %get3A_953 = tpu.vector_load %arg6[%get3A_950, %get3A_951, %get3A_952] {strides = array<i32>} : memref<5x1x2048xi32, #tpu.memory_space<vmem>>, vector<16xi32>,
        %add3A_954 = arith.constant 48 : i32
        %add3A_955 = arith.addi %mul3A_930, %add3A_954 : i32
        %get3A_956 = arith.constant 3 : i32
        %get3A_957 = arith.constant 0 : i32
        %get3A_958 = arith.index_cast %get3A_956 : i32 to index
        %get3A_959 = arith.index_cast %get3A_957 : i32 to index
        %get3A_960 = arith.index_cast %add3A_955 : i32 to index
        %get3A_961 = tpu.vector_load %arg6[%get3A_958, %get3A_959, %get3A_960] {strides = array<i32>} : memref<5x1x2048xi32, #tpu.memory_space<vmem>>, vector<16xi32>,
        %add3A_962 = arith.constant 64 : i32
        %add3A_963 = arith.addi %mul3A_930, %add3A_962 : i32
        %get3A_964 = arith.constant 3 : i32
        %get3A_965 = arith.constant 0 : i32
        %get3A_966 = arith.index_cast %get3A_964 : i32 to index
        %get3A_967 = arith.index_cast %get3A_965 : i32 to index
        %get3A_968 = arith.index_cast %add3A_963 : i32 to index
        %get3A_969 = tpu.vector_load %arg6[%get3A_966, %get3A_967, %get3A_968] {strides = array<i32>} : memref<5x1x2048xi32, #tpu.memory_space<vmem>>, vector<16xi32>,
        %add3A_970 = arith.constant 80 : i32
        %add3A_971 = arith.addi %mul3A_930, %add3A_970 : i32
        %get3A_972 = arith.constant 3 : i32
        %get3A_973 = arith.constant 0 : i32
        %get3A_974 = arith.index_cast %get3A_972 : i32 to index
        %get3A_975 = arith.index_cast %get3A_973 : i32 to index
        %get3A_976 = arith.index_cast %add3A_971 : i32 to index
        %get3A_977 = tpu.vector_load %arg6[%get3A_974, %get3A_975, %get3A_976] {strides = array<i32>} : memref<5x1x2048xi32, #tpu.memory_space<vmem>>, vector<16xi32>,
        %add3A_978 = arith.constant 96 : i32
        %add3A_979 = arith.addi %mul3A_930, %add3A_978 : i32
        %get3A_980 = arith.constant 3 : i32
        %get3A_981 = arith.constant 0 : i32
        %get3A_982 = arith.index_cast %get3A_980 : i32 to index
        %get3A_983 = arith.index_cast %get3A_981 : i32 to index
        %get3A_984 = arith.index_cast %add3A_979 : i32 to index
        %get3A_985 = tpu.vector_load %arg6[%get3A_982, %get3A_983, %get3A_984] {strides = array<i32>} : memref<5x1x2048xi32, #tpu.memory_space<vmem>>, vector<16xi32>,
        %add3A_986 = arith.constant 112 : i32
        %add3A_987 = arith.addi %mul3A_930, %add3A_986 : i32
        %get3A_988 = arith.constant 3 : i32
        %get3A_989 = arith.constant 0 : i32
        %get3A_990 = arith.index_cast %get3A_988 : i32 to index
        %get3A_991 = arith.index_cast %get3A_989 : i32 to index
        %get3A_992 = arith.index_cast %add3A_987 : i32 to index
        %get3A_993 = tpu.vector_load %arg6[%get3A_990, %get3A_991, %get3A_992] {strides = array<i32>} : memref<5x1x2048xi32, #tpu.memory_space<vmem>>, vector<16xi32>,
        %add3A_994 = arith.constant 128 : i32
        %add3A_995 = arith.addi %mul3A_930, %add3A_994 : i32
        %get3A_996 = arith.constant 3 : i32
        %get3A_997 = arith.constant 0 : i32
        %get3A_998 = arith.index_cast %get3A_996 : i32 to index
        %get3A_999 = arith.index_cast %get3A_997 : i32 to index
        %get3A_1000 = arith.index_cast %add3A_995 : i32 to index
        %get3A_1001 = tpu.vector_load %arg6[%get3A_998, %get3A_999, %get3A_1000] {strides = array<i32>} : memref<5x1x2048xi32, #tpu.memory_space<vmem>>, vector<16xi32>,
        %add3A_1002 = arith.constant 144 : i32
        %add3A_1003 = arith.addi %mul3A_930, %add3A_1002 : i32
        %get3A_1004 = arith.constant 3 : i32
        %get3A_1005 = arith.constant 0 : i32
        %get3A_1006 = arith.index_cast %get3A_1004 : i32 to index
        %get3A_1007 = arith.index_cast %get3A_1005 : i32 to index
        %get3A_1008 = arith.index_cast %add3A_1003 : i32 to index
        %get3A_1009 = tpu.vector_load %arg6[%get3A_1006, %get3A_1007, %get3A_1008] {strides = array<i32>} : memref<5x1x2048xi32, #tpu.memory_space<vmem>>, vector<16xi32>,
        %add3A_1010 = arith.constant 160 : i32
        %add3A_1011 = arith.addi %mul3A_930, %add3A_1010 : i32
        %get3A_1012 = arith.constant 3 : i32
        %get3A_1013 = arith.constant 0 : i32
        %get3A_1014 = arith.index_cast %get3A_1012 : i32 to index
        %get3A_1015 = arith.index_cast %get3A_1013 : i32 to index
        %get3A_1016 = arith.index_cast %add3A_1011 : i32 to index
        %get3A_1017 = tpu.vector_load %arg6[%get3A_1014, %get3A_1015, %get3A_1016] {strides = array<i32>} : memref<5x1x2048xi32, #tpu.memory_space<vmem>>, vector<16xi32>,
        %add3A_1018 = arith.constant 176 : i32
        %add3A_1019 = arith.addi %mul3A_930, %add3A_1018 : i32
        %get3A_1020 = arith.constant 3 : i32
        %get3A_1021 = arith.constant 0 : i32
        %get3A_1022 = arith.index_cast %get3A_1020 : i32 to index
        %get3A_1023 = arith.index_cast %get3A_1021 : i32 to index
        %get3A_1024 = arith.index_cast %add3A_1019 : i32 to index
        %get3A_1025 = tpu.vector_load %arg6[%get3A_1022, %get3A_1023, %get3A_1024] {strides = array<i32>} : memref<5x1x2048xi32, #tpu.memory_space<vmem>>, vector<16xi32>,
        %add3A_1026 = arith.constant 192 : i32
        %add3A_1027 = arith.addi %mul3A_930, %add3A_1026 : i32
        %get3A_1028 = arith.constant 3 : i32
        %get3A_1029 = arith.constant 0 : i32
        %get3A_1030 = arith.index_cast %get3A_1028 : i32 to index
        %get3A_1031 = arith.index_cast %get3A_1029 : i32 to index
        %get3A_1032 = arith.index_cast %add3A_1027 : i32 to index
        %get3A_1033 = tpu.vector_load %arg6[%get3A_1030, %get3A_1031, %get3A_1032] {strides = array<i32>} : memref<5x1x2048xi32, #tpu.memory_space<vmem>>, vector<16xi32>,
        %add3A_1034 = arith.constant 208 : i32
        %add3A_1035 = arith.addi %mul3A_930, %add3A_1034 : i32
        %get3A_1036 = arith.constant 3 : i32
        %get3A_1037 = arith.constant 0 : i32
        %get3A_1038 = arith.index_cast %get3A_1036 : i32 to index
        %get3A_1039 = arith.index_cast %get3A_1037 : i32 to index
        %get3A_1040 = arith.index_cast %add3A_1035 : i32 to index
        %get3A_1041 = tpu.vector_load %arg6[%get3A_1038, %get3A_1039, %get3A_1040] {strides = array<i32>} : memref<5x1x2048xi32, #tpu.memory_space<vmem>>, vector<16xi32>,
        %add3A_1042 = arith.constant 224 : i32
        %add3A_1043 = arith.addi %mul3A_930, %add3A_1042 : i32
        %get3A_1044 = arith.constant 3 : i32
        %get3A_1045 = arith.constant 0 : i32
        %get3A_1046 = arith.index_cast %get3A_1044 : i32 to index
        %get3A_1047 = arith.index_cast %get3A_1045 : i32 to index
        %get3A_1048 = arith.index_cast %add3A_1043 : i32 to index
        %get3A_1049 = tpu.vector_load %arg6[%get3A_1046, %get3A_1047, %get3A_1048] {strides = array<i32>} : memref<5x1x2048xi32, #tpu.memory_space<vmem>>, vector<16xi32>,
        %add3A_1050 = arith.constant 240 : i32
        %add3A_1051 = arith.addi %mul3A_930, %add3A_1050 : i32
        %get3A_1052 = arith.constant 3 : i32
        %get3A_1053 = arith.constant 0 : i32
        %get3A_1054 = arith.index_cast %get3A_1052 : i32 to index
        %get3A_1055 = arith.index_cast %get3A_1053 : i32 to index
        %get3A_1056 = arith.index_cast %add3A_1051 : i32 to index
        %get3A_1057 = tpu.vector_load %arg6[%get3A_1054, %get3A_1055, %get3A_1056] {strides = array<i32>} : memref<5x1x2048xi32, #tpu.memory_space<vmem>>, vector<16xi32>,
        %gather3A = tpu.vector_load_idx %arg5[%broadcast_in_dim3A_3, %get3A_937] : memref<1x100000xf32, #tpu.memory_space<vmem>>[vector<16xi32>, vector<16xi32>], vector<16xf32>,
        %gather3A_1058 = tpu.vector_load_idx %arg5[%broadcast_in_dim3A_3, %get3A_945] : memref<1x100000xf32, #tpu.memory_space<vmem>>[vector<16xi32>, vector<16xi32>], vector<16xf32>,
        %gather3A_1059 = tpu.vector_load_idx %arg5[%broadcast_in_dim3A_3, %get3A_953] : memref<1x100000xf32, #tpu.memory_space<vmem>>[vector<16xi32>, vector<16xi32>], vector<16xf32>,
        %gather3A_1060 = tpu.vector_load_idx %arg5[%broadcast_in_dim3A_3, %get3A_961] : memref<1x100000xf32, #tpu.memory_space<vmem>>[vector<16xi32>, vector<16xi32>], vector<16xf32>,
        %gather3A_1061 = tpu.vector_load_idx %arg5[%broadcast_in_dim3A_3, %get3A_969] : memref<1x100000xf32, #tpu.memory_space<vmem>>[vector<16xi32>, vector<16xi32>], vector<16xf32>,
        %gather3A_1062 = tpu.vector_load_idx %arg5[%broadcast_in_dim3A_3, %get3A_977] : memref<1x100000xf32, #tpu.memory_space<vmem>>[vector<16xi32>, vector<16xi32>], vector<16xf32>,
        %gather3A_1063 = tpu.vector_load_idx %arg5[%broadcast_in_dim3A_3, %get3A_985] : memref<1x100000xf32, #tpu.memory_space<vmem>>[vector<16xi32>, vector<16xi32>], vector<16xf32>,
        %gather3A_1064 = tpu.vector_load_idx %arg5[%broadcast_in_dim3A_3, %get3A_993] : memref<1x100000xf32, #tpu.memory_space<vmem>>[vector<16xi32>, vector<16xi32>], vector<16xf32>,
        %gather3A_1065 = tpu.vector_load_idx %arg5[%broadcast_in_dim3A_3, %get3A_1001] : memref<1x100000xf32, #tpu.memory_space<vmem>>[vector<16xi32>, vector<16xi32>], vector<16xf32>,
        %gather3A_1066 = tpu.vector_load_idx %arg5[%broadcast_in_dim3A_3, %get3A_1009] : memref<1x100000xf32, #tpu.memory_space<vmem>>[vector<16xi32>, vector<16xi32>], vector<16xf32>,
        %gather3A_1067 = tpu.vector_load_idx %arg5[%broadcast_in_dim3A_3, %get3A_1017] : memref<1x100000xf32, #tpu.memory_space<vmem>>[vector<16xi32>, vector<16xi32>], vector<16xf32>,
        %gather3A_1068 = tpu.vector_load_idx %arg5[%broadcast_in_dim3A_3, %get3A_1025] : memref<1x100000xf32, #tpu.memory_space<vmem>>[vector<16xi32>, vector<16xi32>], vector<16xf32>,
        %gather3A_1069 = tpu.vector_load_idx %arg5[%broadcast_in_dim3A_3, %get3A_1033] : memref<1x100000xf32, #tpu.memory_space<vmem>>[vector<16xi32>, vector<16xi32>], vector<16xf32>,
        %gather3A_1070 = tpu.vector_load_idx %arg5[%broadcast_in_dim3A_3, %get3A_1041] : memref<1x100000xf32, #tpu.memory_space<vmem>>[vector<16xi32>, vector<16xi32>], vector<16xf32>,
        %gather3A_1071 = tpu.vector_load_idx %arg5[%broadcast_in_dim3A_3, %get3A_1049] : memref<1x100000xf32, #tpu.memory_space<vmem>>[vector<16xi32>, vector<16xi32>], vector<16xf32>,
        %gather3A_1072 = tpu.vector_load_idx %arg5[%broadcast_in_dim3A_3, %get3A_1057] : memref<1x100000xf32, #tpu.memory_space<vmem>>[vector<16xi32>, vector<16xi32>], vector<16xf32>,
        %add3A_1073 = arith.constant 0 : i32
        %add3A_1074 = arith.addi %mul3A_930, %add3A_1073 : i32
        %swap3A = arith.constant 3 : i32
        %swap3A_1075 = arith.constant 0 : i32
        %swap3A_1076 = arith.index_cast %swap3A : i32 to index
        %swap3A_1077 = arith.index_cast %swap3A_1075 : i32 to index
        %swap3A_1078 = arith.index_cast %add3A_1074 : i32 to index
        %swap3A_1079 = tpu.vector_load %arg7[%swap3A_1076, %swap3A_1077, %swap3A_1078] {strides = array<i32>} : memref<5x1x2048xf32, #tpu.memory_space<vmem>>, vector<16xf32>,
        tpu.vector_store %arg7[%swap3A_1076, %swap3A_1077, %swap3A_1078], %gather3A {strides = array<i32>} : memref<5x1x2048xf32, #tpu.memory_space<vmem>>, vector<16xf32>,
        %add3A_1080 = arith.constant 16 : i32
        %add3A_1081 = arith.addi %mul3A_930, %add3A_1080 : i32
        %swap3A_1082 = arith.constant 3 : i32
        %swap3A_1083 = arith.constant 0 : i32
        %swap3A_1084 = arith.index_cast %swap3A_1082 : i32 to index
        %swap3A_1085 = arith.index_cast %swap3A_1083 : i32 to index
        %swap3A_1086 = arith.index_cast %add3A_1081 : i32 to index
        %swap3A_1087 = tpu.vector_load %arg7[%swap3A_1084, %swap3A_1085, %swap3A_1086] {strides = array<i32>} : memref<5x1x2048xf32, #tpu.memory_space<vmem>>, vector<16xf32>,
        tpu.vector_store %arg7[%swap3A_1084, %swap3A_1085, %swap3A_1086], %gather3A_1058 {strides = array<i32>} : memref<5x1x2048xf32, #tpu.memory_space<vmem>>, vector<16xf32>,
        %add3A_1088 = arith.constant 32 : i32
        %add3A_1089 = arith.addi %mul3A_930, %add3A_1088 : i32
        %swap3A_1090 = arith.constant 3 : i32
        %swap3A_1091 = arith.constant 0 : i32
        %swap3A_1092 = arith.index_cast %swap3A_1090 : i32 to index
        %swap3A_1093 = arith.index_cast %swap3A_1091 : i32 to index
        %swap3A_1094 = arith.index_cast %add3A_1089 : i32 to index
        %swap3A_1095 = tpu.vector_load %arg7[%swap3A_1092, %swap3A_1093, %swap3A_1094] {strides = array<i32>} : memref<5x1x2048xf32, #tpu.memory_space<vmem>>, vector<16xf32>,
        tpu.vector_store %arg7[%swap3A_1092, %swap3A_1093, %swap3A_1094], %gather3A_1059 {strides = array<i32>} : memref<5x1x2048xf32, #tpu.memory_space<vmem>>, vector<16xf32>,
        %add3A_1096 = arith.constant 48 : i32
        %add3A_1097 = arith.addi %mul3A_930, %add3A_1096 : i32
        %swap3A_1098 = arith.constant 3 : i32
        %swap3A_1099 = arith.constant 0 : i32
        %swap3A_1100 = arith.index_cast %swap3A_1098 : i32 to index
        %swap3A_1101 = arith.index_cast %swap3A_1099 : i32 to index
        %swap3A_1102 = arith.index_cast %add3A_1097 : i32 to index
        %swap3A_1103 = tpu.vector_load %arg7[%swap3A_1100, %swap3A_1101, %swap3A_1102] {strides = array<i32>} : memref<5x1x2048xf32, #tpu.memory_space<vmem>>, vector<16xf32>,
        tpu.vector_store %arg7[%swap3A_1100, %swap3A_1101, %swap3A_1102], %gather3A_1060 {strides = array<i32>} : memref<5x1x2048xf32, #tpu.memory_space<vmem>>, vector<16xf32>,
        %add3A_1104 = arith.constant 64 : i32
        %add3A_1105 = arith.addi %mul3A_930, %add3A_1104 : i32
        %swap3A_1106 = arith.constant 3 : i32
        %swap3A_1107 = arith.constant 0 : i32
        %swap3A_1108 = arith.index_cast %swap3A_1106 : i32 to index
        %swap3A_1109 = arith.index_cast %swap3A_1107 : i32 to index
        %swap3A_1110 = arith.index_cast %add3A_1105 : i32 to index
        %swap3A_1111 = tpu.vector_load %arg7[%swap3A_1108, %swap3A_1109, %swap3A_1110] {strides = array<i32>} : memref<5x1x2048xf32, #tpu.memory_space<vmem>>, vector<16xf32>,
        tpu.vector_store %arg7[%swap3A_1108, %swap3A_1109, %swap3A_1110], %gather3A_1061 {strides = array<i32>} : memref<5x1x2048xf32, #tpu.memory_space<vmem>>, vector<16xf32>,
        %add3A_1112 = arith.constant 80 : i32
        %add3A_1113 = arith.addi %mul3A_930, %add3A_1112 : i32
        %swap3A_1114 = arith.constant 3 : i32
        %swap3A_1115 = arith.constant 0 : i32
        %swap3A_1116 = arith.index_cast %swap3A_1114 : i32 to index
        %swap3A_1117 = arith.index_cast %swap3A_1115 : i32 to index
        %swap3A_1118 = arith.index_cast %add3A_1113 : i32 to index
        %swap3A_1119 = tpu.vector_load %arg7[%swap3A_1116, %swap3A_1117, %swap3A_1118] {strides = array<i32>} : memref<5x1x2048xf32, #tpu.memory_space<vmem>>, vector<16xf32>,
        tpu.vector_store %arg7[%swap3A_1116, %swap3A_1117, %swap3A_1118], %gather3A_1062 {strides = array<i32>} : memref<5x1x2048xf32, #tpu.memory_space<vmem>>, vector<16xf32>,
        %add3A_1120 = arith.constant 96 : i32
        %add3A_1121 = arith.addi %mul3A_930, %add3A_1120 : i32
        %swap3A_1122 = arith.constant 3 : i32
        %swap3A_1123 = arith.constant 0 : i32
        %swap3A_1124 = arith.index_cast %swap3A_1122 : i32 to index
        %swap3A_1125 = arith.index_cast %swap3A_1123 : i32 to index
        %swap3A_1126 = arith.index_cast %add3A_1121 : i32 to index
        %swap3A_1127 = tpu.vector_load %arg7[%swap3A_1124, %swap3A_1125, %swap3A_1126] {strides = array<i32>} : memref<5x1x2048xf32, #tpu.memory_space<vmem>>, vector<16xf32>,
        tpu.vector_store %arg7[%swap3A_1124, %swap3A_1125, %swap3A_1126], %gather3A_1063 {strides = array<i32>} : memref<5x1x2048xf32, #tpu.memory_space<vmem>>, vector<16xf32>,
        %add3A_1128 = arith.constant 112 : i32
        %add3A_1129 = arith.addi %mul3A_930, %add3A_1128 : i32
        %swap3A_1130 = arith.constant 3 : i32
        %swap3A_1131 = arith.constant 0 : i32
        %swap3A_1132 = arith.index_cast %swap3A_1130 : i32 to index
        %swap3A_1133 = arith.index_cast %swap3A_1131 : i32 to index
        %swap3A_1134 = arith.index_cast %add3A_1129 : i32 to index
        %swap3A_1135 = tpu.vector_load %arg7[%swap3A_1132, %swap3A_1133, %swap3A_1134] {strides = array<i32>} : memref<5x1x2048xf32, #tpu.memory_space<vmem>>, vector<16xf32>,
        tpu.vector_store %arg7[%swap3A_1132, %swap3A_1133, %swap3A_1134], %gather3A_1064 {strides = array<i32>} : memref<5x1x2048xf32, #tpu.memory_space<vmem>>, vector<16xf32>,
        %add3A_1136 = arith.constant 128 : i32
        %add3A_1137 = arith.addi %mul3A_930, %add3A_1136 : i32
        %swap3A_1138 = arith.constant 3 : i32
        %swap3A_1139 = arith.constant 0 : i32
        %swap3A_1140 = arith.index_cast %swap3A_1138 : i32 to index
        %swap3A_1141 = arith.index_cast %swap3A_1139 : i32 to index
        %swap3A_1142 = arith.index_cast %add3A_1137 : i32 to index
        %swap3A_1143 = tpu.vector_load %arg7[%swap3A_1140, %swap3A_1141, %swap3A_1142] {strides = array<i32>} : memref<5x1x2048xf32, #tpu.memory_space<vmem>>, vector<16xf32>,
        tpu.vector_store %arg7[%swap3A_1140, %swap3A_1141, %swap3A_1142], %gather3A_1065 {strides = array<i32>} : memref<5x1x2048xf32, #tpu.memory_space<vmem>>, vector<16xf32>,
        %add3A_1144 = arith.constant 144 : i32
        %add3A_1145 = arith.addi %mul3A_930, %add3A_1144 : i32
        %swap3A_1146 = arith.constant 3 : i32
        %swap3A_1147 = arith.constant 0 : i32
        %swap3A_1148 = arith.index_cast %swap3A_1146 : i32 to index
        %swap3A_1149 = arith.index_cast %swap3A_1147 : i32 to index
        %swap3A_1150 = arith.index_cast %add3A_1145 : i32 to index
        %swap3A_1151 = tpu.vector_load %arg7[%swap3A_1148, %swap3A_1149, %swap3A_1150] {strides = array<i32>} : memref<5x1x2048xf32, #tpu.memory_space<vmem>>, vector<16xf32>,
        tpu.vector_store %arg7[%swap3A_1148, %swap3A_1149, %swap3A_1150], %gather3A_1066 {strides = array<i32>} : memref<5x1x2048xf32, #tpu.memory_space<vmem>>, vector<16xf32>,
        %add3A_1152 = arith.constant 160 : i32
        %add3A_1153 = arith.addi %mul3A_930, %add3A_1152 : i32
        %swap3A_1154 = arith.constant 3 : i32
        %swap3A_1155 = arith.constant 0 : i32
        %swap3A_1156 = arith.index_cast %swap3A_1154 : i32 to index
        %swap3A_1157 = arith.index_cast %swap3A_1155 : i32 to index
        %swap3A_1158 = arith.index_cast %add3A_1153 : i32 to index
        %swap3A_1159 = tpu.vector_load %arg7[%swap3A_1156, %swap3A_1157, %swap3A_1158] {strides = array<i32>} : memref<5x1x2048xf32, #tpu.memory_space<vmem>>, vector<16xf32>,
        tpu.vector_store %arg7[%swap3A_1156, %swap3A_1157, %swap3A_1158], %gather3A_1067 {strides = array<i32>} : memref<5x1x2048xf32, #tpu.memory_space<vmem>>, vector<16xf32>,
        %add3A_1160 = arith.constant 176 : i32
        %add3A_1161 = arith.addi %mul3A_930, %add3A_1160 : i32
        %swap3A_1162 = arith.constant 3 : i32
        %swap3A_1163 = arith.constant 0 : i32
        %swap3A_1164 = arith.index_cast %swap3A_1162 : i32 to index
        %swap3A_1165 = arith.index_cast %swap3A_1163 : i32 to index
        %swap3A_1166 = arith.index_cast %add3A_1161 : i32 to index
        %swap3A_1167 = tpu.vector_load %arg7[%swap3A_1164, %swap3A_1165, %swap3A_1166] {strides = array<i32>} : memref<5x1x2048xf32, #tpu.memory_space<vmem>>, vector<16xf32>,
        tpu.vector_store %arg7[%swap3A_1164, %swap3A_1165, %swap3A_1166], %gather3A_1068 {strides = array<i32>} : memref<5x1x2048xf32, #tpu.memory_space<vmem>>, vector<16xf32>,
        %add3A_1168 = arith.constant 192 : i32
        %add3A_1169 = arith.addi %mul3A_930, %add3A_1168 : i32
        %swap3A_1170 = arith.constant 3 : i32
        %swap3A_1171 = arith.constant 0 : i32
        %swap3A_1172 = arith.index_cast %swap3A_1170 : i32 to index
        %swap3A_1173 = arith.index_cast %swap3A_1171 : i32 to index
        %swap3A_1174 = arith.index_cast %add3A_1169 : i32 to index
        %swap3A_1175 = tpu.vector_load %arg7[%swap3A_1172, %swap3A_1173, %swap3A_1174] {strides = array<i32>} : memref<5x1x2048xf32, #tpu.memory_space<vmem>>, vector<16xf32>,
        tpu.vector_store %arg7[%swap3A_1172, %swap3A_1173, %swap3A_1174], %gather3A_1069 {strides = array<i32>} : memref<5x1x2048xf32, #tpu.memory_space<vmem>>, vector<16xf32>,
        %add3A_1176 = arith.constant 208 : i32
        %add3A_1177 = arith.addi %mul3A_930, %add3A_1176 : i32
        %swap3A_1178 = arith.constant 3 : i32
        %swap3A_1179 = arith.constant 0 : i32
        %swap3A_1180 = arith.index_cast %swap3A_1178 : i32 to index
        %swap3A_1181 = arith.index_cast %swap3A_1179 : i32 to index
        %swap3A_1182 = arith.index_cast %add3A_1177 : i32 to index
        %swap3A_1183 = tpu.vector_load %arg7[%swap3A_1180, %swap3A_1181, %swap3A_1182] {strides = array<i32>} : memref<5x1x2048xf32, #tpu.memory_space<vmem>>, vector<16xf32>,
        tpu.vector_store %arg7[%swap3A_1180, %swap3A_1181, %swap3A_1182], %gather3A_1070 {strides = array<i32>} : memref<5x1x2048xf32, #tpu.memory_space<vmem>>, vector<16xf32>,
        %add3A_1184 = arith.constant 224 : i32
        %add3A_1185 = arith.addi %mul3A_930, %add3A_1184 : i32
        %swap3A_1186 = arith.constant 3 : i32
        %swap3A_1187 = arith.constant 0 : i32
        %swap3A_1188 = arith.index_cast %swap3A_1186 : i32 to index
        %swap3A_1189 = arith.index_cast %swap3A_1187 : i32 to index
        %swap3A_1190 = arith.index_cast %add3A_1185 : i32 to index
        %swap3A_1191 = tpu.vector_load %arg7[%swap3A_1188, %swap3A_1189, %swap3A_1190] {strides = array<i32>} : memref<5x1x2048xf32, #tpu.memory_space<vmem>>, vector<16xf32>,
        tpu.vector_store %arg7[%swap3A_1188, %swap3A_1189, %swap3A_1190], %gather3A_1071 {strides = array<i32>} : memref<5x1x2048xf32, #tpu.memory_space<vmem>>, vector<16xf32>,
        %add3A_1192 = arith.constant 240 : i32
        %add3A_1193 = arith.addi %mul3A_930, %add3A_1192 : i32
        %swap3A_1194 = arith.constant 3 : i32
        %swap3A_1195 = arith.constant 0 : i32
        %swap3A_1196 = arith.index_cast %swap3A_1194 : i32 to index
        %swap3A_1197 = arith.index_cast %swap3A_1195 : i32 to index
        %swap3A_1198 = arith.index_cast %add3A_1193 : i32 to index
        %swap3A_1199 = tpu.vector_load %arg7[%swap3A_1196, %swap3A_1197, %swap3A_1198] {strides = array<i32>} : memref<5x1x2048xf32, #tpu.memory_space<vmem>>, vector<16xf32>,
        tpu.vector_store %arg7[%swap3A_1196, %swap3A_1197, %swap3A_1198], %gather3A_1072 {strides = array<i32>} : memref<5x1x2048xf32, #tpu.memory_space<vmem>>, vector<16xf32>,
      }
      %scan3A_710 = arith.constant 8 : i32
      %dma_start3A_711 = arith.constant 3 : i32
      %dma_start3A_712 = arith.constant 3 : i32
      %dma_start3A_713 = arith.constant 0 : i32
      %dma_start3A_714 = arith.constant 0 : i32
      %dma_start3A_715 = tpu.memref_slice %arg7[%dma_start3A_711, %dma_start3A_713, %dma_start3A_714] : memref<5x1x2048xf32, #tpu.memory_space<vmem>> -> memref<1x1x2048xf32, #tpu.memory_space<vmem>>
      %dma_start3A_716 = tpu.memref_squeeze %dma_start3A_715 : memref<1x1x2048xf32, #tpu.memory_space<vmem>> -> memref<1x2048xf32, #tpu.memory_space<vmem>>
      %dma_start3A_717 = tpu.memref_slice %arg4[%select_n3A_665, %add3A_101, %mul3A_683] : memref<50x64x4096xf32, #tpu.memory_space<hbm>> -> memref<1x1x2048xf32, #tpu.memory_space<hbm>>
      %dma_start3A_718 = tpu.memref_squeeze %dma_start3A_717 : memref<1x1x2048xf32, #tpu.memory_space<hbm>> -> memref<1x2048xf32, #tpu.memory_space<hbm>>
      %dma_start3A_719 = tpu.memref_slice %arg9[%dma_start3A_712] : memref<5x!tpu.dma_semaphore, #tpu.memory_space<semaphore_mem>> -> memref<1x!tpu.dma_semaphore, #tpu.memory_space<semaphore_mem>>
      %dma_start3A_720 = tpu.memref_squeeze %dma_start3A_719 : memref<1x!tpu.dma_semaphore, #tpu.memory_space<semaphore_mem>> -> memref<!tpu.dma_semaphore, #tpu.memory_space<semaphore_mem>>
      %dma_start3A_721 = tpu.memref_slice %arg4[%select_n3A_665, %add3A_101, %mul3A_683] : memref<50x64x4096xf32, #tpu.memory_space<hbm>> -> memref<1x1x2048xf32, #tpu.memory_space<hbm>>
      %dma_start3A_722 = tpu.memref_squeeze %dma_start3A_721 : memref<1x1x2048xf32, #tpu.memory_space<hbm>> -> memref<1x2048xf32, #tpu.memory_space<hbm>>
      %dma_start3A_723 = arith.constant 0 : i32
      %dma_start3A_724 = arith.constant 0 : i32
      %dma_start3A_725 = tpu.memref_slice %arg7[%dma_start3A_711, %dma_start3A_723, %dma_start3A_724] : memref<5x1x2048xf32, #tpu.memory_space<vmem>> -> memref<1x1x2048xf32, #tpu.memory_space<vmem>>
      %dma_start3A_726 = tpu.memref_squeeze %dma_start3A_725 : memref<1x1x2048xf32, #tpu.memory_space<vmem>> -> memref<1x2048xf32, #tpu.memory_space<vmem>>
      tpu.enqueue_dma source(%dma_start3A_726 : memref<1x2048xf32, #tpu.memory_space<vmem>>) target(%dma_start3A_722 : memref<1x2048xf32, #tpu.memory_space<hbm>>) target_semaphore(%dma_start3A_720 : memref<!tpu.dma_semaphore, #tpu.memory_space<semaphore_mem>>)
      %add3A_727 = arith.constant 5 : i32
      %add3A_728 = arith.addi %add3A_641, %add3A_727 : i32
      %lt3A_729 = arith.constant 100 : i32
      %lt3A_730 = arith.cmpi slt, %add3A_728, %lt3A_729 : i32
      %sub3A_731 = arith.constant 100 : i32
      %sub3A_732 = arith.subi %add3A_728, %sub3A_731 : i32
      %select_n3A_733 = arith.select %lt3A_730, %add3A_728, %sub3A_732 : i32
      %jit3A_734 = arith.constant 2 : i32
      %div3A_735 = arith.divsi %select_n3A_733, %jit3A_734 : i32
      %sign3A_736 = arith.constant 0 : i32
      %sign3A_737 = arith.cmpi sgt, %select_n3A_733, %sign3A_736 : i32
      %sign3A_738 = arith.extui %sign3A_737 : i1 to i32
      %sign3A_739 = arith.constant 0 : i32
      %sign3A_740 = arith.cmpi slt, %select_n3A_733, %sign3A_739 : i32
      %sign3A_741 = arith.extui %sign3A_740 : i1 to i32
      %sign3A_742 = arith.subi %sign3A_738, %sign3A_741 : i32
      %sign3A_743 = arith.constant 0 : i32
      %sign3A_744 = arith.cmpi sgt, %jit3A_734, %sign3A_743 : i32
      %sign3A_745 = arith.extui %sign3A_744 : i1 to i32
      %sign3A_746 = arith.constant 0 : i32
      %sign3A_747 = arith.cmpi slt, %jit3A_734, %sign3A_746 : i32
      %sign3A_748 = arith.extui %sign3A_747 : i1 to i32
      %sign3A_749 = arith.subi %sign3A_745, %sign3A_748 : i32
      %ne3A_750 = arith.cmpi ne, %sign3A_742, %sign3A_749 : i32
      %rem3A_751 = arith.remsi %select_n3A_733, %jit3A_734 : i32
      %ne3A_752 = arith.constant 0 : i32
      %ne3A_753 = arith.cmpi ne, %rem3A_751, %ne3A_752 : i32
      %and3A_754 = arith.andi %ne3A_750, %ne3A_753 : i1
      %sub3A_755 = arith.constant 1 : i32
      %sub3A_756 = arith.subi %div3A_735, %sub3A_755 : i32
      %select_n3A_757 = arith.select %and3A_754, %sub3A_756, %div3A_735 : i32
      %jit3A_758 = arith.constant 2 : i32
      %eq3A_759 = arith.constant 0 : i32
      %eq3A_760 = arith.cmpi eq, %jit3A_758, %eq3A_759 : i32
      %jit3A_761 = arith.constant 1 : i32
      %select_n3A_762 = arith.select %eq3A_760, %jit3A_761, %jit3A_758 : i32
      %rem3A_763 = arith.remsi %select_n3A_733, %select_n3A_762 : i32
      %ne3A_764 = arith.constant 0 : i32
      %ne3A_765 = arith.cmpi ne, %rem3A_763, %ne3A_764 : i32
      %lt3A_766 = arith.constant 0 : i32
      %lt3A_767 = arith.cmpi slt, %rem3A_763, %lt3A_766 : i32
      %lt3A_768 = arith.constant 0 : i32
      %lt3A_769 = arith.cmpi slt, %select_n3A_762, %lt3A_768 : i32
      %ne3A_770 = arith.xori %lt3A_767, %lt3A_769 : i1
      %and3A_771 = arith.andi %ne3A_770, %ne3A_765 : i1
      %add3A_772 = arith.addi %rem3A_763, %select_n3A_762 : i32
      %select_n3A_773 = arith.select %and3A_771, %add3A_772, %rem3A_763 : i32
      %mul3A_774 = arith.constant 2048 : i32
      %mul3A_775 = arith.muli %select_n3A_773, %mul3A_774 : i32
      %lt3A_776 = arith.constant 19 : i32
      %lt3A_777 = arith.cmpi slt, %scan3A_221, %lt3A_776 : i32
      %or3A_778 = arith.constant false
      %or3A_779 = arith.ori %lt3A_777, %or3A_778 : i1
      %convert_element_type3A_780 = arith.extui %or3A_779 : i1 to i32
      %cond3A_781 = arith.constant 0 : i32
      %cond3A_782 = arith.cmpi ne, %convert_element_type3A_780, %cond3A_781 : i32
      scf.if %cond3A_782 {
        %dma_start3A_926 = arith.constant 3 : i32
        %dma_start3A_927 = arith.constant 3 : i32
        %dma_start3A_928 = arith.constant 0 : i32
        %dma_start3A_929 = arith.constant 0 : i32
        %dma_start3A_930 = tpu.memref_slice %arg6[%dma_start3A_926, %dma_start3A_928, %dma_start3A_929] : memref<5x1x2048xi32, #tpu.memory_space<vmem>> -> memref<1x1x2048xi32, #tpu.memory_space<vmem>>
        %dma_start3A_931 = tpu.memref_squeeze %dma_start3A_930 : memref<1x1x2048xi32, #tpu.memory_space<vmem>> -> memref<1x2048xi32, #tpu.memory_space<vmem>>
        %dma_start3A_932 = tpu.memref_slice %arg2[%select_n3A_757, %mul3A_775] : memref<50x4096xi32, #tpu.memory_space<hbm>> -> memref<1x2048xi32, #tpu.memory_space<hbm>>
        %dma_start3A_933 = tpu.memref_slice %arg8[%dma_start3A_927] : memref<5x!tpu.dma_semaphore, #tpu.memory_space<semaphore_mem>> -> memref<1x!tpu.dma_semaphore, #tpu.memory_space<semaphore_mem>>
        %dma_start3A_934 = tpu.memref_squeeze %dma_start3A_933 : memref<1x!tpu.dma_semaphore, #tpu.memory_space<semaphore_mem>> -> memref<!tpu.dma_semaphore, #tpu.memory_space<semaphore_mem>>
        %dma_start3A_935 = arith.constant 0 : i32
        %dma_start3A_936 = arith.constant 0 : i32
        %dma_start3A_937 = tpu.memref_slice %arg6[%dma_start3A_926, %dma_start3A_935, %dma_start3A_936] : memref<5x1x2048xi32, #tpu.memory_space<vmem>> -> memref<1x1x2048xi32, #tpu.memory_space<vmem>>
        %dma_start3A_938 = tpu.memref_squeeze %dma_start3A_937 : memref<1x1x2048xi32, #tpu.memory_space<vmem>> -> memref<1x2048xi32, #tpu.memory_space<vmem>>
        %dma_start3A_939 = tpu.memref_slice %arg2[%select_n3A_757, %mul3A_775] : memref<50x4096xi32, #tpu.memory_space<hbm>> -> memref<1x2048xi32, #tpu.memory_space<hbm>>
        tpu.enqueue_dma source(%dma_start3A_939 : memref<1x2048xi32, #tpu.memory_space<hbm>>) target(%dma_start3A_938 : memref<1x2048xi32, #tpu.memory_space<vmem>>) target_semaphore(%dma_start3A_934 : memref<!tpu.dma_semaphore, #tpu.memory_space<semaphore_mem>>)
      } else {
      }
      %add3A_783 = arith.constant 4 : i32
      %add3A_784 = arith.addi %mul3A_223, %add3A_783 : i32
      %jit3A_785 = arith.constant 2 : i32
      %div3A_786 = arith.divsi %add3A_784, %jit3A_785 : i32
      %sign3A_787 = arith.constant 0 : i32
      %sign3A_788 = arith.cmpi sgt, %add3A_784, %sign3A_787 : i32
      %sign3A_789 = arith.extui %sign3A_788 : i1 to i32
      %sign3A_790 = arith.constant 0 : i32
      %sign3A_791 = arith.cmpi slt, %add3A_784, %sign3A_790 : i32
      %sign3A_792 = arith.extui %sign3A_791 : i1 to i32
      %sign3A_793 = arith.subi %sign3A_789, %sign3A_792 : i32
      %sign3A_794 = arith.constant 0 : i32
      %sign3A_795 = arith.cmpi sgt, %jit3A_785, %sign3A_794 : i32
      %sign3A_796 = arith.extui %sign3A_795 : i1 to i32
      %sign3A_797 = arith.constant 0 : i32
      %sign3A_798 = arith.cmpi slt, %jit3A_785, %sign3A_797 : i32
      %sign3A_799 = arith.extui %sign3A_798 : i1 to i32
      %sign3A_800 = arith.subi %sign3A_796, %sign3A_799 : i32
      %ne3A_801 = arith.cmpi ne, %sign3A_793, %sign3A_800 : i32
      %rem3A_802 = arith.remsi %add3A_784, %jit3A_785 : i32
      %ne3A_803 = arith.constant 0 : i32
      %ne3A_804 = arith.cmpi ne, %rem3A_802, %ne3A_803 : i32
      %and3A_805 = arith.andi %ne3A_801, %ne3A_804 : i1
      %sub3A_806 = arith.constant 1 : i32
      %sub3A_807 = arith.subi %div3A_786, %sub3A_806 : i32
      %select_n3A_808 = arith.select %and3A_805, %sub3A_807, %div3A_786 : i32
      %jit3A_809 = arith.constant 2 : i32
      %eq3A_810 = arith.constant 0 : i32
      %eq3A_811 = arith.cmpi eq, %jit3A_809, %eq3A_810 : i32
      %jit3A_812 = arith.constant 1 : i32
      %select_n3A_813 = arith.select %eq3A_811, %jit3A_812, %jit3A_809 : i32
      %rem3A_814 = arith.remsi %add3A_784, %select_n3A_813 : i32
      %ne3A_815 = arith.constant 0 : i32
      %ne3A_816 = arith.cmpi ne, %rem3A_814, %ne3A_815 : i32
      %lt3A_817 = arith.constant 0 : i32
      %lt3A_818 = arith.cmpi slt, %rem3A_814, %lt3A_817 : i32
      %lt3A_819 = arith.constant 0 : i32
      %lt3A_820 = arith.cmpi slt, %select_n3A_813, %lt3A_819 : i32
      %ne3A_821 = arith.xori %lt3A_818, %lt3A_820 : i1
      %and3A_822 = arith.andi %ne3A_821, %ne3A_816 : i1
      %add3A_823 = arith.addi %rem3A_814, %select_n3A_813 : i32
      %select_n3A_824 = arith.select %and3A_822, %add3A_823, %rem3A_814 : i32
      %mul3A_825 = arith.constant 2048 : i32
      %mul3A_826 = arith.muli %select_n3A_824, %mul3A_825 : i32
      %dma_wait3A_827 = arith.constant 4 : i32
      %dma_wait3A_828 = arith.constant 4 : i32
      %dma_wait3A_829 = arith.constant 0 : i32
      %dma_wait3A_830 = arith.constant 0 : i32
      %dma_wait3A_831 = tpu.memref_slice %arg6[%dma_wait3A_827, %dma_wait3A_829, %dma_wait3A_830] : memref<5x1x2048xi32, #tpu.memory_space<vmem>> -> memref<1x1x2048xi32, #tpu.memory_space<vmem>>
      %dma_wait3A_832 = tpu.memref_squeeze %dma_wait3A_831 : memref<1x1x2048xi32, #tpu.memory_space<vmem>> -> memref<1x2048xi32, #tpu.memory_space<vmem>>
      %dma_wait3A_833 = tpu.memref_slice %arg2[%select_n3A_808, %mul3A_826] : memref<50x4096xi32, #tpu.memory_space<hbm>> -> memref<1x2048xi32, #tpu.memory_space<hbm>>
      %dma_wait3A_834 = tpu.memref_slice %arg8[%dma_wait3A_828] : memref<5x!tpu.dma_semaphore, #tpu.memory_space<semaphore_mem>> -> memref<1x!tpu.dma_semaphore, #tpu.memory_space<semaphore_mem>>
      %dma_wait3A_835 = tpu.memref_squeeze %dma_wait3A_834 : memref<1x!tpu.dma_semaphore, #tpu.memory_space<semaphore_mem>> -> memref<!tpu.dma_semaphore, #tpu.memory_space<semaphore_mem>>
      %dma_wait3A_836 = arith.constant 0 : i32
      %dma_wait3A_837 = arith.constant 0 : i32
      %dma_wait3A_838 = tpu.memref_slice %arg6[%dma_wait3A_827, %dma_wait3A_836, %dma_wait3A_837] : memref<5x1x2048xi32, #tpu.memory_space<vmem>> -> memref<1x1x2048xi32, #tpu.memory_space<vmem>>
      %dma_wait3A_839 = tpu.memref_squeeze %dma_wait3A_838 : memref<1x1x2048xi32, #tpu.memory_space<vmem>> -> memref<1x2048xi32, #tpu.memory_space<vmem>>
      %dma_wait3A_840 = tpu.memref_slice %arg2[%select_n3A_808, %mul3A_826] : memref<50x4096xi32, #tpu.memory_space<hbm>> -> memref<1x2048xi32, #tpu.memory_space<hbm>>
      tpu.wait_dma2 semaphore(%dma_wait3A_835 : memref<!tpu.dma_semaphore, #tpu.memory_space<semaphore_mem>>) src(%dma_wait3A_840 : memref<1x2048xi32, #tpu.memory_space<hbm>>) dst(%dma_wait3A_839 : memref<1x2048xi32, #tpu.memory_space<vmem>>)
      %gt3A_841 = arith.constant 0 : i32
      %gt3A_842 = arith.cmpi sgt, %scan3A_221, %gt3A_841 : i32
      %or3A_843 = arith.constant true
      %or3A_844 = arith.ori %gt3A_842, %or3A_843 : i1
      %convert_element_type3A_845 = arith.extui %or3A_844 : i1 to i32
      %cond3A_846 = arith.constant 0 : i32
      %cond3A_847 = arith.cmpi ne, %convert_element_type3A_845, %cond3A_846 : i32
      scf.if %cond3A_847 {
        %dma_wait3A_926 = arith.constant 4 : i32
        %dma_wait3A_927 = arith.constant 4 : i32
        %dma_wait3A_928 = arith.constant 0 : i32
        %dma_wait3A_929 = arith.constant 0 : i32
        %dma_wait3A_930 = tpu.memref_slice %arg7[%dma_wait3A_926, %dma_wait3A_928, %dma_wait3A_929] : memref<5x1x2048xf32, #tpu.memory_space<vmem>> -> memref<1x1x2048xf32, #tpu.memory_space<vmem>>
        %dma_wait3A_931 = tpu.memref_squeeze %dma_wait3A_930 : memref<1x1x2048xf32, #tpu.memory_space<vmem>> -> memref<1x2048xf32, #tpu.memory_space<vmem>>
        %dma_wait3A_932 = tpu.memref_slice %arg4[%select_n3A_808, %add3A_101, %mul3A_826] : memref<50x64x4096xf32, #tpu.memory_space<hbm>> -> memref<1x1x2048xf32, #tpu.memory_space<hbm>>
        %dma_wait3A_933 = tpu.memref_squeeze %dma_wait3A_932 : memref<1x1x2048xf32, #tpu.memory_space<hbm>> -> memref<1x2048xf32, #tpu.memory_space<hbm>>
        %dma_wait3A_934 = tpu.memref_slice %arg9[%dma_wait3A_927] : memref<5x!tpu.dma_semaphore, #tpu.memory_space<semaphore_mem>> -> memref<1x!tpu.dma_semaphore, #tpu.memory_space<semaphore_mem>>
        %dma_wait3A_935 = tpu.memref_squeeze %dma_wait3A_934 : memref<1x!tpu.dma_semaphore, #tpu.memory_space<semaphore_mem>> -> memref<!tpu.dma_semaphore, #tpu.memory_space<semaphore_mem>>
        %dma_wait3A_936 = tpu.memref_slice %arg4[%select_n3A_808, %add3A_101, %mul3A_826] : memref<50x64x4096xf32, #tpu.memory_space<hbm>> -> memref<1x1x2048xf32, #tpu.memory_space<hbm>>
        %dma_wait3A_937 = tpu.memref_squeeze %dma_wait3A_936 : memref<1x1x2048xf32, #tpu.memory_space<hbm>> -> memref<1x2048xf32, #tpu.memory_space<hbm>>
        %dma_wait3A_938 = arith.constant 0 : i32
        %dma_wait3A_939 = arith.constant 0 : i32
        %dma_wait3A_940 = tpu.memref_slice %arg7[%dma_wait3A_926, %dma_wait3A_938, %dma_wait3A_939] : memref<5x1x2048xf32, #tpu.memory_space<vmem>> -> memref<1x1x2048xf32, #tpu.memory_space<vmem>>
        %dma_wait3A_941 = tpu.memref_squeeze %dma_wait3A_940 : memref<1x1x2048xf32, #tpu.memory_space<vmem>> -> memref<1x2048xf32, #tpu.memory_space<vmem>>
        tpu.wait_dma2 semaphore(%dma_wait3A_935 : memref<!tpu.dma_semaphore, #tpu.memory_space<semaphore_mem>>) src(%dma_wait3A_941 : memref<1x2048xf32, #tpu.memory_space<vmem>>) dst(%dma_wait3A_937 : memref<1x2048xf32, #tpu.memory_space<hbm>>)
      } else {
      }
      %scan3A_848 = arith.constant 0 : i32
      %scan3A_849 = arith.constant 0 : i32
      %scan3A_850 = arith.constant 8 : i32
      %scan3A_851 = arith.addi %scan3A_849, %scan3A_850 : i32
      %scan3A_852 = arith.constant 1 : i32
      scf.for %scan3A_926 = %scan3A_849 to %scan3A_851 step %scan3A_852  : i32 {
        %mul3A_927 = arith.constant 16 : i32
        %mul3A_928 = arith.muli %scan3A_926, %mul3A_927 : i32
        %mul3A_929 = arith.constant 16 : i32
        %mul3A_930 = arith.muli %mul3A_928, %mul3A_929 : i32
        %add3A_931 = arith.constant 0 : i32
        %add3A_932 = arith.addi %mul3A_930, %add3A_931 : i32
        %get3A = arith.constant 4 : i32
        %get3A_933 = arith.constant 0 : i32
        %get3A_934 = arith.index_cast %get3A : i32 to index
        %get3A_935 = arith.index_cast %get3A_933 : i32 to index
        %get3A_936 = arith.index_cast %add3A_932 : i32 to index
        %get3A_937 = tpu.vector_load %arg6[%get3A_934, %get3A_935, %get3A_936] {strides = array<i32>} : memref<5x1x2048xi32, #tpu.memory_space<vmem>>, vector<16xi32>,
        %add3A_938 = arith.constant 16 : i32
        %add3A_939 = arith.addi %mul3A_930, %add3A_938 : i32
        %get3A_940 = arith.constant 4 : i32
        %get3A_941 = arith.constant 0 : i32
        %get3A_942 = arith.index_cast %get3A_940 : i32 to index
        %get3A_943 = arith.index_cast %get3A_941 : i32 to index
        %get3A_944 = arith.index_cast %add3A_939 : i32 to index
        %get3A_945 = tpu.vector_load %arg6[%get3A_942, %get3A_943, %get3A_944] {strides = array<i32>} : memref<5x1x2048xi32, #tpu.memory_space<vmem>>, vector<16xi32>,
        %add3A_946 = arith.constant 32 : i32
        %add3A_947 = arith.addi %mul3A_930, %add3A_946 : i32
        %get3A_948 = arith.constant 4 : i32
        %get3A_949 = arith.constant 0 : i32
        %get3A_950 = arith.index_cast %get3A_948 : i32 to index
        %get3A_951 = arith.index_cast %get3A_949 : i32 to index
        %get3A_952 = arith.index_cast %add3A_947 : i32 to index
        %get3A_953 = tpu.vector_load %arg6[%get3A_950, %get3A_951, %get3A_952] {strides = array<i32>} : memref<5x1x2048xi32, #tpu.memory_space<vmem>>, vector<16xi32>,
        %add3A_954 = arith.constant 48 : i32
        %add3A_955 = arith.addi %mul3A_930, %add3A_954 : i32
        %get3A_956 = arith.constant 4 : i32
        %get3A_957 = arith.constant 0 : i32
        %get3A_958 = arith.index_cast %get3A_956 : i32 to index
        %get3A_959 = arith.index_cast %get3A_957 : i32 to index
        %get3A_960 = arith.index_cast %add3A_955 : i32 to index
        %get3A_961 = tpu.vector_load %arg6[%get3A_958, %get3A_959, %get3A_960] {strides = array<i32>} : memref<5x1x2048xi32, #tpu.memory_space<vmem>>, vector<16xi32>,
        %add3A_962 = arith.constant 64 : i32
        %add3A_963 = arith.addi %mul3A_930, %add3A_962 : i32
        %get3A_964 = arith.constant 4 : i32
        %get3A_965 = arith.constant 0 : i32
        %get3A_966 = arith.index_cast %get3A_964 : i32 to index
        %get3A_967 = arith.index_cast %get3A_965 : i32 to index
        %get3A_968 = arith.index_cast %add3A_963 : i32 to index
        %get3A_969 = tpu.vector_load %arg6[%get3A_966, %get3A_967, %get3A_968] {strides = array<i32>} : memref<5x1x2048xi32, #tpu.memory_space<vmem>>, vector<16xi32>,
        %add3A_970 = arith.constant 80 : i32
        %add3A_971 = arith.addi %mul3A_930, %add3A_970 : i32
        %get3A_972 = arith.constant 4 : i32
        %get3A_973 = arith.constant 0 : i32
        %get3A_974 = arith.index_cast %get3A_972 : i32 to index
        %get3A_975 = arith.index_cast %get3A_973 : i32 to index
        %get3A_976 = arith.index_cast %add3A_971 : i32 to index
        %get3A_977 = tpu.vector_load %arg6[%get3A_974, %get3A_975, %get3A_976] {strides = array<i32>} : memref<5x1x2048xi32, #tpu.memory_space<vmem>>, vector<16xi32>,
        %add3A_978 = arith.constant 96 : i32
        %add3A_979 = arith.addi %mul3A_930, %add3A_978 : i32
        %get3A_980 = arith.constant 4 : i32
        %get3A_981 = arith.constant 0 : i32
        %get3A_982 = arith.index_cast %get3A_980 : i32 to index
        %get3A_983 = arith.index_cast %get3A_981 : i32 to index
        %get3A_984 = arith.index_cast %add3A_979 : i32 to index
        %get3A_985 = tpu.vector_load %arg6[%get3A_982, %get3A_983, %get3A_984] {strides = array<i32>} : memref<5x1x2048xi32, #tpu.memory_space<vmem>>, vector<16xi32>,
        %add3A_986 = arith.constant 112 : i32
        %add3A_987 = arith.addi %mul3A_930, %add3A_986 : i32
        %get3A_988 = arith.constant 4 : i32
        %get3A_989 = arith.constant 0 : i32
        %get3A_990 = arith.index_cast %get3A_988 : i32 to index
        %get3A_991 = arith.index_cast %get3A_989 : i32 to index
        %get3A_992 = arith.index_cast %add3A_987 : i32 to index
        %get3A_993 = tpu.vector_load %arg6[%get3A_990, %get3A_991, %get3A_992] {strides = array<i32>} : memref<5x1x2048xi32, #tpu.memory_space<vmem>>, vector<16xi32>,
        %add3A_994 = arith.constant 128 : i32
        %add3A_995 = arith.addi %mul3A_930, %add3A_994 : i32
        %get3A_996 = arith.constant 4 : i32
        %get3A_997 = arith.constant 0 : i32
        %get3A_998 = arith.index_cast %get3A_996 : i32 to index
        %get3A_999 = arith.index_cast %get3A_997 : i32 to index
        %get3A_1000 = arith.index_cast %add3A_995 : i32 to index
        %get3A_1001 = tpu.vector_load %arg6[%get3A_998, %get3A_999, %get3A_1000] {strides = array<i32>} : memref<5x1x2048xi32, #tpu.memory_space<vmem>>, vector<16xi32>,
        %add3A_1002 = arith.constant 144 : i32
        %add3A_1003 = arith.addi %mul3A_930, %add3A_1002 : i32
        %get3A_1004 = arith.constant 4 : i32
        %get3A_1005 = arith.constant 0 : i32
        %get3A_1006 = arith.index_cast %get3A_1004 : i32 to index
        %get3A_1007 = arith.index_cast %get3A_1005 : i32 to index
        %get3A_1008 = arith.index_cast %add3A_1003 : i32 to index
        %get3A_1009 = tpu.vector_load %arg6[%get3A_1006, %get3A_1007, %get3A_1008] {strides = array<i32>} : memref<5x1x2048xi32, #tpu.memory_space<vmem>>, vector<16xi32>,
        %add3A_1010 = arith.constant 160 : i32
        %add3A_1011 = arith.addi %mul3A_930, %add3A_1010 : i32
        %get3A_1012 = arith.constant 4 : i32
        %get3A_1013 = arith.constant 0 : i32
        %get3A_1014 = arith.index_cast %get3A_1012 : i32 to index
        %get3A_1015 = arith.index_cast %get3A_1013 : i32 to index
        %get3A_1016 = arith.index_cast %add3A_1011 : i32 to index
        %get3A_1017 = tpu.vector_load %arg6[%get3A_1014, %get3A_1015, %get3A_1016] {strides = array<i32>} : memref<5x1x2048xi32, #tpu.memory_space<vmem>>, vector<16xi32>,
        %add3A_1018 = arith.constant 176 : i32
        %add3A_1019 = arith.addi %mul3A_930, %add3A_1018 : i32
        %get3A_1020 = arith.constant 4 : i32
        %get3A_1021 = arith.constant 0 : i32
        %get3A_1022 = arith.index_cast %get3A_1020 : i32 to index
        %get3A_1023 = arith.index_cast %get3A_1021 : i32 to index
        %get3A_1024 = arith.index_cast %add3A_1019 : i32 to index
        %get3A_1025 = tpu.vector_load %arg6[%get3A_1022, %get3A_1023, %get3A_1024] {strides = array<i32>} : memref<5x1x2048xi32, #tpu.memory_space<vmem>>, vector<16xi32>,
        %add3A_1026 = arith.constant 192 : i32
        %add3A_1027 = arith.addi %mul3A_930, %add3A_1026 : i32
        %get3A_1028 = arith.constant 4 : i32
        %get3A_1029 = arith.constant 0 : i32
        %get3A_1030 = arith.index_cast %get3A_1028 : i32 to index
        %get3A_1031 = arith.index_cast %get3A_1029 : i32 to index
        %get3A_1032 = arith.index_cast %add3A_1027 : i32 to index
        %get3A_1033 = tpu.vector_load %arg6[%get3A_1030, %get3A_1031, %get3A_1032] {strides = array<i32>} : memref<5x1x2048xi32, #tpu.memory_space<vmem>>, vector<16xi32>,
        %add3A_1034 = arith.constant 208 : i32
        %add3A_1035 = arith.addi %mul3A_930, %add3A_1034 : i32
        %get3A_1036 = arith.constant 4 : i32
        %get3A_1037 = arith.constant 0 : i32
        %get3A_1038 = arith.index_cast %get3A_1036 : i32 to index
        %get3A_1039 = arith.index_cast %get3A_1037 : i32 to index
        %get3A_1040 = arith.index_cast %add3A_1035 : i32 to index
        %get3A_1041 = tpu.vector_load %arg6[%get3A_1038, %get3A_1039, %get3A_1040] {strides = array<i32>} : memref<5x1x2048xi32, #tpu.memory_space<vmem>>, vector<16xi32>,
        %add3A_1042 = arith.constant 224 : i32
        %add3A_1043 = arith.addi %mul3A_930, %add3A_1042 : i32
        %get3A_1044 = arith.constant 4 : i32
        %get3A_1045 = arith.constant 0 : i32
        %get3A_1046 = arith.index_cast %get3A_1044 : i32 to index
        %get3A_1047 = arith.index_cast %get3A_1045 : i32 to index
        %get3A_1048 = arith.index_cast %add3A_1043 : i32 to index
        %get3A_1049 = tpu.vector_load %arg6[%get3A_1046, %get3A_1047, %get3A_1048] {strides = array<i32>} : memref<5x1x2048xi32, #tpu.memory_space<vmem>>, vector<16xi32>,
        %add3A_1050 = arith.constant 240 : i32
        %add3A_1051 = arith.addi %mul3A_930, %add3A_1050 : i32
        %get3A_1052 = arith.constant 4 : i32
        %get3A_1053 = arith.constant 0 : i32
        %get3A_1054 = arith.index_cast %get3A_1052 : i32 to index
        %get3A_1055 = arith.index_cast %get3A_1053 : i32 to index
        %get3A_1056 = arith.index_cast %add3A_1051 : i32 to index
        %get3A_1057 = tpu.vector_load %arg6[%get3A_1054, %get3A_1055, %get3A_1056] {strides = array<i32>} : memref<5x1x2048xi32, #tpu.memory_space<vmem>>, vector<16xi32>,
        %gather3A = tpu.vector_load_idx %arg5[%broadcast_in_dim3A_3, %get3A_937] : memref<1x100000xf32, #tpu.memory_space<vmem>>[vector<16xi32>, vector<16xi32>], vector<16xf32>,
        %gather3A_1058 = tpu.vector_load_idx %arg5[%broadcast_in_dim3A_3, %get3A_945] : memref<1x100000xf32, #tpu.memory_space<vmem>>[vector<16xi32>, vector<16xi32>], vector<16xf32>,
        %gather3A_1059 = tpu.vector_load_idx %arg5[%broadcast_in_dim3A_3, %get3A_953] : memref<1x100000xf32, #tpu.memory_space<vmem>>[vector<16xi32>, vector<16xi32>], vector<16xf32>,
        %gather3A_1060 = tpu.vector_load_idx %arg5[%broadcast_in_dim3A_3, %get3A_961] : memref<1x100000xf32, #tpu.memory_space<vmem>>[vector<16xi32>, vector<16xi32>], vector<16xf32>,
        %gather3A_1061 = tpu.vector_load_idx %arg5[%broadcast_in_dim3A_3, %get3A_969] : memref<1x100000xf32, #tpu.memory_space<vmem>>[vector<16xi32>, vector<16xi32>], vector<16xf32>,
        %gather3A_1062 = tpu.vector_load_idx %arg5[%broadcast_in_dim3A_3, %get3A_977] : memref<1x100000xf32, #tpu.memory_space<vmem>>[vector<16xi32>, vector<16xi32>], vector<16xf32>,
        %gather3A_1063 = tpu.vector_load_idx %arg5[%broadcast_in_dim3A_3, %get3A_985] : memref<1x100000xf32, #tpu.memory_space<vmem>>[vector<16xi32>, vector<16xi32>], vector<16xf32>,
        %gather3A_1064 = tpu.vector_load_idx %arg5[%broadcast_in_dim3A_3, %get3A_993] : memref<1x100000xf32, #tpu.memory_space<vmem>>[vector<16xi32>, vector<16xi32>], vector<16xf32>,
        %gather3A_1065 = tpu.vector_load_idx %arg5[%broadcast_in_dim3A_3, %get3A_1001] : memref<1x100000xf32, #tpu.memory_space<vmem>>[vector<16xi32>, vector<16xi32>], vector<16xf32>,
        %gather3A_1066 = tpu.vector_load_idx %arg5[%broadcast_in_dim3A_3, %get3A_1009] : memref<1x100000xf32, #tpu.memory_space<vmem>>[vector<16xi32>, vector<16xi32>], vector<16xf32>,
        %gather3A_1067 = tpu.vector_load_idx %arg5[%broadcast_in_dim3A_3, %get3A_1017] : memref<1x100000xf32, #tpu.memory_space<vmem>>[vector<16xi32>, vector<16xi32>], vector<16xf32>,
        %gather3A_1068 = tpu.vector_load_idx %arg5[%broadcast_in_dim3A_3, %get3A_1025] : memref<1x100000xf32, #tpu.memory_space<vmem>>[vector<16xi32>, vector<16xi32>], vector<16xf32>,
        %gather3A_1069 = tpu.vector_load_idx %arg5[%broadcast_in_dim3A_3, %get3A_1033] : memref<1x100000xf32, #tpu.memory_space<vmem>>[vector<16xi32>, vector<16xi32>], vector<16xf32>,
        %gather3A_1070 = tpu.vector_load_idx %arg5[%broadcast_in_dim3A_3, %get3A_1041] : memref<1x100000xf32, #tpu.memory_space<vmem>>[vector<16xi32>, vector<16xi32>], vector<16xf32>,
        %gather3A_1071 = tpu.vector_load_idx %arg5[%broadcast_in_dim3A_3, %get3A_1049] : memref<1x100000xf32, #tpu.memory_space<vmem>>[vector<16xi32>, vector<16xi32>], vector<16xf32>,
        %gather3A_1072 = tpu.vector_load_idx %arg5[%broadcast_in_dim3A_3, %get3A_1057] : memref<1x100000xf32, #tpu.memory_space<vmem>>[vector<16xi32>, vector<16xi32>], vector<16xf32>,
        %add3A_1073 = arith.constant 0 : i32
        %add3A_1074 = arith.addi %mul3A_930, %add3A_1073 : i32
        %swap3A = arith.constant 4 : i32
        %swap3A_1075 = arith.constant 0 : i32
        %swap3A_1076 = arith.index_cast %swap3A : i32 to index
        %swap3A_1077 = arith.index_cast %swap3A_1075 : i32 to index
        %swap3A_1078 = arith.index_cast %add3A_1074 : i32 to index
        %swap3A_1079 = tpu.vector_load %arg7[%swap3A_1076, %swap3A_1077, %swap3A_1078] {strides = array<i32>} : memref<5x1x2048xf32, #tpu.memory_space<vmem>>, vector<16xf32>,
        tpu.vector_store %arg7[%swap3A_1076, %swap3A_1077, %swap3A_1078], %gather3A {strides = array<i32>} : memref<5x1x2048xf32, #tpu.memory_space<vmem>>, vector<16xf32>,
        %add3A_1080 = arith.constant 16 : i32
        %add3A_1081 = arith.addi %mul3A_930, %add3A_1080 : i32
        %swap3A_1082 = arith.constant 4 : i32
        %swap3A_1083 = arith.constant 0 : i32
        %swap3A_1084 = arith.index_cast %swap3A_1082 : i32 to index
        %swap3A_1085 = arith.index_cast %swap3A_1083 : i32 to index
        %swap3A_1086 = arith.index_cast %add3A_1081 : i32 to index
        %swap3A_1087 = tpu.vector_load %arg7[%swap3A_1084, %swap3A_1085, %swap3A_1086] {strides = array<i32>} : memref<5x1x2048xf32, #tpu.memory_space<vmem>>, vector<16xf32>,
        tpu.vector_store %arg7[%swap3A_1084, %swap3A_1085, %swap3A_1086], %gather3A_1058 {strides = array<i32>} : memref<5x1x2048xf32, #tpu.memory_space<vmem>>, vector<16xf32>,
        %add3A_1088 = arith.constant 32 : i32
        %add3A_1089 = arith.addi %mul3A_930, %add3A_1088 : i32
        %swap3A_1090 = arith.constant 4 : i32
        %swap3A_1091 = arith.constant 0 : i32
        %swap3A_1092 = arith.index_cast %swap3A_1090 : i32 to index
        %swap3A_1093 = arith.index_cast %swap3A_1091 : i32 to index
        %swap3A_1094 = arith.index_cast %add3A_1089 : i32 to index
        %swap3A_1095 = tpu.vector_load %arg7[%swap3A_1092, %swap3A_1093, %swap3A_1094] {strides = array<i32>} : memref<5x1x2048xf32, #tpu.memory_space<vmem>>, vector<16xf32>,
        tpu.vector_store %arg7[%swap3A_1092, %swap3A_1093, %swap3A_1094], %gather3A_1059 {strides = array<i32>} : memref<5x1x2048xf32, #tpu.memory_space<vmem>>, vector<16xf32>,
        %add3A_1096 = arith.constant 48 : i32
        %add3A_1097 = arith.addi %mul3A_930, %add3A_1096 : i32
        %swap3A_1098 = arith.constant 4 : i32
        %swap3A_1099 = arith.constant 0 : i32
        %swap3A_1100 = arith.index_cast %swap3A_1098 : i32 to index
        %swap3A_1101 = arith.index_cast %swap3A_1099 : i32 to index
        %swap3A_1102 = arith.index_cast %add3A_1097 : i32 to index
        %swap3A_1103 = tpu.vector_load %arg7[%swap3A_1100, %swap3A_1101, %swap3A_1102] {strides = array<i32>} : memref<5x1x2048xf32, #tpu.memory_space<vmem>>, vector<16xf32>,
        tpu.vector_store %arg7[%swap3A_1100, %swap3A_1101, %swap3A_1102], %gather3A_1060 {strides = array<i32>} : memref<5x1x2048xf32, #tpu.memory_space<vmem>>, vector<16xf32>,
        %add3A_1104 = arith.constant 64 : i32
        %add3A_1105 = arith.addi %mul3A_930, %add3A_1104 : i32
        %swap3A_1106 = arith.constant 4 : i32
        %swap3A_1107 = arith.constant 0 : i32
        %swap3A_1108 = arith.index_cast %swap3A_1106 : i32 to index
        %swap3A_1109 = arith.index_cast %swap3A_1107 : i32 to index
        %swap3A_1110 = arith.index_cast %add3A_1105 : i32 to index
        %swap3A_1111 = tpu.vector_load %arg7[%swap3A_1108, %swap3A_1109, %swap3A_1110] {strides = array<i32>} : memref<5x1x2048xf32, #tpu.memory_space<vmem>>, vector<16xf32>,
        tpu.vector_store %arg7[%swap3A_1108, %swap3A_1109, %swap3A_1110], %gather3A_1061 {strides = array<i32>} : memref<5x1x2048xf32, #tpu.memory_space<vmem>>, vector<16xf32>,
        %add3A_1112 = arith.constant 80 : i32
        %add3A_1113 = arith.addi %mul3A_930, %add3A_1112 : i32
        %swap3A_1114 = arith.constant 4 : i32
        %swap3A_1115 = arith.constant 0 : i32
        %swap3A_1116 = arith.index_cast %swap3A_1114 : i32 to index
        %swap3A_1117 = arith.index_cast %swap3A_1115 : i32 to index
        %swap3A_1118 = arith.index_cast %add3A_1113 : i32 to index
        %swap3A_1119 = tpu.vector_load %arg7[%swap3A_1116, %swap3A_1117, %swap3A_1118] {strides = array<i32>} : memref<5x1x2048xf32, #tpu.memory_space<vmem>>, vector<16xf32>,
        tpu.vector_store %arg7[%swap3A_1116, %swap3A_1117, %swap3A_1118], %gather3A_1062 {strides = array<i32>} : memref<5x1x2048xf32, #tpu.memory_space<vmem>>, vector<16xf32>,
        %add3A_1120 = arith.constant 96 : i32
        %add3A_1121 = arith.addi %mul3A_930, %add3A_1120 : i32
        %swap3A_1122 = arith.constant 4 : i32
        %swap3A_1123 = arith.constant 0 : i32
        %swap3A_1124 = arith.index_cast %swap3A_1122 : i32 to index
        %swap3A_1125 = arith.index_cast %swap3A_1123 : i32 to index
        %swap3A_1126 = arith.index_cast %add3A_1121 : i32 to index
        %swap3A_1127 = tpu.vector_load %arg7[%swap3A_1124, %swap3A_1125, %swap3A_1126] {strides = array<i32>} : memref<5x1x2048xf32, #tpu.memory_space<vmem>>, vector<16xf32>,
        tpu.vector_store %arg7[%swap3A_1124, %swap3A_1125, %swap3A_1126], %gather3A_1063 {strides = array<i32>} : memref<5x1x2048xf32, #tpu.memory_space<vmem>>, vector<16xf32>,
        %add3A_1128 = arith.constant 112 : i32
        %add3A_1129 = arith.addi %mul3A_930, %add3A_1128 : i32
        %swap3A_1130 = arith.constant 4 : i32
        %swap3A_1131 = arith.constant 0 : i32
        %swap3A_1132 = arith.index_cast %swap3A_1130 : i32 to index
        %swap3A_1133 = arith.index_cast %swap3A_1131 : i32 to index
        %swap3A_1134 = arith.index_cast %add3A_1129 : i32 to index
        %swap3A_1135 = tpu.vector_load %arg7[%swap3A_1132, %swap3A_1133, %swap3A_1134] {strides = array<i32>} : memref<5x1x2048xf32, #tpu.memory_space<vmem>>, vector<16xf32>,
        tpu.vector_store %arg7[%swap3A_1132, %swap3A_1133, %swap3A_1134], %gather3A_1064 {strides = array<i32>} : memref<5x1x2048xf32, #tpu.memory_space<vmem>>, vector<16xf32>,
        %add3A_1136 = arith.constant 128 : i32
        %add3A_1137 = arith.addi %mul3A_930, %add3A_1136 : i32
        %swap3A_1138 = arith.constant 4 : i32
        %swap3A_1139 = arith.constant 0 : i32
        %swap3A_1140 = arith.index_cast %swap3A_1138 : i32 to index
        %swap3A_1141 = arith.index_cast %swap3A_1139 : i32 to index
        %swap3A_1142 = arith.index_cast %add3A_1137 : i32 to index
        %swap3A_1143 = tpu.vector_load %arg7[%swap3A_1140, %swap3A_1141, %swap3A_1142] {strides = array<i32>} : memref<5x1x2048xf32, #tpu.memory_space<vmem>>, vector<16xf32>,
        tpu.vector_store %arg7[%swap3A_1140, %swap3A_1141, %swap3A_1142], %gather3A_1065 {strides = array<i32>} : memref<5x1x2048xf32, #tpu.memory_space<vmem>>, vector<16xf32>,
        %add3A_1144 = arith.constant 144 : i32
        %add3A_1145 = arith.addi %mul3A_930, %add3A_1144 : i32
        %swap3A_1146 = arith.constant 4 : i32
        %swap3A_1147 = arith.constant 0 : i32
        %swap3A_1148 = arith.index_cast %swap3A_1146 : i32 to index
        %swap3A_1149 = arith.index_cast %swap3A_1147 : i32 to index
        %swap3A_1150 = arith.index_cast %add3A_1145 : i32 to index
        %swap3A_1151 = tpu.vector_load %arg7[%swap3A_1148, %swap3A_1149, %swap3A_1150] {strides = array<i32>} : memref<5x1x2048xf32, #tpu.memory_space<vmem>>, vector<16xf32>,
        tpu.vector_store %arg7[%swap3A_1148, %swap3A_1149, %swap3A_1150], %gather3A_1066 {strides = array<i32>} : memref<5x1x2048xf32, #tpu.memory_space<vmem>>, vector<16xf32>,
        %add3A_1152 = arith.constant 160 : i32
        %add3A_1153 = arith.addi %mul3A_930, %add3A_1152 : i32
        %swap3A_1154 = arith.constant 4 : i32
        %swap3A_1155 = arith.constant 0 : i32
        %swap3A_1156 = arith.index_cast %swap3A_1154 : i32 to index
        %swap3A_1157 = arith.index_cast %swap3A_1155 : i32 to index
        %swap3A_1158 = arith.index_cast %add3A_1153 : i32 to index
        %swap3A_1159 = tpu.vector_load %arg7[%swap3A_1156, %swap3A_1157, %swap3A_1158] {strides = array<i32>} : memref<5x1x2048xf32, #tpu.memory_space<vmem>>, vector<16xf32>,
        tpu.vector_store %arg7[%swap3A_1156, %swap3A_1157, %swap3A_1158], %gather3A_1067 {strides = array<i32>} : memref<5x1x2048xf32, #tpu.memory_space<vmem>>, vector<16xf32>,
        %add3A_1160 = arith.constant 176 : i32
        %add3A_1161 = arith.addi %mul3A_930, %add3A_1160 : i32
        %swap3A_1162 = arith.constant 4 : i32
        %swap3A_1163 = arith.constant 0 : i32
        %swap3A_1164 = arith.index_cast %swap3A_1162 : i32 to index
        %swap3A_1165 = arith.index_cast %swap3A_1163 : i32 to index
        %swap3A_1166 = arith.index_cast %add3A_1161 : i32 to index
        %swap3A_1167 = tpu.vector_load %arg7[%swap3A_1164, %swap3A_1165, %swap3A_1166] {strides = array<i32>} : memref<5x1x2048xf32, #tpu.memory_space<vmem>>, vector<16xf32>,
        tpu.vector_store %arg7[%swap3A_1164, %swap3A_1165, %swap3A_1166], %gather3A_1068 {strides = array<i32>} : memref<5x1x2048xf32, #tpu.memory_space<vmem>>, vector<16xf32>,
        %add3A_1168 = arith.constant 192 : i32
        %add3A_1169 = arith.addi %mul3A_930, %add3A_1168 : i32
        %swap3A_1170 = arith.constant 4 : i32
        %swap3A_1171 = arith.constant 0 : i32
        %swap3A_1172 = arith.index_cast %swap3A_1170 : i32 to index
        %swap3A_1173 = arith.index_cast %swap3A_1171 : i32 to index
        %swap3A_1174 = arith.index_cast %add3A_1169 : i32 to index
        %swap3A_1175 = tpu.vector_load %arg7[%swap3A_1172, %swap3A_1173, %swap3A_1174] {strides = array<i32>} : memref<5x1x2048xf32, #tpu.memory_space<vmem>>, vector<16xf32>,
        tpu.vector_store %arg7[%swap3A_1172, %swap3A_1173, %swap3A_1174], %gather3A_1069 {strides = array<i32>} : memref<5x1x2048xf32, #tpu.memory_space<vmem>>, vector<16xf32>,
        %add3A_1176 = arith.constant 208 : i32
        %add3A_1177 = arith.addi %mul3A_930, %add3A_1176 : i32
        %swap3A_1178 = arith.constant 4 : i32
        %swap3A_1179 = arith.constant 0 : i32
        %swap3A_1180 = arith.index_cast %swap3A_1178 : i32 to index
        %swap3A_1181 = arith.index_cast %swap3A_1179 : i32 to index
        %swap3A_1182 = arith.index_cast %add3A_1177 : i32 to index
        %swap3A_1183 = tpu.vector_load %arg7[%swap3A_1180, %swap3A_1181, %swap3A_1182] {strides = array<i32>} : memref<5x1x2048xf32, #tpu.memory_space<vmem>>, vector<16xf32>,
        tpu.vector_store %arg7[%swap3A_1180, %swap3A_1181, %swap3A_1182], %gather3A_1070 {strides = array<i32>} : memref<5x1x2048xf32, #tpu.memory_space<vmem>>, vector<16xf32>,
        %add3A_1184 = arith.constant 224 : i32
        %add3A_1185 = arith.addi %mul3A_930, %add3A_1184 : i32
        %swap3A_1186 = arith.constant 4 : i32
        %swap3A_1187 = arith.constant 0 : i32
        %swap3A_1188 = arith.index_cast %swap3A_1186 : i32 to index
        %swap3A_1189 = arith.index_cast %swap3A_1187 : i32 to index
        %swap3A_1190 = arith.index_cast %add3A_1185 : i32 to index
        %swap3A_1191 = tpu.vector_load %arg7[%swap3A_1188, %swap3A_1189, %swap3A_1190] {strides = array<i32>} : memref<5x1x2048xf32, #tpu.memory_space<vmem>>, vector<16xf32>,
        tpu.vector_store %arg7[%swap3A_1188, %swap3A_1189, %swap3A_1190], %gather3A_1071 {strides = array<i32>} : memref<5x1x2048xf32, #tpu.memory_space<vmem>>, vector<16xf32>,
        %add3A_1192 = arith.constant 240 : i32
        %add3A_1193 = arith.addi %mul3A_930, %add3A_1192 : i32
        %swap3A_1194 = arith.constant 4 : i32
        %swap3A_1195 = arith.constant 0 : i32
        %swap3A_1196 = arith.index_cast %swap3A_1194 : i32 to index
        %swap3A_1197 = arith.index_cast %swap3A_1195 : i32 to index
        %swap3A_1198 = arith.index_cast %add3A_1193 : i32 to index
        %swap3A_1199 = tpu.vector_load %arg7[%swap3A_1196, %swap3A_1197, %swap3A_1198] {strides = array<i32>} : memref<5x1x2048xf32, #tpu.memory_space<vmem>>, vector<16xf32>,
        tpu.vector_store %arg7[%swap3A_1196, %swap3A_1197, %swap3A_1198], %gather3A_1072 {strides = array<i32>} : memref<5x1x2048xf32, #tpu.memory_space<vmem>>, vector<16xf32>,
      }
      %scan3A_853 = arith.constant 8 : i32
      %dma_start3A_854 = arith.constant 4 : i32
      %dma_start3A_855 = arith.constant 4 : i32
      %dma_start3A_856 = arith.constant 0 : i32
      %dma_start3A_857 = arith.constant 0 : i32
      %dma_start3A_858 = tpu.memref_slice %arg7[%dma_start3A_854, %dma_start3A_856, %dma_start3A_857] : memref<5x1x2048xf32, #tpu.memory_space<vmem>> -> memref<1x1x2048xf32, #tpu.memory_space<vmem>>
      %dma_start3A_859 = tpu.memref_squeeze %dma_start3A_858 : memref<1x1x2048xf32, #tpu.memory_space<vmem>> -> memref<1x2048xf32, #tpu.memory_space<vmem>>
      %dma_start3A_860 = tpu.memref_slice %arg4[%select_n3A_808, %add3A_101, %mul3A_826] : memref<50x64x4096xf32, #tpu.memory_space<hbm>> -> memref<1x1x2048xf32, #tpu.memory_space<hbm>>
      %dma_start3A_861 = tpu.memref_squeeze %dma_start3A_860 : memref<1x1x2048xf32, #tpu.memory_space<hbm>> -> memref<1x2048xf32, #tpu.memory_space<hbm>>
      %dma_start3A_862 = tpu.memref_slice %arg9[%dma_start3A_855] : memref<5x!tpu.dma_semaphore, #tpu.memory_space<semaphore_mem>> -> memref<1x!tpu.dma_semaphore, #tpu.memory_space<semaphore_mem>>
      %dma_start3A_863 = tpu.memref_squeeze %dma_start3A_862 : memref<1x!tpu.dma_semaphore, #tpu.memory_space<semaphore_mem>> -> memref<!tpu.dma_semaphore, #tpu.memory_space<semaphore_mem>>
      %dma_start3A_864 = tpu.memref_slice %arg4[%select_n3A_808, %add3A_101, %mul3A_826] : memref<50x64x4096xf32, #tpu.memory_space<hbm>> -> memref<1x1x2048xf32, #tpu.memory_space<hbm>>
      %dma_start3A_865 = tpu.memref_squeeze %dma_start3A_864 : memref<1x1x2048xf32, #tpu.memory_space<hbm>> -> memref<1x2048xf32, #tpu.memory_space<hbm>>
      %dma_start3A_866 = arith.constant 0 : i32
      %dma_start3A_867 = arith.constant 0 : i32
      %dma_start3A_868 = tpu.memref_slice %arg7[%dma_start3A_854, %dma_start3A_866, %dma_start3A_867] : memref<5x1x2048xf32, #tpu.memory_space<vmem>> -> memref<1x1x2048xf32, #tpu.memory_space<vmem>>
      %dma_start3A_869 = tpu.memref_squeeze %dma_start3A_868 : memref<1x1x2048xf32, #tpu.memory_space<vmem>> -> memref<1x2048xf32, #tpu.memory_space<vmem>>
      tpu.enqueue_dma source(%dma_start3A_869 : memref<1x2048xf32, #tpu.memory_space<vmem>>) target(%dma_start3A_865 : memref<1x2048xf32, #tpu.memory_space<hbm>>) target_semaphore(%dma_start3A_863 : memref<!tpu.dma_semaphore, #tpu.memory_space<semaphore_mem>>)
      %add3A_870 = arith.constant 5 : i32
      %add3A_871 = arith.addi %add3A_784, %add3A_870 : i32
      %lt3A_872 = arith.constant 100 : i32
      %lt3A_873 = arith.cmpi slt, %add3A_871, %lt3A_872 : i32
      %sub3A_874 = arith.constant 100 : i32
      %sub3A_875 = arith.subi %add3A_871, %sub3A_874 : i32
      %select_n3A_876 = arith.select %lt3A_873, %add3A_871, %sub3A_875 : i32
      %jit3A_877 = arith.constant 2 : i32
      %div3A_878 = arith.divsi %select_n3A_876, %jit3A_877 : i32
      %sign3A_879 = arith.constant 0 : i32
      %sign3A_880 = arith.cmpi sgt, %select_n3A_876, %sign3A_879 : i32
      %sign3A_881 = arith.extui %sign3A_880 : i1 to i32
      %sign3A_882 = arith.constant 0 : i32
      %sign3A_883 = arith.cmpi slt, %select_n3A_876, %sign3A_882 : i32
      %sign3A_884 = arith.extui %sign3A_883 : i1 to i32
      %sign3A_885 = arith.subi %sign3A_881, %sign3A_884 : i32
      %sign3A_886 = arith.constant 0 : i32
      %sign3A_887 = arith.cmpi sgt, %jit3A_877, %sign3A_886 : i32
      %sign3A_888 = arith.extui %sign3A_887 : i1 to i32
      %sign3A_889 = arith.constant 0 : i32
      %sign3A_890 = arith.cmpi slt, %jit3A_877, %sign3A_889 : i32
      %sign3A_891 = arith.extui %sign3A_890 : i1 to i32
      %sign3A_892 = arith.subi %sign3A_888, %sign3A_891 : i32
      %ne3A_893 = arith.cmpi ne, %sign3A_885, %sign3A_892 : i32
      %rem3A_894 = arith.remsi %select_n3A_876, %jit3A_877 : i32
      %ne3A_895 = arith.constant 0 : i32
      %ne3A_896 = arith.cmpi ne, %rem3A_894, %ne3A_895 : i32
      %and3A_897 = arith.andi %ne3A_893, %ne3A_896 : i1
      %sub3A_898 = arith.constant 1 : i32
      %sub3A_899 = arith.subi %div3A_878, %sub3A_898 : i32
      %select_n3A_900 = arith.select %and3A_897, %sub3A_899, %div3A_878 : i32
      %jit3A_901 = arith.constant 2 : i32
      %eq3A_902 = arith.constant 0 : i32
      %eq3A_903 = arith.cmpi eq, %jit3A_901, %eq3A_902 : i32
      %jit3A_904 = arith.constant 1 : i32
      %select_n3A_905 = arith.select %eq3A_903, %jit3A_904, %jit3A_901 : i32
      %rem3A_906 = arith.remsi %select_n3A_876, %select_n3A_905 : i32
      %ne3A_907 = arith.constant 0 : i32
      %ne3A_908 = arith.cmpi ne, %rem3A_906, %ne3A_907 : i32
      %lt3A_909 = arith.constant 0 : i32
      %lt3A_910 = arith.cmpi slt, %rem3A_906, %lt3A_909 : i32
      %lt3A_911 = arith.constant 0 : i32
      %lt3A_912 = arith.cmpi slt, %select_n3A_905, %lt3A_911 : i32
      %ne3A_913 = arith.xori %lt3A_910, %lt3A_912 : i1
      %and3A_914 = arith.andi %ne3A_913, %ne3A_908 : i1
      %add3A_915 = arith.addi %rem3A_906, %select_n3A_905 : i32
      %select_n3A_916 = arith.select %and3A_914, %add3A_915, %rem3A_906 : i32
      %mul3A_917 = arith.constant 2048 : i32
      %mul3A_918 = arith.muli %select_n3A_916, %mul3A_917 : i32
      %lt3A_919 = arith.constant 19 : i32
      %lt3A_920 = arith.cmpi slt, %scan3A_221, %lt3A_919 : i32
      %or3A_921 = arith.constant false
      %or3A_922 = arith.ori %lt3A_920, %or3A_921 : i1
      %convert_element_type3A_923 = arith.extui %or3A_922 : i1 to i32
      %cond3A_924 = arith.constant 0 : i32
      %cond3A_925 = arith.cmpi ne, %convert_element_type3A_923, %cond3A_924 : i32
      scf.if %cond3A_925 {
        %dma_start3A_926 = arith.constant 4 : i32
        %dma_start3A_927 = arith.constant 4 : i32
        %dma_start3A_928 = arith.constant 0 : i32
        %dma_start3A_929 = arith.constant 0 : i32
        %dma_start3A_930 = tpu.memref_slice %arg6[%dma_start3A_926, %dma_start3A_928, %dma_start3A_929] : memref<5x1x2048xi32, #tpu.memory_space<vmem>> -> memref<1x1x2048xi32, #tpu.memory_space<vmem>>
        %dma_start3A_931 = tpu.memref_squeeze %dma_start3A_930 : memref<1x1x2048xi32, #tpu.memory_space<vmem>> -> memref<1x2048xi32, #tpu.memory_space<vmem>>
        %dma_start3A_932 = tpu.memref_slice %arg2[%select_n3A_900, %mul3A_918] : memref<50x4096xi32, #tpu.memory_space<hbm>> -> memref<1x2048xi32, #tpu.memory_space<hbm>>
        %dma_start3A_933 = tpu.memref_slice %arg8[%dma_start3A_927] : memref<5x!tpu.dma_semaphore, #tpu.memory_space<semaphore_mem>> -> memref<1x!tpu.dma_semaphore, #tpu.memory_space<semaphore_mem>>
        %dma_start3A_934 = tpu.memref_squeeze %dma_start3A_933 : memref<1x!tpu.dma_semaphore, #tpu.memory_space<semaphore_mem>> -> memref<!tpu.dma_semaphore, #tpu.memory_space<semaphore_mem>>
        %dma_start3A_935 = arith.constant 0 : i32
        %dma_start3A_936 = arith.constant 0 : i32
        %dma_start3A_937 = tpu.memref_slice %arg6[%dma_start3A_926, %dma_start3A_935, %dma_start3A_936] : memref<5x1x2048xi32, #tpu.memory_space<vmem>> -> memref<1x1x2048xi32, #tpu.memory_space<vmem>>
        %dma_start3A_938 = tpu.memref_squeeze %dma_start3A_937 : memref<1x1x2048xi32, #tpu.memory_space<vmem>> -> memref<1x2048xi32, #tpu.memory_space<vmem>>
        %dma_start3A_939 = tpu.memref_slice %arg2[%select_n3A_900, %mul3A_918] : memref<50x4096xi32, #tpu.memory_space<hbm>> -> memref<1x2048xi32, #tpu.memory_space<hbm>>
        tpu.enqueue_dma source(%dma_start3A_939 : memref<1x2048xi32, #tpu.memory_space<hbm>>) target(%dma_start3A_938 : memref<1x2048xi32, #tpu.memory_space<vmem>>) target_semaphore(%dma_start3A_934 : memref<!tpu.dma_semaphore, #tpu.memory_space<semaphore_mem>>)
      } else {
      }
    }
    %scan3A_107 = arith.constant 20 : i32
    %add3A_108 = arith.constant 2 : i32
    %add3A_109 = arith.addi %mul3A_2, %add3A_108 : i32
    %sub3A = arith.constant 1 : i32
    %sub3A_110 = arith.subi %add3A_109, %sub3A : i32
    %dma_wait3A = arith.constant 0 : i32
    %dma_wait3A_111 = arith.constant 47 : i32
    %dma_wait3A_112 = arith.constant 0 : i32
    %dma_wait3A_113 = arith.constant 0 : i32
    %dma_wait3A_114 = arith.constant 0 : i32
    %dma_wait3A_115 = tpu.memref_slice %arg7[%dma_wait3A, %dma_wait3A_113, %dma_wait3A_114] : memref<5x1x2048xf32, #tpu.memory_space<vmem>> -> memref<1x1x2048xf32, #tpu.memory_space<vmem>>
    %dma_wait3A_116 = tpu.memref_squeeze %dma_wait3A_115 : memref<1x1x2048xf32, #tpu.memory_space<vmem>> -> memref<1x2048xf32, #tpu.memory_space<vmem>>
    %dma_wait3A_117 = arith.constant 2048 : i32
    %dma_wait3A_118 = tpu.memref_slice %arg4[%dma_wait3A_111, %sub3A_110, %dma_wait3A_117] : memref<50x64x4096xf32, #tpu.memory_space<hbm>> -> memref<1x1x2048xf32, #tpu.memory_space<hbm>>
    %dma_wait3A_119 = tpu.memref_squeeze %dma_wait3A_118 : memref<1x1x2048xf32, #tpu.memory_space<hbm>> -> memref<1x2048xf32, #tpu.memory_space<hbm>>
    %dma_wait3A_120 = tpu.memref_slice %arg9[%dma_wait3A_112] : memref<5x!tpu.dma_semaphore, #tpu.memory_space<semaphore_mem>> -> memref<1x!tpu.dma_semaphore, #tpu.memory_space<semaphore_mem>>
    %dma_wait3A_121 = tpu.memref_squeeze %dma_wait3A_120 : memref<1x!tpu.dma_semaphore, #tpu.memory_space<semaphore_mem>> -> memref<!tpu.dma_semaphore, #tpu.memory_space<semaphore_mem>>
    %dma_wait3A_122 = arith.constant 2048 : i32
    %dma_wait3A_123 = tpu.memref_slice %arg4[%dma_wait3A_111, %sub3A_110, %dma_wait3A_122] : memref<50x64x4096xf32, #tpu.memory_space<hbm>> -> memref<1x1x2048xf32, #tpu.memory_space<hbm>>
    %dma_wait3A_124 = tpu.memref_squeeze %dma_wait3A_123 : memref<1x1x2048xf32, #tpu.memory_space<hbm>> -> memref<1x2048xf32, #tpu.memory_space<hbm>>
    %dma_wait3A_125 = arith.constant 0 : i32
    %dma_wait3A_126 = arith.constant 0 : i32
    %dma_wait3A_127 = tpu.memref_slice %arg7[%dma_wait3A, %dma_wait3A_125, %dma_wait3A_126] : memref<5x1x2048xf32, #tpu.memory_space<vmem>> -> memref<1x1x2048xf32, #tpu.memory_space<vmem>>
    %dma_wait3A_128 = tpu.memref_squeeze %dma_wait3A_127 : memref<1x1x2048xf32, #tpu.memory_space<vmem>> -> memref<1x2048xf32, #tpu.memory_space<vmem>>
    tpu.wait_dma2 semaphore(%dma_wait3A_121 : memref<!tpu.dma_semaphore, #tpu.memory_space<semaphore_mem>>) src(%dma_wait3A_128 : memref<1x2048xf32, #tpu.memory_space<vmem>>) dst(%dma_wait3A_124 : memref<1x2048xf32, #tpu.memory_space<hbm>>)
    %add3A_129 = arith.constant 2 : i32
    %add3A_130 = arith.addi %mul3A_2, %add3A_129 : i32
    %sub3A_131 = arith.constant 1 : i32
    %sub3A_132 = arith.subi %add3A_130, %sub3A_131 : i32
    %dma_wait3A_133 = arith.constant 1 : i32
    %dma_wait3A_134 = arith.constant 48 : i32
    %dma_wait3A_135 = arith.constant 1 : i32
    %dma_wait3A_136 = arith.constant 0 : i32
    %dma_wait3A_137 = arith.constant 0 : i32
    %dma_wait3A_138 = tpu.memref_slice %arg7[%dma_wait3A_133, %dma_wait3A_136, %dma_wait3A_137] : memref<5x1x2048xf32, #tpu.memory_space<vmem>> -> memref<1x1x2048xf32, #tpu.memory_space<vmem>>
    %dma_wait3A_139 = tpu.memref_squeeze %dma_wait3A_138 : memref<1x1x2048xf32, #tpu.memory_space<vmem>> -> memref<1x2048xf32, #tpu.memory_space<vmem>>
    %dma_wait3A_140 = arith.constant 0 : i32
    %dma_wait3A_141 = tpu.memref_slice %arg4[%dma_wait3A_134, %sub3A_132, %dma_wait3A_140] : memref<50x64x4096xf32, #tpu.memory_space<hbm>> -> memref<1x1x2048xf32, #tpu.memory_space<hbm>>
    %dma_wait3A_142 = tpu.memref_squeeze %dma_wait3A_141 : memref<1x1x2048xf32, #tpu.memory_space<hbm>> -> memref<1x2048xf32, #tpu.memory_space<hbm>>
    %dma_wait3A_143 = tpu.memref_slice %arg9[%dma_wait3A_135] : memref<5x!tpu.dma_semaphore, #tpu.memory_space<semaphore_mem>> -> memref<1x!tpu.dma_semaphore, #tpu.memory_space<semaphore_mem>>
    %dma_wait3A_144 = tpu.memref_squeeze %dma_wait3A_143 : memref<1x!tpu.dma_semaphore, #tpu.memory_space<semaphore_mem>> -> memref<!tpu.dma_semaphore, #tpu.memory_space<semaphore_mem>>
    %dma_wait3A_145 = arith.constant 0 : i32
    %dma_wait3A_146 = tpu.memref_slice %arg4[%dma_wait3A_134, %sub3A_132, %dma_wait3A_145] : memref<50x64x4096xf32, #tpu.memory_space<hbm>> -> memref<1x1x2048xf32, #tpu.memory_space<hbm>>
    %dma_wait3A_147 = tpu.memref_squeeze %dma_wait3A_146 : memref<1x1x2048xf32, #tpu.memory_space<hbm>> -> memref<1x2048xf32, #tpu.memory_space<hbm>>
    %dma_wait3A_148 = arith.constant 0 : i32
    %dma_wait3A_149 = arith.constant 0 : i32
    %dma_wait3A_150 = tpu.memref_slice %arg7[%dma_wait3A_133, %dma_wait3A_148, %dma_wait3A_149] : memref<5x1x2048xf32, #tpu.memory_space<vmem>> -> memref<1x1x2048xf32, #tpu.memory_space<vmem>>
    %dma_wait3A_151 = tpu.memref_squeeze %dma_wait3A_150 : memref<1x1x2048xf32, #tpu.memory_space<vmem>> -> memref<1x2048xf32, #tpu.memory_space<vmem>>
    tpu.wait_dma2 semaphore(%dma_wait3A_144 : memref<!tpu.dma_semaphore, #tpu.memory_space<semaphore_mem>>) src(%dma_wait3A_151 : memref<1x2048xf32, #tpu.memory_space<vmem>>) dst(%dma_wait3A_147 : memref<1x2048xf32, #tpu.memory_space<hbm>>)
    %add3A_152 = arith.constant 2 : i32
    %add3A_153 = arith.addi %mul3A_2, %add3A_152 : i32
    %sub3A_154 = arith.constant 1 : i32
    %sub3A_155 = arith.subi %add3A_153, %sub3A_154 : i32
    %dma_wait3A_156 = arith.constant 2 : i32
    %dma_wait3A_157 = arith.constant 48 : i32
    %dma_wait3A_158 = arith.constant 2 : i32
    %dma_wait3A_159 = arith.constant 0 : i32
    %dma_wait3A_160 = arith.constant 0 : i32
    %dma_wait3A_161 = tpu.memref_slice %arg7[%dma_wait3A_156, %dma_wait3A_159, %dma_wait3A_160] : memref<5x1x2048xf32, #tpu.memory_space<vmem>> -> memref<1x1x2048xf32, #tpu.memory_space<vmem>>
    %dma_wait3A_162 = tpu.memref_squeeze %dma_wait3A_161 : memref<1x1x2048xf32, #tpu.memory_space<vmem>> -> memref<1x2048xf32, #tpu.memory_space<vmem>>
    %dma_wait3A_163 = arith.constant 2048 : i32
    %dma_wait3A_164 = tpu.memref_slice %arg4[%dma_wait3A_157, %sub3A_155, %dma_wait3A_163] : memref<50x64x4096xf32, #tpu.memory_space<hbm>> -> memref<1x1x2048xf32, #tpu.memory_space<hbm>>
    %dma_wait3A_165 = tpu.memref_squeeze %dma_wait3A_164 : memref<1x1x2048xf32, #tpu.memory_space<hbm>> -> memref<1x2048xf32, #tpu.memory_space<hbm>>
    %dma_wait3A_166 = tpu.memref_slice %arg9[%dma_wait3A_158] : memref<5x!tpu.dma_semaphore, #tpu.memory_space<semaphore_mem>> -> memref<1x!tpu.dma_semaphore, #tpu.memory_space<semaphore_mem>>
    %dma_wait3A_167 = tpu.memref_squeeze %dma_wait3A_166 : memref<1x!tpu.dma_semaphore, #tpu.memory_space<semaphore_mem>> -> memref<!tpu.dma_semaphore, #tpu.memory_space<semaphore_mem>>
    %dma_wait3A_168 = arith.constant 2048 : i32
    %dma_wait3A_169 = tpu.memref_slice %arg4[%dma_wait3A_157, %sub3A_155, %dma_wait3A_168] : memref<50x64x4096xf32, #tpu.memory_space<hbm>> -> memref<1x1x2048xf32, #tpu.memory_space<hbm>>
    %dma_wait3A_170 = tpu.memref_squeeze %dma_wait3A_169 : memref<1x1x2048xf32, #tpu.memory_space<hbm>> -> memref<1x2048xf32, #tpu.memory_space<hbm>>
    %dma_wait3A_171 = arith.constant 0 : i32
    %dma_wait3A_172 = arith.constant 0 : i32
    %dma_wait3A_173 = tpu.memref_slice %arg7[%dma_wait3A_156, %dma_wait3A_171, %dma_wait3A_172] : memref<5x1x2048xf32, #tpu.memory_space<vmem>> -> memref<1x1x2048xf32, #tpu.memory_space<vmem>>
    %dma_wait3A_174 = tpu.memref_squeeze %dma_wait3A_173 : memref<1x1x2048xf32, #tpu.memory_space<vmem>> -> memref<1x2048xf32, #tpu.memory_space<vmem>>
    tpu.wait_dma2 semaphore(%dma_wait3A_167 : memref<!tpu.dma_semaphore, #tpu.memory_space<semaphore_mem>>) src(%dma_wait3A_174 : memref<1x2048xf32, #tpu.memory_space<vmem>>) dst(%dma_wait3A_170 : memref<1x2048xf32, #tpu.memory_space<hbm>>)
    %add3A_175 = arith.constant 2 : i32
    %add3A_176 = arith.addi %mul3A_2, %add3A_175 : i32
    %sub3A_177 = arith.constant 1 : i32
    %sub3A_178 = arith.subi %add3A_176, %sub3A_177 : i32
    %dma_wait3A_179 = arith.constant 3 : i32
    %dma_wait3A_180 = arith.constant 49 : i32
    %dma_wait3A_181 = arith.constant 3 : i32
    %dma_wait3A_182 = arith.constant 0 : i32
    %dma_wait3A_183 = arith.constant 0 : i32
    %dma_wait3A_184 = tpu.memref_slice %arg7[%dma_wait3A_179, %dma_wait3A_182, %dma_wait3A_183] : memref<5x1x2048xf32, #tpu.memory_space<vmem>> -> memref<1x1x2048xf32, #tpu.memory_space<vmem>>
    %dma_wait3A_185 = tpu.memref_squeeze %dma_wait3A_184 : memref<1x1x2048xf32, #tpu.memory_space<vmem>> -> memref<1x2048xf32, #tpu.memory_space<vmem>>
    %dma_wait3A_186 = arith.constant 0 : i32
    %dma_wait3A_187 = tpu.memref_slice %arg4[%dma_wait3A_180, %sub3A_178, %dma_wait3A_186] : memref<50x64x4096xf32, #tpu.memory_space<hbm>> -> memref<1x1x2048xf32, #tpu.memory_space<hbm>>
    %dma_wait3A_188 = tpu.memref_squeeze %dma_wait3A_187 : memref<1x1x2048xf32, #tpu.memory_space<hbm>> -> memref<1x2048xf32, #tpu.memory_space<hbm>>
    %dma_wait3A_189 = tpu.memref_slice %arg9[%dma_wait3A_181] : memref<5x!tpu.dma_semaphore, #tpu.memory_space<semaphore_mem>> -> memref<1x!tpu.dma_semaphore, #tpu.memory_space<semaphore_mem>>
    %dma_wait3A_190 = tpu.memref_squeeze %dma_wait3A_189 : memref<1x!tpu.dma_semaphore, #tpu.memory_space<semaphore_mem>> -> memref<!tpu.dma_semaphore, #tpu.memory_space<semaphore_mem>>
    %dma_wait3A_191 = arith.constant 0 : i32
    %dma_wait3A_192 = tpu.memref_slice %arg4[%dma_wait3A_180, %sub3A_178, %dma_wait3A_191] : memref<50x64x4096xf32, #tpu.memory_space<hbm>> -> memref<1x1x2048xf32, #tpu.memory_space<hbm>>
    %dma_wait3A_193 = tpu.memref_squeeze %dma_wait3A_192 : memref<1x1x2048xf32, #tpu.memory_space<hbm>> -> memref<1x2048xf32, #tpu.memory_space<hbm>>
    %dma_wait3A_194 = arith.constant 0 : i32
    %dma_wait3A_195 = arith.constant 0 : i32
    %dma_wait3A_196 = tpu.memref_slice %arg7[%dma_wait3A_179, %dma_wait3A_194, %dma_wait3A_195] : memref<5x1x2048xf32, #tpu.memory_space<vmem>> -> memref<1x1x2048xf32, #tpu.memory_space<vmem>>
    %dma_wait3A_197 = tpu.memref_squeeze %dma_wait3A_196 : memref<1x1x2048xf32, #tpu.memory_space<vmem>> -> memref<1x2048xf32, #tpu.memory_space<vmem>>
    tpu.wait_dma2 semaphore(%dma_wait3A_190 : memref<!tpu.dma_semaphore, #tpu.memory_space<semaphore_mem>>) src(%dma_wait3A_197 : memref<1x2048xf32, #tpu.memory_space<vmem>>) dst(%dma_wait3A_193 : memref<1x2048xf32, #tpu.memory_space<hbm>>)
    %add3A_198 = arith.constant 2 : i32
    %add3A_199 = arith.addi %mul3A_2, %add3A_198 : i32
    %sub3A_200 = arith.constant 1 : i32
    %sub3A_201 = arith.subi %add3A_199, %sub3A_200 : i32
    %dma_wait3A_202 = arith.constant 4 : i32
    %dma_wait3A_203 = arith.constant 49 : i32
    %dma_wait3A_204 = arith.constant 4 : i32
    %dma_wait3A_205 = arith.constant 0 : i32
    %dma_wait3A_206 = arith.constant 0 : i32
    %dma_wait3A_207 = tpu.memref_slice %arg7[%dma_wait3A_202, %dma_wait3A_205, %dma_wait3A_206] : memref<5x1x2048xf32, #tpu.memory_space<vmem>> -> memref<1x1x2048xf32, #tpu.memory_space<vmem>>
    %dma_wait3A_208 = tpu.memref_squeeze %dma_wait3A_207 : memref<1x1x2048xf32, #tpu.memory_space<vmem>> -> memref<1x2048xf32, #tpu.memory_space<vmem>>
    %dma_wait3A_209 = arith.constant 2048 : i32
    %dma_wait3A_210 = tpu.memref_slice %arg4[%dma_wait3A_203, %sub3A_201, %dma_wait3A_209] : memref<50x64x4096xf32, #tpu.memory_space<hbm>> -> memref<1x1x2048xf32, #tpu.memory_space<hbm>>
    %dma_wait3A_211 = tpu.memref_squeeze %dma_wait3A_210 : memref<1x1x2048xf32, #tpu.memory_space<hbm>> -> memref<1x2048xf32, #tpu.memory_space<hbm>>
    %dma_wait3A_212 = tpu.memref_slice %arg9[%dma_wait3A_204] : memref<5x!tpu.dma_semaphore, #tpu.memory_space<semaphore_mem>> -> memref<1x!tpu.dma_semaphore, #tpu.memory_space<semaphore_mem>>
    %dma_wait3A_213 = tpu.memref_squeeze %dma_wait3A_212 : memref<1x!tpu.dma_semaphore, #tpu.memory_space<semaphore_mem>> -> memref<!tpu.dma_semaphore, #tpu.memory_space<semaphore_mem>>
    %dma_wait3A_214 = arith.constant 2048 : i32
    %dma_wait3A_215 = tpu.memref_slice %arg4[%dma_wait3A_203, %sub3A_201, %dma_wait3A_214] : memref<50x64x4096xf32, #tpu.memory_space<hbm>> -> memref<1x1x2048xf32, #tpu.memory_space<hbm>>
    %dma_wait3A_216 = tpu.memref_squeeze %dma_wait3A_215 : memref<1x1x2048xf32, #tpu.memory_space<hbm>> -> memref<1x2048xf32, #tpu.memory_space<hbm>>
    %dma_wait3A_217 = arith.constant 0 : i32
    %dma_wait3A_218 = arith.constant 0 : i32
    %dma_wait3A_219 = tpu.memref_slice %arg7[%dma_wait3A_202, %dma_wait3A_217, %dma_wait3A_218] : memref<5x1x2048xf32, #tpu.memory_space<vmem>> -> memref<1x1x2048xf32, #tpu.memory_space<vmem>>
    %dma_wait3A_220 = tpu.memref_squeeze %dma_wait3A_219 : memref<1x1x2048xf32, #tpu.memory_space<vmem>> -> memref<1x2048xf32, #tpu.memory_space<vmem>>
    tpu.wait_dma2 semaphore(%dma_wait3A_213 : memref<!tpu.dma_semaphore, #tpu.memory_space<semaphore_mem>>) src(%dma_wait3A_220 : memref<1x2048xf32, #tpu.memory_space<vmem>>) dst(%dma_wait3A_216 : memref<1x2048xf32, #tpu.memory_space<hbm>>)
    return
  }
}

</mosaic_0001>

<sc_bundles>
// kernel: kernel.3.cloned.1.call-start
scs
__scs_entry_jumppad:
0x0: {  	(pc) =	sbr.rel $0x88, $3  }
0x1: {  	(tag) =	ssettag $0x0;
	lr =	simm.s32 $0x1  }
0x2: {  	[smem:$0x3F9F] =	sst lr;
	_ =	strace $0xD0000000  }
0x3: {  	_ = 	snop  }
0x4: {  	_ = 	snop  }
0x5: {  	_ = 	snop  }
0x6: {  	_ = 	snop  }
0x7: {  	_ = 	snop  }
__scs_overlays_trampoline_lowered:
0x8: {  	[smem:$0x3FAE] =	sst s0  }
0x9: {  	[smem:$0x3FAF] =	sst s1  }
0xa: {  	[smem:$0x3FB0] =	sst s2  }
0xb: {  	[smem:$0x3FB1] =	sst s3  }
0xc: {  	[smem:$0x3FB2] =	sst s4  }
0xd: {  	[smem:$0x3FB3] =	sst s5  }
0xe: {  	[smem:$0x3FB4] =	sst s6  }
0xf: {  	[smem:$0x3FB5] =	sst s7  }
0x10: {  	[smem:$0x3FB6] =	sst s8  }
0x11: {  	[smem:$0x3FB7] =	sst s9;
	s0 =	simm.s32 @!p0 $0x0  }
0x12: {  	s1 =	sld [smem:$0x3F9D];
	s0 =	simm.s32 @p0 $0x1  }
0x13: {  	[smem:$0x3FB8] =	sst s0;
	s0 =	simm.s32 @!p1 $0x0  }
0x14: {  	s2 =	sld [smem:$0x3F9C];
	s0 =	simm.s32 @p1 $0x1  }
0x15: {  	[smem:$0x3FB9] =	sst s0;
	s0 =	simm.s32 @!p2 $0x0  }
0x16: {  	s3 =	sld [smem:$0x3FDB];
	s0 =	simm.s32 @p2 $0x1  }
0x17: {  	s4 =	simm.s32 $0x1BF5;
	[smem:$0x3FBB] =	sst s0  }
0x18: {  	s0 =	sld [smem:$0x3F9E];
	_ =	swait.ge [sflag:s4], $0x0  }
0x19: {  	s7 =	sld [smem:$0x3F9F]  }
0x1a: {  	s8 =	sadd.s32 $0xFFFFE003, lr  }
0x1b: {  	s9 =	sadd.s32 $0xFFFFFEF7, lr;
	s5 =	simm.s32 $0xFFFFFFFF;
	p2 =	slt.u32 s8, $0xFFFFF086  }
0x1c: {  	p1 =	slt.u32 s9, $0xF7A;
	s5 =	simm.s32 @!p2 $0x0  }
0x1d: {  	s5 =	simm.s32 @p1 $0x1;
	p0 =	seq.s32 s7, s2  }
0x1e: {  	s7 =	smul.u32 @!p0 $0xF7A, s2;
	p2 =	seq.s32 @!p0 s5, $0x0  }
0x1f: {  	s9 =	smul.u32 $0xF7A, s1;
	s8 =	simm.s32 @!p0 $0x1BF5;
	p2 =	por !p2, p0  }
0x20: {  	[sflag:s8] =	ssyncset.s32 @!p0 $0xFFFFF086;
	s6 =	sadd.s32 @!p0 s3, s7;
	s7 =	simm.s32 @!p0 $0x108  }
0x21: {  	s3 =	sadd.s32 s3, s9;
	s6 =	sadd.s32 @!p0 $0x88, s6;
	s7 =	simm.s32 @p2 $0x1082  }
0x22: {  	[simem:s7], [sflag:s8] =	dma.local @!p0 [hbm:s6], $0xF7A  }
0x23: {  	s9 =	sor.u32 $0xD0000000, s2;
	s6 =	simm.s32 $0x108;
	_ =	swait.ge @!p0 [sflag:s8], $0x0  }
0x24: {  	s3 =	sadd.s32 $0x88, s3;
	s6 =	simm.s32 @!p1 $0x1082;
	[sflag:s4] =	ssyncset.s32 $0xFFFFF086  }
0x25: {  	[simem:s6], [sflag:s4] =	dma.local [hbm:s3], $0xF7A  }
0x26: {  	[smem:$0x3F9F] =	sst s1;
	(tag) =	ssettag s2;
	_ =	strace s9  }
0x27: {  	s1 =	sld [smem:$0x3FAF]  }
0x28: {  	s2 =	sld [smem:$0x3FB0]  }
0x29: {  	s4 =	sld [smem:$0x3FB2]  }
0x2a: {  	p0 =	seq.s32 s5, $0x0;
	s5 =	sld [smem:$0x3FB3]  }
0x2b: {  	s6 =	sld [smem:$0x3FB4]  }
0x2c: {  	s7 =	sld [smem:$0x3FB5]  }
0x2d: {  	s3 =	simm.s32 $0x108;
	s8 =	sld [smem:$0x3FB6]  }
0x2e: {  	s3 =	simm.s32 @!p0 $0x1082;
	s9 =	sld [smem:$0x3FB7]  }
0x2f: {  	lr =	sadd.s32 s0, s3;
	s0 =	sld [smem:$0x3FAE]  }
0x30: {  	s3 =	sld [smem:$0x3FB1]  }
0x31: {  	[smem:$0x3FBA] =	sst s10  }
0x32: {  	s10 =	sld [smem:$0x3FB8];
	_ =	sdelay $0x3  }
0x33: {  	p0 =	seq.s32 s10, $0x1;
	s10 =	sld [smem:$0x3FBA];
	_ =	sdelay $0x3  }
0x34: {  	[smem:$0x3FBA] =	sst s10  }
0x35: {  	s10 =	sld [smem:$0x3FB9];
	_ =	sdelay $0x3  }
0x36: {  	p1 =	seq.s32 s10, $0x1;
	s10 =	sld [smem:$0x3FBA];
	_ =	sdelay $0x3  }
0x37: {  	[smem:$0x3FBA] =	sst s10  }
0x38: {  	s10 =	sld [smem:$0x3FBB]  }
0x39: {  	_ = 	snop;
	(pc) =	sbr.ind lr, $3  }
0x3a: {  	_ = 	snop  }
0x3b: {  	_ = 	snop  }
0x3c: {  	p2 =	seq.s32 s10, $0x1;
	s10 =	sld [smem:$0x3FBA]  }
0x3d: {  	_ =	shalt  }
0x3e: {  	_ =	shalt  }
0x3f: {  	_ =	shalt  }
0x40: {  	_ =	shalt  }
0x41: {  	_ =	shalt  }
0x42: {  	_ =	shalt  }
0x43: {  	_ =	shalt  }
0x44: {  	_ =	shalt  }
0x45: {  	_ =	shalt  }
0x46: {  	_ =	shalt  }
0x47: {  	_ =	shalt  }
0x48: {  	_ =	shalt  }
0x49: {  	_ =	shalt  }
0x4a: {  	_ =	shalt  }
0x4b: {  	_ =	shalt  }
0x4c: {  	_ =	shalt  }
0x4d: {  	_ =	shalt  }
0x4e: {  	_ =	shalt  }
0x4f: {  	_ =	shalt  }
0x50: {  	_ =	shalt  }
0x51: {  	_ =	shalt  }
0x52: {  	_ =	shalt  }
0x53: {  	_ =	shalt  }
0x54: {  	_ =	shalt  }
0x55: {  	_ =	shalt  }
0x56: {  	_ =	shalt  }
0x57: {  	_ =	shalt  }
0x58: {  	_ =	shalt  }
0x59: {  	_ =	shalt  }
0x5a: {  	_ =	shalt  }
0x5b: {  	_ =	shalt  }
0x5c: {  	_ =	shalt  }
0x5d: {  	_ =	shalt  }
0x5e: {  	_ =	shalt  }
0x5f: {  	_ =	shalt  }
0x60: {  	_ =	shalt  }
0x61: {  	_ =	shalt  }
0x62: {  	_ =	shalt  }
0x63: {  	_ =	shalt  }
0x64: {  	_ =	shalt  }
0x65: {  	_ =	shalt  }
0x66: {  	_ =	shalt  }
0x67: {  	_ =	shalt  }
0x68: {  	_ =	shalt  }
0x69: {  	_ =	shalt  }
0x6a: {  	_ =	shalt  }
0x6b: {  	_ =	shalt  }
0x6c: {  	_ =	shalt  }
0x6d: {  	_ =	shalt  }
0x6e: {  	_ =	shalt  }
0x6f: {  	_ =	shalt  }
0x70: {  	_ =	shalt  }
0x71: {  	_ =	shalt  }
0x72: {  	_ =	shalt  }
0x73: {  	_ =	shalt  }
0x74: {  	_ =	shalt  }
0x75: {  	_ =	shalt  }
0x76: {  	_ =	shalt  }
0x77: {  	_ =	shalt  }
0x78: {  	_ =	shalt  }
0x79: {  	_ =	shalt  }
0x7a: {  	_ =	shalt  }
0x7b: {  	_ =	shalt  }
0x7c: {  	_ =	shalt  }
0x7d: {  	_ =	shalt  }
0x7e: {  	_ =	shalt  }
0x7f: {  	_ =	shalt  }
0x80: {  	_ =	shalt  }
0x81: {  	_ =	shalt  }
0x82: {  	_ =	shalt  }
0x83: {  	_ =	shalt  }
0x84: {  	_ =	shalt  }
0x85: {  	_ =	shalt  }
0x86: {  	_ =	shalt  }
0x87: {  	_ =	shalt  }
.Lfunc_end0:
.L_simem_size_0:
called_computation_lowered:
.L_overlay_start_0:
0x88: {  	s2 =	sld [smem:$0x3FD9]  }
0x89: {  	s3 =	sld [smem:$0x3FFE];
	_ =	sdelay $0x1  }
0x8a: {  	s1 =	srdreg.scid  }
0x8b: {  	s0 =	sand.u32 $0x1, s1  }
0x8c: {  	s18 =	sshll.u32 s0, $0xA;
	s2 =	sadd.s32 s3, s2  }
0x8d: {  	s2 =	sadd.s32 s2, s18  }
0x8e: {  	[smem:$0x3FC6] =	sst s2  }
0x8f: {  	_ = 	snop  }
0x90: {  	s2 =	sld [smem:$0x3FC9]  }
0x91: {  	s19 =	sld [smem:$0x3FC8]  }
0x92: {  	s4 =	sld [smem:$0x3FD0];
	(tm) =	ssettm $0x1  }
0x93: {  	s5 =	sld [smem:$0x3FFB];
	_ =	sdelay $0x3  }
0x94: {  	_ =	strace s5  }
0x95: {  	s5 =	sld [smem:$0x3FFC];
	_ =	sdelay $0x3  }
0x96: {  	_ =	strace s5  }
0x97: {  	s5 =	sld [smem:$0x3FFD];
	_ =	sdelay $0x3  }
0x98: {  	_ =	strace s5  }
0x99: {  	_ =	strace $0x8FFFFFFF  }
0x9a: {  	s20 =	sld [smem:$0x3FDB];
	_ =	sdelay $0x1  }
0x9b: {  	s6 =	simm.s32 $_scs_section_size  }
0x9c: {  	s7 =	simm.s32 $_size__tile_overlayer_lowered;
	s8 =	simm.s32 $_tile_overlayer_lowered  }
0x9d: {  	s23 =	simm.s32 $0x1BFF;
	s22 =	sshll.u32 s8, $0x1;
	s5 =	sadd.s32 s6, s20  }
0x9e: {  	s9 =	simm.s32 $0x0;
	s21 =	sshll.u32 s7, $0x1;
	s7 =	sadd.s32 s22, s5  }
0x9f: {  	[timem:s9], [sflag:s23] =	dma.local [hbm:s7], s21  }
0xa0: {  	_ =	swait.ge [sflag:s23], s21  }
0xa1: {  	s6 =	ssub.s32 $0x0, s21;
	[sflag:s23] =	ssyncset.done $0x0  }
0xa2: {  	[sflag:s23] =	ssyncadd.s32 s6;
	_ =	sdelay $0x1  }
0xa3: {  	s24 =	simm.s32 $0x1B8B  }
0xa4: {  	_ =	swait.ge [sflag:s24], $0x1  }
0xa5: {  	[sflag:s24] =	ssyncset.done $0x0  }
0xa6: {  	s25 =	simm.s32 $0x1B8E;
	[sflag:s24] =	ssyncadd.s32 $0xFFFFFFFF  }
0xa7: {  	s26 =	simm.s32 $execute0_lowered;
	[smem:$0x3FD2] =	sst s25  }
0xa8: {  	s6 =	sshll.u32 s26, $0x1;
	_ =	strace $0x80000046;
	[dreg:$0x1] =	wrdreg $0xFFFFFFFF  }
0xa9: {  	s28 =	simm.s32 $_size_execute0_lowered;
	s5 =	sadd.s32 s5, s6;
	[dreg:$0x0] =	wrdreg $0x0  }
0xaa: {  	s6 =	sshll.u32 s28, $0x1;
	[dreg:$0x2] =	wrdreg s5  }
0xab: {  	[dreg:$0x3] =	wrdreg s6  }
0xac: {  	[dreg:$0x4] =	wrdreg $0xC0  }
0xad: {  	_ =	task [dreg:s9], $0x5FFFF  }
0xae: {  	[dreg:$0x1] =	wrdreg $0xFFFFFFFF  }
0xaf: {  	[dreg:$0x0] =	wrdreg $0x60  }
0xb0: {  	[dreg:$0x2] =	wrdreg s2  }
0xb1: {  	[dreg:$0x3] =	wrdreg s19  }
0xb2: {  	[dreg:$0x4] =	wrdreg s4  }
0xb3: {  	[dreg:$0x5] =	wrdreg $0x9  }
0xb4: {  	_ =	task.clear_ibuf [dreg:s9], $0x6FFFF;
	_ =	strace $0x90000046  }
0xb5: {  	s29 =	simm.s32 $0x9;
	_ =	strace $0x80000048  }
0xb6: {  	_ =	swait.ge [sflag:s29], $0x1  }
0xb7: {  	[sflag:s29] =	ssyncadd.s32 $0xFFFFFFFF  }
0xb8: {  	_ =	strace $0x90000048  }
0xb9: {  	_ =	sfence  }
0xba: {  	s30 =	sld [smem:$0x0];
	_ =	sdelay $0x2  }
0xbb: {  	s31 =	sshll.u32 s1, $0xD;
	s1 =	sshrl.u32 s1, $0x2  }
0xbc: {  	s3 =	sand.u32 $0x4000, s31;
	s1 =	sadd.s32 s1, s30  }
0xbd: {  	s0 =	sor.u32 s3, s0;
	s1 =	sshll.u32 s1, $0x11  }
0xbe: {  	s0 =	sor.u32 s1, s0  }
0xbf: {  	s0 =	sadd.s32 $0x8F2B, s0  }
0xc0: {  	[sflag:s0] =	ssyncadd.remote.s32 $0x1  }
0xc1: {  	_ =	sfence.sel $0xFFFF  }
0xc2: {  	[dreg:$0x0] =	wrdreg $0xFFFFFFFF;
	(pc) =	sbr.abs _section_cstart, $3  }
0xc3: {  	[dreg:$0x1] =	wrdreg $0xFFFFFFFF  }
0xc4: {  	_ =	task.clear_ibuf [dreg:s9], $0x2FFFF;
	_ =	strace $0x9FFFFFFF  }
0xc5: {  	(tm) =	ssettm $0x7FFFFFFF  }
tec
execute0_lowered:
.L_overlay_start_1:
0x0: {  	(tag) =	ssettag $0x1  }
0x1: {  	s1 =	rddreg [dreg:$0x0]  }
0x2: {  	s0 =	rddreg [dreg:$0x1]  }
0x3: {  	s2 =	rddreg [dreg:$0x2];
	s3 =	srdreg.scid;
	s4 =	simm.s32 $0x0  }
0x4: {  	s8 =	stileid.u32;
	s14 =	simm.s32 $0x80;
	s15 =	simm.s32 $0x400  }
0x5: {  	s28 =	simm.s32 $0x1BF00;
	s29 =	simm.s32 $0x4;
	s30 =	simm.s32 $0x1C700  }
0x6: {  	s31 =	simm.s32 $0x5;
	s3 =	sand.u32 $0x1, s3;
	[smem:$0x7FF] =	sst s4  }
0x7: {  	s7 =	sshll.u32 s8, $0x9;
	s8 =	sshrl.u32 s8, $0x1;
	s22 =	sadd.s32 $0x800, s1  }
0x8: {  	s23 =	sadd.s32 $0x10, s1;
	_ =	strace $0x80000047;
	[dreg:$0x4] =	wrdreg s22  }
0x9: {  	s9 =	sadd.s32 $0x810, s1;
	s10 =	sadd.s32 $0x20, s1;
	[dreg:$0x5] =	wrdreg s23  }
0xa: {  	s5 =	ssub.s32 $0x2, s3;
	s3 =	sshll.u32 s3, $0x8;
	[dreg:$0x6] =	wrdreg s9  }
0xb: {  	s7 =	sand.u32 $0x200, s7;
	s21 =	smul.u32 $0xC3800, s8;
	[dreg:$0x7] =	wrdreg s10  }
0xc: {  	s8 =	sshll.u32 s8, $0xF;
	s22 =	simm.s32 $0x1;
	s23 =	simm.s32 $0x1AF00  }
0xd: {  	s10 =	simm.s32 $0x0;
	s6 =	sshrl.u32 s5, $0x1;
	s3 =	sor.u32 s3, s7  }
0xe: {  	s7 =	simm.s32 $0x9;
	s5 =	ssub.s32 s5, s6;
	s24 =	sor.u32 $0x80, s3  }
0xf: {  	s25 =	sor.u32 s21, s3;
	s12 =	sor.u32 s3, s8;
	s3 =	simm.s32 $0x6  }
0x10: {  	s6 =	sor.u32 s21, s24;
	s9 =	sshrl.u32 s25, $0x3;
	s26 =	smax.u32 s5, $0x1  }
.Ltmp0:
0x11: {  	s13 =	sor.u32 s24, s8;
	s24 =	simm.s32 $0x2;
	(pc) =	sbr.rel .LBB2_1-.Ltmp0, $4  }
0x12: {  	s25 =	simm.s32 $0x1B700;
	s5 =	simm.s32 $0x7;
	s8 =	simm.s32 $0xA  }
0x13: {  	s6 =	sshrl.u32 s6, $0x3;
	s9 =	sadd.s32 s0, s9;
	[dreg:$0xa] =	wrdreg s26  }
0x14: {  	s26 =	simm.s32 $0x3;
	[dreg:$0x8] =	wrdreg s9;
	s0 =	sadd.s32 s0, s6  }
0x15: {  	s6 =	simm.s32 $0x8;
	[dreg:$0x9] =	wrdreg s0;
	s0 =	simm.s32 $0x1CF00  }
.LBB2_26:
0x16: {  	_ =	swait.ge [sflag:s3], $0x800  }
0x17: {  	[sflag:s3] =	ssyncset.done $0x0  }
0x18: {  	[sflag:s3] =	ssyncadd.s32 $0xFFFFF800  }
0x19: {  	_ =	swait.ge [sflag:s5], $0x800  }
0x1a: {  	[sflag:s5] =	ssyncset.done $0x0  }
0x1b: {  	[sflag:s5] =	ssyncadd.s32 $0xFFFFF800  }
0x1c: {  	_ =	swait.ge [sflag:s6], $0x800  }
0x1d: {  	[sflag:s6] =	ssyncset.done $0x0  }
0x1e: {  	[sflag:s6] =	ssyncadd.s32 $0xFFFFF800  }
0x1f: {  	_ =	swait.ge [sflag:s7], $0x800  }
0x20: {  	[sflag:s7] =	ssyncset.done $0x0  }
0x21: {  	[sflag:s7] =	ssyncadd.s32 $0xFFFFF800  }
0x22: {  	_ =	swait.ge [sflag:s8], $0x800  }
0x23: {  	s10 =	rddreg [dreg:$0xb]  }
0x24: {  	s9 =	rddreg [dreg:$0xa];
	s10 =	sadd.s32 $0x1, s10  }
0x25: {  	p0 =	sne.s32 s10, s9  }
.Ltmp1:
0x26: {  	_ = 	snop;
	(pc) =	sbr.rel @!p0 .LBB2_27-.Ltmp1, $3  }
0x27: {  	_ =	sdelay $0x1  }
0x28: {  	[sflag:s8] =	ssyncset.done $0x0  }
0x29: {  	[sflag:s8] =	ssyncadd.s32 $0xFFFFF800  }
.LBB2_1:
0x2a: {  	[dreg:$0xb] =	wrdreg s10;
	s9 =	simm.s32 $0x18700  }
0x2b: {  	[tilespmem:s9], [sflag:$0x1] =	stream.strided.gather [hbm4b:s1+s14], $0x800, s15, s14, $0x38;
	[tilespmem:$0x1D700] =	vst v63  }
0x2c: {  	s20 =	rddreg [dreg:$0x4];
	s21 =	simm.s32 $0x18F00  }
0x2d: {  	[tilespmem:s21], [sflag:$0x2] =	stream.strided.gather [hbm4b:s20+s14], $0x800, s15, s14, $0x38;
	[tilespmem:$0x1D700] =	vst v63  }
0x2e: {  	s10 =	rddreg [dreg:$0x5];
	s11 =	simm.s32 $0x19700  }
0x2f: {  	[tilespmem:s11], [sflag:$0x3] =	stream.strided.gather [hbm4b:s10+s14], $0x800, s15, s14, $0x38;
	[tilespmem:$0x1D700] =	vst v63  }
0x30: {  	s16 =	rddreg [dreg:$0x6];
	s17 =	simm.s32 $0x19F00  }
0x31: {  	[tilespmem:s17], [sflag:$0x4] =	stream.strided.gather [hbm4b:s16+s14], $0x800, s15, s14, $0x38;
	[tilespmem:$0x1D700] =	vst v63  }
0x32: {  	s18 =	rddreg [dreg:$0x7];
	s19 =	simm.s32 $0x1A700  }
0x33: {  	[tilespmem:s19], [sflag:$0x5] =	stream.strided.gather [hbm4b:s18+s14], $0x800, s15, s14, $0x38;
	[tilespmem:$0x1D700] =	vst v63  }
0x34: {  	s20 =	rddreg [dreg:$0x8];
	s21 =	simm.s32 $0xB  }
0x35: {  	[tilespmem:s4], [sflag:$0xB] =	stream.strided.gather [hbm4b:s20+s14], $0x18700, s15, s14, $0x38;
	[tilespmem:$0x1D700] =	vst v63  }
0x36: {  	_ =	swait.ge [sflag:s21], $0x18700  }
0x37: {  	[sflag:s21] =	ssyncset.done $0x0  }
0x38: {  	s10 =	simm.s32 $0x0;
	[sflag:s21] =	ssyncadd.s32 $0xFFFE7900  }
.LBB2_2:
0x39: {  	_ =	swait.ge [sflag:s22], $0x800  }
0x3a: {  	p0 =	seq.s32 s10, $0x0;
	[sflag:s22] =	ssyncset.done $0x0  }
0x3b: {  	s9 =	simm.s32 @!p0 $0x6;
	[sflag:s22] =	ssyncadd.s32 $0xFFFFF800  }
0x3c: {  	_ =	swait.ge @!p0 [sflag:s9], $0x800  }
0x3d: {  	[sflag:s9] =	ssyncset.done @!p0 $0x0  }
0x3e: {  	s16 =	simm.s32 $0x0;
	[sflag:s9] =	ssyncadd.s32 @!p0 $0xFFFFF800  }
0x3f: {  	v14 =	vld [tilespmem:s16+$0x18700]  }
0x40: {  	v0 =	vld [tilespmem:s16+$0x18710]  }
0x41: {  	v1 =	vld [tilespmem:s16+$0x18720]  }
0x42: {  	v2 =	vld [tilespmem:s16+$0x18730]  }
0x43: {  	v3 =	vld [tilespmem:s16+$0x18740]  }
0x44: {  	v4 =	vld [tilespmem:s16+$0x18750]  }
0x45: {  	v5 =	vld [tilespmem:s16+$0x18760]  }
0x46: {  	v7 =	vld [tilespmem:s16+$0x18770]  }
0x47: {  	v9 =	vld [tilespmem:s16+$0x18780]  }
0x48: {  	v6 =	vld [tilespmem:s16+$0x18790]  }
0x49: {  	v8 =	vld [tilespmem:s16+$0x187A0]  }
0x4a: {  	v10 =	vld [tilespmem:s16+$0x187B0]  }
0x4b: {  	v11 =	vld [tilespmem:s16+$0x187C0]  }
0x4c: {  	v12 =	vld [tilespmem:s16+$0x187D0]  }
0x4d: {  	v13 =	vld [tilespmem:s16+$0x187E0]  }
0x4e: {  	s21 =	sshll.u32 s10, $0xE;
	v15 =	vld [tilespmem:s16+$0x187F0]  }
0x4f: {  	s11 =	smul.u32 $0x5, s10;
	s21 =	sand.u32 $0x4000, s21;
	s9 =	simm.s32 $0x400;
	v14 =	vld.idx.msk [tilespmem:v14+s4+$0x0], $0xffff  }
.LBB2_3:
0x50: {  	p1 =	sne.s32 s9, $0x1C00;
	v16 =	vld.idx.msk [tilespmem:v0+s4+$0x0], $0xffff  }
0x51: {  	v17 =	vld.idx.msk [tilespmem:v1+s4+$0x0], $0xffff  }
0x52: {  	v18 =	vld.idx.msk [tilespmem:v2+s4+$0x0], $0xffff  }
0x53: {  	v19 =	vld.idx.msk [tilespmem:v3+s4+$0x0], $0xffff  }
0x54: {  	v20 =	vld.idx.msk [tilespmem:v4+s4+$0x0], $0xffff  }
0x55: {  	v21 =	vld.idx.msk [tilespmem:v5+s4+$0x0], $0xffff  }
0x56: {  	v22 =	vld.idx.msk [tilespmem:v7+s4+$0x0], $0xffff  }
0x57: {  	v23 =	vld.idx.msk [tilespmem:v9+s4+$0x0], $0xffff  }
0x58: {  	v0 =	vld.idx.msk [tilespmem:v15+s4+$0x0], $0xffff  }
0x59: {  	v15 =	vld.idx.msk [tilespmem:v6+s4+$0x0], $0xffff  }
0x5a: {  	v24 =	vld.idx.msk [tilespmem:v8+s4+$0x0], $0xffff  }
0x5b: {  	v25 =	vld.idx.msk [tilespmem:v10+s4+$0x0], $0xffff  }
0x5c: {  	v26 =	vld.idx.msk [tilespmem:v11+s4+$0x0], $0xffff  }
0x5d: {  	v27 =	vld.idx.msk [tilespmem:v12+s4+$0x0], $0xffff  }
0x5e: {  	s17 =	sshra.s32 s9, $0x2;
	v28 =	vld.idx.msk [tilespmem:v13+s4+$0x0], $0xffff;
	[tilespmem:s16+$0x1AFF0] =	vst v0  }
0x5f: {  	v29 =	vld [tilespmem:s17+$0x18700];
	[tilespmem:s16+$0x1AF00] =	vst v14  }
0x60: {  	v0 =	vld [tilespmem:s17+$0x18710];
	[tilespmem:s16+$0x1AF10] =	vst v16  }
0x61: {  	v1 =	vld [tilespmem:s17+$0x18720];
	[tilespmem:s16+$0x1AF20] =	vst v17  }
0x62: {  	v2 =	vld [tilespmem:s17+$0x18730];
	[tilespmem:s16+$0x1AF30] =	vst v18  }
0x63: {  	v3 =	vld [tilespmem:s17+$0x18740];
	[tilespmem:s16+$0x1AF40] =	vst v19  }
0x64: {  	v4 =	vld [tilespmem:s17+$0x18750];
	[tilespmem:s16+$0x1AF50] =	vst v20  }
0x65: {  	v5 =	vld [tilespmem:s17+$0x18760];
	[tilespmem:s16+$0x1AF60] =	vst v21  }
0x66: {  	v7 =	vld [tilespmem:s17+$0x18770];
	[tilespmem:s16+$0x1AF70] =	vst v22  }
0x67: {  	v9 =	vld [tilespmem:s17+$0x18780];
	[tilespmem:s16+$0x1AF80] =	vst v23  }
0x68: {  	v6 =	vld [tilespmem:s17+$0x18790];
	[tilespmem:s16+$0x1AF90] =	vst v15  }
0x69: {  	v8 =	vld [tilespmem:s17+$0x187A0];
	[tilespmem:s16+$0x1AFA0] =	vst v24  }
0x6a: {  	v10 =	vld [tilespmem:s17+$0x187B0];
	[tilespmem:s16+$0x1AFB0] =	vst v25  }
.Ltmp2:
0x6b: {  	v11 =	vld [tilespmem:s17+$0x187C0];
	[tilespmem:s16+$0x1AFC0] =	vst v26;
	(pc) =	sbr.rel @p1 .LBB2_3-.Ltmp2, $4  }
0x6c: {  	v12 =	vld [tilespmem:s17+$0x187D0];
	[tilespmem:s16+$0x1AFD0] =	vst v27  }
0x6d: {  	v13 =	vld [tilespmem:s17+$0x187E0];
	[tilespmem:s16+$0x1AFE0] =	vst v28;
	s16 =	smov.u32 s17  }
0x6e: {  	v15 =	vld [tilespmem:s16+$0x187F0]  }
0x6f: {  	s9 =	sadd.s32 $0x400, s9;
	v14 =	vld.idx.msk [tilespmem:v29+s4+$0x0], $0xffff  }
0x70: {  	_ =	sdelay $0x3  }
0x71: {  	v0 =	vld.idx.msk [tilespmem:v0+s4+$0x0], $0xffff  }
0x72: {  	v1 =	vld.idx.msk [tilespmem:v1+s4+$0x0], $0xffff  }
0x73: {  	v2 =	vld.idx.msk [tilespmem:v2+s4+$0x0], $0xffff  }
0x74: {  	v3 =	vld.idx.msk [tilespmem:v3+s4+$0x0], $0xffff  }
0x75: {  	v4 =	vld.idx.msk [tilespmem:v4+s4+$0x0], $0xffff  }
0x76: {  	v5 =	vld.idx.msk [tilespmem:v5+s4+$0x0], $0xffff  }
0x77: {  	v7 =	vld.idx.msk [tilespmem:v7+s4+$0x0], $0xffff  }
0x78: {  	v9 =	vld.idx.msk [tilespmem:v9+s4+$0x0], $0xffff  }
0x79: {  	v6 =	vld.idx.msk [tilespmem:v6+s4+$0x0], $0xffff  }
0x7a: {  	v8 =	vld.idx.msk [tilespmem:v8+s4+$0x0], $0xffff  }
0x7b: {  	v10 =	vld.idx.msk [tilespmem:v10+s4+$0x0], $0xffff  }
0x7c: {  	v11 =	vld.idx.msk [tilespmem:v11+s4+$0x0], $0xffff  }
0x7d: {  	v12 =	vld.idx.msk [tilespmem:v12+s4+$0x0], $0xffff  }
0x7e: {  	v13 =	vld.idx.msk [tilespmem:v13+s4+$0x0], $0xffff  }
0x7f: {  	v15 =	vld.idx.msk [tilespmem:v15+s4+$0x0], $0xffff;
	[tilespmem:s16+$0x1AF00] =	vst v14  }
0x80: {  	[tilespmem:s16+$0x1AF10] =	vst v0  }
0x81: {  	[tilespmem:s16+$0x1AF20] =	vst v1  }
0x82: {  	[tilespmem:s16+$0x1AF30] =	vst v2  }
0x83: {  	[tilespmem:s16+$0x1AF40] =	vst v3  }
0x84: {  	[tilespmem:s16+$0x1AF50] =	vst v4  }
0x85: {  	[tilespmem:s16+$0x1AF60] =	vst v5  }
0x86: {  	[tilespmem:s16+$0x1AF70] =	vst v7  }
0x87: {  	[tilespmem:s16+$0x1AF80] =	vst v9  }
0x88: {  	s9 =	smul.u32 $0xA0000, s10;
	[tilespmem:s16+$0x1AF90] =	vst v6  }
0x89: {  	[tilespmem:s16+$0x1AFA0] =	vst v8  }
0x8a: {  	s17 =	sand.u32 $0x1FC0000, s9;
	[tilespmem:s16+$0x1AFB0] =	vst v10  }
0x8b: {  	s17 =	sor.u32 s12, s17;
	[tilespmem:s16+$0x1AFC0] =	vst v11  }
0x8c: {  	s17 =	sor.u32 s21, s17;
	[tilespmem:s16+$0x1AFD0] =	vst v12  }
0x8d: {  	s17 =	sshrl.u32 s17, $0x3;
	[tilespmem:s16+$0x1AFE0] =	vst v13  }
0x8e: {  	p1 =	seq.s32 s10, $0x13;
	s19 =	sadd.s32 s2, s17;
	[tilespmem:s16+$0x1AFF0] =	vst v15;
	s16 =	sadd.s32 $0x5, s11  }
0x8f: {  	[hbm4b:s19+s14] =	stream.strided.scatter [tilespmem:s23], [sflag:$0x6], $0x800, s15, s14, $0x38;
	[tilespmem:$0x1D700] =	vst v63  }
0x90: {  	s16 =	simm.s32 @p1 $0x0  }
0x91: {  	s20 =	sshll.u32 s16, $0x8;
	s18 =	sshll.u32 s16, $0xB;
	s16 =	sshll.u32 s16, $0x3  }
0x92: {  	s17 =	sand.u32 $0xFFFF000, s20;
	s18 =	sand.u32 $0x800, s18;
	s16 =	sand.u32 $0x70, s16  }
0x93: {  	s17 =	sor.u32 s17, s18;
	s16 =	sadd.s32 s1, s16  }
0x94: {  	s19 =	simm.s32 $0x18700;
	s16 =	sadd.s32 s17, s16  }
0x95: {  	[tilespmem:s19], [sflag:$0x1] =	stream.strided.gather [hbm4b:s16+s14], $0x800, s15, s14, $0x38;
	[tilespmem:$0x1D700] =	vst v63  }
0x96: {  	_ =	swait.ge [sflag:s24], $0x800  }
0x97: {  	[sflag:s24] =	ssyncset.done $0x0  }
0x98: {  	s16 =	simm.s32 @!p0 $0x7;
	[sflag:s24] =	ssyncadd.s32 $0xFFFFF800  }
0x99: {  	_ =	swait.ge @!p0 [sflag:s16], $0x800  }
0x9a: {  	[sflag:s16] =	ssyncset.done @!p0 $0x0  }
0x9b: {  	[sflag:s16] =	ssyncadd.s32 @!p0 $0xFFFFF800;
	s16 =	simm.s32 $0x0  }
0x9c: {  	v14 =	vld [tilespmem:s16+$0x18F00]  }
0x9d: {  	v0 =	vld [tilespmem:s16+$0x18F10]  }
0x9e: {  	v1 =	vld [tilespmem:s16+$0x18F20]  }
0x9f: {  	v2 =	vld [tilespmem:s16+$0x18F30]  }
0xa0: {  	v3 =	vld [tilespmem:s16+$0x18F40]  }
0xa1: {  	v4 =	vld [tilespmem:s16+$0x18F50]  }
0xa2: {  	v5 =	vld [tilespmem:s16+$0x18F60]  }
0xa3: {  	v7 =	vld [tilespmem:s16+$0x18F70]  }
0xa4: {  	v9 =	vld [tilespmem:s16+$0x18F80]  }
0xa5: {  	v6 =	vld [tilespmem:s16+$0x18F90]  }
0xa6: {  	v8 =	vld [tilespmem:s16+$0x18FA0]  }
0xa7: {  	v10 =	vld [tilespmem:s16+$0x18FB0]  }
0xa8: {  	v11 =	vld [tilespmem:s16+$0x18FC0]  }
0xa9: {  	v12 =	vld [tilespmem:s16+$0x18FD0]  }
0xaa: {  	s17 =	sadd.s32 $0x1, s11;
	v13 =	vld [tilespmem:s16+$0x18FE0]  }
0xab: {  	s20 =	sshll.u32 s17, $0xE;
	v15 =	vld [tilespmem:s16+$0x18FF0]  }
0xac: {  	s19 =	simm.s32 $0x400;
	s18 =	sand.u32 $0x4000, s20;
	v14 =	vld.idx.msk [tilespmem:v14+s4+$0x0], $0xffff  }
.LBB2_5:
0xad: {  	p2 =	sne.s32 s19, $0x1C00;
	v16 =	vld.idx.msk [tilespmem:v0+s4+$0x0], $0xffff  }
0xae: {  	v17 =	vld.idx.msk [tilespmem:v1+s4+$0x0], $0xffff  }
0xaf: {  	v18 =	vld.idx.msk [tilespmem:v2+s4+$0x0], $0xffff  }
0xb0: {  	v19 =	vld.idx.msk [tilespmem:v3+s4+$0x0], $0xffff  }
0xb1: {  	v20 =	vld.idx.msk [tilespmem:v4+s4+$0x0], $0xffff  }
0xb2: {  	v21 =	vld.idx.msk [tilespmem:v5+s4+$0x0], $0xffff  }
0xb3: {  	v22 =	vld.idx.msk [tilespmem:v7+s4+$0x0], $0xffff  }
0xb4: {  	v23 =	vld.idx.msk [tilespmem:v9+s4+$0x0], $0xffff  }
0xb5: {  	v0 =	vld.idx.msk [tilespmem:v15+s4+$0x0], $0xffff  }
0xb6: {  	v15 =	vld.idx.msk [tilespmem:v6+s4+$0x0], $0xffff  }
0xb7: {  	v24 =	vld.idx.msk [tilespmem:v8+s4+$0x0], $0xffff  }
0xb8: {  	v25 =	vld.idx.msk [tilespmem:v10+s4+$0x0], $0xffff  }
0xb9: {  	v26 =	vld.idx.msk [tilespmem:v11+s4+$0x0], $0xffff  }
0xba: {  	v27 =	vld.idx.msk [tilespmem:v12+s4+$0x0], $0xffff  }
0xbb: {  	s20 =	sshra.s32 s19, $0x2;
	v28 =	vld.idx.msk [tilespmem:v13+s4+$0x0], $0xffff;
	[tilespmem:s16+$0x1B7F0] =	vst v0  }
0xbc: {  	v29 =	vld [tilespmem:s20+$0x18F00];
	[tilespmem:s16+$0x1B700] =	vst v14  }
0xbd: {  	v0 =	vld [tilespmem:s20+$0x18F10];
	[tilespmem:s16+$0x1B710] =	vst v16  }
0xbe: {  	v1 =	vld [tilespmem:s20+$0x18F20];
	[tilespmem:s16+$0x1B720] =	vst v17  }
0xbf: {  	v2 =	vld [tilespmem:s20+$0x18F30];
	[tilespmem:s16+$0x1B730] =	vst v18  }
0xc0: {  	v3 =	vld [tilespmem:s20+$0x18F40];
	[tilespmem:s16+$0x1B740] =	vst v19  }
0xc1: {  	v4 =	vld [tilespmem:s20+$0x18F50];
	[tilespmem:s16+$0x1B750] =	vst v20  }
0xc2: {  	v5 =	vld [tilespmem:s20+$0x18F60];
	[tilespmem:s16+$0x1B760] =	vst v21  }
0xc3: {  	v7 =	vld [tilespmem:s20+$0x18F70];
	[tilespmem:s16+$0x1B770] =	vst v22  }
0xc4: {  	v9 =	vld [tilespmem:s20+$0x18F80];
	[tilespmem:s16+$0x1B780] =	vst v23  }
0xc5: {  	v6 =	vld [tilespmem:s20+$0x18F90];
	[tilespmem:s16+$0x1B790] =	vst v15  }
0xc6: {  	v8 =	vld [tilespmem:s20+$0x18FA0];
	[tilespmem:s16+$0x1B7A0] =	vst v24  }
0xc7: {  	v10 =	vld [tilespmem:s20+$0x18FB0];
	[tilespmem:s16+$0x1B7B0] =	vst v25  }
.Ltmp3:
0xc8: {  	v11 =	vld [tilespmem:s20+$0x18FC0];
	[tilespmem:s16+$0x1B7C0] =	vst v26;
	(pc) =	sbr.rel @p2 .LBB2_5-.Ltmp3, $4  }
0xc9: {  	v12 =	vld [tilespmem:s20+$0x18FD0];
	[tilespmem:s16+$0x1B7D0] =	vst v27  }
0xca: {  	v13 =	vld [tilespmem:s20+$0x18FE0];
	[tilespmem:s16+$0x1B7E0] =	vst v28;
	s16 =	smov.u32 s20  }
0xcb: {  	v15 =	vld [tilespmem:s16+$0x18FF0]  }
0xcc: {  	s19 =	sadd.s32 $0x400, s19;
	v14 =	vld.idx.msk [tilespmem:v29+s4+$0x0], $0xffff  }
0xcd: {  	_ =	sdelay $0x3  }
0xce: {  	v0 =	vld.idx.msk [tilespmem:v0+s4+$0x0], $0xffff  }
0xcf: {  	v1 =	vld.idx.msk [tilespmem:v1+s4+$0x0], $0xffff  }
0xd0: {  	v2 =	vld.idx.msk [tilespmem:v2+s4+$0x0], $0xffff  }
0xd1: {  	v3 =	vld.idx.msk [tilespmem:v3+s4+$0x0], $0xffff  }
0xd2: {  	v4 =	vld.idx.msk [tilespmem:v4+s4+$0x0], $0xffff  }
0xd3: {  	v5 =	vld.idx.msk [tilespmem:v5+s4+$0x0], $0xffff  }
0xd4: {  	v7 =	vld.idx.msk [tilespmem:v7+s4+$0x0], $0xffff  }
0xd5: {  	v9 =	vld.idx.msk [tilespmem:v9+s4+$0x0], $0xffff  }
0xd6: {  	v6 =	vld.idx.msk [tilespmem:v6+s4+$0x0], $0xffff  }
0xd7: {  	v8 =	vld.idx.msk [tilespmem:v8+s4+$0x0], $0xffff  }
0xd8: {  	v10 =	vld.idx.msk [tilespmem:v10+s4+$0x0], $0xffff  }
0xd9: {  	v11 =	vld.idx.msk [tilespmem:v11+s4+$0x0], $0xffff  }
0xda: {  	v12 =	vld.idx.msk [tilespmem:v12+s4+$0x0], $0xffff  }
0xdb: {  	v13 =	vld.idx.msk [tilespmem:v13+s4+$0x0], $0xffff  }
0xdc: {  	v15 =	vld.idx.msk [tilespmem:v15+s4+$0x0], $0xffff;
	[tilespmem:s16+$0x1B700] =	vst v14  }
0xdd: {  	[tilespmem:s16+$0x1B710] =	vst v0  }
0xde: {  	[tilespmem:s16+$0x1B720] =	vst v1  }
0xdf: {  	[tilespmem:s16+$0x1B730] =	vst v2  }
0xe0: {  	[tilespmem:s16+$0x1B740] =	vst v3  }
0xe1: {  	[tilespmem:s16+$0x1B750] =	vst v4  }
0xe2: {  	[tilespmem:s16+$0x1B760] =	vst v5  }
0xe3: {  	[tilespmem:s16+$0x1B770] =	vst v7  }
0xe4: {  	[tilespmem:s16+$0x1B780] =	vst v9  }
0xe5: {  	[tilespmem:s16+$0x1B790] =	vst v6  }
0xe6: {  	s17 =	sshll.u32 s17, $0x11;
	[tilespmem:s16+$0x1B7A0] =	vst v8  }
0xe7: {  	s17 =	sand.u32 $0x3FC0000, s17;
	[tilespmem:s16+$0x1B7B0] =	vst v10  }
0xe8: {  	s17 =	sor.u32 s17, s18;
	[tilespmem:s16+$0x1B7C0] =	vst v11  }
0xe9: {  	s17 =	sor.u32 s12, s17;
	[tilespmem:s16+$0x1B7D0] =	vst v12  }
0xea: {  	s17 =	sshrl.u32 s17, $0x3;
	[tilespmem:s16+$0x1B7E0] =	vst v13  }
0xeb: {  	s17 =	sadd.s32 s2, s17;
	[tilespmem:s16+$0x1B7F0] =	vst v15;
	s16 =	sadd.s32 $0x6, s11  }
0xec: {  	[hbm4b:s17+s14] =	stream.strided.scatter [tilespmem:s25], [sflag:$0x7], $0x800, s15, s14, $0x38;
	[tilespmem:$0x1D700] =	vst v63  }
0xed: {  	s16 =	simm.s32 @p1 $0x1  }
0xee: {  	s18 =	sshll.u32 s16, $0x8;
	s19 =	sshll.u32 s16, $0xB;
	s16 =	sshll.u32 s16, $0x3  }
0xef: {  	s17 =	sand.u32 $0xFFFF000, s18;
	s18 =	sand.u32 $0x800, s19;
	s16 =	sand.u32 $0x70, s16  }
0xf0: {  	s17 =	sor.u32 s17, s18;
	s16 =	sadd.s32 s1, s16  }
0xf1: {  	s20 =	simm.s32 $0x18F00;
	s16 =	sadd.s32 s17, s16  }
0xf2: {  	[tilespmem:s20], [sflag:$0x2] =	stream.strided.gather [hbm4b:s16+s14], $0x800, s15, s14, $0x38;
	[tilespmem:$0x1D700] =	vst v63  }
0xf3: {  	_ =	swait.ge [sflag:s26], $0x800  }
0xf4: {  	[sflag:s26] =	ssyncset.done $0x0  }
0xf5: {  	s16 =	simm.s32 @!p0 $0x8;
	[sflag:s26] =	ssyncadd.s32 $0xFFFFF800  }
0xf6: {  	_ =	swait.ge @!p0 [sflag:s16], $0x800  }
0xf7: {  	[sflag:s16] =	ssyncset.done @!p0 $0x0  }
0xf8: {  	[sflag:s16] =	ssyncadd.s32 @!p0 $0xFFFFF800;
	s16 =	simm.s32 $0x0  }
0xf9: {  	v14 =	vld [tilespmem:s16+$0x19700]  }
0xfa: {  	v0 =	vld [tilespmem:s16+$0x19710]  }
0xfb: {  	v1 =	vld [tilespmem:s16+$0x19720]  }
0xfc: {  	v2 =	vld [tilespmem:s16+$0x19730]  }
0xfd: {  	v3 =	vld [tilespmem:s16+$0x19740]  }
0xfe: {  	v4 =	vld [tilespmem:s16+$0x19750]  }
0xff: {  	v5 =	vld [tilespmem:s16+$0x19760]  }
0x100: {  	v7 =	vld [tilespmem:s16+$0x19770]  }
0x101: {  	v9 =	vld [tilespmem:s16+$0x19780]  }
0x102: {  	v6 =	vld [tilespmem:s16+$0x19790]  }
0x103: {  	v8 =	vld [tilespmem:s16+$0x197A0]  }
0x104: {  	v10 =	vld [tilespmem:s16+$0x197B0]  }
0x105: {  	v11 =	vld [tilespmem:s16+$0x197C0]  }
0x106: {  	v12 =	vld [tilespmem:s16+$0x197D0]  }
0x107: {  	v13 =	vld [tilespmem:s16+$0x197E0]  }
0x108: {  	v15 =	vld [tilespmem:s16+$0x197F0]  }
0x109: {  	s17 =	simm.s32 $0x400;
	v14 =	vld.idx.msk [tilespmem:v14+s4+$0x0], $0xffff  }
.LBB2_7:
0x10a: {  	p2 =	sne.s32 s17, $0x1C00;
	v16 =	vld.idx.msk [tilespmem:v0+s4+$0x0], $0xffff  }
0x10b: {  	v17 =	vld.idx.msk [tilespmem:v1+s4+$0x0], $0xffff  }
0x10c: {  	v18 =	vld.idx.msk [tilespmem:v2+s4+$0x0], $0xffff  }
0x10d: {  	v19 =	vld.idx.msk [tilespmem:v3+s4+$0x0], $0xffff  }
0x10e: {  	v20 =	vld.idx.msk [tilespmem:v4+s4+$0x0], $0xffff  }
0x10f: {  	v21 =	vld.idx.msk [tilespmem:v5+s4+$0x0], $0xffff  }
0x110: {  	v22 =	vld.idx.msk [tilespmem:v7+s4+$0x0], $0xffff  }
0x111: {  	v23 =	vld.idx.msk [tilespmem:v9+s4+$0x0], $0xffff  }
0x112: {  	v0 =	vld.idx.msk [tilespmem:v15+s4+$0x0], $0xffff  }
0x113: {  	v15 =	vld.idx.msk [tilespmem:v6+s4+$0x0], $0xffff  }
0x114: {  	v24 =	vld.idx.msk [tilespmem:v8+s4+$0x0], $0xffff  }
0x115: {  	v25 =	vld.idx.msk [tilespmem:v10+s4+$0x0], $0xffff  }
0x116: {  	v26 =	vld.idx.msk [tilespmem:v11+s4+$0x0], $0xffff  }
0x117: {  	v27 =	vld.idx.msk [tilespmem:v12+s4+$0x0], $0xffff  }
0x118: {  	s18 =	sshra.s32 s17, $0x2;
	v28 =	vld.idx.msk [tilespmem:v13+s4+$0x0], $0xffff;
	[tilespmem:s16+$0x1BFF0] =	vst v0  }
0x119: {  	v29 =	vld [tilespmem:s18+$0x19700];
	[tilespmem:s16+$0x1BF00] =	vst v14  }
0x11a: {  	v0 =	vld [tilespmem:s18+$0x19710];
	[tilespmem:s16+$0x1BF10] =	vst v16  }
0x11b: {  	v1 =	vld [tilespmem:s18+$0x19720];
	[tilespmem:s16+$0x1BF20] =	vst v17  }
0x11c: {  	v2 =	vld [tilespmem:s18+$0x19730];
	[tilespmem:s16+$0x1BF30] =	vst v18  }
0x11d: {  	v3 =	vld [tilespmem:s18+$0x19740];
	[tilespmem:s16+$0x1BF40] =	vst v19  }
0x11e: {  	v4 =	vld [tilespmem:s18+$0x19750];
	[tilespmem:s16+$0x1BF50] =	vst v20  }
0x11f: {  	v5 =	vld [tilespmem:s18+$0x19760];
	[tilespmem:s16+$0x1BF60] =	vst v21  }
0x120: {  	v7 =	vld [tilespmem:s18+$0x19770];
	[tilespmem:s16+$0x1BF70] =	vst v22  }
0x121: {  	v9 =	vld [tilespmem:s18+$0x19780];
	[tilespmem:s16+$0x1BF80] =	vst v23  }
0x122: {  	v6 =	vld [tilespmem:s18+$0x19790];
	[tilespmem:s16+$0x1BF90] =	vst v15  }
0x123: {  	v8 =	vld [tilespmem:s18+$0x197A0];
	[tilespmem:s16+$0x1BFA0] =	vst v24  }
0x124: {  	v10 =	vld [tilespmem:s18+$0x197B0];
	[tilespmem:s16+$0x1BFB0] =	vst v25  }
.Ltmp4:
0x125: {  	v11 =	vld [tilespmem:s18+$0x197C0];
	[tilespmem:s16+$0x1BFC0] =	vst v26;
	(pc) =	sbr.rel @p2 .LBB2_7-.Ltmp4, $4  }
0x126: {  	v12 =	vld [tilespmem:s18+$0x197D0];
	[tilespmem:s16+$0x1BFD0] =	vst v27  }
0x127: {  	v13 =	vld [tilespmem:s18+$0x197E0];
	[tilespmem:s16+$0x1BFE0] =	vst v28;
	s16 =	smov.u32 s18  }
0x128: {  	v15 =	vld [tilespmem:s16+$0x197F0]  }
0x129: {  	s17 =	sadd.s32 $0x400, s17;
	v14 =	vld.idx.msk [tilespmem:v29+s4+$0x0], $0xffff  }
0x12a: {  	_ =	sdelay $0x3  }
0x12b: {  	v0 =	vld.idx.msk [tilespmem:v0+s4+$0x0], $0xffff  }
0x12c: {  	v1 =	vld.idx.msk [tilespmem:v1+s4+$0x0], $0xffff  }
0x12d: {  	v2 =	vld.idx.msk [tilespmem:v2+s4+$0x0], $0xffff  }
0x12e: {  	v3 =	vld.idx.msk [tilespmem:v3+s4+$0x0], $0xffff  }
0x12f: {  	v4 =	vld.idx.msk [tilespmem:v4+s4+$0x0], $0xffff  }
0x130: {  	v5 =	vld.idx.msk [tilespmem:v5+s4+$0x0], $0xffff  }
0x131: {  	v7 =	vld.idx.msk [tilespmem:v7+s4+$0x0], $0xffff  }
0x132: {  	v9 =	vld.idx.msk [tilespmem:v9+s4+$0x0], $0xffff  }
0x133: {  	v6 =	vld.idx.msk [tilespmem:v6+s4+$0x0], $0xffff  }
0x134: {  	v8 =	vld.idx.msk [tilespmem:v8+s4+$0x0], $0xffff  }
0x135: {  	v10 =	vld.idx.msk [tilespmem:v10+s4+$0x0], $0xffff  }
0x136: {  	v11 =	vld.idx.msk [tilespmem:v11+s4+$0x0], $0xffff  }
0x137: {  	v12 =	vld.idx.msk [tilespmem:v12+s4+$0x0], $0xffff  }
0x138: {  	v13 =	vld.idx.msk [tilespmem:v13+s4+$0x0], $0xffff  }
0x139: {  	v15 =	vld.idx.msk [tilespmem:v15+s4+$0x0], $0xffff;
	[tilespmem:s16+$0x1BF00] =	vst v14  }
0x13a: {  	[tilespmem:s16+$0x1BF10] =	vst v0  }
0x13b: {  	[tilespmem:s16+$0x1BF20] =	vst v1  }
0x13c: {  	[tilespmem:s16+$0x1BF30] =	vst v2  }
0x13d: {  	[tilespmem:s16+$0x1BF40] =	vst v3  }
0x13e: {  	[tilespmem:s16+$0x1BF50] =	vst v4  }
0x13f: {  	[tilespmem:s16+$0x1BF60] =	vst v5  }
0x140: {  	[tilespmem:s16+$0x1BF70] =	vst v7  }
0x141: {  	[tilespmem:s16+$0x1BF80] =	vst v9  }
0x142: {  	[tilespmem:s16+$0x1BF90] =	vst v6  }
0x143: {  	s17 =	sadd.s32 $0x40000, s9;
	[tilespmem:s16+$0x1BFA0] =	vst v8  }
0x144: {  	s17 =	sand.u32 $0x3FC0000, s17;
	[tilespmem:s16+$0x1BFB0] =	vst v10  }
0x145: {  	s17 =	sor.u32 s12, s17;
	[tilespmem:s16+$0x1BFC0] =	vst v11  }
0x146: {  	s17 =	sor.u32 s21, s17;
	[tilespmem:s16+$0x1BFD0] =	vst v12  }
0x147: {  	s17 =	sshrl.u32 s17, $0x3;
	[tilespmem:s16+$0x1BFE0] =	vst v13  }
0x148: {  	s19 =	sadd.s32 s2, s17;
	[tilespmem:s16+$0x1BFF0] =	vst v15;
	s16 =	sadd.s32 $0x7, s11  }
0x149: {  	[hbm4b:s19+s14] =	stream.strided.scatter [tilespmem:s28], [sflag:$0x8], $0x800, s15, s14, $0x38;
	[tilespmem:$0x1D700] =	vst v63  }
0x14a: {  	s16 =	simm.s32 @p1 $0x2  }
0x14b: {  	s20 =	sshll.u32 s16, $0x8;
	s18 =	sshll.u32 s16, $0xB;
	s16 =	sshll.u32 s16, $0x3  }
0x14c: {  	s17 =	sand.u32 $0xFFFF000, s20;
	s18 =	sand.u32 $0x800, s18;
	s16 =	sand.u32 $0x70, s16  }
0x14d: {  	s17 =	sor.u32 s17, s18;
	s16 =	sadd.s32 s1, s16  }
0x14e: {  	s19 =	simm.s32 $0x19700;
	s16 =	sadd.s32 s17, s16  }
0x14f: {  	[tilespmem:s19], [sflag:$0x3] =	stream.strided.gather [hbm4b:s16+s14], $0x800, s15, s14, $0x38;
	[tilespmem:$0x1D700] =	vst v63  }
0x150: {  	_ =	swait.ge [sflag:s29], $0x800  }
0x151: {  	[sflag:s29] =	ssyncset.done $0x0  }
0x152: {  	s16 =	simm.s32 @!p0 $0x9;
	[sflag:s29] =	ssyncadd.s32 $0xFFFFF800  }
0x153: {  	_ =	swait.ge @!p0 [sflag:s16], $0x800  }
0x154: {  	[sflag:s16] =	ssyncset.done @!p0 $0x0  }
0x155: {  	[sflag:s16] =	ssyncadd.s32 @!p0 $0xFFFFF800;
	s16 =	simm.s32 $0x0  }
0x156: {  	v14 =	vld [tilespmem:s16+$0x19F00]  }
0x157: {  	v0 =	vld [tilespmem:s16+$0x19F10]  }
0x158: {  	v1 =	vld [tilespmem:s16+$0x19F20]  }
0x159: {  	v2 =	vld [tilespmem:s16+$0x19F30]  }
0x15a: {  	v3 =	vld [tilespmem:s16+$0x19F40]  }
0x15b: {  	v4 =	vld [tilespmem:s16+$0x19F50]  }
0x15c: {  	v5 =	vld [tilespmem:s16+$0x19F60]  }
0x15d: {  	v7 =	vld [tilespmem:s16+$0x19F70]  }
0x15e: {  	v9 =	vld [tilespmem:s16+$0x19F80]  }
0x15f: {  	v6 =	vld [tilespmem:s16+$0x19F90]  }
0x160: {  	v8 =	vld [tilespmem:s16+$0x19FA0]  }
0x161: {  	v10 =	vld [tilespmem:s16+$0x19FB0]  }
0x162: {  	v11 =	vld [tilespmem:s16+$0x19FC0]  }
0x163: {  	v12 =	vld [tilespmem:s16+$0x19FD0]  }
0x164: {  	s17 =	sadd.s32 $0x3, s11;
	v13 =	vld [tilespmem:s16+$0x19FE0]  }
0x165: {  	s20 =	sshll.u32 s17, $0xE;
	v15 =	vld [tilespmem:s16+$0x19FF0]  }
0x166: {  	s19 =	simm.s32 $0x400;
	s18 =	sand.u32 $0x4000, s20;
	v14 =	vld.idx.msk [tilespmem:v14+s4+$0x0], $0xffff  }
.LBB2_9:
0x167: {  	p2 =	sne.s32 s19, $0x1C00;
	v16 =	vld.idx.msk [tilespmem:v0+s4+$0x0], $0xffff  }
0x168: {  	v17 =	vld.idx.msk [tilespmem:v1+s4+$0x0], $0xffff  }
0x169: {  	v18 =	vld.idx.msk [tilespmem:v2+s4+$0x0], $0xffff  }
0x16a: {  	v19 =	vld.idx.msk [tilespmem:v3+s4+$0x0], $0xffff  }
0x16b: {  	v20 =	vld.idx.msk [tilespmem:v4+s4+$0x0], $0xffff  }
0x16c: {  	v21 =	vld.idx.msk [tilespmem:v5+s4+$0x0], $0xffff  }
0x16d: {  	v22 =	vld.idx.msk [tilespmem:v7+s4+$0x0], $0xffff  }
0x16e: {  	v23 =	vld.idx.msk [tilespmem:v9+s4+$0x0], $0xffff  }
0x16f: {  	v0 =	vld.idx.msk [tilespmem:v15+s4+$0x0], $0xffff  }
0x170: {  	v15 =	vld.idx.msk [tilespmem:v6+s4+$0x0], $0xffff  }
0x171: {  	v24 =	vld.idx.msk [tilespmem:v8+s4+$0x0], $0xffff  }
0x172: {  	v25 =	vld.idx.msk [tilespmem:v10+s4+$0x0], $0xffff  }
0x173: {  	v26 =	vld.idx.msk [tilespmem:v11+s4+$0x0], $0xffff  }
0x174: {  	v27 =	vld.idx.msk [tilespmem:v12+s4+$0x0], $0xffff  }
0x175: {  	s20 =	sshra.s32 s19, $0x2;
	v28 =	vld.idx.msk [tilespmem:v13+s4+$0x0], $0xffff;
	[tilespmem:s16+$0x1C7F0] =	vst v0  }
0x176: {  	v29 =	vld [tilespmem:s20+$0x19F00];
	[tilespmem:s16+$0x1C700] =	vst v14  }
0x177: {  	v0 =	vld [tilespmem:s20+$0x19F10];
	[tilespmem:s16+$0x1C710] =	vst v16  }
0x178: {  	v1 =	vld [tilespmem:s20+$0x19F20];
	[tilespmem:s16+$0x1C720] =	vst v17  }
0x179: {  	v2 =	vld [tilespmem:s20+$0x19F30];
	[tilespmem:s16+$0x1C730] =	vst v18  }
0x17a: {  	v3 =	vld [tilespmem:s20+$0x19F40];
	[tilespmem:s16+$0x1C740] =	vst v19  }
0x17b: {  	v4 =	vld [tilespmem:s20+$0x19F50];
	[tilespmem:s16+$0x1C750] =	vst v20  }
0x17c: {  	v5 =	vld [tilespmem:s20+$0x19F60];
	[tilespmem:s16+$0x1C760] =	vst v21  }
0x17d: {  	v7 =	vld [tilespmem:s20+$0x19F70];
	[tilespmem:s16+$0x1C770] =	vst v22  }
0x17e: {  	v9 =	vld [tilespmem:s20+$0x19F80];
	[tilespmem:s16+$0x1C780] =	vst v23  }
0x17f: {  	v6 =	vld [tilespmem:s20+$0x19F90];
	[tilespmem:s16+$0x1C790] =	vst v15  }
0x180: {  	v8 =	vld [tilespmem:s20+$0x19FA0];
	[tilespmem:s16+$0x1C7A0] =	vst v24  }
0x181: {  	v10 =	vld [tilespmem:s20+$0x19FB0];
	[tilespmem:s16+$0x1C7B0] =	vst v25  }
.Ltmp5:
0x182: {  	v11 =	vld [tilespmem:s20+$0x19FC0];
	[tilespmem:s16+$0x1C7C0] =	vst v26;
	(pc) =	sbr.rel @p2 .LBB2_9-.Ltmp5, $4  }
0x183: {  	v12 =	vld [tilespmem:s20+$0x19FD0];
	[tilespmem:s16+$0x1C7D0] =	vst v27  }
0x184: {  	v13 =	vld [tilespmem:s20+$0x19FE0];
	[tilespmem:s16+$0x1C7E0] =	vst v28;
	s16 =	smov.u32 s20  }
0x185: {  	v15 =	vld [tilespmem:s16+$0x19FF0]  }
0x186: {  	s19 =	sadd.s32 $0x400, s19;
	v14 =	vld.idx.msk [tilespmem:v29+s4+$0x0], $0xffff  }
0x187: {  	_ =	sdelay $0x3  }
0x188: {  	v0 =	vld.idx.msk [tilespmem:v0+s4+$0x0], $0xffff  }
0x189: {  	v1 =	vld.idx.msk [tilespmem:v1+s4+$0x0], $0xffff  }
0x18a: {  	v2 =	vld.idx.msk [tilespmem:v2+s4+$0x0], $0xffff  }
0x18b: {  	v3 =	vld.idx.msk [tilespmem:v3+s4+$0x0], $0xffff  }
0x18c: {  	v4 =	vld.idx.msk [tilespmem:v4+s4+$0x0], $0xffff  }
0x18d: {  	v5 =	vld.idx.msk [tilespmem:v5+s4+$0x0], $0xffff  }
0x18e: {  	v7 =	vld.idx.msk [tilespmem:v7+s4+$0x0], $0xffff  }
0x18f: {  	v9 =	vld.idx.msk [tilespmem:v9+s4+$0x0], $0xffff  }
0x190: {  	v6 =	vld.idx.msk [tilespmem:v6+s4+$0x0], $0xffff  }
0x191: {  	v8 =	vld.idx.msk [tilespmem:v8+s4+$0x0], $0xffff  }
0x192: {  	v10 =	vld.idx.msk [tilespmem:v10+s4+$0x0], $0xffff  }
0x193: {  	v11 =	vld.idx.msk [tilespmem:v11+s4+$0x0], $0xffff  }
0x194: {  	v12 =	vld.idx.msk [tilespmem:v12+s4+$0x0], $0xffff  }
0x195: {  	v13 =	vld.idx.msk [tilespmem:v13+s4+$0x0], $0xffff  }
0x196: {  	v15 =	vld.idx.msk [tilespmem:v15+s4+$0x0], $0xffff;
	[tilespmem:s16+$0x1C700] =	vst v14  }
0x197: {  	[tilespmem:s16+$0x1C710] =	vst v0  }
0x198: {  	[tilespmem:s16+$0x1C720] =	vst v1  }
0x199: {  	[tilespmem:s16+$0x1C730] =	vst v2  }
0x19a: {  	[tilespmem:s16+$0x1C740] =	vst v3  }
0x19b: {  	[tilespmem:s16+$0x1C750] =	vst v4  }
0x19c: {  	[tilespmem:s16+$0x1C760] =	vst v5  }
0x19d: {  	[tilespmem:s16+$0x1C770] =	vst v7  }
0x19e: {  	[tilespmem:s16+$0x1C780] =	vst v9  }
0x19f: {  	[tilespmem:s16+$0x1C790] =	vst v6  }
0x1a0: {  	s17 =	sshll.u32 s17, $0x11;
	[tilespmem:s16+$0x1C7A0] =	vst v8  }
0x1a1: {  	s17 =	sand.u32 $0x3FC0000, s17;
	[tilespmem:s16+$0x1C7B0] =	vst v10  }
0x1a2: {  	s17 =	sor.u32 s17, s18;
	[tilespmem:s16+$0x1C7C0] =	vst v11  }
0x1a3: {  	s17 =	sor.u32 s12, s17;
	[tilespmem:s16+$0x1C7D0] =	vst v12  }
0x1a4: {  	s17 =	sshrl.u32 s17, $0x3;
	[tilespmem:s16+$0x1C7E0] =	vst v13  }
0x1a5: {  	s17 =	sadd.s32 s2, s17;
	[tilespmem:s16+$0x1C7F0] =	vst v15;
	s16 =	sadd.s32 $0x8, s11  }
0x1a6: {  	[hbm4b:s17+s14] =	stream.strided.scatter [tilespmem:s30], [sflag:$0x9], $0x800, s15, s14, $0x38;
	[tilespmem:$0x1D700] =	vst v63  }
0x1a7: {  	s16 =	simm.s32 @p1 $0x3  }
0x1a8: {  	s18 =	sshll.u32 s16, $0x8;
	s19 =	sshll.u32 s16, $0xB;
	s16 =	sshll.u32 s16, $0x3  }
0x1a9: {  	s17 =	sand.u32 $0xFFFF000, s18;
	s18 =	sand.u32 $0x800, s19;
	s16 =	sand.u32 $0x70, s16  }
0x1aa: {  	s17 =	sor.u32 s17, s18;
	s16 =	sadd.s32 s1, s16  }
0x1ab: {  	s20 =	simm.s32 $0x19F00;
	s16 =	sadd.s32 s17, s16  }
0x1ac: {  	[tilespmem:s20], [sflag:$0x4] =	stream.strided.gather [hbm4b:s16+s14], $0x800, s15, s14, $0x38;
	[tilespmem:$0x1D700] =	vst v63  }
0x1ad: {  	_ =	swait.ge [sflag:s31], $0x800  }
0x1ae: {  	[sflag:s31] =	ssyncset.done $0x0  }
0x1af: {  	s16 =	simm.s32 @!p0 $0xA;
	[sflag:s31] =	ssyncadd.s32 $0xFFFFF800  }
0x1b0: {  	_ =	swait.ge @!p0 [sflag:s16], $0x800  }
0x1b1: {  	[sflag:s16] =	ssyncset.done @!p0 $0x0  }
0x1b2: {  	[sflag:s16] =	ssyncadd.s32 @!p0 $0xFFFFF800;
	s16 =	simm.s32 $0x0  }
0x1b3: {  	v14 =	vld [tilespmem:s16+$0x1A700]  }
0x1b4: {  	v0 =	vld [tilespmem:s16+$0x1A710]  }
0x1b5: {  	v1 =	vld [tilespmem:s16+$0x1A720]  }
0x1b6: {  	v2 =	vld [tilespmem:s16+$0x1A730]  }
0x1b7: {  	v3 =	vld [tilespmem:s16+$0x1A740]  }
0x1b8: {  	v4 =	vld [tilespmem:s16+$0x1A750]  }
0x1b9: {  	v5 =	vld [tilespmem:s16+$0x1A760]  }
0x1ba: {  	v7 =	vld [tilespmem:s16+$0x1A770]  }
0x1bb: {  	v9 =	vld [tilespmem:s16+$0x1A780]  }
0x1bc: {  	v6 =	vld [tilespmem:s16+$0x1A790]  }
0x1bd: {  	v8 =	vld [tilespmem:s16+$0x1A7A0]  }
0x1be: {  	v10 =	vld [tilespmem:s16+$0x1A7B0]  }
0x1bf: {  	v11 =	vld [tilespmem:s16+$0x1A7C0]  }
0x1c0: {  	v12 =	vld [tilespmem:s16+$0x1A7D0]  }
0x1c1: {  	v13 =	vld [tilespmem:s16+$0x1A7E0]  }
0x1c2: {  	v15 =	vld [tilespmem:s16+$0x1A7F0]  }
0x1c3: {  	s17 =	simm.s32 $0x400;
	v14 =	vld.idx.msk [tilespmem:v14+s4+$0x0], $0xffff  }
.LBB2_11:
0x1c4: {  	p0 =	sne.s32 s17, $0x1C00;
	v16 =	vld.idx.msk [tilespmem:v0+s4+$0x0], $0xffff  }
0x1c5: {  	v17 =	vld.idx.msk [tilespmem:v1+s4+$0x0], $0xffff  }
0x1c6: {  	v18 =	vld.idx.msk [tilespmem:v2+s4+$0x0], $0xffff  }
0x1c7: {  	v19 =	vld.idx.msk [tilespmem:v3+s4+$0x0], $0xffff  }
0x1c8: {  	v20 =	vld.idx.msk [tilespmem:v4+s4+$0x0], $0xffff  }
0x1c9: {  	v21 =	vld.idx.msk [tilespmem:v5+s4+$0x0], $0xffff  }
0x1ca: {  	v22 =	vld.idx.msk [tilespmem:v7+s4+$0x0], $0xffff  }
0x1cb: {  	v23 =	vld.idx.msk [tilespmem:v9+s4+$0x0], $0xffff  }
0x1cc: {  	v0 =	vld.idx.msk [tilespmem:v15+s4+$0x0], $0xffff  }
0x1cd: {  	v15 =	vld.idx.msk [tilespmem:v6+s4+$0x0], $0xffff  }
0x1ce: {  	v24 =	vld.idx.msk [tilespmem:v8+s4+$0x0], $0xffff  }
0x1cf: {  	v25 =	vld.idx.msk [tilespmem:v10+s4+$0x0], $0xffff  }
0x1d0: {  	v26 =	vld.idx.msk [tilespmem:v11+s4+$0x0], $0xffff  }
0x1d1: {  	v27 =	vld.idx.msk [tilespmem:v12+s4+$0x0], $0xffff  }
0x1d2: {  	s18 =	sshra.s32 s17, $0x2;
	v28 =	vld.idx.msk [tilespmem:v13+s4+$0x0], $0xffff;
	[tilespmem:s16+$0x1CFF0] =	vst v0  }
0x1d3: {  	v29 =	vld [tilespmem:s18+$0x1A700];
	[tilespmem:s16+$0x1CF00] =	vst v14  }
0x1d4: {  	v0 =	vld [tilespmem:s18+$0x1A710];
	[tilespmem:s16+$0x1CF10] =	vst v16  }
0x1d5: {  	v1 =	vld [tilespmem:s18+$0x1A720];
	[tilespmem:s16+$0x1CF20] =	vst v17  }
0x1d6: {  	v2 =	vld [tilespmem:s18+$0x1A730];
	[tilespmem:s16+$0x1CF30] =	vst v18  }
0x1d7: {  	v3 =	vld [tilespmem:s18+$0x1A740];
	[tilespmem:s16+$0x1CF40] =	vst v19  }
0x1d8: {  	v4 =	vld [tilespmem:s18+$0x1A750];
	[tilespmem:s16+$0x1CF50] =	vst v20  }
0x1d9: {  	v5 =	vld [tilespmem:s18+$0x1A760];
	[tilespmem:s16+$0x1CF60] =	vst v21  }
0x1da: {  	v7 =	vld [tilespmem:s18+$0x1A770];
	[tilespmem:s16+$0x1CF70] =	vst v22  }
0x1db: {  	v9 =	vld [tilespmem:s18+$0x1A780];
	[tilespmem:s16+$0x1CF80] =	vst v23  }
0x1dc: {  	v6 =	vld [tilespmem:s18+$0x1A790];
	[tilespmem:s16+$0x1CF90] =	vst v15  }
0x1dd: {  	v8 =	vld [tilespmem:s18+$0x1A7A0];
	[tilespmem:s16+$0x1CFA0] =	vst v24  }
0x1de: {  	v10 =	vld [tilespmem:s18+$0x1A7B0];
	[tilespmem:s16+$0x1CFB0] =	vst v25  }
.Ltmp6:
0x1df: {  	v11 =	vld [tilespmem:s18+$0x1A7C0];
	[tilespmem:s16+$0x1CFC0] =	vst v26;
	(pc) =	sbr.rel @p0 .LBB2_11-.Ltmp6, $4  }
0x1e0: {  	v12 =	vld [tilespmem:s18+$0x1A7D0];
	[tilespmem:s16+$0x1CFD0] =	vst v27  }
0x1e1: {  	v13 =	vld [tilespmem:s18+$0x1A7E0];
	[tilespmem:s16+$0x1CFE0] =	vst v28;
	s16 =	smov.u32 s18  }
0x1e2: {  	v15 =	vld [tilespmem:s16+$0x1A7F0]  }
0x1e3: {  	s17 =	sadd.s32 $0x400, s17;
	v14 =	vld.idx.msk [tilespmem:v29+s4+$0x0], $0xffff  }
0x1e4: {  	_ =	sdelay $0x3  }
0x1e5: {  	v0 =	vld.idx.msk [tilespmem:v0+s4+$0x0], $0xffff  }
0x1e6: {  	v1 =	vld.idx.msk [tilespmem:v1+s4+$0x0], $0xffff  }
0x1e7: {  	v2 =	vld.idx.msk [tilespmem:v2+s4+$0x0], $0xffff  }
0x1e8: {  	v3 =	vld.idx.msk [tilespmem:v3+s4+$0x0], $0xffff  }
0x1e9: {  	v4 =	vld.idx.msk [tilespmem:v4+s4+$0x0], $0xffff  }
0x1ea: {  	v5 =	vld.idx.msk [tilespmem:v5+s4+$0x0], $0xffff  }
0x1eb: {  	v7 =	vld.idx.msk [tilespmem:v7+s4+$0x0], $0xffff  }
0x1ec: {  	v9 =	vld.idx.msk [tilespmem:v9+s4+$0x0], $0xffff  }
0x1ed: {  	v6 =	vld.idx.msk [tilespmem:v6+s4+$0x0], $0xffff  }
0x1ee: {  	v8 =	vld.idx.msk [tilespmem:v8+s4+$0x0], $0xffff  }
0x1ef: {  	v10 =	vld.idx.msk [tilespmem:v10+s4+$0x0], $0xffff  }
0x1f0: {  	v11 =	vld.idx.msk [tilespmem:v11+s4+$0x0], $0xffff  }
0x1f1: {  	v12 =	vld.idx.msk [tilespmem:v12+s4+$0x0], $0xffff  }
0x1f2: {  	v13 =	vld.idx.msk [tilespmem:v13+s4+$0x0], $0xffff  }
0x1f3: {  	v15 =	vld.idx.msk [tilespmem:v15+s4+$0x0], $0xffff;
	[tilespmem:s16+$0x1CF00] =	vst v14  }
0x1f4: {  	[tilespmem:s16+$0x1CF10] =	vst v0  }
0x1f5: {  	[tilespmem:s16+$0x1CF20] =	vst v1  }
0x1f6: {  	[tilespmem:s16+$0x1CF30] =	vst v2  }
0x1f7: {  	[tilespmem:s16+$0x1CF40] =	vst v3  }
0x1f8: {  	[tilespmem:s16+$0x1CF50] =	vst v4  }
0x1f9: {  	[tilespmem:s16+$0x1CF60] =	vst v5  }
0x1fa: {  	[tilespmem:s16+$0x1CF70] =	vst v7  }
0x1fb: {  	[tilespmem:s16+$0x1CF80] =	vst v9  }
0x1fc: {  	[tilespmem:s16+$0x1CF90] =	vst v6  }
0x1fd: {  	s9 =	sadd.s32 $0x80000, s9;
	[tilespmem:s16+$0x1CFA0] =	vst v8  }
0x1fe: {  	s9 =	sand.u32 $0x3FC0000, s9;
	[tilespmem:s16+$0x1CFB0] =	vst v10  }
0x1ff: {  	s9 =	sor.u32 s12, s9;
	[tilespmem:s16+$0x1CFC0] =	vst v11  }
0x200: {  	s9 =	sor.u32 s21, s9;
	[tilespmem:s16+$0x1CFD0] =	vst v12  }
0x201: {  	s9 =	sshrl.u32 s9, $0x3;
	[tilespmem:s16+$0x1CFE0] =	vst v13  }
0x202: {  	s9 =	sadd.s32 s2, s9;
	[tilespmem:s16+$0x1CFF0] =	vst v15  }
0x203: {  	[hbm4b:s9+s14] =	stream.strided.scatter [tilespmem:s0], [sflag:$0xA], $0x800, s15, s14, $0x38;
	[tilespmem:$0x1D700] =	vst v63  }
0x204: {  	s9 =	sadd.s32 $0x9, s11  }
0x205: {  	s10 =	sadd.s32 $0x1, s10;
	s9 =	simm.s32 @p1 $0x4  }
0x206: {  	p0 =	sne.s32 s10, $0x14;
	s19 =	sshll.u32 s9, $0x8  }
.Ltmp7:
0x207: {  	s20 =	sshll.u32 s9, $0xB;
	s9 =	sshll.u32 s9, $0x3;
	(pc) =	sbr.rel @p0 .LBB2_2-.Ltmp7, $4  }
0x208: {  	s11 =	sand.u32 $0xFFFF000, s19;
	s16 =	sand.u32 $0x800, s20;
	s9 =	sand.u32 $0x70, s9  }
0x209: {  	s11 =	sor.u32 s11, s16;
	s9 =	sadd.s32 s1, s9  }
0x20a: {  	s21 =	simm.s32 $0x1A700;
	s9 =	sadd.s32 s11, s9  }
0x20b: {  	[tilespmem:s21], [sflag:$0x5] =	stream.strided.gather [hbm4b:s9+s14], $0x800, s15, s14, $0x38;
	[tilespmem:$0x1D700] =	vst v63  }
0x20c: {  	s10 =	simm.s32 $0x0;
	s9 =	rddreg [dreg:$0x9];
	s21 =	simm.s32 $0xB  }
0x20d: {  	[tilespmem:s10], [sflag:$0xB] =	stream.strided.gather [hbm4b:s9+s14], $0x18700, s15, s14, $0x38;
	[tilespmem:$0x1D700] =	vst v63  }
0x20e: {  	_ =	swait.ge [sflag:s21], $0x18700  }
0x20f: {  	[sflag:s21] =	ssyncset.done $0x0  }
0x210: {  	[sflag:s21] =	ssyncadd.s32 $0xFFFE7900  }
.LBB2_14:
0x211: {  	_ =	swait.ge [sflag:s22], $0x800  }
0x212: {  	[sflag:s22] =	ssyncset.done $0x0  }
0x213: {  	[sflag:s22] =	ssyncadd.s32 $0xFFFFF800  }
0x214: {  	_ =	swait.ge [sflag:s3], $0x800  }
0x215: {  	[sflag:s3] =	ssyncset.done $0x0  }
0x216: {  	s11 =	simm.s32 $0x0;
	[sflag:s3] =	ssyncadd.s32 $0xFFFFF800  }
0x217: {  	v14 =	vld [tilespmem:s11+$0x18700]  }
0x218: {  	v0 =	vld [tilespmem:s11+$0x18710]  }
0x219: {  	v1 =	vld [tilespmem:s11+$0x18720]  }
0x21a: {  	v2 =	vld [tilespmem:s11+$0x18730]  }
0x21b: {  	v3 =	vld [tilespmem:s11+$0x18740]  }
0x21c: {  	v4 =	vld [tilespmem:s11+$0x18750]  }
0x21d: {  	v5 =	vld [tilespmem:s11+$0x18760]  }
0x21e: {  	v7 =	vld [tilespmem:s11+$0x18770]  }
0x21f: {  	v8 =	vld [tilespmem:s11+$0x18780]  }
0x220: {  	v6 =	vld [tilespmem:s11+$0x18790]  }
0x221: {  	s21 =	smul.u32 $0xA0000, s10;
	v9 =	vld [tilespmem:s11+$0x187A0]  }
0x222: {  	v10 =	vld [tilespmem:s11+$0x187B0]  }
0x223: {  	s9 =	sshll.u32 s10, $0xE;
	s16 =	sand.u32 $0x1FC0000, s21;
	v11 =	vld [tilespmem:s11+$0x187C0]  }
0x224: {  	s9 =	sand.u32 $0x4000, s9;
	s16 =	sor.u32 s13, s16;
	v12 =	vld [tilespmem:s11+$0x187D0]  }
0x225: {  	s16 =	sor.u32 s9, s16;
	v13 =	vld [tilespmem:s11+$0x187E0]  }
0x226: {  	s16 =	sshrl.u32 s16, $0x3;
	v15 =	vld [tilespmem:s11+$0x187F0]  }
0x227: {  	s17 =	simm.s32 $0x400;
	s16 =	sadd.s32 s2, s16;
	v14 =	vld.idx.msk [tilespmem:v14+s4+$0x0], $0xffff  }
.LBB2_15:
0x228: {  	p0 =	sne.s32 s17, $0x1C00;
	v16 =	vld.idx.msk [tilespmem:v0+s4+$0x0], $0xffff  }
0x229: {  	v17 =	vld.idx.msk [tilespmem:v1+s4+$0x0], $0xffff  }
0x22a: {  	v18 =	vld.idx.msk [tilespmem:v2+s4+$0x0], $0xffff  }
0x22b: {  	v19 =	vld.idx.msk [tilespmem:v3+s4+$0x0], $0xffff  }
0x22c: {  	v20 =	vld.idx.msk [tilespmem:v4+s4+$0x0], $0xffff  }
0x22d: {  	v21 =	vld.idx.msk [tilespmem:v5+s4+$0x0], $0xffff  }
0x22e: {  	v22 =	vld.idx.msk [tilespmem:v7+s4+$0x0], $0xffff  }
0x22f: {  	v23 =	vld.idx.msk [tilespmem:v8+s4+$0x0], $0xffff  }
0x230: {  	v0 =	vld.idx.msk [tilespmem:v15+s4+$0x0], $0xffff  }
0x231: {  	v15 =	vld.idx.msk [tilespmem:v6+s4+$0x0], $0xffff  }
0x232: {  	v24 =	vld.idx.msk [tilespmem:v9+s4+$0x0], $0xffff  }
0x233: {  	v25 =	vld.idx.msk [tilespmem:v10+s4+$0x0], $0xffff  }
0x234: {  	v26 =	vld.idx.msk [tilespmem:v11+s4+$0x0], $0xffff  }
0x235: {  	v27 =	vld.idx.msk [tilespmem:v12+s4+$0x0], $0xffff  }
0x236: {  	s18 =	sshra.s32 s17, $0x2;
	v28 =	vld.idx.msk [tilespmem:v13+s4+$0x0], $0xffff;
	[tilespmem:s11+$0x1AFF0] =	vst v0  }
0x237: {  	v29 =	vld [tilespmem:s18+$0x18700];
	[tilespmem:s11+$0x1AF00] =	vst v14  }
0x238: {  	v0 =	vld [tilespmem:s18+$0x18710];
	[tilespmem:s11+$0x1AF10] =	vst v16  }
0x239: {  	v1 =	vld [tilespmem:s18+$0x18720];
	[tilespmem:s11+$0x1AF20] =	vst v17  }
0x23a: {  	v2 =	vld [tilespmem:s18+$0x18730];
	[tilespmem:s11+$0x1AF30] =	vst v18  }
0x23b: {  	v3 =	vld [tilespmem:s18+$0x18740];
	[tilespmem:s11+$0x1AF40] =	vst v19  }
0x23c: {  	v4 =	vld [tilespmem:s18+$0x18750];
	[tilespmem:s11+$0x1AF50] =	vst v20  }
0x23d: {  	v5 =	vld [tilespmem:s18+$0x18760];
	[tilespmem:s11+$0x1AF60] =	vst v21  }
0x23e: {  	v7 =	vld [tilespmem:s18+$0x18770];
	[tilespmem:s11+$0x1AF70] =	vst v22  }
0x23f: {  	v8 =	vld [tilespmem:s18+$0x18780];
	[tilespmem:s11+$0x1AF80] =	vst v23  }
0x240: {  	v6 =	vld [tilespmem:s18+$0x18790];
	[tilespmem:s11+$0x1AF90] =	vst v15  }
0x241: {  	v9 =	vld [tilespmem:s18+$0x187A0];
	[tilespmem:s11+$0x1AFA0] =	vst v24  }
0x242: {  	v10 =	vld [tilespmem:s18+$0x187B0];
	[tilespmem:s11+$0x1AFB0] =	vst v25  }
.Ltmp8:
0x243: {  	v11 =	vld [tilespmem:s18+$0x187C0];
	[tilespmem:s11+$0x1AFC0] =	vst v26;
	(pc) =	sbr.rel @p0 .LBB2_15-.Ltmp8, $4  }
0x244: {  	v12 =	vld [tilespmem:s18+$0x187D0];
	[tilespmem:s11+$0x1AFD0] =	vst v27  }
0x245: {  	v13 =	vld [tilespmem:s18+$0x187E0];
	[tilespmem:s11+$0x1AFE0] =	vst v28;
	s11 =	smov.u32 s18  }
0x246: {  	v15 =	vld [tilespmem:s11+$0x187F0]  }
0x247: {  	s17 =	sadd.s32 $0x400, s17;
	v14 =	vld.idx.msk [tilespmem:v29+s4+$0x0], $0xffff  }
0x248: {  	_ =	sdelay $0x3  }
0x249: {  	v0 =	vld.idx.msk [tilespmem:v0+s4+$0x0], $0xffff  }
0x24a: {  	v1 =	vld.idx.msk [tilespmem:v1+s4+$0x0], $0xffff  }
0x24b: {  	v2 =	vld.idx.msk [tilespmem:v2+s4+$0x0], $0xffff  }
0x24c: {  	v3 =	vld.idx.msk [tilespmem:v3+s4+$0x0], $0xffff  }
0x24d: {  	v4 =	vld.idx.msk [tilespmem:v4+s4+$0x0], $0xffff  }
0x24e: {  	v5 =	vld.idx.msk [tilespmem:v5+s4+$0x0], $0xffff  }
0x24f: {  	v7 =	vld.idx.msk [tilespmem:v7+s4+$0x0], $0xffff  }
0x250: {  	v8 =	vld.idx.msk [tilespmem:v8+s4+$0x0], $0xffff  }
0x251: {  	v6 =	vld.idx.msk [tilespmem:v6+s4+$0x0], $0xffff  }
0x252: {  	v9 =	vld.idx.msk [tilespmem:v9+s4+$0x0], $0xffff  }
0x253: {  	v10 =	vld.idx.msk [tilespmem:v10+s4+$0x0], $0xffff  }
0x254: {  	v11 =	vld.idx.msk [tilespmem:v11+s4+$0x0], $0xffff  }
0x255: {  	v12 =	vld.idx.msk [tilespmem:v12+s4+$0x0], $0xffff  }
0x256: {  	v13 =	vld.idx.msk [tilespmem:v13+s4+$0x0], $0xffff  }
0x257: {  	v15 =	vld.idx.msk [tilespmem:v15+s4+$0x0], $0xffff;
	[tilespmem:s11+$0x1AF00] =	vst v14  }
0x258: {  	[tilespmem:s11+$0x1AF10] =	vst v0  }
0x259: {  	[tilespmem:s11+$0x1AF20] =	vst v1  }
0x25a: {  	[tilespmem:s11+$0x1AF30] =	vst v2  }
0x25b: {  	[tilespmem:s11+$0x1AF40] =	vst v3  }
0x25c: {  	[tilespmem:s11+$0x1AF50] =	vst v4  }
0x25d: {  	[tilespmem:s11+$0x1AF60] =	vst v5  }
0x25e: {  	[tilespmem:s11+$0x1AF70] =	vst v7  }
0x25f: {  	[tilespmem:s11+$0x1AF80] =	vst v8  }
0x260: {  	[tilespmem:s11+$0x1AF90] =	vst v6  }
0x261: {  	[tilespmem:s11+$0x1AFA0] =	vst v9  }
0x262: {  	[tilespmem:s11+$0x1AFB0] =	vst v10  }
0x263: {  	[tilespmem:s11+$0x1AFC0] =	vst v11  }
0x264: {  	[tilespmem:s11+$0x1AFD0] =	vst v12  }
0x265: {  	[tilespmem:s11+$0x1AFE0] =	vst v13  }
0x266: {  	p0 =	seq.s32 s10, $0x13;
	[tilespmem:s11+$0x1AFF0] =	vst v15;
	s11 =	smul.u32 $0x5, s10  }
0x267: {  	[hbm4b:s16+s14] =	stream.strided.scatter [tilespmem:s23], [sflag:$0x6], $0x800, s15, s14, $0x38;
	[tilespmem:$0x1D700] =	vst v63  }
0x268: {  	s16 =	sadd.s32 @!p0 $0x5, s11  }
0x269: {  	s17 =	sshll.u32 @!p0 s16, $0x8;
	s18 =	sshll.u32 @!p0 s16, $0xB;
	s16 =	sshll.u32 @!p0 s16, $0x3  }
0x26a: {  	s17 =	sand.u32 @!p0 $0x1F000, s17;
	s18 =	sand.u32 @!p0 $0x800, s18;
	s16 =	sand.u32 @!p0 $0x70, s16  }
0x26b: {  	s19 =	simm.s32 @!p0 $0x18700;
	s17 =	sor.u32 @!p0 s17, s18;
	s16 =	sadd.s32 @!p0 s1, s16  }
0x26c: {  	s18 =	simm.s32 @!p0 $0x400;
	s16 =	sadd.s32 @!p0 s17, s16;
	s17 =	simm.s32 @!p0 $0x80  }
0x26d: {  	[tilespmem:s19], [sflag:$0x1] =	stream.strided.gather @!p0 [hbm4b:s16+s17], $0x800, s18, s17, $0x38;
	[tilespmem:$0x1D700] =	vst v63  }
0x26e: {  	_ =	swait.ge [sflag:s24], $0x800  }
0x26f: {  	[sflag:s24] =	ssyncset.done $0x0  }
0x270: {  	[sflag:s24] =	ssyncadd.s32 $0xFFFFF800  }
0x271: {  	_ =	swait.ge [sflag:s5], $0x800  }
0x272: {  	[sflag:s5] =	ssyncset.done $0x0  }
0x273: {  	s16 =	simm.s32 $0x0;
	[sflag:s5] =	ssyncadd.s32 $0xFFFFF800  }
0x274: {  	v14 =	vld [tilespmem:s16+$0x18F00]  }
0x275: {  	v0 =	vld [tilespmem:s16+$0x18F10]  }
0x276: {  	v1 =	vld [tilespmem:s16+$0x18F20]  }
0x277: {  	v2 =	vld [tilespmem:s16+$0x18F30]  }
0x278: {  	v3 =	vld [tilespmem:s16+$0x18F40]  }
0x279: {  	v4 =	vld [tilespmem:s16+$0x18F50]  }
0x27a: {  	v5 =	vld [tilespmem:s16+$0x18F60]  }
0x27b: {  	v7 =	vld [tilespmem:s16+$0x18F70]  }
0x27c: {  	v8 =	vld [tilespmem:s16+$0x18F80]  }
0x27d: {  	v6 =	vld [tilespmem:s16+$0x18F90]  }
0x27e: {  	s19 =	sadd.s32 $0x1, s11;
	v9 =	vld [tilespmem:s16+$0x18FA0]  }
0x27f: {  	s20 =	sshll.u32 s19, $0x11;
	s17 =	sshll.u32 s19, $0xE;
	v10 =	vld [tilespmem:s16+$0x18FB0]  }
0x280: {  	s18 =	sand.u32 $0x3FC0000, s20;
	s17 =	sand.u32 $0x4000, s17;
	v11 =	vld [tilespmem:s16+$0x18FC0]  }
0x281: {  	s17 =	sor.u32 s18, s17;
	v12 =	vld [tilespmem:s16+$0x18FD0]  }
0x282: {  	s17 =	sor.u32 s13, s17;
	v13 =	vld [tilespmem:s16+$0x18FE0]  }
0x283: {  	s17 =	sshrl.u32 s17, $0x3;
	v15 =	vld [tilespmem:s16+$0x18FF0]  }
0x284: {  	s18 =	simm.s32 $0x400;
	s17 =	sadd.s32 s2, s17;
	v14 =	vld.idx.msk [tilespmem:v14+s4+$0x0], $0xffff  }
.LBB2_17:
0x285: {  	p1 =	sne.s32 s18, $0x1C00;
	v16 =	vld.idx.msk [tilespmem:v0+s4+$0x0], $0xffff  }
0x286: {  	v17 =	vld.idx.msk [tilespmem:v1+s4+$0x0], $0xffff  }
0x287: {  	v18 =	vld.idx.msk [tilespmem:v2+s4+$0x0], $0xffff  }
0x288: {  	v19 =	vld.idx.msk [tilespmem:v3+s4+$0x0], $0xffff  }
0x289: {  	v20 =	vld.idx.msk [tilespmem:v4+s4+$0x0], $0xffff  }
0x28a: {  	v21 =	vld.idx.msk [tilespmem:v5+s4+$0x0], $0xffff  }
0x28b: {  	v22 =	vld.idx.msk [tilespmem:v7+s4+$0x0], $0xffff  }
0x28c: {  	v23 =	vld.idx.msk [tilespmem:v8+s4+$0x0], $0xffff  }
0x28d: {  	v0 =	vld.idx.msk [tilespmem:v15+s4+$0x0], $0xffff  }
0x28e: {  	v15 =	vld.idx.msk [tilespmem:v6+s4+$0x0], $0xffff  }
0x28f: {  	v24 =	vld.idx.msk [tilespmem:v9+s4+$0x0], $0xffff  }
0x290: {  	v25 =	vld.idx.msk [tilespmem:v10+s4+$0x0], $0xffff  }
0x291: {  	v26 =	vld.idx.msk [tilespmem:v11+s4+$0x0], $0xffff  }
0x292: {  	v27 =	vld.idx.msk [tilespmem:v12+s4+$0x0], $0xffff  }
0x293: {  	s19 =	sshra.s32 s18, $0x2;
	v28 =	vld.idx.msk [tilespmem:v13+s4+$0x0], $0xffff;
	[tilespmem:s16+$0x1B7F0] =	vst v0  }
0x294: {  	v29 =	vld [tilespmem:s19+$0x18F00];
	[tilespmem:s16+$0x1B700] =	vst v14  }
0x295: {  	v0 =	vld [tilespmem:s19+$0x18F10];
	[tilespmem:s16+$0x1B710] =	vst v16  }
0x296: {  	v1 =	vld [tilespmem:s19+$0x18F20];
	[tilespmem:s16+$0x1B720] =	vst v17  }
0x297: {  	v2 =	vld [tilespmem:s19+$0x18F30];
	[tilespmem:s16+$0x1B730] =	vst v18  }
0x298: {  	v3 =	vld [tilespmem:s19+$0x18F40];
	[tilespmem:s16+$0x1B740] =	vst v19  }
0x299: {  	v4 =	vld [tilespmem:s19+$0x18F50];
	[tilespmem:s16+$0x1B750] =	vst v20  }
0x29a: {  	v5 =	vld [tilespmem:s19+$0x18F60];
	[tilespmem:s16+$0x1B760] =	vst v21  }
0x29b: {  	v7 =	vld [tilespmem:s19+$0x18F70];
	[tilespmem:s16+$0x1B770] =	vst v22  }
0x29c: {  	v8 =	vld [tilespmem:s19+$0x18F80];
	[tilespmem:s16+$0x1B780] =	vst v23  }
0x29d: {  	v6 =	vld [tilespmem:s19+$0x18F90];
	[tilespmem:s16+$0x1B790] =	vst v15  }
0x29e: {  	v9 =	vld [tilespmem:s19+$0x18FA0];
	[tilespmem:s16+$0x1B7A0] =	vst v24  }
0x29f: {  	v10 =	vld [tilespmem:s19+$0x18FB0];
	[tilespmem:s16+$0x1B7B0] =	vst v25  }
.Ltmp9:
0x2a0: {  	v11 =	vld [tilespmem:s19+$0x18FC0];
	[tilespmem:s16+$0x1B7C0] =	vst v26;
	(pc) =	sbr.rel @p1 .LBB2_17-.Ltmp9, $4  }
0x2a1: {  	v12 =	vld [tilespmem:s19+$0x18FD0];
	[tilespmem:s16+$0x1B7D0] =	vst v27  }
0x2a2: {  	v13 =	vld [tilespmem:s19+$0x18FE0];
	[tilespmem:s16+$0x1B7E0] =	vst v28;
	s16 =	smov.u32 s19  }
0x2a3: {  	v15 =	vld [tilespmem:s16+$0x18FF0]  }
0x2a4: {  	s18 =	sadd.s32 $0x400, s18;
	v14 =	vld.idx.msk [tilespmem:v29+s4+$0x0], $0xffff  }
0x2a5: {  	_ =	sdelay $0x3  }
0x2a6: {  	v0 =	vld.idx.msk [tilespmem:v0+s4+$0x0], $0xffff  }
0x2a7: {  	v1 =	vld.idx.msk [tilespmem:v1+s4+$0x0], $0xffff  }
0x2a8: {  	v2 =	vld.idx.msk [tilespmem:v2+s4+$0x0], $0xffff  }
0x2a9: {  	v3 =	vld.idx.msk [tilespmem:v3+s4+$0x0], $0xffff  }
0x2aa: {  	v4 =	vld.idx.msk [tilespmem:v4+s4+$0x0], $0xffff  }
0x2ab: {  	v5 =	vld.idx.msk [tilespmem:v5+s4+$0x0], $0xffff  }
0x2ac: {  	v7 =	vld.idx.msk [tilespmem:v7+s4+$0x0], $0xffff  }
0x2ad: {  	v8 =	vld.idx.msk [tilespmem:v8+s4+$0x0], $0xffff  }
0x2ae: {  	v6 =	vld.idx.msk [tilespmem:v6+s4+$0x0], $0xffff  }
0x2af: {  	v9 =	vld.idx.msk [tilespmem:v9+s4+$0x0], $0xffff  }
0x2b0: {  	v10 =	vld.idx.msk [tilespmem:v10+s4+$0x0], $0xffff  }
0x2b1: {  	v11 =	vld.idx.msk [tilespmem:v11+s4+$0x0], $0xffff  }
0x2b2: {  	v12 =	vld.idx.msk [tilespmem:v12+s4+$0x0], $0xffff  }
0x2b3: {  	v13 =	vld.idx.msk [tilespmem:v13+s4+$0x0], $0xffff  }
0x2b4: {  	v15 =	vld.idx.msk [tilespmem:v15+s4+$0x0], $0xffff;
	[tilespmem:s16+$0x1B700] =	vst v14  }
0x2b5: {  	[tilespmem:s16+$0x1B710] =	vst v0  }
0x2b6: {  	[tilespmem:s16+$0x1B720] =	vst v1  }
0x2b7: {  	[tilespmem:s16+$0x1B730] =	vst v2  }
0x2b8: {  	[tilespmem:s16+$0x1B740] =	vst v3  }
0x2b9: {  	[tilespmem:s16+$0x1B750] =	vst v4  }
0x2ba: {  	[tilespmem:s16+$0x1B760] =	vst v5  }
0x2bb: {  	[tilespmem:s16+$0x1B770] =	vst v7  }
0x2bc: {  	[tilespmem:s16+$0x1B780] =	vst v8  }
0x2bd: {  	[tilespmem:s16+$0x1B790] =	vst v6  }
0x2be: {  	[tilespmem:s16+$0x1B7A0] =	vst v9  }
0x2bf: {  	[tilespmem:s16+$0x1B7B0] =	vst v10  }
0x2c0: {  	[tilespmem:s16+$0x1B7C0] =	vst v11  }
0x2c1: {  	[tilespmem:s16+$0x1B7D0] =	vst v12  }
0x2c2: {  	[tilespmem:s16+$0x1B7E0] =	vst v13  }
0x2c3: {  	[tilespmem:s16+$0x1B7F0] =	vst v15;
	s16 =	sadd.s32 @!p0 $0x6, s11  }
0x2c4: {  	[hbm4b:s17+s14] =	stream.strided.scatter [tilespmem:s25], [sflag:$0x7], $0x800, s15, s14, $0x38;
	[tilespmem:$0x1D700] =	vst v63  }
0x2c5: {  	s18 =	sshll.u32 @!p0 s10, $0xB;
	s17 =	sshll.u32 @!p0 s16, $0x8;
	s19 =	sshll.u32 @!p0 s16, $0x3  }
0x2c6: {  	s16 =	sand.u32 @!p0 $0x800, s18;
	s17 =	sand.u32 @!p0 $0x1F000, s17;
	s18 =	sand.u32 @!p0 $0x70, s19  }
0x2c7: {  	s20 =	simm.s32 @!p0 $0x18F00;
	s17 =	sor.u32 @!p0 s17, s16;
	s18 =	sadd.s32 @!p0 s1, s18  }
0x2c8: {  	s19 =	simm.s32 @!p0 $0x400;
	s17 =	sadd.s32 @!p0 s17, s18;
	s18 =	simm.s32 @!p0 $0x80  }
0x2c9: {  	[tilespmem:s20], [sflag:$0x2] =	stream.strided.gather @!p0 [hbm4b:s17+s18], $0x800, s19, s18, $0x38;
	[tilespmem:$0x1D700] =	vst v63  }
0x2ca: {  	_ =	swait.ge [sflag:s26], $0x800  }
0x2cb: {  	[sflag:s26] =	ssyncset.done $0x0  }
0x2cc: {  	[sflag:s26] =	ssyncadd.s32 $0xFFFFF800  }
0x2cd: {  	_ =	swait.ge [sflag:s6], $0x800  }
0x2ce: {  	[sflag:s6] =	ssyncset.done $0x0  }
0x2cf: {  	s17 =	simm.s32 $0x0;
	[sflag:s6] =	ssyncadd.s32 $0xFFFFF800  }
0x2d0: {  	v14 =	vld [tilespmem:s17+$0x19700]  }
0x2d1: {  	v0 =	vld [tilespmem:s17+$0x19710]  }
0x2d2: {  	v1 =	vld [tilespmem:s17+$0x19720]  }
0x2d3: {  	v2 =	vld [tilespmem:s17+$0x19730]  }
0x2d4: {  	v3 =	vld [tilespmem:s17+$0x19740]  }
0x2d5: {  	v4 =	vld [tilespmem:s17+$0x19750]  }
0x2d6: {  	v5 =	vld [tilespmem:s17+$0x19760]  }
0x2d7: {  	v7 =	vld [tilespmem:s17+$0x19770]  }
0x2d8: {  	v9 =	vld [tilespmem:s17+$0x19780]  }
0x2d9: {  	v6 =	vld [tilespmem:s17+$0x19790]  }
0x2da: {  	v8 =	vld [tilespmem:s17+$0x197A0]  }
0x2db: {  	s20 =	sadd.s32 $0x40000, s21;
	v10 =	vld [tilespmem:s17+$0x197B0]  }
0x2dc: {  	s18 =	sand.u32 $0x3FC0000, s20;
	v11 =	vld [tilespmem:s17+$0x197C0]  }
0x2dd: {  	s18 =	sor.u32 s13, s18;
	v12 =	vld [tilespmem:s17+$0x197D0]  }
0x2de: {  	s18 =	sor.u32 s9, s18;
	v13 =	vld [tilespmem:s17+$0x197E0]  }
0x2df: {  	s18 =	sshrl.u32 s18, $0x3;
	v15 =	vld [tilespmem:s17+$0x197F0]  }
0x2e0: {  	s19 =	simm.s32 $0x400;
	s18 =	sadd.s32 s2, s18;
	v14 =	vld.idx.msk [tilespmem:v14+s4+$0x0], $0xffff  }
.LBB2_19:
0x2e1: {  	p1 =	sne.s32 s19, $0x1C00;
	v16 =	vld.idx.msk [tilespmem:v0+s4+$0x0], $0xffff  }
0x2e2: {  	v17 =	vld.idx.msk [tilespmem:v1+s4+$0x0], $0xffff  }
0x2e3: {  	v18 =	vld.idx.msk [tilespmem:v2+s4+$0x0], $0xffff  }
0x2e4: {  	v19 =	vld.idx.msk [tilespmem:v3+s4+$0x0], $0xffff  }
0x2e5: {  	v20 =	vld.idx.msk [tilespmem:v4+s4+$0x0], $0xffff  }
0x2e6: {  	v21 =	vld.idx.msk [tilespmem:v5+s4+$0x0], $0xffff  }
0x2e7: {  	v22 =	vld.idx.msk [tilespmem:v7+s4+$0x0], $0xffff  }
0x2e8: {  	v23 =	vld.idx.msk [tilespmem:v9+s4+$0x0], $0xffff  }
0x2e9: {  	v0 =	vld.idx.msk [tilespmem:v15+s4+$0x0], $0xffff  }
0x2ea: {  	v15 =	vld.idx.msk [tilespmem:v6+s4+$0x0], $0xffff  }
0x2eb: {  	v24 =	vld.idx.msk [tilespmem:v8+s4+$0x0], $0xffff  }
0x2ec: {  	v25 =	vld.idx.msk [tilespmem:v10+s4+$0x0], $0xffff  }
0x2ed: {  	v26 =	vld.idx.msk [tilespmem:v11+s4+$0x0], $0xffff  }
0x2ee: {  	v27 =	vld.idx.msk [tilespmem:v12+s4+$0x0], $0xffff  }
0x2ef: {  	s20 =	sshra.s32 s19, $0x2;
	v28 =	vld.idx.msk [tilespmem:v13+s4+$0x0], $0xffff;
	[tilespmem:s17+$0x1BFF0] =	vst v0  }
0x2f0: {  	v29 =	vld [tilespmem:s20+$0x19700];
	[tilespmem:s17+$0x1BF00] =	vst v14  }
0x2f1: {  	v0 =	vld [tilespmem:s20+$0x19710];
	[tilespmem:s17+$0x1BF10] =	vst v16  }
0x2f2: {  	v1 =	vld [tilespmem:s20+$0x19720];
	[tilespmem:s17+$0x1BF20] =	vst v17  }
0x2f3: {  	v2 =	vld [tilespmem:s20+$0x19730];
	[tilespmem:s17+$0x1BF30] =	vst v18  }
0x2f4: {  	v3 =	vld [tilespmem:s20+$0x19740];
	[tilespmem:s17+$0x1BF40] =	vst v19  }
0x2f5: {  	v4 =	vld [tilespmem:s20+$0x19750];
	[tilespmem:s17+$0x1BF50] =	vst v20  }
0x2f6: {  	v5 =	vld [tilespmem:s20+$0x19760];
	[tilespmem:s17+$0x1BF60] =	vst v21  }
0x2f7: {  	v7 =	vld [tilespmem:s20+$0x19770];
	[tilespmem:s17+$0x1BF70] =	vst v22  }
0x2f8: {  	v9 =	vld [tilespmem:s20+$0x19780];
	[tilespmem:s17+$0x1BF80] =	vst v23  }
0x2f9: {  	v6 =	vld [tilespmem:s20+$0x19790];
	[tilespmem:s17+$0x1BF90] =	vst v15  }
0x2fa: {  	v8 =	vld [tilespmem:s20+$0x197A0];
	[tilespmem:s17+$0x1BFA0] =	vst v24  }
0x2fb: {  	v10 =	vld [tilespmem:s20+$0x197B0];
	[tilespmem:s17+$0x1BFB0] =	vst v25  }
.Ltmp10:
0x2fc: {  	v11 =	vld [tilespmem:s20+$0x197C0];
	[tilespmem:s17+$0x1BFC0] =	vst v26;
	(pc) =	sbr.rel @p1 .LBB2_19-.Ltmp10, $4  }
0x2fd: {  	v12 =	vld [tilespmem:s20+$0x197D0];
	[tilespmem:s17+$0x1BFD0] =	vst v27  }
0x2fe: {  	v13 =	vld [tilespmem:s20+$0x197E0];
	[tilespmem:s17+$0x1BFE0] =	vst v28;
	s17 =	smov.u32 s20  }
0x2ff: {  	v15 =	vld [tilespmem:s17+$0x197F0]  }
0x300: {  	s19 =	sadd.s32 $0x400, s19;
	v14 =	vld.idx.msk [tilespmem:v29+s4+$0x0], $0xffff  }
0x301: {  	_ =	sdelay $0x3  }
0x302: {  	v0 =	vld.idx.msk [tilespmem:v0+s4+$0x0], $0xffff  }
0x303: {  	v1 =	vld.idx.msk [tilespmem:v1+s4+$0x0], $0xffff  }
0x304: {  	v2 =	vld.idx.msk [tilespmem:v2+s4+$0x0], $0xffff  }
0x305: {  	v3 =	vld.idx.msk [tilespmem:v3+s4+$0x0], $0xffff  }
0x306: {  	v4 =	vld.idx.msk [tilespmem:v4+s4+$0x0], $0xffff  }
0x307: {  	v5 =	vld.idx.msk [tilespmem:v5+s4+$0x0], $0xffff  }
0x308: {  	v7 =	vld.idx.msk [tilespmem:v7+s4+$0x0], $0xffff  }
0x309: {  	v9 =	vld.idx.msk [tilespmem:v9+s4+$0x0], $0xffff  }
0x30a: {  	v6 =	vld.idx.msk [tilespmem:v6+s4+$0x0], $0xffff  }
0x30b: {  	v8 =	vld.idx.msk [tilespmem:v8+s4+$0x0], $0xffff  }
0x30c: {  	v10 =	vld.idx.msk [tilespmem:v10+s4+$0x0], $0xffff  }
0x30d: {  	v11 =	vld.idx.msk [tilespmem:v11+s4+$0x0], $0xffff  }
0x30e: {  	v12 =	vld.idx.msk [tilespmem:v12+s4+$0x0], $0xffff  }
0x30f: {  	v13 =	vld.idx.msk [tilespmem:v13+s4+$0x0], $0xffff  }
0x310: {  	v15 =	vld.idx.msk [tilespmem:v15+s4+$0x0], $0xffff;
	[tilespmem:s17+$0x1BF00] =	vst v14  }
0x311: {  	[tilespmem:s17+$0x1BF10] =	vst v0  }
0x312: {  	[tilespmem:s17+$0x1BF20] =	vst v1  }
0x313: {  	[tilespmem:s17+$0x1BF30] =	vst v2  }
0x314: {  	[tilespmem:s17+$0x1BF40] =	vst v3  }
0x315: {  	[tilespmem:s17+$0x1BF50] =	vst v4  }
0x316: {  	[tilespmem:s17+$0x1BF60] =	vst v5  }
0x317: {  	[tilespmem:s17+$0x1BF70] =	vst v7  }
0x318: {  	[tilespmem:s17+$0x1BF80] =	vst v9  }
0x319: {  	[tilespmem:s17+$0x1BF90] =	vst v6  }
0x31a: {  	[tilespmem:s17+$0x1BFA0] =	vst v8  }
0x31b: {  	[tilespmem:s17+$0x1BFB0] =	vst v10  }
0x31c: {  	[tilespmem:s17+$0x1BFC0] =	vst v11  }
0x31d: {  	[tilespmem:s17+$0x1BFD0] =	vst v12  }
0x31e: {  	[tilespmem:s17+$0x1BFE0] =	vst v13  }
0x31f: {  	[tilespmem:s17+$0x1BFF0] =	vst v15;
	s17 =	sadd.s32 @!p0 $0x7, s11  }
0x320: {  	[hbm4b:s18+s14] =	stream.strided.scatter [tilespmem:s28], [sflag:$0x8], $0x800, s15, s14, $0x38;
	[tilespmem:$0x1D700] =	vst v63  }
0x321: {  	s18 =	sshll.u32 @!p0 s17, $0x8;
	s19 =	sshll.u32 @!p0 s17, $0xB;
	s17 =	sshll.u32 @!p0 s17, $0x3  }
0x322: {  	s18 =	sand.u32 @!p0 $0x1F000, s18;
	s19 =	sand.u32 @!p0 $0x800, s19;
	s17 =	sand.u32 @!p0 $0x70, s17  }
0x323: {  	s20 =	simm.s32 @!p0 $0x19700;
	s18 =	sor.u32 @!p0 s18, s19;
	s17 =	sadd.s32 @!p0 s1, s17  }
0x324: {  	s19 =	simm.s32 @!p0 $0x400;
	s17 =	sadd.s32 @!p0 s18, s17;
	s18 =	simm.s32 @!p0 $0x80  }
0x325: {  	[tilespmem:s20], [sflag:$0x3] =	stream.strided.gather @!p0 [hbm4b:s17+s18], $0x800, s19, s18, $0x38;
	[tilespmem:$0x1D700] =	vst v63  }
0x326: {  	_ =	swait.ge [sflag:s29], $0x800  }
0x327: {  	[sflag:s29] =	ssyncset.done $0x0  }
0x328: {  	[sflag:s29] =	ssyncadd.s32 $0xFFFFF800  }
0x329: {  	_ =	swait.ge [sflag:s7], $0x800  }
0x32a: {  	[sflag:s7] =	ssyncset.done $0x0  }
0x32b: {  	s17 =	simm.s32 $0x0;
	[sflag:s7] =	ssyncadd.s32 $0xFFFFF800  }
0x32c: {  	v14 =	vld [tilespmem:s17+$0x19F00]  }
0x32d: {  	v0 =	vld [tilespmem:s17+$0x19F10]  }
0x32e: {  	v1 =	vld [tilespmem:s17+$0x19F20]  }
0x32f: {  	v2 =	vld [tilespmem:s17+$0x19F30]  }
0x330: {  	v3 =	vld [tilespmem:s17+$0x19F40]  }
0x331: {  	v4 =	vld [tilespmem:s17+$0x19F50]  }
0x332: {  	v5 =	vld [tilespmem:s17+$0x19F60]  }
0x333: {  	v7 =	vld [tilespmem:s17+$0x19F70]  }
0x334: {  	v8 =	vld [tilespmem:s17+$0x19F80]  }
0x335: {  	v6 =	vld [tilespmem:s17+$0x19F90]  }
0x336: {  	s19 =	sadd.s32 $0x3, s11;
	v9 =	vld [tilespmem:s17+$0x19FA0]  }
0x337: {  	s20 =	sshll.u32 s19, $0x11;
	s18 =	sshll.u32 s19, $0xE;
	v10 =	vld [tilespmem:s17+$0x19FB0]  }
0x338: {  	s19 =	sand.u32 $0x3FC0000, s20;
	s18 =	sand.u32 $0x4000, s18;
	v11 =	vld [tilespmem:s17+$0x19FC0]  }
0x339: {  	s18 =	sor.u32 s19, s18;
	v12 =	vld [tilespmem:s17+$0x19FD0]  }
0x33a: {  	s18 =	sor.u32 s13, s18;
	v13 =	vld [tilespmem:s17+$0x19FE0]  }
0x33b: {  	s18 =	sshrl.u32 s18, $0x3;
	v15 =	vld [tilespmem:s17+$0x19FF0]  }
0x33c: {  	s19 =	simm.s32 $0x400;
	s18 =	sadd.s32 s2, s18;
	v14 =	vld.idx.msk [tilespmem:v14+s4+$0x0], $0xffff  }
.LBB2_21:
0x33d: {  	p1 =	sne.s32 s19, $0x1C00;
	v16 =	vld.idx.msk [tilespmem:v0+s4+$0x0], $0xffff  }
0x33e: {  	v17 =	vld.idx.msk [tilespmem:v1+s4+$0x0], $0xffff  }
0x33f: {  	v18 =	vld.idx.msk [tilespmem:v2+s4+$0x0], $0xffff  }
0x340: {  	v19 =	vld.idx.msk [tilespmem:v3+s4+$0x0], $0xffff  }
0x341: {  	v20 =	vld.idx.msk [tilespmem:v4+s4+$0x0], $0xffff  }
0x342: {  	v21 =	vld.idx.msk [tilespmem:v5+s4+$0x0], $0xffff  }
0x343: {  	v22 =	vld.idx.msk [tilespmem:v7+s4+$0x0], $0xffff  }
0x344: {  	v23 =	vld.idx.msk [tilespmem:v8+s4+$0x0], $0xffff  }
0x345: {  	v0 =	vld.idx.msk [tilespmem:v15+s4+$0x0], $0xffff  }
0x346: {  	v15 =	vld.idx.msk [tilespmem:v6+s4+$0x0], $0xffff  }
0x347: {  	v24 =	vld.idx.msk [tilespmem:v9+s4+$0x0], $0xffff  }
0x348: {  	v25 =	vld.idx.msk [tilespmem:v10+s4+$0x0], $0xffff  }
0x349: {  	v26 =	vld.idx.msk [tilespmem:v11+s4+$0x0], $0xffff  }
0x34a: {  	v27 =	vld.idx.msk [tilespmem:v12+s4+$0x0], $0xffff  }
0x34b: {  	s20 =	sshra.s32 s19, $0x2;
	v28 =	vld.idx.msk [tilespmem:v13+s4+$0x0], $0xffff;
	[tilespmem:s17+$0x1C7F0] =	vst v0  }
0x34c: {  	v29 =	vld [tilespmem:s20+$0x19F00];
	[tilespmem:s17+$0x1C700] =	vst v14  }
0x34d: {  	v0 =	vld [tilespmem:s20+$0x19F10];
	[tilespmem:s17+$0x1C710] =	vst v16  }
0x34e: {  	v1 =	vld [tilespmem:s20+$0x19F20];
	[tilespmem:s17+$0x1C720] =	vst v17  }
0x34f: {  	v2 =	vld [tilespmem:s20+$0x19F30];
	[tilespmem:s17+$0x1C730] =	vst v18  }
0x350: {  	v3 =	vld [tilespmem:s20+$0x19F40];
	[tilespmem:s17+$0x1C740] =	vst v19  }
0x351: {  	v4 =	vld [tilespmem:s20+$0x19F50];
	[tilespmem:s17+$0x1C750] =	vst v20  }
0x352: {  	v5 =	vld [tilespmem:s20+$0x19F60];
	[tilespmem:s17+$0x1C760] =	vst v21  }
0x353: {  	v7 =	vld [tilespmem:s20+$0x19F70];
	[tilespmem:s17+$0x1C770] =	vst v22  }
0x354: {  	v8 =	vld [tilespmem:s20+$0x19F80];
	[tilespmem:s17+$0x1C780] =	vst v23  }
0x355: {  	v6 =	vld [tilespmem:s20+$0x19F90];
	[tilespmem:s17+$0x1C790] =	vst v15  }
0x356: {  	v9 =	vld [tilespmem:s20+$0x19FA0];
	[tilespmem:s17+$0x1C7A0] =	vst v24  }
0x357: {  	v10 =	vld [tilespmem:s20+$0x19FB0];
	[tilespmem:s17+$0x1C7B0] =	vst v25  }
.Ltmp11:
0x358: {  	v11 =	vld [tilespmem:s20+$0x19FC0];
	[tilespmem:s17+$0x1C7C0] =	vst v26;
	(pc) =	sbr.rel @p1 .LBB2_21-.Ltmp11, $4  }
0x359: {  	v12 =	vld [tilespmem:s20+$0x19FD0];
	[tilespmem:s17+$0x1C7D0] =	vst v27  }
0x35a: {  	v13 =	vld [tilespmem:s20+$0x19FE0];
	[tilespmem:s17+$0x1C7E0] =	vst v28;
	s17 =	smov.u32 s20  }
0x35b: {  	v15 =	vld [tilespmem:s17+$0x19FF0]  }
0x35c: {  	s19 =	sadd.s32 $0x400, s19;
	v14 =	vld.idx.msk [tilespmem:v29+s4+$0x0], $0xffff  }
0x35d: {  	_ =	sdelay $0x3  }
0x35e: {  	v0 =	vld.idx.msk [tilespmem:v0+s4+$0x0], $0xffff  }
0x35f: {  	v1 =	vld.idx.msk [tilespmem:v1+s4+$0x0], $0xffff  }
0x360: {  	v2 =	vld.idx.msk [tilespmem:v2+s4+$0x0], $0xffff  }
0x361: {  	v3 =	vld.idx.msk [tilespmem:v3+s4+$0x0], $0xffff  }
0x362: {  	v4 =	vld.idx.msk [tilespmem:v4+s4+$0x0], $0xffff  }
0x363: {  	v5 =	vld.idx.msk [tilespmem:v5+s4+$0x0], $0xffff  }
0x364: {  	v7 =	vld.idx.msk [tilespmem:v7+s4+$0x0], $0xffff  }
0x365: {  	v8 =	vld.idx.msk [tilespmem:v8+s4+$0x0], $0xffff  }
0x366: {  	v6 =	vld.idx.msk [tilespmem:v6+s4+$0x0], $0xffff  }
0x367: {  	v9 =	vld.idx.msk [tilespmem:v9+s4+$0x0], $0xffff  }
0x368: {  	v10 =	vld.idx.msk [tilespmem:v10+s4+$0x0], $0xffff  }
0x369: {  	v11 =	vld.idx.msk [tilespmem:v11+s4+$0x0], $0xffff  }
0x36a: {  	v12 =	vld.idx.msk [tilespmem:v12+s4+$0x0], $0xffff  }
0x36b: {  	v13 =	vld.idx.msk [tilespmem:v13+s4+$0x0], $0xffff  }
0x36c: {  	v15 =	vld.idx.msk [tilespmem:v15+s4+$0x0], $0xffff;
	[tilespmem:s17+$0x1C700] =	vst v14  }
0x36d: {  	[tilespmem:s17+$0x1C710] =	vst v0  }
0x36e: {  	[tilespmem:s17+$0x1C720] =	vst v1  }
0x36f: {  	[tilespmem:s17+$0x1C730] =	vst v2  }
0x370: {  	[tilespmem:s17+$0x1C740] =	vst v3  }
0x371: {  	[tilespmem:s17+$0x1C750] =	vst v4  }
0x372: {  	[tilespmem:s17+$0x1C760] =	vst v5  }
0x373: {  	[tilespmem:s17+$0x1C770] =	vst v7  }
0x374: {  	[tilespmem:s17+$0x1C780] =	vst v8  }
0x375: {  	[tilespmem:s17+$0x1C790] =	vst v6  }
0x376: {  	[tilespmem:s17+$0x1C7A0] =	vst v9  }
0x377: {  	[tilespmem:s17+$0x1C7B0] =	vst v10  }
0x378: {  	[tilespmem:s17+$0x1C7C0] =	vst v11  }
0x379: {  	[tilespmem:s17+$0x1C7D0] =	vst v12  }
0x37a: {  	[tilespmem:s17+$0x1C7E0] =	vst v13  }
0x37b: {  	[tilespmem:s17+$0x1C7F0] =	vst v15;
	s17 =	sadd.s32 @!p0 $0x8, s11  }
0x37c: {  	[hbm4b:s18+s14] =	stream.strided.scatter [tilespmem:s30], [sflag:$0x9], $0x800, s15, s14, $0x38;
	[tilespmem:$0x1D700] =	vst v63  }
0x37d: {  	s18 =	sshll.u32 @!p0 s17, $0x8;
	s17 =	sshll.u32 @!p0 s17, $0x3  }
0x37e: {  	s18 =	sand.u32 @!p0 $0x1F000, s18;
	s17 =	sand.u32 @!p0 $0x70, s17  }
0x37f: {  	s19 =	simm.s32 @!p0 $0x19F00;
	s16 =	sor.u32 @!p0 s18, s16;
	s17 =	sadd.s32 @!p0 s1, s17  }
0x380: {  	s18 =	simm.s32 @!p0 $0x400;
	s16 =	sadd.s32 @!p0 s16, s17;
	s17 =	simm.s32 @!p0 $0x80  }
0x381: {  	[tilespmem:s19], [sflag:$0x4] =	stream.strided.gather @!p0 [hbm4b:s16+s17], $0x800, s18, s17, $0x38;
	[tilespmem:$0x1D700] =	vst v63  }
0x382: {  	_ =	swait.ge [sflag:s31], $0x800  }
0x383: {  	[sflag:s31] =	ssyncset.done $0x0  }
0x384: {  	[sflag:s31] =	ssyncadd.s32 $0xFFFFF800  }
0x385: {  	_ =	swait.ge [sflag:s8], $0x800  }
0x386: {  	[sflag:s8] =	ssyncset.done $0x0  }
0x387: {  	s16 =	simm.s32 $0x0;
	[sflag:s8] =	ssyncadd.s32 $0xFFFFF800  }
0x388: {  	v14 =	vld [tilespmem:s16+$0x1A700]  }
0x389: {  	v0 =	vld [tilespmem:s16+$0x1A710]  }
0x38a: {  	v1 =	vld [tilespmem:s16+$0x1A720]  }
0x38b: {  	v2 =	vld [tilespmem:s16+$0x1A730]  }
0x38c: {  	v3 =	vld [tilespmem:s16+$0x1A740]  }
0x38d: {  	v4 =	vld [tilespmem:s16+$0x1A750]  }
0x38e: {  	v5 =	vld [tilespmem:s16+$0x1A760]  }
0x38f: {  	v7 =	vld [tilespmem:s16+$0x1A770]  }
0x390: {  	v9 =	vld [tilespmem:s16+$0x1A780]  }
0x391: {  	v6 =	vld [tilespmem:s16+$0x1A790]  }
0x392: {  	v8 =	vld [tilespmem:s16+$0x1A7A0]  }
0x393: {  	s21 =	sadd.s32 $0x80000, s21;
	v10 =	vld [tilespmem:s16+$0x1A7B0]  }
0x394: {  	s17 =	sand.u32 $0x3FC0000, s21;
	v11 =	vld [tilespmem:s16+$0x1A7C0]  }
0x395: {  	s17 =	sor.u32 s13, s17;
	v12 =	vld [tilespmem:s16+$0x1A7D0]  }
0x396: {  	s9 =	sor.u32 s9, s17;
	v13 =	vld [tilespmem:s16+$0x1A7E0]  }
0x397: {  	s9 =	sshrl.u32 s9, $0x3;
	v15 =	vld [tilespmem:s16+$0x1A7F0]  }
0x398: {  	s17 =	simm.s32 $0x400;
	s9 =	sadd.s32 s2, s9;
	v14 =	vld.idx.msk [tilespmem:v14+s4+$0x0], $0xffff  }
.LBB2_23:
0x399: {  	p1 =	sne.s32 s17, $0x1C00;
	v16 =	vld.idx.msk [tilespmem:v0+s4+$0x0], $0xffff  }
0x39a: {  	v17 =	vld.idx.msk [tilespmem:v1+s4+$0x0], $0xffff  }
0x39b: {  	v18 =	vld.idx.msk [tilespmem:v2+s4+$0x0], $0xffff  }
0x39c: {  	v19 =	vld.idx.msk [tilespmem:v3+s4+$0x0], $0xffff  }
0x39d: {  	v20 =	vld.idx.msk [tilespmem:v4+s4+$0x0], $0xffff  }
0x39e: {  	v21 =	vld.idx.msk [tilespmem:v5+s4+$0x0], $0xffff  }
0x39f: {  	v22 =	vld.idx.msk [tilespmem:v7+s4+$0x0], $0xffff  }
0x3a0: {  	v23 =	vld.idx.msk [tilespmem:v9+s4+$0x0], $0xffff  }
0x3a1: {  	v0 =	vld.idx.msk [tilespmem:v15+s4+$0x0], $0xffff  }
0x3a2: {  	v15 =	vld.idx.msk [tilespmem:v6+s4+$0x0], $0xffff  }
0x3a3: {  	v24 =	vld.idx.msk [tilespmem:v8+s4+$0x0], $0xffff  }
0x3a4: {  	v25 =	vld.idx.msk [tilespmem:v10+s4+$0x0], $0xffff  }
0x3a5: {  	v26 =	vld.idx.msk [tilespmem:v11+s4+$0x0], $0xffff  }
0x3a6: {  	v27 =	vld.idx.msk [tilespmem:v12+s4+$0x0], $0xffff  }
0x3a7: {  	s18 =	sshra.s32 s17, $0x2;
	v28 =	vld.idx.msk [tilespmem:v13+s4+$0x0], $0xffff;
	[tilespmem:s16+$0x1CFF0] =	vst v0  }
0x3a8: {  	v29 =	vld [tilespmem:s18+$0x1A700];
	[tilespmem:s16+$0x1CF00] =	vst v14  }
0x3a9: {  	v0 =	vld [tilespmem:s18+$0x1A710];
	[tilespmem:s16+$0x1CF10] =	vst v16  }
0x3aa: {  	v1 =	vld [tilespmem:s18+$0x1A720];
	[tilespmem:s16+$0x1CF20] =	vst v17  }
0x3ab: {  	v2 =	vld [tilespmem:s18+$0x1A730];
	[tilespmem:s16+$0x1CF30] =	vst v18  }
0x3ac: {  	v3 =	vld [tilespmem:s18+$0x1A740];
	[tilespmem:s16+$0x1CF40] =	vst v19  }
0x3ad: {  	v4 =	vld [tilespmem:s18+$0x1A750];
	[tilespmem:s16+$0x1CF50] =	vst v20  }
0x3ae: {  	v5 =	vld [tilespmem:s18+$0x1A760];
	[tilespmem:s16+$0x1CF60] =	vst v21  }
0x3af: {  	v7 =	vld [tilespmem:s18+$0x1A770];
	[tilespmem:s16+$0x1CF70] =	vst v22  }
0x3b0: {  	v9 =	vld [tilespmem:s18+$0x1A780];
	[tilespmem:s16+$0x1CF80] =	vst v23  }
0x3b1: {  	v6 =	vld [tilespmem:s18+$0x1A790];
	[tilespmem:s16+$0x1CF90] =	vst v15  }
0x3b2: {  	v8 =	vld [tilespmem:s18+$0x1A7A0];
	[tilespmem:s16+$0x1CFA0] =	vst v24  }
0x3b3: {  	v10 =	vld [tilespmem:s18+$0x1A7B0];
	[tilespmem:s16+$0x1CFB0] =	vst v25  }
.Ltmp12:
0x3b4: {  	v11 =	vld [tilespmem:s18+$0x1A7C0];
	[tilespmem:s16+$0x1CFC0] =	vst v26;
	(pc) =	sbr.rel @p1 .LBB2_23-.Ltmp12, $4  }
0x3b5: {  	v12 =	vld [tilespmem:s18+$0x1A7D0];
	[tilespmem:s16+$0x1CFD0] =	vst v27  }
0x3b6: {  	v13 =	vld [tilespmem:s18+$0x1A7E0];
	[tilespmem:s16+$0x1CFE0] =	vst v28;
	s16 =	smov.u32 s18  }
0x3b7: {  	v15 =	vld [tilespmem:s16+$0x1A7F0]  }
0x3b8: {  	s17 =	sadd.s32 $0x400, s17;
	v14 =	vld.idx.msk [tilespmem:v29+s4+$0x0], $0xffff  }
0x3b9: {  	_ =	sdelay $0x3  }
0x3ba: {  	v0 =	vld.idx.msk [tilespmem:v0+s4+$0x0], $0xffff  }
0x3bb: {  	v1 =	vld.idx.msk [tilespmem:v1+s4+$0x0], $0xffff  }
0x3bc: {  	v2 =	vld.idx.msk [tilespmem:v2+s4+$0x0], $0xffff  }
0x3bd: {  	v3 =	vld.idx.msk [tilespmem:v3+s4+$0x0], $0xffff  }
0x3be: {  	v4 =	vld.idx.msk [tilespmem:v4+s4+$0x0], $0xffff  }
0x3bf: {  	v5 =	vld.idx.msk [tilespmem:v5+s4+$0x0], $0xffff  }
0x3c0: {  	v7 =	vld.idx.msk [tilespmem:v7+s4+$0x0], $0xffff  }
0x3c1: {  	v9 =	vld.idx.msk [tilespmem:v9+s4+$0x0], $0xffff  }
0x3c2: {  	v6 =	vld.idx.msk [tilespmem:v6+s4+$0x0], $0xffff  }
0x3c3: {  	v8 =	vld.idx.msk [tilespmem:v8+s4+$0x0], $0xffff  }
0x3c4: {  	v10 =	vld.idx.msk [tilespmem:v10+s4+$0x0], $0xffff  }
0x3c5: {  	v11 =	vld.idx.msk [tilespmem:v11+s4+$0x0], $0xffff  }
0x3c6: {  	v12 =	vld.idx.msk [tilespmem:v12+s4+$0x0], $0xffff  }
0x3c7: {  	v13 =	vld.idx.msk [tilespmem:v13+s4+$0x0], $0xffff  }
0x3c8: {  	v15 =	vld.idx.msk [tilespmem:v15+s4+$0x0], $0xffff;
	[tilespmem:s16+$0x1CF00] =	vst v14  }
0x3c9: {  	[tilespmem:s16+$0x1CF10] =	vst v0  }
0x3ca: {  	[tilespmem:s16+$0x1CF20] =	vst v1  }
0x3cb: {  	[tilespmem:s16+$0x1CF30] =	vst v2  }
0x3cc: {  	[tilespmem:s16+$0x1CF40] =	vst v3  }
0x3cd: {  	[tilespmem:s16+$0x1CF50] =	vst v4  }
0x3ce: {  	[tilespmem:s16+$0x1CF60] =	vst v5  }
0x3cf: {  	[tilespmem:s16+$0x1CF70] =	vst v7  }
0x3d0: {  	[tilespmem:s16+$0x1CF80] =	vst v9  }
0x3d1: {  	[tilespmem:s16+$0x1CF90] =	vst v6  }
0x3d2: {  	[tilespmem:s16+$0x1CFA0] =	vst v8  }
0x3d3: {  	[tilespmem:s16+$0x1CFB0] =	vst v10  }
.Ltmp13:
0x3d4: {  	[tilespmem:s16+$0x1CFC0] =	vst v11;
	(pc) =	sbr.rel @p0 .LBB2_26-.Ltmp13, $4  }
0x3d5: {  	[tilespmem:s16+$0x1CFD0] =	vst v12  }
0x3d6: {  	[tilespmem:s16+$0x1CFE0] =	vst v13  }
0x3d7: {  	[tilespmem:s16+$0x1CFF0] =	vst v15  }
0x3d8: {  	[hbm4b:s9+s14] =	stream.strided.scatter [tilespmem:s0], [sflag:$0xA], $0x800, s15, s14, $0x38;
	[tilespmem:$0x1D700] =	vst v63  }
0x3d9: {  	s9 =	sadd.s32 $0x9, s11  }
0x3da: {  	s11 =	sshll.u32 s9, $0x8  }
.Ltmp14:
0x3db: {  	s16 =	sshll.u32 s9, $0xB;
	s9 =	sshll.u32 s9, $0x3;
	(pc) =	sbr.rel .LBB2_14-.Ltmp14, $4  }
0x3dc: {  	s11 =	sand.u32 $0x1F000, s11;
	s16 =	sand.u32 $0x800, s16;
	s9 =	sand.u32 $0x70, s9  }
0x3dd: {  	s11 =	sor.u32 s11, s16;
	s9 =	sadd.s32 s1, s9  }
0x3de: {  	s21 =	simm.s32 $0x1A700;
	s10 =	sadd.s32 $0x1, s10;
	s9 =	sadd.s32 s11, s9  }
0x3df: {  	[tilespmem:s21], [sflag:$0x5] =	stream.strided.gather [hbm4b:s9+s14], $0x800, s15, s14, $0x38;
	[tilespmem:$0x1D700] =	vst v63  }
.LBB2_27:
0x3e0: {  	_ =	sfence.sel $0x180000  }
0x3e1: {  	[bflag:$0x0] =	sbarrier.arrive $0xFFFF  }
0x3e2: {  	_ =	strace $0x90000047  }
0x3e3: {  	s0 =	stileid.u32;
	[bflag:$0x2] =	sbarrier.arrive $0xFFFF  }
0x3e4: {  	p0 =	sne.s32 s0, $0x0;
	s0 =	rddreg [dreg:$0x3]  }
0x3e5: {  	s0 =	sadd.s32 @!p0 $0x100000, s0  }
0x3e6: {  	[sflag:s0] =	ssyncadd.tile.s32 @!p0 $0x1;
	_ =	shalt  }
.Lfunc_end2:
_tile_overlayer_lowered:
.L_overlay_start_2:
0x3e7: {  	(tag) =	ssettag $0x2  }
0x3e8: {  	s0 =	rddreg [dreg:$0x0];
	s2 =	stileid.u32  }
0x3e9: {  	s1 =	rddreg [dreg:$0x1];
	p0 =	sne.s32 s2, $0x0  }
0x3ea: {  	s3 =	rddreg [dreg:$0x2];
	[bflag:$0x3] =	sbarrier.arrive $0xFFFF;
	s2 =	simm.s32 @!p0 $0x1C0B  }
0x3eb: {  	[timem:s3], [sflag:s2] =	dma.local @!p0 [hbm:s0], s1  }
0x3ec: {  	s0 =	simm.s32 @!p0 $0xB  }
0x3ed: {  	_ =	swait.ge @!p0 [sflag:s0], s1  }
0x3ee: {  	s1 =	ssub.s32 @!p0 $0x0, s1;
	[sflag:s0] =	ssyncset.done @!p0 $0x0  }
0x3ef: {  	[sflag:s0] =	ssyncadd.s32 @!p0 s1  }
0x3f0: {  	[bflag:$0x3] =	sbarrier.arrive $0xFFFF  }
0x3f1: {  	_ =	shalt  }

</sc_bundles>
